<compile_context>
chip_gen: v7x
topology: tpu7x:2x2x1
jax: 0.10.2.dev20260603
libtpu: 0.0.44.dev20260713+nightly
codegen_flags: <defaults>
</compile_context>

<pallas_src>
import functools

import jax
import jax.numpy as jnp
from jax import lax
from jax.experimental import pallas as pl
from jax.experimental.pallas import tpu as pltpu
from jax.experimental.pallas import tpu_sc as plsc

_LANES = 128


def _gather_rows_sc(table_t, table_tail_t, idx):
    embed, n_full = table_t.shape
    n_main = ((n_full - 1) // _LANES) * _LANES
    w_tail = table_tail_t.shape[1]
    batch = idx.shape[0]
    info = plsc.get_sparse_core_info()
    nc, ns, nl = info.num_cores, info.num_subcores, info.num_lanes
    nw = nc * ns
    b_per_w = batch // nw
    mesh = plsc.VectorSubcoreMesh(core_axis_name="c", subcore_axis_name="s")

    @functools.partial(
        pl.kernel,
        mesh=mesh,
        compiler_params=pltpu.CompilerParams(needs_layout_passes=False),
        out_type=jax.ShapeDtypeStruct((batch, embed), jnp.float32),
        scratch_types=[
            pltpu.VMEM((b_per_w,), jnp.int32),
            pltpu.VMEM((8, embed, _LANES), jnp.float32),
            pltpu.VMEM((embed, w_tail), jnp.float32),
            pltpu.VMEM((b_per_w, embed), jnp.float32),
            pltpu.SemaphoreType.DMA((8,)),
            pltpu.SemaphoreType.DMA,
        ],
    )
    def gather_kernel(table_hbm, tail_hbm, idx_hbm, out_hbm, idx_v, slab_v,
                      tail_v, rows_v, sems, osem):
        nbuf = 8
        wid = lax.axis_index("s") * nc + lax.axis_index("c")
        base = wid * b_per_w
        pltpu.sync_copy(idx_hbm.at[pl.ds(base, b_per_w)], idx_v)
        pltpu.sync_copy(tail_hbm, tail_v)
        lanes, starts, tails = [], [], []
        for g in range(b_per_w // nl):
            vec = idx_v[pl.ds(g * nl, nl)]
            for j in range(nl):
                i = vec[j]
                in_tail = i >= n_main
                lane = lax.rem(i, _LANES)
                start = pl.multiple_of(
                    jnp.where(in_tail, 0, i - lane), _LANES)
                lanes.append(lane)
                starts.append(start)
                tails.append(in_tail)

        def fetch(b):
            return pltpu.async_copy(
                table_hbm.at[:, pl.ds(starts[b], _LANES)],
                slab_v.at[b % nbuf], sems.at[b % nbuf])

        pend = [fetch(b) for b in range(nbuf)]
        row_ids = lax.iota(jnp.int32, nl)
        for b in range(b_per_w):
            pend[b % nbuf].wait()
            col = jnp.full((nl,), lanes[b], jnp.int32)
            for g in range(embed // nl):
                vals = plsc.load_gather(
                    slab_v.at[b % nbuf], [row_ids + g * nl, col])
                rows_v[b, pl.ds(g * nl, nl)] = vals

            @pl.when(tails[b])
            def _tail_user(b=b, col=col):
                for g in range(embed // nl):
                    tvals = plsc.load_gather(tail_v, [row_ids + g * nl, col])
                    rows_v[b, pl.ds(g * nl, nl)] = tvals

            if b + nbuf < b_per_w:
                pend[b % nbuf] = fetch(b + nbuf)
        pltpu.async_copy(rows_v, out_hbm.at[pl.ds(base, b_per_w)], osem).wait()

    return gather_kernel(table_t, table_tail_t, idx)


_BLOCK_N = 3072


def _score_t_tc(users_emb, items_t):
    batch, embed = users_emb.shape
    n = items_t.shape[1]

    def body(u_ref, it_ref, o_ref):
        s = lax.dot_general(
            it_ref[...], u_ref[...], (((0,), (1,)), ((), ())),
            preferred_element_type=jnp.float32,
        )
        o_ref[...] = 0.5 * jnp.tanh(0.5 * s) + 0.5

    return pl.pallas_call(
        body,
        grid=(pl.cdiv(n, _BLOCK_N),),
        in_specs=[
            pl.BlockSpec((batch, embed), lambda j: (0, 0)),
            pl.BlockSpec((embed, _BLOCK_N), lambda j: (0, j)),
        ],
        out_specs=pl.BlockSpec((_BLOCK_N, batch), lambda j: (j, 0)),
        out_shape=jax.ShapeDtypeStruct((n, batch), jnp.float32),
    )(users_emb, items_t)


def kernel(users, embedding_user_weight, embedding_item_weight):
    idx = users.astype(jnp.int32)
    n_users = embedding_user_weight.shape[0]
    n_main = ((n_users - 1) // _LANES) * _LANES
    tail_t = embedding_user_weight[n_main:].T
    users_emb = _gather_rows_sc(embedding_user_weight.T, tail_t, idx)
    out_t = _score_t_tc(users_emb, embedding_item_weight.T)
    return out_t.T

# --- scband reference (transcript-rebuilt; emitter-appended) ---
"""Pipeline reference for scband-abstract-rec-model-26139170963731 (READ-ONLY COPY).

The authoritative reference and input builder live on the scoring server;
editing this copy changes nothing except your own understanding.
"""

import jax, jax.numpy as jnp
import numpy as np

NUM_USERS = 1000000
NUM_ITEMS = 100000
EMBED_DIM = 64
BATCH = 1024


def setup_inputs(seed: int = 0) -> dict:
    key = jax.random.key(seed)
    k1, k2, k3 = jax.random.split(key, 3)
    users = jax.random.randint(k1, (BATCH,), 0, NUM_USERS, dtype=jnp.int64 if jax.config.jax_enable_x64 else jnp.int32)
    embedding_user_weight = jax.random.normal(k2, (NUM_USERS, EMBED_DIM), dtype=jnp.float32) * 0.1
    embedding_item_weight = jax.random.normal(k3, (NUM_ITEMS, EMBED_DIM), dtype=jnp.float32) * 0.1
    return {
        "users": users,
        "embedding_user_weight": embedding_user_weight,
        "embedding_item_weight": embedding_item_weight,
    }


def reference(users, embedding_user_weight, embedding_item_weight):
    # calculate_embedding() (base MF realization): all_users, all_items are the raw tables
    all_users = embedding_user_weight
    all_items = embedding_item_weight
    # getUsersRating: gather user rows, score against all items, sigmoid
    users_emb = jnp.take(all_users, users, axis=0)
    rating = jax.nn.sigmoid(jnp.matmul(users_emb, all_items.T))
    return rating

if __name__ == "__main__":
    import jax
    _d = setup_inputs()
    print(jax.jit(kernel)(*tuple(_d.values())))

</pallas_src>

<mosaic_0001>
#map = affine_map<(d0, d1) -> (0, 0)>
#map1 = affine_map<(d0, d1) -> (0)>
module attributes {stable_mosaic.version = 14 : i64} {
  func.func @gather_kernel(%arg0: i32, %arg1: i32, %arg2: memref<64x1000000xf32, #tpu.memory_space<hbm>>, %arg3: memref<64x64xf32, #tpu.memory_space<hbm>>, %arg4: memref<1024xi32, #tpu.memory_space<hbm>>, %arg5: memref<1024x64xf32, #tpu.memory_space<hbm>>, %arg6: memref<32xi32, #tpu.memory_space<vmem>>, %arg7: memref<8x64x128xf32, #tpu.memory_space<vmem>>, %arg8: memref<64x64xf32, #tpu.memory_space<vmem>>, %arg9: memref<32x64xf32, #tpu.memory_space<vmem>>, %arg10: memref<8x!tpu.dma_semaphore, #tpu.memory_space<semaphore_mem>>, %arg11: memref<!tpu.dma_semaphore, #tpu.memory_space<semaphore_mem>>) attributes {dimension_semantics = [#tpu.dimension_semantics<core_parallel>, #tpu.dimension_semantics<subcore_parallel>], iteration_bounds = array<i64: 2, 16>, scalar_prefetch = 0 : i64, scratch_operands = 6 : i64, tpu.core_type = #tpu.core_type<sc_vector_subcore>, window_params = [{transform_indices = #map}, {transform_indices = #map}, {transform_indices = #map1}, {transform_indices = #map}]} {
    %mul3A = arith.constant 2 : i32
    %mul3A_0 = arith.muli %arg1, %mul3A : i32
    %add3A = arith.addi %mul3A_0, %arg0 : i32
    %mul3A_1 = arith.constant 32 : i32
    %mul3A_2 = arith.muli %add3A, %mul3A_1 : i32
    "tpu.region"() ({
      %run_scoped3A = tpu.sem_alloc : memref<!tpu.dma_semaphore, #tpu.memory_space<semaphore_mem>>
      %dma_start3A_3135 = tpu.memref_slice %arg4[%mul3A_2] : memref<1024xi32, #tpu.memory_space<hbm>> -> memref<32xi32, #tpu.memory_space<hbm>>
      %dma_start3A_3136 = tpu.memref_slice %arg4[%mul3A_2] : memref<1024xi32, #tpu.memory_space<hbm>> -> memref<32xi32, #tpu.memory_space<hbm>>
      tpu.enqueue_dma source(%dma_start3A_3136 : memref<32xi32, #tpu.memory_space<hbm>>) target(%arg6 : memref<32xi32, #tpu.memory_space<vmem>>) target_semaphore(%run_scoped3A : memref<!tpu.dma_semaphore, #tpu.memory_space<semaphore_mem>>)
      %dma_wait3A_3137 = tpu.memref_slice %arg4[%mul3A_2] : memref<1024xi32, #tpu.memory_space<hbm>> -> memref<32xi32, #tpu.memory_space<hbm>>
      %dma_wait3A_3138 = tpu.memref_slice %arg4[%mul3A_2] : memref<1024xi32, #tpu.memory_space<hbm>> -> memref<32xi32, #tpu.memory_space<hbm>>
      tpu.wait_dma2 semaphore(%run_scoped3A : memref<!tpu.dma_semaphore, #tpu.memory_space<semaphore_mem>>) src(%dma_wait3A_3138 : memref<32xi32, #tpu.memory_space<hbm>>) dst(%arg6 : memref<32xi32, #tpu.memory_space<vmem>>)
      tpu.yield
    }) : () -> ()
    "tpu.region"() ({
      %run_scoped3A = tpu.sem_alloc : memref<!tpu.dma_semaphore, #tpu.memory_space<semaphore_mem>>
      tpu.enqueue_dma source(%arg3 : memref<64x64xf32, #tpu.memory_space<hbm>>) target(%arg8 : memref<64x64xf32, #tpu.memory_space<vmem>>) target_semaphore(%run_scoped3A : memref<!tpu.dma_semaphore, #tpu.memory_space<semaphore_mem>>)
      tpu.wait_dma2 semaphore(%run_scoped3A : memref<!tpu.dma_semaphore, #tpu.memory_space<semaphore_mem>>) src(%arg3 : memref<64x64xf32, #tpu.memory_space<hbm>>) dst(%arg8 : memref<64x64xf32, #tpu.memory_space<vmem>>)
      tpu.yield
    }) : () -> ()
    %get3A = arith.constant 0 : index
    %get3A_3 = tpu.vector_load %arg6[%get3A] {strides = array<i32>} : memref<32xi32, #tpu.memory_space<vmem>>, vector<16xi32>,
    %slice3A = vector.extract_strided_slice %get3A_3 {offsets = [0], sizes = [1], strides = [1]} : vector<16xi32> to vector<1xi32>
    %squeeze3A = vector.extract %slice3A[0] : i32 from vector<1xi32>
    %ge3A = arith.constant 999936 : i32
    %ge3A_4 = arith.cmpi sge, %squeeze3A, %ge3A : i32
    %rem3A = arith.constant 128 : i32
    %rem3A_5 = arith.remsi %squeeze3A, %rem3A : i32
    %sub3A = arith.subi %squeeze3A, %rem3A_5 : i32
    %jit3A = arith.constant 0 : i32
    %select_n3A = arith.select %ge3A_4, %jit3A, %sub3A : i32
    %multiple_of3A = tpu.assume_multiple %select_n3A, 128 : i32
    %slice3A_6 = vector.extract_strided_slice %get3A_3 {offsets = [1], sizes = [1], strides = [1]} : vector<16xi32> to vector<1xi32>
    %squeeze3A_7 = vector.extract %slice3A_6[0] : i32 from vector<1xi32>
    %ge3A_8 = arith.constant 999936 : i32
    %ge3A_9 = arith.cmpi sge, %squeeze3A_7, %ge3A_8 : i32
    %rem3A_10 = arith.constant 128 : i32
    %rem3A_11 = arith.remsi %squeeze3A_7, %rem3A_10 : i32
    %sub3A_12 = arith.subi %squeeze3A_7, %rem3A_11 : i32
    %jit3A_13 = arith.constant 0 : i32
    %select_n3A_14 = arith.select %ge3A_9, %jit3A_13, %sub3A_12 : i32
    %multiple_of3A_15 = tpu.assume_multiple %select_n3A_14, 128 : i32
    %slice3A_16 = vector.extract_strided_slice %get3A_3 {offsets = [2], sizes = [1], strides = [1]} : vector<16xi32> to vector<1xi32>
    %squeeze3A_17 = vector.extract %slice3A_16[0] : i32 from vector<1xi32>
    %ge3A_18 = arith.constant 999936 : i32
    %ge3A_19 = arith.cmpi sge, %squeeze3A_17, %ge3A_18 : i32
    %rem3A_20 = arith.constant 128 : i32
    %rem3A_21 = arith.remsi %squeeze3A_17, %rem3A_20 : i32
    %sub3A_22 = arith.subi %squeeze3A_17, %rem3A_21 : i32
    %jit3A_23 = arith.constant 0 : i32
    %select_n3A_24 = arith.select %ge3A_19, %jit3A_23, %sub3A_22 : i32
    %multiple_of3A_25 = tpu.assume_multiple %select_n3A_24, 128 : i32
    %slice3A_26 = vector.extract_strided_slice %get3A_3 {offsets = [3], sizes = [1], strides = [1]} : vector<16xi32> to vector<1xi32>
    %squeeze3A_27 = vector.extract %slice3A_26[0] : i32 from vector<1xi32>
    %ge3A_28 = arith.constant 999936 : i32
    %ge3A_29 = arith.cmpi sge, %squeeze3A_27, %ge3A_28 : i32
    %rem3A_30 = arith.constant 128 : i32
    %rem3A_31 = arith.remsi %squeeze3A_27, %rem3A_30 : i32
    %sub3A_32 = arith.subi %squeeze3A_27, %rem3A_31 : i32
    %jit3A_33 = arith.constant 0 : i32
    %select_n3A_34 = arith.select %ge3A_29, %jit3A_33, %sub3A_32 : i32
    %multiple_of3A_35 = tpu.assume_multiple %select_n3A_34, 128 : i32
    %slice3A_36 = vector.extract_strided_slice %get3A_3 {offsets = [4], sizes = [1], strides = [1]} : vector<16xi32> to vector<1xi32>
    %squeeze3A_37 = vector.extract %slice3A_36[0] : i32 from vector<1xi32>
    %ge3A_38 = arith.constant 999936 : i32
    %ge3A_39 = arith.cmpi sge, %squeeze3A_37, %ge3A_38 : i32
    %rem3A_40 = arith.constant 128 : i32
    %rem3A_41 = arith.remsi %squeeze3A_37, %rem3A_40 : i32
    %sub3A_42 = arith.subi %squeeze3A_37, %rem3A_41 : i32
    %jit3A_43 = arith.constant 0 : i32
    %select_n3A_44 = arith.select %ge3A_39, %jit3A_43, %sub3A_42 : i32
    %multiple_of3A_45 = tpu.assume_multiple %select_n3A_44, 128 : i32
    %slice3A_46 = vector.extract_strided_slice %get3A_3 {offsets = [5], sizes = [1], strides = [1]} : vector<16xi32> to vector<1xi32>
    %squeeze3A_47 = vector.extract %slice3A_46[0] : i32 from vector<1xi32>
    %ge3A_48 = arith.constant 999936 : i32
    %ge3A_49 = arith.cmpi sge, %squeeze3A_47, %ge3A_48 : i32
    %rem3A_50 = arith.constant 128 : i32
    %rem3A_51 = arith.remsi %squeeze3A_47, %rem3A_50 : i32
    %sub3A_52 = arith.subi %squeeze3A_47, %rem3A_51 : i32
    %jit3A_53 = arith.constant 0 : i32
    %select_n3A_54 = arith.select %ge3A_49, %jit3A_53, %sub3A_52 : i32
    %multiple_of3A_55 = tpu.assume_multiple %select_n3A_54, 128 : i32
    %slice3A_56 = vector.extract_strided_slice %get3A_3 {offsets = [6], sizes = [1], strides = [1]} : vector<16xi32> to vector<1xi32>
    %squeeze3A_57 = vector.extract %slice3A_56[0] : i32 from vector<1xi32>
    %ge3A_58 = arith.constant 999936 : i32
    %ge3A_59 = arith.cmpi sge, %squeeze3A_57, %ge3A_58 : i32
    %rem3A_60 = arith.constant 128 : i32
    %rem3A_61 = arith.remsi %squeeze3A_57, %rem3A_60 : i32
    %sub3A_62 = arith.subi %squeeze3A_57, %rem3A_61 : i32
    %jit3A_63 = arith.constant 0 : i32
    %select_n3A_64 = arith.select %ge3A_59, %jit3A_63, %sub3A_62 : i32
    %multiple_of3A_65 = tpu.assume_multiple %select_n3A_64, 128 : i32
    %slice3A_66 = vector.extract_strided_slice %get3A_3 {offsets = [7], sizes = [1], strides = [1]} : vector<16xi32> to vector<1xi32>
    %squeeze3A_67 = vector.extract %slice3A_66[0] : i32 from vector<1xi32>
    %ge3A_68 = arith.constant 999936 : i32
    %ge3A_69 = arith.cmpi sge, %squeeze3A_67, %ge3A_68 : i32
    %rem3A_70 = arith.constant 128 : i32
    %rem3A_71 = arith.remsi %squeeze3A_67, %rem3A_70 : i32
    %sub3A_72 = arith.subi %squeeze3A_67, %rem3A_71 : i32
    %jit3A_73 = arith.constant 0 : i32
    %select_n3A_74 = arith.select %ge3A_69, %jit3A_73, %sub3A_72 : i32
    %multiple_of3A_75 = tpu.assume_multiple %select_n3A_74, 128 : i32
    %slice3A_76 = vector.extract_strided_slice %get3A_3 {offsets = [8], sizes = [1], strides = [1]} : vector<16xi32> to vector<1xi32>
    %squeeze3A_77 = vector.extract %slice3A_76[0] : i32 from vector<1xi32>
    %ge3A_78 = arith.constant 999936 : i32
    %ge3A_79 = arith.cmpi sge, %squeeze3A_77, %ge3A_78 : i32
    %rem3A_80 = arith.constant 128 : i32
    %rem3A_81 = arith.remsi %squeeze3A_77, %rem3A_80 : i32
    %sub3A_82 = arith.subi %squeeze3A_77, %rem3A_81 : i32
    %jit3A_83 = arith.constant 0 : i32
    %select_n3A_84 = arith.select %ge3A_79, %jit3A_83, %sub3A_82 : i32
    %multiple_of3A_85 = tpu.assume_multiple %select_n3A_84, 128 : i32
    %slice3A_86 = vector.extract_strided_slice %get3A_3 {offsets = [9], sizes = [1], strides = [1]} : vector<16xi32> to vector<1xi32>
    %squeeze3A_87 = vector.extract %slice3A_86[0] : i32 from vector<1xi32>
    %ge3A_88 = arith.constant 999936 : i32
    %ge3A_89 = arith.cmpi sge, %squeeze3A_87, %ge3A_88 : i32
    %rem3A_90 = arith.constant 128 : i32
    %rem3A_91 = arith.remsi %squeeze3A_87, %rem3A_90 : i32
    %sub3A_92 = arith.subi %squeeze3A_87, %rem3A_91 : i32
    %jit3A_93 = arith.constant 0 : i32
    %select_n3A_94 = arith.select %ge3A_89, %jit3A_93, %sub3A_92 : i32
    %multiple_of3A_95 = tpu.assume_multiple %select_n3A_94, 128 : i32
    %slice3A_96 = vector.extract_strided_slice %get3A_3 {offsets = [10], sizes = [1], strides = [1]} : vector<16xi32> to vector<1xi32>
    %squeeze3A_97 = vector.extract %slice3A_96[0] : i32 from vector<1xi32>
    %ge3A_98 = arith.constant 999936 : i32
    %ge3A_99 = arith.cmpi sge, %squeeze3A_97, %ge3A_98 : i32
    %rem3A_100 = arith.constant 128 : i32
    %rem3A_101 = arith.remsi %squeeze3A_97, %rem3A_100 : i32
    %sub3A_102 = arith.subi %squeeze3A_97, %rem3A_101 : i32
    %jit3A_103 = arith.constant 0 : i32
    %select_n3A_104 = arith.select %ge3A_99, %jit3A_103, %sub3A_102 : i32
    %multiple_of3A_105 = tpu.assume_multiple %select_n3A_104, 128 : i32
    %slice3A_106 = vector.extract_strided_slice %get3A_3 {offsets = [11], sizes = [1], strides = [1]} : vector<16xi32> to vector<1xi32>
    %squeeze3A_107 = vector.extract %slice3A_106[0] : i32 from vector<1xi32>
    %ge3A_108 = arith.constant 999936 : i32
    %ge3A_109 = arith.cmpi sge, %squeeze3A_107, %ge3A_108 : i32
    %rem3A_110 = arith.constant 128 : i32
    %rem3A_111 = arith.remsi %squeeze3A_107, %rem3A_110 : i32
    %sub3A_112 = arith.subi %squeeze3A_107, %rem3A_111 : i32
    %jit3A_113 = arith.constant 0 : i32
    %select_n3A_114 = arith.select %ge3A_109, %jit3A_113, %sub3A_112 : i32
    %multiple_of3A_115 = tpu.assume_multiple %select_n3A_114, 128 : i32
    %slice3A_116 = vector.extract_strided_slice %get3A_3 {offsets = [12], sizes = [1], strides = [1]} : vector<16xi32> to vector<1xi32>
    %squeeze3A_117 = vector.extract %slice3A_116[0] : i32 from vector<1xi32>
    %ge3A_118 = arith.constant 999936 : i32
    %ge3A_119 = arith.cmpi sge, %squeeze3A_117, %ge3A_118 : i32
    %rem3A_120 = arith.constant 128 : i32
    %rem3A_121 = arith.remsi %squeeze3A_117, %rem3A_120 : i32
    %sub3A_122 = arith.subi %squeeze3A_117, %rem3A_121 : i32
    %jit3A_123 = arith.constant 0 : i32
    %select_n3A_124 = arith.select %ge3A_119, %jit3A_123, %sub3A_122 : i32
    %multiple_of3A_125 = tpu.assume_multiple %select_n3A_124, 128 : i32
    %slice3A_126 = vector.extract_strided_slice %get3A_3 {offsets = [13], sizes = [1], strides = [1]} : vector<16xi32> to vector<1xi32>
    %squeeze3A_127 = vector.extract %slice3A_126[0] : i32 from vector<1xi32>
    %ge3A_128 = arith.constant 999936 : i32
    %ge3A_129 = arith.cmpi sge, %squeeze3A_127, %ge3A_128 : i32
    %rem3A_130 = arith.constant 128 : i32
    %rem3A_131 = arith.remsi %squeeze3A_127, %rem3A_130 : i32
    %sub3A_132 = arith.subi %squeeze3A_127, %rem3A_131 : i32
    %jit3A_133 = arith.constant 0 : i32
    %select_n3A_134 = arith.select %ge3A_129, %jit3A_133, %sub3A_132 : i32
    %multiple_of3A_135 = tpu.assume_multiple %select_n3A_134, 128 : i32
    %slice3A_136 = vector.extract_strided_slice %get3A_3 {offsets = [14], sizes = [1], strides = [1]} : vector<16xi32> to vector<1xi32>
    %squeeze3A_137 = vector.extract %slice3A_136[0] : i32 from vector<1xi32>
    %ge3A_138 = arith.constant 999936 : i32
    %ge3A_139 = arith.cmpi sge, %squeeze3A_137, %ge3A_138 : i32
    %rem3A_140 = arith.constant 128 : i32
    %rem3A_141 = arith.remsi %squeeze3A_137, %rem3A_140 : i32
    %sub3A_142 = arith.subi %squeeze3A_137, %rem3A_141 : i32
    %jit3A_143 = arith.constant 0 : i32
    %select_n3A_144 = arith.select %ge3A_139, %jit3A_143, %sub3A_142 : i32
    %multiple_of3A_145 = tpu.assume_multiple %select_n3A_144, 128 : i32
    %slice3A_146 = vector.extract_strided_slice %get3A_3 {offsets = [15], sizes = [1], strides = [1]} : vector<16xi32> to vector<1xi32>
    %squeeze3A_147 = vector.extract %slice3A_146[0] : i32 from vector<1xi32>
    %ge3A_148 = arith.constant 999936 : i32
    %ge3A_149 = arith.cmpi sge, %squeeze3A_147, %ge3A_148 : i32
    %rem3A_150 = arith.constant 128 : i32
    %rem3A_151 = arith.remsi %squeeze3A_147, %rem3A_150 : i32
    %sub3A_152 = arith.subi %squeeze3A_147, %rem3A_151 : i32
    %jit3A_153 = arith.constant 0 : i32
    %select_n3A_154 = arith.select %ge3A_149, %jit3A_153, %sub3A_152 : i32
    %multiple_of3A_155 = tpu.assume_multiple %select_n3A_154, 128 : i32
    %get3A_156 = arith.constant 16 : index
    %get3A_157 = tpu.vector_load %arg6[%get3A_156] {strides = array<i32>} : memref<32xi32, #tpu.memory_space<vmem>>, vector<16xi32>,
    %slice3A_158 = vector.extract_strided_slice %get3A_157 {offsets = [0], sizes = [1], strides = [1]} : vector<16xi32> to vector<1xi32>
    %squeeze3A_159 = vector.extract %slice3A_158[0] : i32 from vector<1xi32>
    %ge3A_160 = arith.constant 999936 : i32
    %ge3A_161 = arith.cmpi sge, %squeeze3A_159, %ge3A_160 : i32
    %rem3A_162 = arith.constant 128 : i32
    %rem3A_163 = arith.remsi %squeeze3A_159, %rem3A_162 : i32
    %sub3A_164 = arith.subi %squeeze3A_159, %rem3A_163 : i32
    %jit3A_165 = arith.constant 0 : i32
    %select_n3A_166 = arith.select %ge3A_161, %jit3A_165, %sub3A_164 : i32
    %multiple_of3A_167 = tpu.assume_multiple %select_n3A_166, 128 : i32
    %slice3A_168 = vector.extract_strided_slice %get3A_157 {offsets = [1], sizes = [1], strides = [1]} : vector<16xi32> to vector<1xi32>
    %squeeze3A_169 = vector.extract %slice3A_168[0] : i32 from vector<1xi32>
    %ge3A_170 = arith.constant 999936 : i32
    %ge3A_171 = arith.cmpi sge, %squeeze3A_169, %ge3A_170 : i32
    %rem3A_172 = arith.constant 128 : i32
    %rem3A_173 = arith.remsi %squeeze3A_169, %rem3A_172 : i32
    %sub3A_174 = arith.subi %squeeze3A_169, %rem3A_173 : i32
    %jit3A_175 = arith.constant 0 : i32
    %select_n3A_176 = arith.select %ge3A_171, %jit3A_175, %sub3A_174 : i32
    %multiple_of3A_177 = tpu.assume_multiple %select_n3A_176, 128 : i32
    %slice3A_178 = vector.extract_strided_slice %get3A_157 {offsets = [2], sizes = [1], strides = [1]} : vector<16xi32> to vector<1xi32>
    %squeeze3A_179 = vector.extract %slice3A_178[0] : i32 from vector<1xi32>
    %ge3A_180 = arith.constant 999936 : i32
    %ge3A_181 = arith.cmpi sge, %squeeze3A_179, %ge3A_180 : i32
    %rem3A_182 = arith.constant 128 : i32
    %rem3A_183 = arith.remsi %squeeze3A_179, %rem3A_182 : i32
    %sub3A_184 = arith.subi %squeeze3A_179, %rem3A_183 : i32
    %jit3A_185 = arith.constant 0 : i32
    %select_n3A_186 = arith.select %ge3A_181, %jit3A_185, %sub3A_184 : i32
    %multiple_of3A_187 = tpu.assume_multiple %select_n3A_186, 128 : i32
    %slice3A_188 = vector.extract_strided_slice %get3A_157 {offsets = [3], sizes = [1], strides = [1]} : vector<16xi32> to vector<1xi32>
    %squeeze3A_189 = vector.extract %slice3A_188[0] : i32 from vector<1xi32>
    %ge3A_190 = arith.constant 999936 : i32
    %ge3A_191 = arith.cmpi sge, %squeeze3A_189, %ge3A_190 : i32
    %rem3A_192 = arith.constant 128 : i32
    %rem3A_193 = arith.remsi %squeeze3A_189, %rem3A_192 : i32
    %sub3A_194 = arith.subi %squeeze3A_189, %rem3A_193 : i32
    %jit3A_195 = arith.constant 0 : i32
    %select_n3A_196 = arith.select %ge3A_191, %jit3A_195, %sub3A_194 : i32
    %multiple_of3A_197 = tpu.assume_multiple %select_n3A_196, 128 : i32
    %slice3A_198 = vector.extract_strided_slice %get3A_157 {offsets = [4], sizes = [1], strides = [1]} : vector<16xi32> to vector<1xi32>
    %squeeze3A_199 = vector.extract %slice3A_198[0] : i32 from vector<1xi32>
    %ge3A_200 = arith.constant 999936 : i32
    %ge3A_201 = arith.cmpi sge, %squeeze3A_199, %ge3A_200 : i32
    %rem3A_202 = arith.constant 128 : i32
    %rem3A_203 = arith.remsi %squeeze3A_199, %rem3A_202 : i32
    %sub3A_204 = arith.subi %squeeze3A_199, %rem3A_203 : i32
    %jit3A_205 = arith.constant 0 : i32
    %select_n3A_206 = arith.select %ge3A_201, %jit3A_205, %sub3A_204 : i32
    %multiple_of3A_207 = tpu.assume_multiple %select_n3A_206, 128 : i32
    %slice3A_208 = vector.extract_strided_slice %get3A_157 {offsets = [5], sizes = [1], strides = [1]} : vector<16xi32> to vector<1xi32>
    %squeeze3A_209 = vector.extract %slice3A_208[0] : i32 from vector<1xi32>
    %ge3A_210 = arith.constant 999936 : i32
    %ge3A_211 = arith.cmpi sge, %squeeze3A_209, %ge3A_210 : i32
    %rem3A_212 = arith.constant 128 : i32
    %rem3A_213 = arith.remsi %squeeze3A_209, %rem3A_212 : i32
    %sub3A_214 = arith.subi %squeeze3A_209, %rem3A_213 : i32
    %jit3A_215 = arith.constant 0 : i32
    %select_n3A_216 = arith.select %ge3A_211, %jit3A_215, %sub3A_214 : i32
    %multiple_of3A_217 = tpu.assume_multiple %select_n3A_216, 128 : i32
    %slice3A_218 = vector.extract_strided_slice %get3A_157 {offsets = [6], sizes = [1], strides = [1]} : vector<16xi32> to vector<1xi32>
    %squeeze3A_219 = vector.extract %slice3A_218[0] : i32 from vector<1xi32>
    %ge3A_220 = arith.constant 999936 : i32
    %ge3A_221 = arith.cmpi sge, %squeeze3A_219, %ge3A_220 : i32
    %rem3A_222 = arith.constant 128 : i32
    %rem3A_223 = arith.remsi %squeeze3A_219, %rem3A_222 : i32
    %sub3A_224 = arith.subi %squeeze3A_219, %rem3A_223 : i32
    %jit3A_225 = arith.constant 0 : i32
    %select_n3A_226 = arith.select %ge3A_221, %jit3A_225, %sub3A_224 : i32
    %multiple_of3A_227 = tpu.assume_multiple %select_n3A_226, 128 : i32
    %slice3A_228 = vector.extract_strided_slice %get3A_157 {offsets = [7], sizes = [1], strides = [1]} : vector<16xi32> to vector<1xi32>
    %squeeze3A_229 = vector.extract %slice3A_228[0] : i32 from vector<1xi32>
    %ge3A_230 = arith.constant 999936 : i32
    %ge3A_231 = arith.cmpi sge, %squeeze3A_229, %ge3A_230 : i32
    %rem3A_232 = arith.constant 128 : i32
    %rem3A_233 = arith.remsi %squeeze3A_229, %rem3A_232 : i32
    %sub3A_234 = arith.subi %squeeze3A_229, %rem3A_233 : i32
    %jit3A_235 = arith.constant 0 : i32
    %select_n3A_236 = arith.select %ge3A_231, %jit3A_235, %sub3A_234 : i32
    %multiple_of3A_237 = tpu.assume_multiple %select_n3A_236, 128 : i32
    %slice3A_238 = vector.extract_strided_slice %get3A_157 {offsets = [8], sizes = [1], strides = [1]} : vector<16xi32> to vector<1xi32>
    %squeeze3A_239 = vector.extract %slice3A_238[0] : i32 from vector<1xi32>
    %ge3A_240 = arith.constant 999936 : i32
    %ge3A_241 = arith.cmpi sge, %squeeze3A_239, %ge3A_240 : i32
    %rem3A_242 = arith.constant 128 : i32
    %rem3A_243 = arith.remsi %squeeze3A_239, %rem3A_242 : i32
    %sub3A_244 = arith.subi %squeeze3A_239, %rem3A_243 : i32
    %jit3A_245 = arith.constant 0 : i32
    %select_n3A_246 = arith.select %ge3A_241, %jit3A_245, %sub3A_244 : i32
    %multiple_of3A_247 = tpu.assume_multiple %select_n3A_246, 128 : i32
    %slice3A_248 = vector.extract_strided_slice %get3A_157 {offsets = [9], sizes = [1], strides = [1]} : vector<16xi32> to vector<1xi32>
    %squeeze3A_249 = vector.extract %slice3A_248[0] : i32 from vector<1xi32>
    %ge3A_250 = arith.constant 999936 : i32
    %ge3A_251 = arith.cmpi sge, %squeeze3A_249, %ge3A_250 : i32
    %rem3A_252 = arith.constant 128 : i32
    %rem3A_253 = arith.remsi %squeeze3A_249, %rem3A_252 : i32
    %sub3A_254 = arith.subi %squeeze3A_249, %rem3A_253 : i32
    %jit3A_255 = arith.constant 0 : i32
    %select_n3A_256 = arith.select %ge3A_251, %jit3A_255, %sub3A_254 : i32
    %multiple_of3A_257 = tpu.assume_multiple %select_n3A_256, 128 : i32
    %slice3A_258 = vector.extract_strided_slice %get3A_157 {offsets = [10], sizes = [1], strides = [1]} : vector<16xi32> to vector<1xi32>
    %squeeze3A_259 = vector.extract %slice3A_258[0] : i32 from vector<1xi32>
    %ge3A_260 = arith.constant 999936 : i32
    %ge3A_261 = arith.cmpi sge, %squeeze3A_259, %ge3A_260 : i32
    %rem3A_262 = arith.constant 128 : i32
    %rem3A_263 = arith.remsi %squeeze3A_259, %rem3A_262 : i32
    %sub3A_264 = arith.subi %squeeze3A_259, %rem3A_263 : i32
    %jit3A_265 = arith.constant 0 : i32
    %select_n3A_266 = arith.select %ge3A_261, %jit3A_265, %sub3A_264 : i32
    %multiple_of3A_267 = tpu.assume_multiple %select_n3A_266, 128 : i32
    %slice3A_268 = vector.extract_strided_slice %get3A_157 {offsets = [11], sizes = [1], strides = [1]} : vector<16xi32> to vector<1xi32>
    %squeeze3A_269 = vector.extract %slice3A_268[0] : i32 from vector<1xi32>
    %ge3A_270 = arith.constant 999936 : i32
    %ge3A_271 = arith.cmpi sge, %squeeze3A_269, %ge3A_270 : i32
    %rem3A_272 = arith.constant 128 : i32
    %rem3A_273 = arith.remsi %squeeze3A_269, %rem3A_272 : i32
    %sub3A_274 = arith.subi %squeeze3A_269, %rem3A_273 : i32
    %jit3A_275 = arith.constant 0 : i32
    %select_n3A_276 = arith.select %ge3A_271, %jit3A_275, %sub3A_274 : i32
    %multiple_of3A_277 = tpu.assume_multiple %select_n3A_276, 128 : i32
    %slice3A_278 = vector.extract_strided_slice %get3A_157 {offsets = [12], sizes = [1], strides = [1]} : vector<16xi32> to vector<1xi32>
    %squeeze3A_279 = vector.extract %slice3A_278[0] : i32 from vector<1xi32>
    %ge3A_280 = arith.constant 999936 : i32
    %ge3A_281 = arith.cmpi sge, %squeeze3A_279, %ge3A_280 : i32
    %rem3A_282 = arith.constant 128 : i32
    %rem3A_283 = arith.remsi %squeeze3A_279, %rem3A_282 : i32
    %sub3A_284 = arith.subi %squeeze3A_279, %rem3A_283 : i32
    %jit3A_285 = arith.constant 0 : i32
    %select_n3A_286 = arith.select %ge3A_281, %jit3A_285, %sub3A_284 : i32
    %multiple_of3A_287 = tpu.assume_multiple %select_n3A_286, 128 : i32
    %slice3A_288 = vector.extract_strided_slice %get3A_157 {offsets = [13], sizes = [1], strides = [1]} : vector<16xi32> to vector<1xi32>
    %squeeze3A_289 = vector.extract %slice3A_288[0] : i32 from vector<1xi32>
    %ge3A_290 = arith.constant 999936 : i32
    %ge3A_291 = arith.cmpi sge, %squeeze3A_289, %ge3A_290 : i32
    %rem3A_292 = arith.constant 128 : i32
    %rem3A_293 = arith.remsi %squeeze3A_289, %rem3A_292 : i32
    %sub3A_294 = arith.subi %squeeze3A_289, %rem3A_293 : i32
    %jit3A_295 = arith.constant 0 : i32
    %select_n3A_296 = arith.select %ge3A_291, %jit3A_295, %sub3A_294 : i32
    %multiple_of3A_297 = tpu.assume_multiple %select_n3A_296, 128 : i32
    %slice3A_298 = vector.extract_strided_slice %get3A_157 {offsets = [14], sizes = [1], strides = [1]} : vector<16xi32> to vector<1xi32>
    %squeeze3A_299 = vector.extract %slice3A_298[0] : i32 from vector<1xi32>
    %ge3A_300 = arith.constant 999936 : i32
    %ge3A_301 = arith.cmpi sge, %squeeze3A_299, %ge3A_300 : i32
    %rem3A_302 = arith.constant 128 : i32
    %rem3A_303 = arith.remsi %squeeze3A_299, %rem3A_302 : i32
    %sub3A_304 = arith.subi %squeeze3A_299, %rem3A_303 : i32
    %jit3A_305 = arith.constant 0 : i32
    %select_n3A_306 = arith.select %ge3A_301, %jit3A_305, %sub3A_304 : i32
    %multiple_of3A_307 = tpu.assume_multiple %select_n3A_306, 128 : i32
    %slice3A_308 = vector.extract_strided_slice %get3A_157 {offsets = [15], sizes = [1], strides = [1]} : vector<16xi32> to vector<1xi32>
    %squeeze3A_309 = vector.extract %slice3A_308[0] : i32 from vector<1xi32>
    %ge3A_310 = arith.constant 999936 : i32
    %ge3A_311 = arith.cmpi sge, %squeeze3A_309, %ge3A_310 : i32
    %rem3A_312 = arith.constant 128 : i32
    %rem3A_313 = arith.remsi %squeeze3A_309, %rem3A_312 : i32
    %sub3A_314 = arith.subi %squeeze3A_309, %rem3A_313 : i32
    %jit3A_315 = arith.constant 0 : i32
    %select_n3A_316 = arith.select %ge3A_311, %jit3A_315, %sub3A_314 : i32
    %multiple_of3A_317 = tpu.assume_multiple %select_n3A_316, 128 : i32
    %dma_start3A = arith.constant 0 : i32
    %dma_start3A_318 = arith.constant 0 : i32
    %dma_start3A_319 = arith.constant 0 : i32
    %dma_start3A_320 = arith.constant 0 : i32
    %dma_start3A_321 = tpu.memref_slice %arg7[%dma_start3A, %dma_start3A_319, %dma_start3A_320] : memref<8x64x128xf32, #tpu.memory_space<vmem>> -> memref<1x64x128xf32, #tpu.memory_space<vmem>>
    %dma_start3A_322 = tpu.memref_squeeze %dma_start3A_321 : memref<1x64x128xf32, #tpu.memory_space<vmem>> -> memref<64x128xf32, #tpu.memory_space<vmem>>
    %dma_start3A_323 = arith.constant 0 : i32
    %dma_start3A_324 = tpu.memref_slice %arg2[%dma_start3A_323, %multiple_of3A] : memref<64x1000000xf32, #tpu.memory_space<hbm>> -> memref<64x128xf32, #tpu.memory_space<hbm>>
    %dma_start3A_325 = tpu.memref_slice %arg10[%dma_start3A_318] : memref<8x!tpu.dma_semaphore, #tpu.memory_space<semaphore_mem>> -> memref<1x!tpu.dma_semaphore, #tpu.memory_space<semaphore_mem>>
    %dma_start3A_326 = tpu.memref_squeeze %dma_start3A_325 : memref<1x!tpu.dma_semaphore, #tpu.memory_space<semaphore_mem>> -> memref<!tpu.dma_semaphore, #tpu.memory_space<semaphore_mem>>
    %dma_start3A_327 = arith.constant 0 : i32
    %dma_start3A_328 = arith.constant 0 : i32
    %dma_start3A_329 = tpu.memref_slice %arg7[%dma_start3A, %dma_start3A_327, %dma_start3A_328] : memref<8x64x128xf32, #tpu.memory_space<vmem>> -> memref<1x64x128xf32, #tpu.memory_space<vmem>>
    %dma_start3A_330 = tpu.memref_squeeze %dma_start3A_329 : memref<1x64x128xf32, #tpu.memory_space<vmem>> -> memref<64x128xf32, #tpu.memory_space<vmem>>
    %dma_start3A_331 = arith.constant 0 : i32
    %dma_start3A_332 = tpu.memref_slice %arg2[%dma_start3A_331, %multiple_of3A] : memref<64x1000000xf32, #tpu.memory_space<hbm>> -> memref<64x128xf32, #tpu.memory_space<hbm>>
    tpu.enqueue_dma source(%dma_start3A_332 : memref<64x128xf32, #tpu.memory_space<hbm>>) target(%dma_start3A_330 : memref<64x128xf32, #tpu.memory_space<vmem>>) target_semaphore(%dma_start3A_326 : memref<!tpu.dma_semaphore, #tpu.memory_space<semaphore_mem>>)
    %dma_start3A_333 = arith.constant 1 : i32
    %dma_start3A_334 = arith.constant 1 : i32
    %dma_start3A_335 = arith.constant 0 : i32
    %dma_start3A_336 = arith.constant 0 : i32
    %dma_start3A_337 = tpu.memref_slice %arg7[%dma_start3A_333, %dma_start3A_335, %dma_start3A_336] : memref<8x64x128xf32, #tpu.memory_space<vmem>> -> memref<1x64x128xf32, #tpu.memory_space<vmem>>
    %dma_start3A_338 = tpu.memref_squeeze %dma_start3A_337 : memref<1x64x128xf32, #tpu.memory_space<vmem>> -> memref<64x128xf32, #tpu.memory_space<vmem>>
    %dma_start3A_339 = arith.constant 0 : i32
    %dma_start3A_340 = tpu.memref_slice %arg2[%dma_start3A_339, %multiple_of3A_15] : memref<64x1000000xf32, #tpu.memory_space<hbm>> -> memref<64x128xf32, #tpu.memory_space<hbm>>
    %dma_start3A_341 = tpu.memref_slice %arg10[%dma_start3A_334] : memref<8x!tpu.dma_semaphore, #tpu.memory_space<semaphore_mem>> -> memref<1x!tpu.dma_semaphore, #tpu.memory_space<semaphore_mem>>
    %dma_start3A_342 = tpu.memref_squeeze %dma_start3A_341 : memref<1x!tpu.dma_semaphore, #tpu.memory_space<semaphore_mem>> -> memref<!tpu.dma_semaphore, #tpu.memory_space<semaphore_mem>>
    %dma_start3A_343 = arith.constant 0 : i32
    %dma_start3A_344 = arith.constant 0 : i32
    %dma_start3A_345 = tpu.memref_slice %arg7[%dma_start3A_333, %dma_start3A_343, %dma_start3A_344] : memref<8x64x128xf32, #tpu.memory_space<vmem>> -> memref<1x64x128xf32, #tpu.memory_space<vmem>>
    %dma_start3A_346 = tpu.memref_squeeze %dma_start3A_345 : memref<1x64x128xf32, #tpu.memory_space<vmem>> -> memref<64x128xf32, #tpu.memory_space<vmem>>
    %dma_start3A_347 = arith.constant 0 : i32
    %dma_start3A_348 = tpu.memref_slice %arg2[%dma_start3A_347, %multiple_of3A_15] : memref<64x1000000xf32, #tpu.memory_space<hbm>> -> memref<64x128xf32, #tpu.memory_space<hbm>>
    tpu.enqueue_dma source(%dma_start3A_348 : memref<64x128xf32, #tpu.memory_space<hbm>>) target(%dma_start3A_346 : memref<64x128xf32, #tpu.memory_space<vmem>>) target_semaphore(%dma_start3A_342 : memref<!tpu.dma_semaphore, #tpu.memory_space<semaphore_mem>>)
    %dma_start3A_349 = arith.constant 2 : i32
    %dma_start3A_350 = arith.constant 2 : i32
    %dma_start3A_351 = arith.constant 0 : i32
    %dma_start3A_352 = arith.constant 0 : i32
    %dma_start3A_353 = tpu.memref_slice %arg7[%dma_start3A_349, %dma_start3A_351, %dma_start3A_352] : memref<8x64x128xf32, #tpu.memory_space<vmem>> -> memref<1x64x128xf32, #tpu.memory_space<vmem>>
    %dma_start3A_354 = tpu.memref_squeeze %dma_start3A_353 : memref<1x64x128xf32, #tpu.memory_space<vmem>> -> memref<64x128xf32, #tpu.memory_space<vmem>>
    %dma_start3A_355 = arith.constant 0 : i32
    %dma_start3A_356 = tpu.memref_slice %arg2[%dma_start3A_355, %multiple_of3A_25] : memref<64x1000000xf32, #tpu.memory_space<hbm>> -> memref<64x128xf32, #tpu.memory_space<hbm>>
    %dma_start3A_357 = tpu.memref_slice %arg10[%dma_start3A_350] : memref<8x!tpu.dma_semaphore, #tpu.memory_space<semaphore_mem>> -> memref<1x!tpu.dma_semaphore, #tpu.memory_space<semaphore_mem>>
    %dma_start3A_358 = tpu.memref_squeeze %dma_start3A_357 : memref<1x!tpu.dma_semaphore, #tpu.memory_space<semaphore_mem>> -> memref<!tpu.dma_semaphore, #tpu.memory_space<semaphore_mem>>
    %dma_start3A_359 = arith.constant 0 : i32
    %dma_start3A_360 = arith.constant 0 : i32
    %dma_start3A_361 = tpu.memref_slice %arg7[%dma_start3A_349, %dma_start3A_359, %dma_start3A_360] : memref<8x64x128xf32, #tpu.memory_space<vmem>> -> memref<1x64x128xf32, #tpu.memory_space<vmem>>
    %dma_start3A_362 = tpu.memref_squeeze %dma_start3A_361 : memref<1x64x128xf32, #tpu.memory_space<vmem>> -> memref<64x128xf32, #tpu.memory_space<vmem>>
    %dma_start3A_363 = arith.constant 0 : i32
    %dma_start3A_364 = tpu.memref_slice %arg2[%dma_start3A_363, %multiple_of3A_25] : memref<64x1000000xf32, #tpu.memory_space<hbm>> -> memref<64x128xf32, #tpu.memory_space<hbm>>
    tpu.enqueue_dma source(%dma_start3A_364 : memref<64x128xf32, #tpu.memory_space<hbm>>) target(%dma_start3A_362 : memref<64x128xf32, #tpu.memory_space<vmem>>) target_semaphore(%dma_start3A_358 : memref<!tpu.dma_semaphore, #tpu.memory_space<semaphore_mem>>)
    %dma_start3A_365 = arith.constant 3 : i32
    %dma_start3A_366 = arith.constant 3 : i32
    %dma_start3A_367 = arith.constant 0 : i32
    %dma_start3A_368 = arith.constant 0 : i32
    %dma_start3A_369 = tpu.memref_slice %arg7[%dma_start3A_365, %dma_start3A_367, %dma_start3A_368] : memref<8x64x128xf32, #tpu.memory_space<vmem>> -> memref<1x64x128xf32, #tpu.memory_space<vmem>>
    %dma_start3A_370 = tpu.memref_squeeze %dma_start3A_369 : memref<1x64x128xf32, #tpu.memory_space<vmem>> -> memref<64x128xf32, #tpu.memory_space<vmem>>
    %dma_start3A_371 = arith.constant 0 : i32
    %dma_start3A_372 = tpu.memref_slice %arg2[%dma_start3A_371, %multiple_of3A_35] : memref<64x1000000xf32, #tpu.memory_space<hbm>> -> memref<64x128xf32, #tpu.memory_space<hbm>>
    %dma_start3A_373 = tpu.memref_slice %arg10[%dma_start3A_366] : memref<8x!tpu.dma_semaphore, #tpu.memory_space<semaphore_mem>> -> memref<1x!tpu.dma_semaphore, #tpu.memory_space<semaphore_mem>>
    %dma_start3A_374 = tpu.memref_squeeze %dma_start3A_373 : memref<1x!tpu.dma_semaphore, #tpu.memory_space<semaphore_mem>> -> memref<!tpu.dma_semaphore, #tpu.memory_space<semaphore_mem>>
    %dma_start3A_375 = arith.constant 0 : i32
    %dma_start3A_376 = arith.constant 0 : i32
    %dma_start3A_377 = tpu.memref_slice %arg7[%dma_start3A_365, %dma_start3A_375, %dma_start3A_376] : memref<8x64x128xf32, #tpu.memory_space<vmem>> -> memref<1x64x128xf32, #tpu.memory_space<vmem>>
    %dma_start3A_378 = tpu.memref_squeeze %dma_start3A_377 : memref<1x64x128xf32, #tpu.memory_space<vmem>> -> memref<64x128xf32, #tpu.memory_space<vmem>>
    %dma_start3A_379 = arith.constant 0 : i32
    %dma_start3A_380 = tpu.memref_slice %arg2[%dma_start3A_379, %multiple_of3A_35] : memref<64x1000000xf32, #tpu.memory_space<hbm>> -> memref<64x128xf32, #tpu.memory_space<hbm>>
    tpu.enqueue_dma source(%dma_start3A_380 : memref<64x128xf32, #tpu.memory_space<hbm>>) target(%dma_start3A_378 : memref<64x128xf32, #tpu.memory_space<vmem>>) target_semaphore(%dma_start3A_374 : memref<!tpu.dma_semaphore, #tpu.memory_space<semaphore_mem>>)
    %dma_start3A_381 = arith.constant 4 : i32
    %dma_start3A_382 = arith.constant 4 : i32
    %dma_start3A_383 = arith.constant 0 : i32
    %dma_start3A_384 = arith.constant 0 : i32
    %dma_start3A_385 = tpu.memref_slice %arg7[%dma_start3A_381, %dma_start3A_383, %dma_start3A_384] : memref<8x64x128xf32, #tpu.memory_space<vmem>> -> memref<1x64x128xf32, #tpu.memory_space<vmem>>
    %dma_start3A_386 = tpu.memref_squeeze %dma_start3A_385 : memref<1x64x128xf32, #tpu.memory_space<vmem>> -> memref<64x128xf32, #tpu.memory_space<vmem>>
    %dma_start3A_387 = arith.constant 0 : i32
    %dma_start3A_388 = tpu.memref_slice %arg2[%dma_start3A_387, %multiple_of3A_45] : memref<64x1000000xf32, #tpu.memory_space<hbm>> -> memref<64x128xf32, #tpu.memory_space<hbm>>
    %dma_start3A_389 = tpu.memref_slice %arg10[%dma_start3A_382] : memref<8x!tpu.dma_semaphore, #tpu.memory_space<semaphore_mem>> -> memref<1x!tpu.dma_semaphore, #tpu.memory_space<semaphore_mem>>
    %dma_start3A_390 = tpu.memref_squeeze %dma_start3A_389 : memref<1x!tpu.dma_semaphore, #tpu.memory_space<semaphore_mem>> -> memref<!tpu.dma_semaphore, #tpu.memory_space<semaphore_mem>>
    %dma_start3A_391 = arith.constant 0 : i32
    %dma_start3A_392 = arith.constant 0 : i32
    %dma_start3A_393 = tpu.memref_slice %arg7[%dma_start3A_381, %dma_start3A_391, %dma_start3A_392] : memref<8x64x128xf32, #tpu.memory_space<vmem>> -> memref<1x64x128xf32, #tpu.memory_space<vmem>>
    %dma_start3A_394 = tpu.memref_squeeze %dma_start3A_393 : memref<1x64x128xf32, #tpu.memory_space<vmem>> -> memref<64x128xf32, #tpu.memory_space<vmem>>
    %dma_start3A_395 = arith.constant 0 : i32
    %dma_start3A_396 = tpu.memref_slice %arg2[%dma_start3A_395, %multiple_of3A_45] : memref<64x1000000xf32, #tpu.memory_space<hbm>> -> memref<64x128xf32, #tpu.memory_space<hbm>>
    tpu.enqueue_dma source(%dma_start3A_396 : memref<64x128xf32, #tpu.memory_space<hbm>>) target(%dma_start3A_394 : memref<64x128xf32, #tpu.memory_space<vmem>>) target_semaphore(%dma_start3A_390 : memref<!tpu.dma_semaphore, #tpu.memory_space<semaphore_mem>>)
    %dma_start3A_397 = arith.constant 5 : i32
    %dma_start3A_398 = arith.constant 5 : i32
    %dma_start3A_399 = arith.constant 0 : i32
    %dma_start3A_400 = arith.constant 0 : i32
    %dma_start3A_401 = tpu.memref_slice %arg7[%dma_start3A_397, %dma_start3A_399, %dma_start3A_400] : memref<8x64x128xf32, #tpu.memory_space<vmem>> -> memref<1x64x128xf32, #tpu.memory_space<vmem>>
    %dma_start3A_402 = tpu.memref_squeeze %dma_start3A_401 : memref<1x64x128xf32, #tpu.memory_space<vmem>> -> memref<64x128xf32, #tpu.memory_space<vmem>>
    %dma_start3A_403 = arith.constant 0 : i32
    %dma_start3A_404 = tpu.memref_slice %arg2[%dma_start3A_403, %multiple_of3A_55] : memref<64x1000000xf32, #tpu.memory_space<hbm>> -> memref<64x128xf32, #tpu.memory_space<hbm>>
    %dma_start3A_405 = tpu.memref_slice %arg10[%dma_start3A_398] : memref<8x!tpu.dma_semaphore, #tpu.memory_space<semaphore_mem>> -> memref<1x!tpu.dma_semaphore, #tpu.memory_space<semaphore_mem>>
    %dma_start3A_406 = tpu.memref_squeeze %dma_start3A_405 : memref<1x!tpu.dma_semaphore, #tpu.memory_space<semaphore_mem>> -> memref<!tpu.dma_semaphore, #tpu.memory_space<semaphore_mem>>
    %dma_start3A_407 = arith.constant 0 : i32
    %dma_start3A_408 = arith.constant 0 : i32
    %dma_start3A_409 = tpu.memref_slice %arg7[%dma_start3A_397, %dma_start3A_407, %dma_start3A_408] : memref<8x64x128xf32, #tpu.memory_space<vmem>> -> memref<1x64x128xf32, #tpu.memory_space<vmem>>
    %dma_start3A_410 = tpu.memref_squeeze %dma_start3A_409 : memref<1x64x128xf32, #tpu.memory_space<vmem>> -> memref<64x128xf32, #tpu.memory_space<vmem>>
    %dma_start3A_411 = arith.constant 0 : i32
    %dma_start3A_412 = tpu.memref_slice %arg2[%dma_start3A_411, %multiple_of3A_55] : memref<64x1000000xf32, #tpu.memory_space<hbm>> -> memref<64x128xf32, #tpu.memory_space<hbm>>
    tpu.enqueue_dma source(%dma_start3A_412 : memref<64x128xf32, #tpu.memory_space<hbm>>) target(%dma_start3A_410 : memref<64x128xf32, #tpu.memory_space<vmem>>) target_semaphore(%dma_start3A_406 : memref<!tpu.dma_semaphore, #tpu.memory_space<semaphore_mem>>)
    %dma_start3A_413 = arith.constant 6 : i32
    %dma_start3A_414 = arith.constant 6 : i32
    %dma_start3A_415 = arith.constant 0 : i32
    %dma_start3A_416 = arith.constant 0 : i32
    %dma_start3A_417 = tpu.memref_slice %arg7[%dma_start3A_413, %dma_start3A_415, %dma_start3A_416] : memref<8x64x128xf32, #tpu.memory_space<vmem>> -> memref<1x64x128xf32, #tpu.memory_space<vmem>>
    %dma_start3A_418 = tpu.memref_squeeze %dma_start3A_417 : memref<1x64x128xf32, #tpu.memory_space<vmem>> -> memref<64x128xf32, #tpu.memory_space<vmem>>
    %dma_start3A_419 = arith.constant 0 : i32
    %dma_start3A_420 = tpu.memref_slice %arg2[%dma_start3A_419, %multiple_of3A_65] : memref<64x1000000xf32, #tpu.memory_space<hbm>> -> memref<64x128xf32, #tpu.memory_space<hbm>>
    %dma_start3A_421 = tpu.memref_slice %arg10[%dma_start3A_414] : memref<8x!tpu.dma_semaphore, #tpu.memory_space<semaphore_mem>> -> memref<1x!tpu.dma_semaphore, #tpu.memory_space<semaphore_mem>>
    %dma_start3A_422 = tpu.memref_squeeze %dma_start3A_421 : memref<1x!tpu.dma_semaphore, #tpu.memory_space<semaphore_mem>> -> memref<!tpu.dma_semaphore, #tpu.memory_space<semaphore_mem>>
    %dma_start3A_423 = arith.constant 0 : i32
    %dma_start3A_424 = arith.constant 0 : i32
    %dma_start3A_425 = tpu.memref_slice %arg7[%dma_start3A_413, %dma_start3A_423, %dma_start3A_424] : memref<8x64x128xf32, #tpu.memory_space<vmem>> -> memref<1x64x128xf32, #tpu.memory_space<vmem>>
    %dma_start3A_426 = tpu.memref_squeeze %dma_start3A_425 : memref<1x64x128xf32, #tpu.memory_space<vmem>> -> memref<64x128xf32, #tpu.memory_space<vmem>>
    %dma_start3A_427 = arith.constant 0 : i32
    %dma_start3A_428 = tpu.memref_slice %arg2[%dma_start3A_427, %multiple_of3A_65] : memref<64x1000000xf32, #tpu.memory_space<hbm>> -> memref<64x128xf32, #tpu.memory_space<hbm>>
    tpu.enqueue_dma source(%dma_start3A_428 : memref<64x128xf32, #tpu.memory_space<hbm>>) target(%dma_start3A_426 : memref<64x128xf32, #tpu.memory_space<vmem>>) target_semaphore(%dma_start3A_422 : memref<!tpu.dma_semaphore, #tpu.memory_space<semaphore_mem>>)
    %dma_start3A_429 = arith.constant 7 : i32
    %dma_start3A_430 = arith.constant 7 : i32
    %dma_start3A_431 = arith.constant 0 : i32
    %dma_start3A_432 = arith.constant 0 : i32
    %dma_start3A_433 = tpu.memref_slice %arg7[%dma_start3A_429, %dma_start3A_431, %dma_start3A_432] : memref<8x64x128xf32, #tpu.memory_space<vmem>> -> memref<1x64x128xf32, #tpu.memory_space<vmem>>
    %dma_start3A_434 = tpu.memref_squeeze %dma_start3A_433 : memref<1x64x128xf32, #tpu.memory_space<vmem>> -> memref<64x128xf32, #tpu.memory_space<vmem>>
    %dma_start3A_435 = arith.constant 0 : i32
    %dma_start3A_436 = tpu.memref_slice %arg2[%dma_start3A_435, %multiple_of3A_75] : memref<64x1000000xf32, #tpu.memory_space<hbm>> -> memref<64x128xf32, #tpu.memory_space<hbm>>
    %dma_start3A_437 = tpu.memref_slice %arg10[%dma_start3A_430] : memref<8x!tpu.dma_semaphore, #tpu.memory_space<semaphore_mem>> -> memref<1x!tpu.dma_semaphore, #tpu.memory_space<semaphore_mem>>
    %dma_start3A_438 = tpu.memref_squeeze %dma_start3A_437 : memref<1x!tpu.dma_semaphore, #tpu.memory_space<semaphore_mem>> -> memref<!tpu.dma_semaphore, #tpu.memory_space<semaphore_mem>>
    %dma_start3A_439 = arith.constant 0 : i32
    %dma_start3A_440 = arith.constant 0 : i32
    %dma_start3A_441 = tpu.memref_slice %arg7[%dma_start3A_429, %dma_start3A_439, %dma_start3A_440] : memref<8x64x128xf32, #tpu.memory_space<vmem>> -> memref<1x64x128xf32, #tpu.memory_space<vmem>>
    %dma_start3A_442 = tpu.memref_squeeze %dma_start3A_441 : memref<1x64x128xf32, #tpu.memory_space<vmem>> -> memref<64x128xf32, #tpu.memory_space<vmem>>
    %dma_start3A_443 = arith.constant 0 : i32
    %dma_start3A_444 = tpu.memref_slice %arg2[%dma_start3A_443, %multiple_of3A_75] : memref<64x1000000xf32, #tpu.memory_space<hbm>> -> memref<64x128xf32, #tpu.memory_space<hbm>>
    tpu.enqueue_dma source(%dma_start3A_444 : memref<64x128xf32, #tpu.memory_space<hbm>>) target(%dma_start3A_442 : memref<64x128xf32, #tpu.memory_space<vmem>>) target_semaphore(%dma_start3A_438 : memref<!tpu.dma_semaphore, #tpu.memory_space<semaphore_mem>>)
    %iota3A = tpu.iota {dimensions = array<i32: 0>} : vector<16xi32>
    %dma_wait3A = arith.constant 0 : i32
    %dma_wait3A_445 = arith.constant 0 : i32
    %dma_wait3A_446 = arith.constant 0 : i32
    %dma_wait3A_447 = arith.constant 0 : i32
    %dma_wait3A_448 = tpu.memref_slice %arg7[%dma_wait3A, %dma_wait3A_446, %dma_wait3A_447] : memref<8x64x128xf32, #tpu.memory_space<vmem>> -> memref<1x64x128xf32, #tpu.memory_space<vmem>>
    %dma_wait3A_449 = tpu.memref_squeeze %dma_wait3A_448 : memref<1x64x128xf32, #tpu.memory_space<vmem>> -> memref<64x128xf32, #tpu.memory_space<vmem>>
    %dma_wait3A_450 = arith.constant 0 : i32
    %dma_wait3A_451 = tpu.memref_slice %arg2[%dma_wait3A_450, %multiple_of3A] : memref<64x1000000xf32, #tpu.memory_space<hbm>> -> memref<64x128xf32, #tpu.memory_space<hbm>>
    %dma_wait3A_452 = tpu.memref_slice %arg10[%dma_wait3A_445] : memref<8x!tpu.dma_semaphore, #tpu.memory_space<semaphore_mem>> -> memref<1x!tpu.dma_semaphore, #tpu.memory_space<semaphore_mem>>
    %dma_wait3A_453 = tpu.memref_squeeze %dma_wait3A_452 : memref<1x!tpu.dma_semaphore, #tpu.memory_space<semaphore_mem>> -> memref<!tpu.dma_semaphore, #tpu.memory_space<semaphore_mem>>
    %dma_wait3A_454 = arith.constant 0 : i32
    %dma_wait3A_455 = arith.constant 0 : i32
    %dma_wait3A_456 = tpu.memref_slice %arg7[%dma_wait3A, %dma_wait3A_454, %dma_wait3A_455] : memref<8x64x128xf32, #tpu.memory_space<vmem>> -> memref<1x64x128xf32, #tpu.memory_space<vmem>>
    %dma_wait3A_457 = tpu.memref_squeeze %dma_wait3A_456 : memref<1x64x128xf32, #tpu.memory_space<vmem>> -> memref<64x128xf32, #tpu.memory_space<vmem>>
    %dma_wait3A_458 = arith.constant 0 : i32
    %dma_wait3A_459 = tpu.memref_slice %arg2[%dma_wait3A_458, %multiple_of3A] : memref<64x1000000xf32, #tpu.memory_space<hbm>> -> memref<64x128xf32, #tpu.memory_space<hbm>>
    tpu.wait_dma2 semaphore(%dma_wait3A_453 : memref<!tpu.dma_semaphore, #tpu.memory_space<semaphore_mem>>) src(%dma_wait3A_459 : memref<64x128xf32, #tpu.memory_space<hbm>>) dst(%dma_wait3A_457 : memref<64x128xf32, #tpu.memory_space<vmem>>)
    %broadcast_in_dim3A = vector.broadcast %rem3A_5 : i32 to vector<16xi32>
    %add3A_460 = arith.constant 0 : i32
    %add3A_461 = vector.broadcast %add3A_460 : i32 to vector<16xi32>
    %add3A_462 = arith.addi %iota3A, %add3A_461 : vector<16xi32>
    %gather3A = arith.constant 0 : i32
    %gather3A_463 = arith.constant 0 : i32
    %gather3A_464 = arith.constant 0 : i32
    %gather3A_465 = tpu.memref_slice %arg7[%gather3A, %gather3A_463, %gather3A_464] : memref<8x64x128xf32, #tpu.memory_space<vmem>> -> memref<1x64x128xf32, #tpu.memory_space<vmem>>
    %gather3A_466 = tpu.memref_squeeze %gather3A_465 : memref<1x64x128xf32, #tpu.memory_space<vmem>> -> memref<64x128xf32, #tpu.memory_space<vmem>>
    %gather3A_467 = tpu.vector_load_idx %gather3A_466[%add3A_462, %broadcast_in_dim3A] : memref<64x128xf32, #tpu.memory_space<vmem>>[vector<16xi32>, vector<16xi32>], vector<16xf32>,
    %swap3A = arith.constant 0 : i32
    %swap3A_468 = arith.index_cast %swap3A : i32 to index
    %swap3A_469 = arith.constant 0 : index
    %swap3A_470 = tpu.vector_load %arg9[%swap3A_468, %swap3A_469] {strides = array<i32>} : memref<32x64xf32, #tpu.memory_space<vmem>>, vector<16xf32>,
    tpu.vector_store %arg9[%swap3A_468, %swap3A_469], %gather3A_467 {strides = array<i32>} : memref<32x64xf32, #tpu.memory_space<vmem>>, vector<16xf32>,
    %add3A_471 = arith.constant 16 : i32
    %add3A_472 = vector.broadcast %add3A_471 : i32 to vector<16xi32>
    %add3A_473 = arith.addi %iota3A, %add3A_472 : vector<16xi32>
    %gather3A_474 = arith.constant 0 : i32
    %gather3A_475 = arith.constant 0 : i32
    %gather3A_476 = arith.constant 0 : i32
    %gather3A_477 = tpu.memref_slice %arg7[%gather3A_474, %gather3A_475, %gather3A_476] : memref<8x64x128xf32, #tpu.memory_space<vmem>> -> memref<1x64x128xf32, #tpu.memory_space<vmem>>
    %gather3A_478 = tpu.memref_squeeze %gather3A_477 : memref<1x64x128xf32, #tpu.memory_space<vmem>> -> memref<64x128xf32, #tpu.memory_space<vmem>>
    %gather3A_479 = tpu.vector_load_idx %gather3A_478[%add3A_473, %broadcast_in_dim3A] : memref<64x128xf32, #tpu.memory_space<vmem>>[vector<16xi32>, vector<16xi32>], vector<16xf32>,
    %swap3A_480 = arith.constant 0 : i32
    %swap3A_481 = arith.index_cast %swap3A_480 : i32 to index
    %swap3A_482 = arith.constant 16 : index
    %swap3A_483 = tpu.vector_load %arg9[%swap3A_481, %swap3A_482] {strides = array<i32>} : memref<32x64xf32, #tpu.memory_space<vmem>>, vector<16xf32>,
    tpu.vector_store %arg9[%swap3A_481, %swap3A_482], %gather3A_479 {strides = array<i32>} : memref<32x64xf32, #tpu.memory_space<vmem>>, vector<16xf32>,
    %add3A_484 = arith.constant 32 : i32
    %add3A_485 = vector.broadcast %add3A_484 : i32 to vector<16xi32>
    %add3A_486 = arith.addi %iota3A, %add3A_485 : vector<16xi32>
    %gather3A_487 = arith.constant 0 : i32
    %gather3A_488 = arith.constant 0 : i32
    %gather3A_489 = arith.constant 0 : i32
    %gather3A_490 = tpu.memref_slice %arg7[%gather3A_487, %gather3A_488, %gather3A_489] : memref<8x64x128xf32, #tpu.memory_space<vmem>> -> memref<1x64x128xf32, #tpu.memory_space<vmem>>
    %gather3A_491 = tpu.memref_squeeze %gather3A_490 : memref<1x64x128xf32, #tpu.memory_space<vmem>> -> memref<64x128xf32, #tpu.memory_space<vmem>>
    %gather3A_492 = tpu.vector_load_idx %gather3A_491[%add3A_486, %broadcast_in_dim3A] : memref<64x128xf32, #tpu.memory_space<vmem>>[vector<16xi32>, vector<16xi32>], vector<16xf32>,
    %swap3A_493 = arith.constant 0 : i32
    %swap3A_494 = arith.index_cast %swap3A_493 : i32 to index
    %swap3A_495 = arith.constant 32 : index
    %swap3A_496 = tpu.vector_load %arg9[%swap3A_494, %swap3A_495] {strides = array<i32>} : memref<32x64xf32, #tpu.memory_space<vmem>>, vector<16xf32>,
    tpu.vector_store %arg9[%swap3A_494, %swap3A_495], %gather3A_492 {strides = array<i32>} : memref<32x64xf32, #tpu.memory_space<vmem>>, vector<16xf32>,
    %add3A_497 = arith.constant 48 : i32
    %add3A_498 = vector.broadcast %add3A_497 : i32 to vector<16xi32>
    %add3A_499 = arith.addi %iota3A, %add3A_498 : vector<16xi32>
    %gather3A_500 = arith.constant 0 : i32
    %gather3A_501 = arith.constant 0 : i32
    %gather3A_502 = arith.constant 0 : i32
    %gather3A_503 = tpu.memref_slice %arg7[%gather3A_500, %gather3A_501, %gather3A_502] : memref<8x64x128xf32, #tpu.memory_space<vmem>> -> memref<1x64x128xf32, #tpu.memory_space<vmem>>
    %gather3A_504 = tpu.memref_squeeze %gather3A_503 : memref<1x64x128xf32, #tpu.memory_space<vmem>> -> memref<64x128xf32, #tpu.memory_space<vmem>>
    %gather3A_505 = tpu.vector_load_idx %gather3A_504[%add3A_499, %broadcast_in_dim3A] : memref<64x128xf32, #tpu.memory_space<vmem>>[vector<16xi32>, vector<16xi32>], vector<16xf32>,
    %swap3A_506 = arith.constant 0 : i32
    %swap3A_507 = arith.index_cast %swap3A_506 : i32 to index
    %swap3A_508 = arith.constant 48 : index
    %swap3A_509 = tpu.vector_load %arg9[%swap3A_507, %swap3A_508] {strides = array<i32>} : memref<32x64xf32, #tpu.memory_space<vmem>>, vector<16xf32>,
    tpu.vector_store %arg9[%swap3A_507, %swap3A_508], %gather3A_505 {strides = array<i32>} : memref<32x64xf32, #tpu.memory_space<vmem>>, vector<16xf32>,
    %convert_element_type3A = arith.extui %ge3A_4 : i1 to i32
    %cond3A = arith.constant 0 : i32
    %cond3A_510 = arith.cmpi ne, %convert_element_type3A, %cond3A : i32
    scf.if %cond3A_510 {
      %add3A_3135 = arith.constant 0 : i32
      %add3A_3136 = vector.broadcast %add3A_3135 : i32 to vector<16xi32>
      %add3A_3137 = arith.addi %iota3A, %add3A_3136 : vector<16xi32>
      %gather3A_3138 = tpu.vector_load_idx %arg8[%add3A_3137, %broadcast_in_dim3A] : memref<64x64xf32, #tpu.memory_space<vmem>>[vector<16xi32>, vector<16xi32>], vector<16xf32>,
      %swap3A_3139 = arith.constant 0 : i32
      %swap3A_3140 = arith.index_cast %swap3A_3139 : i32 to index
      %swap3A_3141 = arith.constant 0 : index
      %swap3A_3142 = tpu.vector_load %arg9[%swap3A_3140, %swap3A_3141] {strides = array<i32>} : memref<32x64xf32, #tpu.memory_space<vmem>>, vector<16xf32>,
      tpu.vector_store %arg9[%swap3A_3140, %swap3A_3141], %gather3A_3138 {strides = array<i32>} : memref<32x64xf32, #tpu.memory_space<vmem>>, vector<16xf32>,
      %add3A_3143 = arith.constant 16 : i32
      %add3A_3144 = vector.broadcast %add3A_3143 : i32 to vector<16xi32>
      %add3A_3145 = arith.addi %iota3A, %add3A_3144 : vector<16xi32>
      %gather3A_3146 = tpu.vector_load_idx %arg8[%add3A_3145, %broadcast_in_dim3A] : memref<64x64xf32, #tpu.memory_space<vmem>>[vector<16xi32>, vector<16xi32>], vector<16xf32>,
      %swap3A_3147 = arith.constant 0 : i32
      %swap3A_3148 = arith.index_cast %swap3A_3147 : i32 to index
      %swap3A_3149 = arith.constant 16 : index
      %swap3A_3150 = tpu.vector_load %arg9[%swap3A_3148, %swap3A_3149] {strides = array<i32>} : memref<32x64xf32, #tpu.memory_space<vmem>>, vector<16xf32>,
      tpu.vector_store %arg9[%swap3A_3148, %swap3A_3149], %gather3A_3146 {strides = array<i32>} : memref<32x64xf32, #tpu.memory_space<vmem>>, vector<16xf32>,
      %add3A_3151 = arith.constant 32 : i32
      %add3A_3152 = vector.broadcast %add3A_3151 : i32 to vector<16xi32>
      %add3A_3153 = arith.addi %iota3A, %add3A_3152 : vector<16xi32>
      %gather3A_3154 = tpu.vector_load_idx %arg8[%add3A_3153, %broadcast_in_dim3A] : memref<64x64xf32, #tpu.memory_space<vmem>>[vector<16xi32>, vector<16xi32>], vector<16xf32>,
      %swap3A_3155 = arith.constant 0 : i32
      %swap3A_3156 = arith.index_cast %swap3A_3155 : i32 to index
      %swap3A_3157 = arith.constant 32 : index
      %swap3A_3158 = tpu.vector_load %arg9[%swap3A_3156, %swap3A_3157] {strides = array<i32>} : memref<32x64xf32, #tpu.memory_space<vmem>>, vector<16xf32>,
      tpu.vector_store %arg9[%swap3A_3156, %swap3A_3157], %gather3A_3154 {strides = array<i32>} : memref<32x64xf32, #tpu.memory_space<vmem>>, vector<16xf32>,
      %add3A_3159 = arith.constant 48 : i32
      %add3A_3160 = vector.broadcast %add3A_3159 : i32 to vector<16xi32>
      %add3A_3161 = arith.addi %iota3A, %add3A_3160 : vector<16xi32>
      %gather3A_3162 = tpu.vector_load_idx %arg8[%add3A_3161, %broadcast_in_dim3A] : memref<64x64xf32, #tpu.memory_space<vmem>>[vector<16xi32>, vector<16xi32>], vector<16xf32>,
      %swap3A_3163 = arith.constant 0 : i32
      %swap3A_3164 = arith.index_cast %swap3A_3163 : i32 to index
      %swap3A_3165 = arith.constant 48 : index
      %swap3A_3166 = tpu.vector_load %arg9[%swap3A_3164, %swap3A_3165] {strides = array<i32>} : memref<32x64xf32, #tpu.memory_space<vmem>>, vector<16xf32>,
      tpu.vector_store %arg9[%swap3A_3164, %swap3A_3165], %gather3A_3162 {strides = array<i32>} : memref<32x64xf32, #tpu.memory_space<vmem>>, vector<16xf32>,
    } else {
    }
    %dma_start3A_511 = arith.constant 0 : i32
    %dma_start3A_512 = arith.constant 0 : i32
    %dma_start3A_513 = arith.constant 0 : i32
    %dma_start3A_514 = arith.constant 0 : i32
    %dma_start3A_515 = tpu.memref_slice %arg7[%dma_start3A_511, %dma_start3A_513, %dma_start3A_514] : memref<8x64x128xf32, #tpu.memory_space<vmem>> -> memref<1x64x128xf32, #tpu.memory_space<vmem>>
    %dma_start3A_516 = tpu.memref_squeeze %dma_start3A_515 : memref<1x64x128xf32, #tpu.memory_space<vmem>> -> memref<64x128xf32, #tpu.memory_space<vmem>>
    %dma_start3A_517 = arith.constant 0 : i32
    %dma_start3A_518 = tpu.memref_slice %arg2[%dma_start3A_517, %multiple_of3A_85] : memref<64x1000000xf32, #tpu.memory_space<hbm>> -> memref<64x128xf32, #tpu.memory_space<hbm>>
    %dma_start3A_519 = tpu.memref_slice %arg10[%dma_start3A_512] : memref<8x!tpu.dma_semaphore, #tpu.memory_space<semaphore_mem>> -> memref<1x!tpu.dma_semaphore, #tpu.memory_space<semaphore_mem>>
    %dma_start3A_520 = tpu.memref_squeeze %dma_start3A_519 : memref<1x!tpu.dma_semaphore, #tpu.memory_space<semaphore_mem>> -> memref<!tpu.dma_semaphore, #tpu.memory_space<semaphore_mem>>
    %dma_start3A_521 = arith.constant 0 : i32
    %dma_start3A_522 = arith.constant 0 : i32
    %dma_start3A_523 = tpu.memref_slice %arg7[%dma_start3A_511, %dma_start3A_521, %dma_start3A_522] : memref<8x64x128xf32, #tpu.memory_space<vmem>> -> memref<1x64x128xf32, #tpu.memory_space<vmem>>
    %dma_start3A_524 = tpu.memref_squeeze %dma_start3A_523 : memref<1x64x128xf32, #tpu.memory_space<vmem>> -> memref<64x128xf32, #tpu.memory_space<vmem>>
    %dma_start3A_525 = arith.constant 0 : i32
    %dma_start3A_526 = tpu.memref_slice %arg2[%dma_start3A_525, %multiple_of3A_85] : memref<64x1000000xf32, #tpu.memory_space<hbm>> -> memref<64x128xf32, #tpu.memory_space<hbm>>
    tpu.enqueue_dma source(%dma_start3A_526 : memref<64x128xf32, #tpu.memory_space<hbm>>) target(%dma_start3A_524 : memref<64x128xf32, #tpu.memory_space<vmem>>) target_semaphore(%dma_start3A_520 : memref<!tpu.dma_semaphore, #tpu.memory_space<semaphore_mem>>)
    %dma_wait3A_527 = arith.constant 1 : i32
    %dma_wait3A_528 = arith.constant 1 : i32
    %dma_wait3A_529 = arith.constant 0 : i32
    %dma_wait3A_530 = arith.constant 0 : i32
    %dma_wait3A_531 = tpu.memref_slice %arg7[%dma_wait3A_527, %dma_wait3A_529, %dma_wait3A_530] : memref<8x64x128xf32, #tpu.memory_space<vmem>> -> memref<1x64x128xf32, #tpu.memory_space<vmem>>
    %dma_wait3A_532 = tpu.memref_squeeze %dma_wait3A_531 : memref<1x64x128xf32, #tpu.memory_space<vmem>> -> memref<64x128xf32, #tpu.memory_space<vmem>>
    %dma_wait3A_533 = arith.constant 0 : i32
    %dma_wait3A_534 = tpu.memref_slice %arg2[%dma_wait3A_533, %multiple_of3A_15] : memref<64x1000000xf32, #tpu.memory_space<hbm>> -> memref<64x128xf32, #tpu.memory_space<hbm>>
    %dma_wait3A_535 = tpu.memref_slice %arg10[%dma_wait3A_528] : memref<8x!tpu.dma_semaphore, #tpu.memory_space<semaphore_mem>> -> memref<1x!tpu.dma_semaphore, #tpu.memory_space<semaphore_mem>>
    %dma_wait3A_536 = tpu.memref_squeeze %dma_wait3A_535 : memref<1x!tpu.dma_semaphore, #tpu.memory_space<semaphore_mem>> -> memref<!tpu.dma_semaphore, #tpu.memory_space<semaphore_mem>>
    %dma_wait3A_537 = arith.constant 0 : i32
    %dma_wait3A_538 = arith.constant 0 : i32
    %dma_wait3A_539 = tpu.memref_slice %arg7[%dma_wait3A_527, %dma_wait3A_537, %dma_wait3A_538] : memref<8x64x128xf32, #tpu.memory_space<vmem>> -> memref<1x64x128xf32, #tpu.memory_space<vmem>>
    %dma_wait3A_540 = tpu.memref_squeeze %dma_wait3A_539 : memref<1x64x128xf32, #tpu.memory_space<vmem>> -> memref<64x128xf32, #tpu.memory_space<vmem>>
    %dma_wait3A_541 = arith.constant 0 : i32
    %dma_wait3A_542 = tpu.memref_slice %arg2[%dma_wait3A_541, %multiple_of3A_15] : memref<64x1000000xf32, #tpu.memory_space<hbm>> -> memref<64x128xf32, #tpu.memory_space<hbm>>
    tpu.wait_dma2 semaphore(%dma_wait3A_536 : memref<!tpu.dma_semaphore, #tpu.memory_space<semaphore_mem>>) src(%dma_wait3A_542 : memref<64x128xf32, #tpu.memory_space<hbm>>) dst(%dma_wait3A_540 : memref<64x128xf32, #tpu.memory_space<vmem>>)
    %broadcast_in_dim3A_543 = vector.broadcast %rem3A_11 : i32 to vector<16xi32>
    %add3A_544 = arith.constant 0 : i32
    %add3A_545 = vector.broadcast %add3A_544 : i32 to vector<16xi32>
    %add3A_546 = arith.addi %iota3A, %add3A_545 : vector<16xi32>
    %gather3A_547 = arith.constant 1 : i32
    %gather3A_548 = arith.constant 0 : i32
    %gather3A_549 = arith.constant 0 : i32
    %gather3A_550 = tpu.memref_slice %arg7[%gather3A_547, %gather3A_548, %gather3A_549] : memref<8x64x128xf32, #tpu.memory_space<vmem>> -> memref<1x64x128xf32, #tpu.memory_space<vmem>>
    %gather3A_551 = tpu.memref_squeeze %gather3A_550 : memref<1x64x128xf32, #tpu.memory_space<vmem>> -> memref<64x128xf32, #tpu.memory_space<vmem>>
    %gather3A_552 = tpu.vector_load_idx %gather3A_551[%add3A_546, %broadcast_in_dim3A_543] : memref<64x128xf32, #tpu.memory_space<vmem>>[vector<16xi32>, vector<16xi32>], vector<16xf32>,
    %swap3A_553 = arith.constant 1 : i32
    %swap3A_554 = arith.index_cast %swap3A_553 : i32 to index
    %swap3A_555 = arith.constant 0 : index
    %swap3A_556 = tpu.vector_load %arg9[%swap3A_554, %swap3A_555] {strides = array<i32>} : memref<32x64xf32, #tpu.memory_space<vmem>>, vector<16xf32>,
    tpu.vector_store %arg9[%swap3A_554, %swap3A_555], %gather3A_552 {strides = array<i32>} : memref<32x64xf32, #tpu.memory_space<vmem>>, vector<16xf32>,
    %add3A_557 = arith.constant 16 : i32
    %add3A_558 = vector.broadcast %add3A_557 : i32 to vector<16xi32>
    %add3A_559 = arith.addi %iota3A, %add3A_558 : vector<16xi32>
    %gather3A_560 = arith.constant 1 : i32
    %gather3A_561 = arith.constant 0 : i32
    %gather3A_562 = arith.constant 0 : i32
    %gather3A_563 = tpu.memref_slice %arg7[%gather3A_560, %gather3A_561, %gather3A_562] : memref<8x64x128xf32, #tpu.memory_space<vmem>> -> memref<1x64x128xf32, #tpu.memory_space<vmem>>
    %gather3A_564 = tpu.memref_squeeze %gather3A_563 : memref<1x64x128xf32, #tpu.memory_space<vmem>> -> memref<64x128xf32, #tpu.memory_space<vmem>>
    %gather3A_565 = tpu.vector_load_idx %gather3A_564[%add3A_559, %broadcast_in_dim3A_543] : memref<64x128xf32, #tpu.memory_space<vmem>>[vector<16xi32>, vector<16xi32>], vector<16xf32>,
    %swap3A_566 = arith.constant 1 : i32
    %swap3A_567 = arith.index_cast %swap3A_566 : i32 to index
    %swap3A_568 = arith.constant 16 : index
    %swap3A_569 = tpu.vector_load %arg9[%swap3A_567, %swap3A_568] {strides = array<i32>} : memref<32x64xf32, #tpu.memory_space<vmem>>, vector<16xf32>,
    tpu.vector_store %arg9[%swap3A_567, %swap3A_568], %gather3A_565 {strides = array<i32>} : memref<32x64xf32, #tpu.memory_space<vmem>>, vector<16xf32>,
    %add3A_570 = arith.constant 32 : i32
    %add3A_571 = vector.broadcast %add3A_570 : i32 to vector<16xi32>
    %add3A_572 = arith.addi %iota3A, %add3A_571 : vector<16xi32>
    %gather3A_573 = arith.constant 1 : i32
    %gather3A_574 = arith.constant 0 : i32
    %gather3A_575 = arith.constant 0 : i32
    %gather3A_576 = tpu.memref_slice %arg7[%gather3A_573, %gather3A_574, %gather3A_575] : memref<8x64x128xf32, #tpu.memory_space<vmem>> -> memref<1x64x128xf32, #tpu.memory_space<vmem>>
    %gather3A_577 = tpu.memref_squeeze %gather3A_576 : memref<1x64x128xf32, #tpu.memory_space<vmem>> -> memref<64x128xf32, #tpu.memory_space<vmem>>
    %gather3A_578 = tpu.vector_load_idx %gather3A_577[%add3A_572, %broadcast_in_dim3A_543] : memref<64x128xf32, #tpu.memory_space<vmem>>[vector<16xi32>, vector<16xi32>], vector<16xf32>,
    %swap3A_579 = arith.constant 1 : i32
    %swap3A_580 = arith.index_cast %swap3A_579 : i32 to index
    %swap3A_581 = arith.constant 32 : index
    %swap3A_582 = tpu.vector_load %arg9[%swap3A_580, %swap3A_581] {strides = array<i32>} : memref<32x64xf32, #tpu.memory_space<vmem>>, vector<16xf32>,
    tpu.vector_store %arg9[%swap3A_580, %swap3A_581], %gather3A_578 {strides = array<i32>} : memref<32x64xf32, #tpu.memory_space<vmem>>, vector<16xf32>,
    %add3A_583 = arith.constant 48 : i32
    %add3A_584 = vector.broadcast %add3A_583 : i32 to vector<16xi32>
    %add3A_585 = arith.addi %iota3A, %add3A_584 : vector<16xi32>
    %gather3A_586 = arith.constant 1 : i32
    %gather3A_587 = arith.constant 0 : i32
    %gather3A_588 = arith.constant 0 : i32
    %gather3A_589 = tpu.memref_slice %arg7[%gather3A_586, %gather3A_587, %gather3A_588] : memref<8x64x128xf32, #tpu.memory_space<vmem>> -> memref<1x64x128xf32, #tpu.memory_space<vmem>>
    %gather3A_590 = tpu.memref_squeeze %gather3A_589 : memref<1x64x128xf32, #tpu.memory_space<vmem>> -> memref<64x128xf32, #tpu.memory_space<vmem>>
    %gather3A_591 = tpu.vector_load_idx %gather3A_590[%add3A_585, %broadcast_in_dim3A_543] : memref<64x128xf32, #tpu.memory_space<vmem>>[vector<16xi32>, vector<16xi32>], vector<16xf32>,
    %swap3A_592 = arith.constant 1 : i32
    %swap3A_593 = arith.index_cast %swap3A_592 : i32 to index
    %swap3A_594 = arith.constant 48 : index
    %swap3A_595 = tpu.vector_load %arg9[%swap3A_593, %swap3A_594] {strides = array<i32>} : memref<32x64xf32, #tpu.memory_space<vmem>>, vector<16xf32>,
    tpu.vector_store %arg9[%swap3A_593, %swap3A_594], %gather3A_591 {strides = array<i32>} : memref<32x64xf32, #tpu.memory_space<vmem>>, vector<16xf32>,
    %convert_element_type3A_596 = arith.extui %ge3A_9 : i1 to i32
    %cond3A_597 = arith.constant 0 : i32
    %cond3A_598 = arith.cmpi ne, %convert_element_type3A_596, %cond3A_597 : i32
    scf.if %cond3A_598 {
      %add3A_3135 = arith.constant 0 : i32
      %add3A_3136 = vector.broadcast %add3A_3135 : i32 to vector<16xi32>
      %add3A_3137 = arith.addi %iota3A, %add3A_3136 : vector<16xi32>
      %gather3A_3138 = tpu.vector_load_idx %arg8[%add3A_3137, %broadcast_in_dim3A_543] : memref<64x64xf32, #tpu.memory_space<vmem>>[vector<16xi32>, vector<16xi32>], vector<16xf32>,
      %swap3A_3139 = arith.constant 1 : i32
      %swap3A_3140 = arith.index_cast %swap3A_3139 : i32 to index
      %swap3A_3141 = arith.constant 0 : index
      %swap3A_3142 = tpu.vector_load %arg9[%swap3A_3140, %swap3A_3141] {strides = array<i32>} : memref<32x64xf32, #tpu.memory_space<vmem>>, vector<16xf32>,
      tpu.vector_store %arg9[%swap3A_3140, %swap3A_3141], %gather3A_3138 {strides = array<i32>} : memref<32x64xf32, #tpu.memory_space<vmem>>, vector<16xf32>,
      %add3A_3143 = arith.constant 16 : i32
      %add3A_3144 = vector.broadcast %add3A_3143 : i32 to vector<16xi32>
      %add3A_3145 = arith.addi %iota3A, %add3A_3144 : vector<16xi32>
      %gather3A_3146 = tpu.vector_load_idx %arg8[%add3A_3145, %broadcast_in_dim3A_543] : memref<64x64xf32, #tpu.memory_space<vmem>>[vector<16xi32>, vector<16xi32>], vector<16xf32>,
      %swap3A_3147 = arith.constant 1 : i32
      %swap3A_3148 = arith.index_cast %swap3A_3147 : i32 to index
      %swap3A_3149 = arith.constant 16 : index
      %swap3A_3150 = tpu.vector_load %arg9[%swap3A_3148, %swap3A_3149] {strides = array<i32>} : memref<32x64xf32, #tpu.memory_space<vmem>>, vector<16xf32>,
      tpu.vector_store %arg9[%swap3A_3148, %swap3A_3149], %gather3A_3146 {strides = array<i32>} : memref<32x64xf32, #tpu.memory_space<vmem>>, vector<16xf32>,
      %add3A_3151 = arith.constant 32 : i32
      %add3A_3152 = vector.broadcast %add3A_3151 : i32 to vector<16xi32>
      %add3A_3153 = arith.addi %iota3A, %add3A_3152 : vector<16xi32>
      %gather3A_3154 = tpu.vector_load_idx %arg8[%add3A_3153, %broadcast_in_dim3A_543] : memref<64x64xf32, #tpu.memory_space<vmem>>[vector<16xi32>, vector<16xi32>], vector<16xf32>,
      %swap3A_3155 = arith.constant 1 : i32
      %swap3A_3156 = arith.index_cast %swap3A_3155 : i32 to index
      %swap3A_3157 = arith.constant 32 : index
      %swap3A_3158 = tpu.vector_load %arg9[%swap3A_3156, %swap3A_3157] {strides = array<i32>} : memref<32x64xf32, #tpu.memory_space<vmem>>, vector<16xf32>,
      tpu.vector_store %arg9[%swap3A_3156, %swap3A_3157], %gather3A_3154 {strides = array<i32>} : memref<32x64xf32, #tpu.memory_space<vmem>>, vector<16xf32>,
      %add3A_3159 = arith.constant 48 : i32
      %add3A_3160 = vector.broadcast %add3A_3159 : i32 to vector<16xi32>
      %add3A_3161 = arith.addi %iota3A, %add3A_3160 : vector<16xi32>
      %gather3A_3162 = tpu.vector_load_idx %arg8[%add3A_3161, %broadcast_in_dim3A_543] : memref<64x64xf32, #tpu.memory_space<vmem>>[vector<16xi32>, vector<16xi32>], vector<16xf32>,
      %swap3A_3163 = arith.constant 1 : i32
      %swap3A_3164 = arith.index_cast %swap3A_3163 : i32 to index
      %swap3A_3165 = arith.constant 48 : index
      %swap3A_3166 = tpu.vector_load %arg9[%swap3A_3164, %swap3A_3165] {strides = array<i32>} : memref<32x64xf32, #tpu.memory_space<vmem>>, vector<16xf32>,
      tpu.vector_store %arg9[%swap3A_3164, %swap3A_3165], %gather3A_3162 {strides = array<i32>} : memref<32x64xf32, #tpu.memory_space<vmem>>, vector<16xf32>,
    } else {
    }
    %dma_start3A_599 = arith.constant 1 : i32
    %dma_start3A_600 = arith.constant 1 : i32
    %dma_start3A_601 = arith.constant 0 : i32
    %dma_start3A_602 = arith.constant 0 : i32
    %dma_start3A_603 = tpu.memref_slice %arg7[%dma_start3A_599, %dma_start3A_601, %dma_start3A_602] : memref<8x64x128xf32, #tpu.memory_space<vmem>> -> memref<1x64x128xf32, #tpu.memory_space<vmem>>
    %dma_start3A_604 = tpu.memref_squeeze %dma_start3A_603 : memref<1x64x128xf32, #tpu.memory_space<vmem>> -> memref<64x128xf32, #tpu.memory_space<vmem>>
    %dma_start3A_605 = arith.constant 0 : i32
    %dma_start3A_606 = tpu.memref_slice %arg2[%dma_start3A_605, %multiple_of3A_95] : memref<64x1000000xf32, #tpu.memory_space<hbm>> -> memref<64x128xf32, #tpu.memory_space<hbm>>
    %dma_start3A_607 = tpu.memref_slice %arg10[%dma_start3A_600] : memref<8x!tpu.dma_semaphore, #tpu.memory_space<semaphore_mem>> -> memref<1x!tpu.dma_semaphore, #tpu.memory_space<semaphore_mem>>
    %dma_start3A_608 = tpu.memref_squeeze %dma_start3A_607 : memref<1x!tpu.dma_semaphore, #tpu.memory_space<semaphore_mem>> -> memref<!tpu.dma_semaphore, #tpu.memory_space<semaphore_mem>>
    %dma_start3A_609 = arith.constant 0 : i32
    %dma_start3A_610 = arith.constant 0 : i32
    %dma_start3A_611 = tpu.memref_slice %arg7[%dma_start3A_599, %dma_start3A_609, %dma_start3A_610] : memref<8x64x128xf32, #tpu.memory_space<vmem>> -> memref<1x64x128xf32, #tpu.memory_space<vmem>>
    %dma_start3A_612 = tpu.memref_squeeze %dma_start3A_611 : memref<1x64x128xf32, #tpu.memory_space<vmem>> -> memref<64x128xf32, #tpu.memory_space<vmem>>
    %dma_start3A_613 = arith.constant 0 : i32
    %dma_start3A_614 = tpu.memref_slice %arg2[%dma_start3A_613, %multiple_of3A_95] : memref<64x1000000xf32, #tpu.memory_space<hbm>> -> memref<64x128xf32, #tpu.memory_space<hbm>>
    tpu.enqueue_dma source(%dma_start3A_614 : memref<64x128xf32, #tpu.memory_space<hbm>>) target(%dma_start3A_612 : memref<64x128xf32, #tpu.memory_space<vmem>>) target_semaphore(%dma_start3A_608 : memref<!tpu.dma_semaphore, #tpu.memory_space<semaphore_mem>>)
    %dma_wait3A_615 = arith.constant 2 : i32
    %dma_wait3A_616 = arith.constant 2 : i32
    %dma_wait3A_617 = arith.constant 0 : i32
    %dma_wait3A_618 = arith.constant 0 : i32
    %dma_wait3A_619 = tpu.memref_slice %arg7[%dma_wait3A_615, %dma_wait3A_617, %dma_wait3A_618] : memref<8x64x128xf32, #tpu.memory_space<vmem>> -> memref<1x64x128xf32, #tpu.memory_space<vmem>>
    %dma_wait3A_620 = tpu.memref_squeeze %dma_wait3A_619 : memref<1x64x128xf32, #tpu.memory_space<vmem>> -> memref<64x128xf32, #tpu.memory_space<vmem>>
    %dma_wait3A_621 = arith.constant 0 : i32
    %dma_wait3A_622 = tpu.memref_slice %arg2[%dma_wait3A_621, %multiple_of3A_25] : memref<64x1000000xf32, #tpu.memory_space<hbm>> -> memref<64x128xf32, #tpu.memory_space<hbm>>
    %dma_wait3A_623 = tpu.memref_slice %arg10[%dma_wait3A_616] : memref<8x!tpu.dma_semaphore, #tpu.memory_space<semaphore_mem>> -> memref<1x!tpu.dma_semaphore, #tpu.memory_space<semaphore_mem>>
    %dma_wait3A_624 = tpu.memref_squeeze %dma_wait3A_623 : memref<1x!tpu.dma_semaphore, #tpu.memory_space<semaphore_mem>> -> memref<!tpu.dma_semaphore, #tpu.memory_space<semaphore_mem>>
    %dma_wait3A_625 = arith.constant 0 : i32
    %dma_wait3A_626 = arith.constant 0 : i32
    %dma_wait3A_627 = tpu.memref_slice %arg7[%dma_wait3A_615, %dma_wait3A_625, %dma_wait3A_626] : memref<8x64x128xf32, #tpu.memory_space<vmem>> -> memref<1x64x128xf32, #tpu.memory_space<vmem>>
    %dma_wait3A_628 = tpu.memref_squeeze %dma_wait3A_627 : memref<1x64x128xf32, #tpu.memory_space<vmem>> -> memref<64x128xf32, #tpu.memory_space<vmem>>
    %dma_wait3A_629 = arith.constant 0 : i32
    %dma_wait3A_630 = tpu.memref_slice %arg2[%dma_wait3A_629, %multiple_of3A_25] : memref<64x1000000xf32, #tpu.memory_space<hbm>> -> memref<64x128xf32, #tpu.memory_space<hbm>>
    tpu.wait_dma2 semaphore(%dma_wait3A_624 : memref<!tpu.dma_semaphore, #tpu.memory_space<semaphore_mem>>) src(%dma_wait3A_630 : memref<64x128xf32, #tpu.memory_space<hbm>>) dst(%dma_wait3A_628 : memref<64x128xf32, #tpu.memory_space<vmem>>)
    %broadcast_in_dim3A_631 = vector.broadcast %rem3A_21 : i32 to vector<16xi32>
    %add3A_632 = arith.constant 0 : i32
    %add3A_633 = vector.broadcast %add3A_632 : i32 to vector<16xi32>
    %add3A_634 = arith.addi %iota3A, %add3A_633 : vector<16xi32>
    %gather3A_635 = arith.constant 2 : i32
    %gather3A_636 = arith.constant 0 : i32
    %gather3A_637 = arith.constant 0 : i32
    %gather3A_638 = tpu.memref_slice %arg7[%gather3A_635, %gather3A_636, %gather3A_637] : memref<8x64x128xf32, #tpu.memory_space<vmem>> -> memref<1x64x128xf32, #tpu.memory_space<vmem>>
    %gather3A_639 = tpu.memref_squeeze %gather3A_638 : memref<1x64x128xf32, #tpu.memory_space<vmem>> -> memref<64x128xf32, #tpu.memory_space<vmem>>
    %gather3A_640 = tpu.vector_load_idx %gather3A_639[%add3A_634, %broadcast_in_dim3A_631] : memref<64x128xf32, #tpu.memory_space<vmem>>[vector<16xi32>, vector<16xi32>], vector<16xf32>,
    %swap3A_641 = arith.constant 2 : i32
    %swap3A_642 = arith.index_cast %swap3A_641 : i32 to index
    %swap3A_643 = arith.constant 0 : index
    %swap3A_644 = tpu.vector_load %arg9[%swap3A_642, %swap3A_643] {strides = array<i32>} : memref<32x64xf32, #tpu.memory_space<vmem>>, vector<16xf32>,
    tpu.vector_store %arg9[%swap3A_642, %swap3A_643], %gather3A_640 {strides = array<i32>} : memref<32x64xf32, #tpu.memory_space<vmem>>, vector<16xf32>,
    %add3A_645 = arith.constant 16 : i32
    %add3A_646 = vector.broadcast %add3A_645 : i32 to vector<16xi32>
    %add3A_647 = arith.addi %iota3A, %add3A_646 : vector<16xi32>
    %gather3A_648 = arith.constant 2 : i32
    %gather3A_649 = arith.constant 0 : i32
    %gather3A_650 = arith.constant 0 : i32
    %gather3A_651 = tpu.memref_slice %arg7[%gather3A_648, %gather3A_649, %gather3A_650] : memref<8x64x128xf32, #tpu.memory_space<vmem>> -> memref<1x64x128xf32, #tpu.memory_space<vmem>>
    %gather3A_652 = tpu.memref_squeeze %gather3A_651 : memref<1x64x128xf32, #tpu.memory_space<vmem>> -> memref<64x128xf32, #tpu.memory_space<vmem>>
    %gather3A_653 = tpu.vector_load_idx %gather3A_652[%add3A_647, %broadcast_in_dim3A_631] : memref<64x128xf32, #tpu.memory_space<vmem>>[vector<16xi32>, vector<16xi32>], vector<16xf32>,
    %swap3A_654 = arith.constant 2 : i32
    %swap3A_655 = arith.index_cast %swap3A_654 : i32 to index
    %swap3A_656 = arith.constant 16 : index
    %swap3A_657 = tpu.vector_load %arg9[%swap3A_655, %swap3A_656] {strides = array<i32>} : memref<32x64xf32, #tpu.memory_space<vmem>>, vector<16xf32>,
    tpu.vector_store %arg9[%swap3A_655, %swap3A_656], %gather3A_653 {strides = array<i32>} : memref<32x64xf32, #tpu.memory_space<vmem>>, vector<16xf32>,
    %add3A_658 = arith.constant 32 : i32
    %add3A_659 = vector.broadcast %add3A_658 : i32 to vector<16xi32>
    %add3A_660 = arith.addi %iota3A, %add3A_659 : vector<16xi32>
    %gather3A_661 = arith.constant 2 : i32
    %gather3A_662 = arith.constant 0 : i32
    %gather3A_663 = arith.constant 0 : i32
    %gather3A_664 = tpu.memref_slice %arg7[%gather3A_661, %gather3A_662, %gather3A_663] : memref<8x64x128xf32, #tpu.memory_space<vmem>> -> memref<1x64x128xf32, #tpu.memory_space<vmem>>
    %gather3A_665 = tpu.memref_squeeze %gather3A_664 : memref<1x64x128xf32, #tpu.memory_space<vmem>> -> memref<64x128xf32, #tpu.memory_space<vmem>>
    %gather3A_666 = tpu.vector_load_idx %gather3A_665[%add3A_660, %broadcast_in_dim3A_631] : memref<64x128xf32, #tpu.memory_space<vmem>>[vector<16xi32>, vector<16xi32>], vector<16xf32>,
    %swap3A_667 = arith.constant 2 : i32
    %swap3A_668 = arith.index_cast %swap3A_667 : i32 to index
    %swap3A_669 = arith.constant 32 : index
    %swap3A_670 = tpu.vector_load %arg9[%swap3A_668, %swap3A_669] {strides = array<i32>} : memref<32x64xf32, #tpu.memory_space<vmem>>, vector<16xf32>,
    tpu.vector_store %arg9[%swap3A_668, %swap3A_669], %gather3A_666 {strides = array<i32>} : memref<32x64xf32, #tpu.memory_space<vmem>>, vector<16xf32>,
    %add3A_671 = arith.constant 48 : i32
    %add3A_672 = vector.broadcast %add3A_671 : i32 to vector<16xi32>
    %add3A_673 = arith.addi %iota3A, %add3A_672 : vector<16xi32>
    %gather3A_674 = arith.constant 2 : i32
    %gather3A_675 = arith.constant 0 : i32
    %gather3A_676 = arith.constant 0 : i32
    %gather3A_677 = tpu.memref_slice %arg7[%gather3A_674, %gather3A_675, %gather3A_676] : memref<8x64x128xf32, #tpu.memory_space<vmem>> -> memref<1x64x128xf32, #tpu.memory_space<vmem>>
    %gather3A_678 = tpu.memref_squeeze %gather3A_677 : memref<1x64x128xf32, #tpu.memory_space<vmem>> -> memref<64x128xf32, #tpu.memory_space<vmem>>
    %gather3A_679 = tpu.vector_load_idx %gather3A_678[%add3A_673, %broadcast_in_dim3A_631] : memref<64x128xf32, #tpu.memory_space<vmem>>[vector<16xi32>, vector<16xi32>], vector<16xf32>,
    %swap3A_680 = arith.constant 2 : i32
    %swap3A_681 = arith.index_cast %swap3A_680 : i32 to index
    %swap3A_682 = arith.constant 48 : index
    %swap3A_683 = tpu.vector_load %arg9[%swap3A_681, %swap3A_682] {strides = array<i32>} : memref<32x64xf32, #tpu.memory_space<vmem>>, vector<16xf32>,
    tpu.vector_store %arg9[%swap3A_681, %swap3A_682], %gather3A_679 {strides = array<i32>} : memref<32x64xf32, #tpu.memory_space<vmem>>, vector<16xf32>,
    %convert_element_type3A_684 = arith.extui %ge3A_19 : i1 to i32
    %cond3A_685 = arith.constant 0 : i32
    %cond3A_686 = arith.cmpi ne, %convert_element_type3A_684, %cond3A_685 : i32
    scf.if %cond3A_686 {
      %add3A_3135 = arith.constant 0 : i32
      %add3A_3136 = vector.broadcast %add3A_3135 : i32 to vector<16xi32>
      %add3A_3137 = arith.addi %iota3A, %add3A_3136 : vector<16xi32>
      %gather3A_3138 = tpu.vector_load_idx %arg8[%add3A_3137, %broadcast_in_dim3A_631] : memref<64x64xf32, #tpu.memory_space<vmem>>[vector<16xi32>, vector<16xi32>], vector<16xf32>,
      %swap3A_3139 = arith.constant 2 : i32
      %swap3A_3140 = arith.index_cast %swap3A_3139 : i32 to index
      %swap3A_3141 = arith.constant 0 : index
      %swap3A_3142 = tpu.vector_load %arg9[%swap3A_3140, %swap3A_3141] {strides = array<i32>} : memref<32x64xf32, #tpu.memory_space<vmem>>, vector<16xf32>,
      tpu.vector_store %arg9[%swap3A_3140, %swap3A_3141], %gather3A_3138 {strides = array<i32>} : memref<32x64xf32, #tpu.memory_space<vmem>>, vector<16xf32>,
      %add3A_3143 = arith.constant 16 : i32
      %add3A_3144 = vector.broadcast %add3A_3143 : i32 to vector<16xi32>
      %add3A_3145 = arith.addi %iota3A, %add3A_3144 : vector<16xi32>
      %gather3A_3146 = tpu.vector_load_idx %arg8[%add3A_3145, %broadcast_in_dim3A_631] : memref<64x64xf32, #tpu.memory_space<vmem>>[vector<16xi32>, vector<16xi32>], vector<16xf32>,
      %swap3A_3147 = arith.constant 2 : i32
      %swap3A_3148 = arith.index_cast %swap3A_3147 : i32 to index
      %swap3A_3149 = arith.constant 16 : index
      %swap3A_3150 = tpu.vector_load %arg9[%swap3A_3148, %swap3A_3149] {strides = array<i32>} : memref<32x64xf32, #tpu.memory_space<vmem>>, vector<16xf32>,
      tpu.vector_store %arg9[%swap3A_3148, %swap3A_3149], %gather3A_3146 {strides = array<i32>} : memref<32x64xf32, #tpu.memory_space<vmem>>, vector<16xf32>,
      %add3A_3151 = arith.constant 32 : i32
      %add3A_3152 = vector.broadcast %add3A_3151 : i32 to vector<16xi32>
      %add3A_3153 = arith.addi %iota3A, %add3A_3152 : vector<16xi32>
      %gather3A_3154 = tpu.vector_load_idx %arg8[%add3A_3153, %broadcast_in_dim3A_631] : memref<64x64xf32, #tpu.memory_space<vmem>>[vector<16xi32>, vector<16xi32>], vector<16xf32>,
      %swap3A_3155 = arith.constant 2 : i32
      %swap3A_3156 = arith.index_cast %swap3A_3155 : i32 to index
      %swap3A_3157 = arith.constant 32 : index
      %swap3A_3158 = tpu.vector_load %arg9[%swap3A_3156, %swap3A_3157] {strides = array<i32>} : memref<32x64xf32, #tpu.memory_space<vmem>>, vector<16xf32>,
      tpu.vector_store %arg9[%swap3A_3156, %swap3A_3157], %gather3A_3154 {strides = array<i32>} : memref<32x64xf32, #tpu.memory_space<vmem>>, vector<16xf32>,
      %add3A_3159 = arith.constant 48 : i32
      %add3A_3160 = vector.broadcast %add3A_3159 : i32 to vector<16xi32>
      %add3A_3161 = arith.addi %iota3A, %add3A_3160 : vector<16xi32>
      %gather3A_3162 = tpu.vector_load_idx %arg8[%add3A_3161, %broadcast_in_dim3A_631] : memref<64x64xf32, #tpu.memory_space<vmem>>[vector<16xi32>, vector<16xi32>], vector<16xf32>,
      %swap3A_3163 = arith.constant 2 : i32
      %swap3A_3164 = arith.index_cast %swap3A_3163 : i32 to index
      %swap3A_3165 = arith.constant 48 : index
      %swap3A_3166 = tpu.vector_load %arg9[%swap3A_3164, %swap3A_3165] {strides = array<i32>} : memref<32x64xf32, #tpu.memory_space<vmem>>, vector<16xf32>,
      tpu.vector_store %arg9[%swap3A_3164, %swap3A_3165], %gather3A_3162 {strides = array<i32>} : memref<32x64xf32, #tpu.memory_space<vmem>>, vector<16xf32>,
    } else {
    }
    %dma_start3A_687 = arith.constant 2 : i32
    %dma_start3A_688 = arith.constant 2 : i32
    %dma_start3A_689 = arith.constant 0 : i32
    %dma_start3A_690 = arith.constant 0 : i32
    %dma_start3A_691 = tpu.memref_slice %arg7[%dma_start3A_687, %dma_start3A_689, %dma_start3A_690] : memref<8x64x128xf32, #tpu.memory_space<vmem>> -> memref<1x64x128xf32, #tpu.memory_space<vmem>>
    %dma_start3A_692 = tpu.memref_squeeze %dma_start3A_691 : memref<1x64x128xf32, #tpu.memory_space<vmem>> -> memref<64x128xf32, #tpu.memory_space<vmem>>
    %dma_start3A_693 = arith.constant 0 : i32
    %dma_start3A_694 = tpu.memref_slice %arg2[%dma_start3A_693, %multiple_of3A_105] : memref<64x1000000xf32, #tpu.memory_space<hbm>> -> memref<64x128xf32, #tpu.memory_space<hbm>>
    %dma_start3A_695 = tpu.memref_slice %arg10[%dma_start3A_688] : memref<8x!tpu.dma_semaphore, #tpu.memory_space<semaphore_mem>> -> memref<1x!tpu.dma_semaphore, #tpu.memory_space<semaphore_mem>>
    %dma_start3A_696 = tpu.memref_squeeze %dma_start3A_695 : memref<1x!tpu.dma_semaphore, #tpu.memory_space<semaphore_mem>> -> memref<!tpu.dma_semaphore, #tpu.memory_space<semaphore_mem>>
    %dma_start3A_697 = arith.constant 0 : i32
    %dma_start3A_698 = arith.constant 0 : i32
    %dma_start3A_699 = tpu.memref_slice %arg7[%dma_start3A_687, %dma_start3A_697, %dma_start3A_698] : memref<8x64x128xf32, #tpu.memory_space<vmem>> -> memref<1x64x128xf32, #tpu.memory_space<vmem>>
    %dma_start3A_700 = tpu.memref_squeeze %dma_start3A_699 : memref<1x64x128xf32, #tpu.memory_space<vmem>> -> memref<64x128xf32, #tpu.memory_space<vmem>>
    %dma_start3A_701 = arith.constant 0 : i32
    %dma_start3A_702 = tpu.memref_slice %arg2[%dma_start3A_701, %multiple_of3A_105] : memref<64x1000000xf32, #tpu.memory_space<hbm>> -> memref<64x128xf32, #tpu.memory_space<hbm>>
    tpu.enqueue_dma source(%dma_start3A_702 : memref<64x128xf32, #tpu.memory_space<hbm>>) target(%dma_start3A_700 : memref<64x128xf32, #tpu.memory_space<vmem>>) target_semaphore(%dma_start3A_696 : memref<!tpu.dma_semaphore, #tpu.memory_space<semaphore_mem>>)
    %dma_wait3A_703 = arith.constant 3 : i32
    %dma_wait3A_704 = arith.constant 3 : i32
    %dma_wait3A_705 = arith.constant 0 : i32
    %dma_wait3A_706 = arith.constant 0 : i32
    %dma_wait3A_707 = tpu.memref_slice %arg7[%dma_wait3A_703, %dma_wait3A_705, %dma_wait3A_706] : memref<8x64x128xf32, #tpu.memory_space<vmem>> -> memref<1x64x128xf32, #tpu.memory_space<vmem>>
    %dma_wait3A_708 = tpu.memref_squeeze %dma_wait3A_707 : memref<1x64x128xf32, #tpu.memory_space<vmem>> -> memref<64x128xf32, #tpu.memory_space<vmem>>
    %dma_wait3A_709 = arith.constant 0 : i32
    %dma_wait3A_710 = tpu.memref_slice %arg2[%dma_wait3A_709, %multiple_of3A_35] : memref<64x1000000xf32, #tpu.memory_space<hbm>> -> memref<64x128xf32, #tpu.memory_space<hbm>>
    %dma_wait3A_711 = tpu.memref_slice %arg10[%dma_wait3A_704] : memref<8x!tpu.dma_semaphore, #tpu.memory_space<semaphore_mem>> -> memref<1x!tpu.dma_semaphore, #tpu.memory_space<semaphore_mem>>
    %dma_wait3A_712 = tpu.memref_squeeze %dma_wait3A_711 : memref<1x!tpu.dma_semaphore, #tpu.memory_space<semaphore_mem>> -> memref<!tpu.dma_semaphore, #tpu.memory_space<semaphore_mem>>
    %dma_wait3A_713 = arith.constant 0 : i32
    %dma_wait3A_714 = arith.constant 0 : i32
    %dma_wait3A_715 = tpu.memref_slice %arg7[%dma_wait3A_703, %dma_wait3A_713, %dma_wait3A_714] : memref<8x64x128xf32, #tpu.memory_space<vmem>> -> memref<1x64x128xf32, #tpu.memory_space<vmem>>
    %dma_wait3A_716 = tpu.memref_squeeze %dma_wait3A_715 : memref<1x64x128xf32, #tpu.memory_space<vmem>> -> memref<64x128xf32, #tpu.memory_space<vmem>>
    %dma_wait3A_717 = arith.constant 0 : i32
    %dma_wait3A_718 = tpu.memref_slice %arg2[%dma_wait3A_717, %multiple_of3A_35] : memref<64x1000000xf32, #tpu.memory_space<hbm>> -> memref<64x128xf32, #tpu.memory_space<hbm>>
    tpu.wait_dma2 semaphore(%dma_wait3A_712 : memref<!tpu.dma_semaphore, #tpu.memory_space<semaphore_mem>>) src(%dma_wait3A_718 : memref<64x128xf32, #tpu.memory_space<hbm>>) dst(%dma_wait3A_716 : memref<64x128xf32, #tpu.memory_space<vmem>>)
    %broadcast_in_dim3A_719 = vector.broadcast %rem3A_31 : i32 to vector<16xi32>
    %add3A_720 = arith.constant 0 : i32
    %add3A_721 = vector.broadcast %add3A_720 : i32 to vector<16xi32>
    %add3A_722 = arith.addi %iota3A, %add3A_721 : vector<16xi32>
    %gather3A_723 = arith.constant 3 : i32
    %gather3A_724 = arith.constant 0 : i32
    %gather3A_725 = arith.constant 0 : i32
    %gather3A_726 = tpu.memref_slice %arg7[%gather3A_723, %gather3A_724, %gather3A_725] : memref<8x64x128xf32, #tpu.memory_space<vmem>> -> memref<1x64x128xf32, #tpu.memory_space<vmem>>
    %gather3A_727 = tpu.memref_squeeze %gather3A_726 : memref<1x64x128xf32, #tpu.memory_space<vmem>> -> memref<64x128xf32, #tpu.memory_space<vmem>>
    %gather3A_728 = tpu.vector_load_idx %gather3A_727[%add3A_722, %broadcast_in_dim3A_719] : memref<64x128xf32, #tpu.memory_space<vmem>>[vector<16xi32>, vector<16xi32>], vector<16xf32>,
    %swap3A_729 = arith.constant 3 : i32
    %swap3A_730 = arith.index_cast %swap3A_729 : i32 to index
    %swap3A_731 = arith.constant 0 : index
    %swap3A_732 = tpu.vector_load %arg9[%swap3A_730, %swap3A_731] {strides = array<i32>} : memref<32x64xf32, #tpu.memory_space<vmem>>, vector<16xf32>,
    tpu.vector_store %arg9[%swap3A_730, %swap3A_731], %gather3A_728 {strides = array<i32>} : memref<32x64xf32, #tpu.memory_space<vmem>>, vector<16xf32>,
    %add3A_733 = arith.constant 16 : i32
    %add3A_734 = vector.broadcast %add3A_733 : i32 to vector<16xi32>
    %add3A_735 = arith.addi %iota3A, %add3A_734 : vector<16xi32>
    %gather3A_736 = arith.constant 3 : i32
    %gather3A_737 = arith.constant 0 : i32
    %gather3A_738 = arith.constant 0 : i32
    %gather3A_739 = tpu.memref_slice %arg7[%gather3A_736, %gather3A_737, %gather3A_738] : memref<8x64x128xf32, #tpu.memory_space<vmem>> -> memref<1x64x128xf32, #tpu.memory_space<vmem>>
    %gather3A_740 = tpu.memref_squeeze %gather3A_739 : memref<1x64x128xf32, #tpu.memory_space<vmem>> -> memref<64x128xf32, #tpu.memory_space<vmem>>
    %gather3A_741 = tpu.vector_load_idx %gather3A_740[%add3A_735, %broadcast_in_dim3A_719] : memref<64x128xf32, #tpu.memory_space<vmem>>[vector<16xi32>, vector<16xi32>], vector<16xf32>,
    %swap3A_742 = arith.constant 3 : i32
    %swap3A_743 = arith.index_cast %swap3A_742 : i32 to index
    %swap3A_744 = arith.constant 16 : index
    %swap3A_745 = tpu.vector_load %arg9[%swap3A_743, %swap3A_744] {strides = array<i32>} : memref<32x64xf32, #tpu.memory_space<vmem>>, vector<16xf32>,
    tpu.vector_store %arg9[%swap3A_743, %swap3A_744], %gather3A_741 {strides = array<i32>} : memref<32x64xf32, #tpu.memory_space<vmem>>, vector<16xf32>,
    %add3A_746 = arith.constant 32 : i32
    %add3A_747 = vector.broadcast %add3A_746 : i32 to vector<16xi32>
    %add3A_748 = arith.addi %iota3A, %add3A_747 : vector<16xi32>
    %gather3A_749 = arith.constant 3 : i32
    %gather3A_750 = arith.constant 0 : i32
    %gather3A_751 = arith.constant 0 : i32
    %gather3A_752 = tpu.memref_slice %arg7[%gather3A_749, %gather3A_750, %gather3A_751] : memref<8x64x128xf32, #tpu.memory_space<vmem>> -> memref<1x64x128xf32, #tpu.memory_space<vmem>>
    %gather3A_753 = tpu.memref_squeeze %gather3A_752 : memref<1x64x128xf32, #tpu.memory_space<vmem>> -> memref<64x128xf32, #tpu.memory_space<vmem>>
    %gather3A_754 = tpu.vector_load_idx %gather3A_753[%add3A_748, %broadcast_in_dim3A_719] : memref<64x128xf32, #tpu.memory_space<vmem>>[vector<16xi32>, vector<16xi32>], vector<16xf32>,
    %swap3A_755 = arith.constant 3 : i32
    %swap3A_756 = arith.index_cast %swap3A_755 : i32 to index
    %swap3A_757 = arith.constant 32 : index
    %swap3A_758 = tpu.vector_load %arg9[%swap3A_756, %swap3A_757] {strides = array<i32>} : memref<32x64xf32, #tpu.memory_space<vmem>>, vector<16xf32>,
    tpu.vector_store %arg9[%swap3A_756, %swap3A_757], %gather3A_754 {strides = array<i32>} : memref<32x64xf32, #tpu.memory_space<vmem>>, vector<16xf32>,
    %add3A_759 = arith.constant 48 : i32
    %add3A_760 = vector.broadcast %add3A_759 : i32 to vector<16xi32>
    %add3A_761 = arith.addi %iota3A, %add3A_760 : vector<16xi32>
    %gather3A_762 = arith.constant 3 : i32
    %gather3A_763 = arith.constant 0 : i32
    %gather3A_764 = arith.constant 0 : i32
    %gather3A_765 = tpu.memref_slice %arg7[%gather3A_762, %gather3A_763, %gather3A_764] : memref<8x64x128xf32, #tpu.memory_space<vmem>> -> memref<1x64x128xf32, #tpu.memory_space<vmem>>
    %gather3A_766 = tpu.memref_squeeze %gather3A_765 : memref<1x64x128xf32, #tpu.memory_space<vmem>> -> memref<64x128xf32, #tpu.memory_space<vmem>>
    %gather3A_767 = tpu.vector_load_idx %gather3A_766[%add3A_761, %broadcast_in_dim3A_719] : memref<64x128xf32, #tpu.memory_space<vmem>>[vector<16xi32>, vector<16xi32>], vector<16xf32>,
    %swap3A_768 = arith.constant 3 : i32
    %swap3A_769 = arith.index_cast %swap3A_768 : i32 to index
    %swap3A_770 = arith.constant 48 : index
    %swap3A_771 = tpu.vector_load %arg9[%swap3A_769, %swap3A_770] {strides = array<i32>} : memref<32x64xf32, #tpu.memory_space<vmem>>, vector<16xf32>,
    tpu.vector_store %arg9[%swap3A_769, %swap3A_770], %gather3A_767 {strides = array<i32>} : memref<32x64xf32, #tpu.memory_space<vmem>>, vector<16xf32>,
    %convert_element_type3A_772 = arith.extui %ge3A_29 : i1 to i32
    %cond3A_773 = arith.constant 0 : i32
    %cond3A_774 = arith.cmpi ne, %convert_element_type3A_772, %cond3A_773 : i32
    scf.if %cond3A_774 {
      %add3A_3135 = arith.constant 0 : i32
      %add3A_3136 = vector.broadcast %add3A_3135 : i32 to vector<16xi32>
      %add3A_3137 = arith.addi %iota3A, %add3A_3136 : vector<16xi32>
      %gather3A_3138 = tpu.vector_load_idx %arg8[%add3A_3137, %broadcast_in_dim3A_719] : memref<64x64xf32, #tpu.memory_space<vmem>>[vector<16xi32>, vector<16xi32>], vector<16xf32>,
      %swap3A_3139 = arith.constant 3 : i32
      %swap3A_3140 = arith.index_cast %swap3A_3139 : i32 to index
      %swap3A_3141 = arith.constant 0 : index
      %swap3A_3142 = tpu.vector_load %arg9[%swap3A_3140, %swap3A_3141] {strides = array<i32>} : memref<32x64xf32, #tpu.memory_space<vmem>>, vector<16xf32>,
      tpu.vector_store %arg9[%swap3A_3140, %swap3A_3141], %gather3A_3138 {strides = array<i32>} : memref<32x64xf32, #tpu.memory_space<vmem>>, vector<16xf32>,
      %add3A_3143 = arith.constant 16 : i32
      %add3A_3144 = vector.broadcast %add3A_3143 : i32 to vector<16xi32>
      %add3A_3145 = arith.addi %iota3A, %add3A_3144 : vector<16xi32>
      %gather3A_3146 = tpu.vector_load_idx %arg8[%add3A_3145, %broadcast_in_dim3A_719] : memref<64x64xf32, #tpu.memory_space<vmem>>[vector<16xi32>, vector<16xi32>], vector<16xf32>,
      %swap3A_3147 = arith.constant 3 : i32
      %swap3A_3148 = arith.index_cast %swap3A_3147 : i32 to index
      %swap3A_3149 = arith.constant 16 : index
      %swap3A_3150 = tpu.vector_load %arg9[%swap3A_3148, %swap3A_3149] {strides = array<i32>} : memref<32x64xf32, #tpu.memory_space<vmem>>, vector<16xf32>,
      tpu.vector_store %arg9[%swap3A_3148, %swap3A_3149], %gather3A_3146 {strides = array<i32>} : memref<32x64xf32, #tpu.memory_space<vmem>>, vector<16xf32>,
      %add3A_3151 = arith.constant 32 : i32
      %add3A_3152 = vector.broadcast %add3A_3151 : i32 to vector<16xi32>
      %add3A_3153 = arith.addi %iota3A, %add3A_3152 : vector<16xi32>
      %gather3A_3154 = tpu.vector_load_idx %arg8[%add3A_3153, %broadcast_in_dim3A_719] : memref<64x64xf32, #tpu.memory_space<vmem>>[vector<16xi32>, vector<16xi32>], vector<16xf32>,
      %swap3A_3155 = arith.constant 3 : i32
      %swap3A_3156 = arith.index_cast %swap3A_3155 : i32 to index
      %swap3A_3157 = arith.constant 32 : index
      %swap3A_3158 = tpu.vector_load %arg9[%swap3A_3156, %swap3A_3157] {strides = array<i32>} : memref<32x64xf32, #tpu.memory_space<vmem>>, vector<16xf32>,
      tpu.vector_store %arg9[%swap3A_3156, %swap3A_3157], %gather3A_3154 {strides = array<i32>} : memref<32x64xf32, #tpu.memory_space<vmem>>, vector<16xf32>,
      %add3A_3159 = arith.constant 48 : i32
      %add3A_3160 = vector.broadcast %add3A_3159 : i32 to vector<16xi32>
      %add3A_3161 = arith.addi %iota3A, %add3A_3160 : vector<16xi32>
      %gather3A_3162 = tpu.vector_load_idx %arg8[%add3A_3161, %broadcast_in_dim3A_719] : memref<64x64xf32, #tpu.memory_space<vmem>>[vector<16xi32>, vector<16xi32>], vector<16xf32>,
      %swap3A_3163 = arith.constant 3 : i32
      %swap3A_3164 = arith.index_cast %swap3A_3163 : i32 to index
      %swap3A_3165 = arith.constant 48 : index
      %swap3A_3166 = tpu.vector_load %arg9[%swap3A_3164, %swap3A_3165] {strides = array<i32>} : memref<32x64xf32, #tpu.memory_space<vmem>>, vector<16xf32>,
      tpu.vector_store %arg9[%swap3A_3164, %swap3A_3165], %gather3A_3162 {strides = array<i32>} : memref<32x64xf32, #tpu.memory_space<vmem>>, vector<16xf32>,
    } else {
    }
    %dma_start3A_775 = arith.constant 3 : i32
    %dma_start3A_776 = arith.constant 3 : i32
    %dma_start3A_777 = arith.constant 0 : i32
    %dma_start3A_778 = arith.constant 0 : i32
    %dma_start3A_779 = tpu.memref_slice %arg7[%dma_start3A_775, %dma_start3A_777, %dma_start3A_778] : memref<8x64x128xf32, #tpu.memory_space<vmem>> -> memref<1x64x128xf32, #tpu.memory_space<vmem>>
    %dma_start3A_780 = tpu.memref_squeeze %dma_start3A_779 : memref<1x64x128xf32, #tpu.memory_space<vmem>> -> memref<64x128xf32, #tpu.memory_space<vmem>>
    %dma_start3A_781 = arith.constant 0 : i32
    %dma_start3A_782 = tpu.memref_slice %arg2[%dma_start3A_781, %multiple_of3A_115] : memref<64x1000000xf32, #tpu.memory_space<hbm>> -> memref<64x128xf32, #tpu.memory_space<hbm>>
    %dma_start3A_783 = tpu.memref_slice %arg10[%dma_start3A_776] : memref<8x!tpu.dma_semaphore, #tpu.memory_space<semaphore_mem>> -> memref<1x!tpu.dma_semaphore, #tpu.memory_space<semaphore_mem>>
    %dma_start3A_784 = tpu.memref_squeeze %dma_start3A_783 : memref<1x!tpu.dma_semaphore, #tpu.memory_space<semaphore_mem>> -> memref<!tpu.dma_semaphore, #tpu.memory_space<semaphore_mem>>
    %dma_start3A_785 = arith.constant 0 : i32
    %dma_start3A_786 = arith.constant 0 : i32
    %dma_start3A_787 = tpu.memref_slice %arg7[%dma_start3A_775, %dma_start3A_785, %dma_start3A_786] : memref<8x64x128xf32, #tpu.memory_space<vmem>> -> memref<1x64x128xf32, #tpu.memory_space<vmem>>
    %dma_start3A_788 = tpu.memref_squeeze %dma_start3A_787 : memref<1x64x128xf32, #tpu.memory_space<vmem>> -> memref<64x128xf32, #tpu.memory_space<vmem>>
    %dma_start3A_789 = arith.constant 0 : i32
    %dma_start3A_790 = tpu.memref_slice %arg2[%dma_start3A_789, %multiple_of3A_115] : memref<64x1000000xf32, #tpu.memory_space<hbm>> -> memref<64x128xf32, #tpu.memory_space<hbm>>
    tpu.enqueue_dma source(%dma_start3A_790 : memref<64x128xf32, #tpu.memory_space<hbm>>) target(%dma_start3A_788 : memref<64x128xf32, #tpu.memory_space<vmem>>) target_semaphore(%dma_start3A_784 : memref<!tpu.dma_semaphore, #tpu.memory_space<semaphore_mem>>)
    %dma_wait3A_791 = arith.constant 4 : i32
    %dma_wait3A_792 = arith.constant 4 : i32
    %dma_wait3A_793 = arith.constant 0 : i32
    %dma_wait3A_794 = arith.constant 0 : i32
    %dma_wait3A_795 = tpu.memref_slice %arg7[%dma_wait3A_791, %dma_wait3A_793, %dma_wait3A_794] : memref<8x64x128xf32, #tpu.memory_space<vmem>> -> memref<1x64x128xf32, #tpu.memory_space<vmem>>
    %dma_wait3A_796 = tpu.memref_squeeze %dma_wait3A_795 : memref<1x64x128xf32, #tpu.memory_space<vmem>> -> memref<64x128xf32, #tpu.memory_space<vmem>>
    %dma_wait3A_797 = arith.constant 0 : i32
    %dma_wait3A_798 = tpu.memref_slice %arg2[%dma_wait3A_797, %multiple_of3A_45] : memref<64x1000000xf32, #tpu.memory_space<hbm>> -> memref<64x128xf32, #tpu.memory_space<hbm>>
    %dma_wait3A_799 = tpu.memref_slice %arg10[%dma_wait3A_792] : memref<8x!tpu.dma_semaphore, #tpu.memory_space<semaphore_mem>> -> memref<1x!tpu.dma_semaphore, #tpu.memory_space<semaphore_mem>>
    %dma_wait3A_800 = tpu.memref_squeeze %dma_wait3A_799 : memref<1x!tpu.dma_semaphore, #tpu.memory_space<semaphore_mem>> -> memref<!tpu.dma_semaphore, #tpu.memory_space<semaphore_mem>>
    %dma_wait3A_801 = arith.constant 0 : i32
    %dma_wait3A_802 = arith.constant 0 : i32
    %dma_wait3A_803 = tpu.memref_slice %arg7[%dma_wait3A_791, %dma_wait3A_801, %dma_wait3A_802] : memref<8x64x128xf32, #tpu.memory_space<vmem>> -> memref<1x64x128xf32, #tpu.memory_space<vmem>>
    %dma_wait3A_804 = tpu.memref_squeeze %dma_wait3A_803 : memref<1x64x128xf32, #tpu.memory_space<vmem>> -> memref<64x128xf32, #tpu.memory_space<vmem>>
    %dma_wait3A_805 = arith.constant 0 : i32
    %dma_wait3A_806 = tpu.memref_slice %arg2[%dma_wait3A_805, %multiple_of3A_45] : memref<64x1000000xf32, #tpu.memory_space<hbm>> -> memref<64x128xf32, #tpu.memory_space<hbm>>
    tpu.wait_dma2 semaphore(%dma_wait3A_800 : memref<!tpu.dma_semaphore, #tpu.memory_space<semaphore_mem>>) src(%dma_wait3A_806 : memref<64x128xf32, #tpu.memory_space<hbm>>) dst(%dma_wait3A_804 : memref<64x128xf32, #tpu.memory_space<vmem>>)
    %broadcast_in_dim3A_807 = vector.broadcast %rem3A_41 : i32 to vector<16xi32>
    %add3A_808 = arith.constant 0 : i32
    %add3A_809 = vector.broadcast %add3A_808 : i32 to vector<16xi32>
    %add3A_810 = arith.addi %iota3A, %add3A_809 : vector<16xi32>
    %gather3A_811 = arith.constant 4 : i32
    %gather3A_812 = arith.constant 0 : i32
    %gather3A_813 = arith.constant 0 : i32
    %gather3A_814 = tpu.memref_slice %arg7[%gather3A_811, %gather3A_812, %gather3A_813] : memref<8x64x128xf32, #tpu.memory_space<vmem>> -> memref<1x64x128xf32, #tpu.memory_space<vmem>>
    %gather3A_815 = tpu.memref_squeeze %gather3A_814 : memref<1x64x128xf32, #tpu.memory_space<vmem>> -> memref<64x128xf32, #tpu.memory_space<vmem>>
    %gather3A_816 = tpu.vector_load_idx %gather3A_815[%add3A_810, %broadcast_in_dim3A_807] : memref<64x128xf32, #tpu.memory_space<vmem>>[vector<16xi32>, vector<16xi32>], vector<16xf32>,
    %swap3A_817 = arith.constant 4 : i32
    %swap3A_818 = arith.index_cast %swap3A_817 : i32 to index
    %swap3A_819 = arith.constant 0 : index
    %swap3A_820 = tpu.vector_load %arg9[%swap3A_818, %swap3A_819] {strides = array<i32>} : memref<32x64xf32, #tpu.memory_space<vmem>>, vector<16xf32>,
    tpu.vector_store %arg9[%swap3A_818, %swap3A_819], %gather3A_816 {strides = array<i32>} : memref<32x64xf32, #tpu.memory_space<vmem>>, vector<16xf32>,
    %add3A_821 = arith.constant 16 : i32
    %add3A_822 = vector.broadcast %add3A_821 : i32 to vector<16xi32>
    %add3A_823 = arith.addi %iota3A, %add3A_822 : vector<16xi32>
    %gather3A_824 = arith.constant 4 : i32
    %gather3A_825 = arith.constant 0 : i32
    %gather3A_826 = arith.constant 0 : i32
    %gather3A_827 = tpu.memref_slice %arg7[%gather3A_824, %gather3A_825, %gather3A_826] : memref<8x64x128xf32, #tpu.memory_space<vmem>> -> memref<1x64x128xf32, #tpu.memory_space<vmem>>
    %gather3A_828 = tpu.memref_squeeze %gather3A_827 : memref<1x64x128xf32, #tpu.memory_space<vmem>> -> memref<64x128xf32, #tpu.memory_space<vmem>>
    %gather3A_829 = tpu.vector_load_idx %gather3A_828[%add3A_823, %broadcast_in_dim3A_807] : memref<64x128xf32, #tpu.memory_space<vmem>>[vector<16xi32>, vector<16xi32>], vector<16xf32>,
    %swap3A_830 = arith.constant 4 : i32
    %swap3A_831 = arith.index_cast %swap3A_830 : i32 to index
    %swap3A_832 = arith.constant 16 : index
    %swap3A_833 = tpu.vector_load %arg9[%swap3A_831, %swap3A_832] {strides = array<i32>} : memref<32x64xf32, #tpu.memory_space<vmem>>, vector<16xf32>,
    tpu.vector_store %arg9[%swap3A_831, %swap3A_832], %gather3A_829 {strides = array<i32>} : memref<32x64xf32, #tpu.memory_space<vmem>>, vector<16xf32>,
    %add3A_834 = arith.constant 32 : i32
    %add3A_835 = vector.broadcast %add3A_834 : i32 to vector<16xi32>
    %add3A_836 = arith.addi %iota3A, %add3A_835 : vector<16xi32>
    %gather3A_837 = arith.constant 4 : i32
    %gather3A_838 = arith.constant 0 : i32
    %gather3A_839 = arith.constant 0 : i32
    %gather3A_840 = tpu.memref_slice %arg7[%gather3A_837, %gather3A_838, %gather3A_839] : memref<8x64x128xf32, #tpu.memory_space<vmem>> -> memref<1x64x128xf32, #tpu.memory_space<vmem>>
    %gather3A_841 = tpu.memref_squeeze %gather3A_840 : memref<1x64x128xf32, #tpu.memory_space<vmem>> -> memref<64x128xf32, #tpu.memory_space<vmem>>
    %gather3A_842 = tpu.vector_load_idx %gather3A_841[%add3A_836, %broadcast_in_dim3A_807] : memref<64x128xf32, #tpu.memory_space<vmem>>[vector<16xi32>, vector<16xi32>], vector<16xf32>,
    %swap3A_843 = arith.constant 4 : i32
    %swap3A_844 = arith.index_cast %swap3A_843 : i32 to index
    %swap3A_845 = arith.constant 32 : index
    %swap3A_846 = tpu.vector_load %arg9[%swap3A_844, %swap3A_845] {strides = array<i32>} : memref<32x64xf32, #tpu.memory_space<vmem>>, vector<16xf32>,
    tpu.vector_store %arg9[%swap3A_844, %swap3A_845], %gather3A_842 {strides = array<i32>} : memref<32x64xf32, #tpu.memory_space<vmem>>, vector<16xf32>,
    %add3A_847 = arith.constant 48 : i32
    %add3A_848 = vector.broadcast %add3A_847 : i32 to vector<16xi32>
    %add3A_849 = arith.addi %iota3A, %add3A_848 : vector<16xi32>
    %gather3A_850 = arith.constant 4 : i32
    %gather3A_851 = arith.constant 0 : i32
    %gather3A_852 = arith.constant 0 : i32
    %gather3A_853 = tpu.memref_slice %arg7[%gather3A_850, %gather3A_851, %gather3A_852] : memref<8x64x128xf32, #tpu.memory_space<vmem>> -> memref<1x64x128xf32, #tpu.memory_space<vmem>>
    %gather3A_854 = tpu.memref_squeeze %gather3A_853 : memref<1x64x128xf32, #tpu.memory_space<vmem>> -> memref<64x128xf32, #tpu.memory_space<vmem>>
    %gather3A_855 = tpu.vector_load_idx %gather3A_854[%add3A_849, %broadcast_in_dim3A_807] : memref<64x128xf32, #tpu.memory_space<vmem>>[vector<16xi32>, vector<16xi32>], vector<16xf32>,
    %swap3A_856 = arith.constant 4 : i32
    %swap3A_857 = arith.index_cast %swap3A_856 : i32 to index
    %swap3A_858 = arith.constant 48 : index
    %swap3A_859 = tpu.vector_load %arg9[%swap3A_857, %swap3A_858] {strides = array<i32>} : memref<32x64xf32, #tpu.memory_space<vmem>>, vector<16xf32>,
    tpu.vector_store %arg9[%swap3A_857, %swap3A_858], %gather3A_855 {strides = array<i32>} : memref<32x64xf32, #tpu.memory_space<vmem>>, vector<16xf32>,
    %convert_element_type3A_860 = arith.extui %ge3A_39 : i1 to i32
    %cond3A_861 = arith.constant 0 : i32
    %cond3A_862 = arith.cmpi ne, %convert_element_type3A_860, %cond3A_861 : i32
    scf.if %cond3A_862 {
      %add3A_3135 = arith.constant 0 : i32
      %add3A_3136 = vector.broadcast %add3A_3135 : i32 to vector<16xi32>
      %add3A_3137 = arith.addi %iota3A, %add3A_3136 : vector<16xi32>
      %gather3A_3138 = tpu.vector_load_idx %arg8[%add3A_3137, %broadcast_in_dim3A_807] : memref<64x64xf32, #tpu.memory_space<vmem>>[vector<16xi32>, vector<16xi32>], vector<16xf32>,
      %swap3A_3139 = arith.constant 4 : i32
      %swap3A_3140 = arith.index_cast %swap3A_3139 : i32 to index
      %swap3A_3141 = arith.constant 0 : index
      %swap3A_3142 = tpu.vector_load %arg9[%swap3A_3140, %swap3A_3141] {strides = array<i32>} : memref<32x64xf32, #tpu.memory_space<vmem>>, vector<16xf32>,
      tpu.vector_store %arg9[%swap3A_3140, %swap3A_3141], %gather3A_3138 {strides = array<i32>} : memref<32x64xf32, #tpu.memory_space<vmem>>, vector<16xf32>,
      %add3A_3143 = arith.constant 16 : i32
      %add3A_3144 = vector.broadcast %add3A_3143 : i32 to vector<16xi32>
      %add3A_3145 = arith.addi %iota3A, %add3A_3144 : vector<16xi32>
      %gather3A_3146 = tpu.vector_load_idx %arg8[%add3A_3145, %broadcast_in_dim3A_807] : memref<64x64xf32, #tpu.memory_space<vmem>>[vector<16xi32>, vector<16xi32>], vector<16xf32>,
      %swap3A_3147 = arith.constant 4 : i32
      %swap3A_3148 = arith.index_cast %swap3A_3147 : i32 to index
      %swap3A_3149 = arith.constant 16 : index
      %swap3A_3150 = tpu.vector_load %arg9[%swap3A_3148, %swap3A_3149] {strides = array<i32>} : memref<32x64xf32, #tpu.memory_space<vmem>>, vector<16xf32>,
      tpu.vector_store %arg9[%swap3A_3148, %swap3A_3149], %gather3A_3146 {strides = array<i32>} : memref<32x64xf32, #tpu.memory_space<vmem>>, vector<16xf32>,
      %add3A_3151 = arith.constant 32 : i32
      %add3A_3152 = vector.broadcast %add3A_3151 : i32 to vector<16xi32>
      %add3A_3153 = arith.addi %iota3A, %add3A_3152 : vector<16xi32>
      %gather3A_3154 = tpu.vector_load_idx %arg8[%add3A_3153, %broadcast_in_dim3A_807] : memref<64x64xf32, #tpu.memory_space<vmem>>[vector<16xi32>, vector<16xi32>], vector<16xf32>,
      %swap3A_3155 = arith.constant 4 : i32
      %swap3A_3156 = arith.index_cast %swap3A_3155 : i32 to index
      %swap3A_3157 = arith.constant 32 : index
      %swap3A_3158 = tpu.vector_load %arg9[%swap3A_3156, %swap3A_3157] {strides = array<i32>} : memref<32x64xf32, #tpu.memory_space<vmem>>, vector<16xf32>,
      tpu.vector_store %arg9[%swap3A_3156, %swap3A_3157], %gather3A_3154 {strides = array<i32>} : memref<32x64xf32, #tpu.memory_space<vmem>>, vector<16xf32>,
      %add3A_3159 = arith.constant 48 : i32
      %add3A_3160 = vector.broadcast %add3A_3159 : i32 to vector<16xi32>
      %add3A_3161 = arith.addi %iota3A, %add3A_3160 : vector<16xi32>
      %gather3A_3162 = tpu.vector_load_idx %arg8[%add3A_3161, %broadcast_in_dim3A_807] : memref<64x64xf32, #tpu.memory_space<vmem>>[vector<16xi32>, vector<16xi32>], vector<16xf32>,
      %swap3A_3163 = arith.constant 4 : i32
      %swap3A_3164 = arith.index_cast %swap3A_3163 : i32 to index
      %swap3A_3165 = arith.constant 48 : index
      %swap3A_3166 = tpu.vector_load %arg9[%swap3A_3164, %swap3A_3165] {strides = array<i32>} : memref<32x64xf32, #tpu.memory_space<vmem>>, vector<16xf32>,
      tpu.vector_store %arg9[%swap3A_3164, %swap3A_3165], %gather3A_3162 {strides = array<i32>} : memref<32x64xf32, #tpu.memory_space<vmem>>, vector<16xf32>,
    } else {
    }
    %dma_start3A_863 = arith.constant 4 : i32
    %dma_start3A_864 = arith.constant 4 : i32
    %dma_start3A_865 = arith.constant 0 : i32
    %dma_start3A_866 = arith.constant 0 : i32
    %dma_start3A_867 = tpu.memref_slice %arg7[%dma_start3A_863, %dma_start3A_865, %dma_start3A_866] : memref<8x64x128xf32, #tpu.memory_space<vmem>> -> memref<1x64x128xf32, #tpu.memory_space<vmem>>
    %dma_start3A_868 = tpu.memref_squeeze %dma_start3A_867 : memref<1x64x128xf32, #tpu.memory_space<vmem>> -> memref<64x128xf32, #tpu.memory_space<vmem>>
    %dma_start3A_869 = arith.constant 0 : i32
    %dma_start3A_870 = tpu.memref_slice %arg2[%dma_start3A_869, %multiple_of3A_125] : memref<64x1000000xf32, #tpu.memory_space<hbm>> -> memref<64x128xf32, #tpu.memory_space<hbm>>
    %dma_start3A_871 = tpu.memref_slice %arg10[%dma_start3A_864] : memref<8x!tpu.dma_semaphore, #tpu.memory_space<semaphore_mem>> -> memref<1x!tpu.dma_semaphore, #tpu.memory_space<semaphore_mem>>
    %dma_start3A_872 = tpu.memref_squeeze %dma_start3A_871 : memref<1x!tpu.dma_semaphore, #tpu.memory_space<semaphore_mem>> -> memref<!tpu.dma_semaphore, #tpu.memory_space<semaphore_mem>>
    %dma_start3A_873 = arith.constant 0 : i32
    %dma_start3A_874 = arith.constant 0 : i32
    %dma_start3A_875 = tpu.memref_slice %arg7[%dma_start3A_863, %dma_start3A_873, %dma_start3A_874] : memref<8x64x128xf32, #tpu.memory_space<vmem>> -> memref<1x64x128xf32, #tpu.memory_space<vmem>>
    %dma_start3A_876 = tpu.memref_squeeze %dma_start3A_875 : memref<1x64x128xf32, #tpu.memory_space<vmem>> -> memref<64x128xf32, #tpu.memory_space<vmem>>
    %dma_start3A_877 = arith.constant 0 : i32
    %dma_start3A_878 = tpu.memref_slice %arg2[%dma_start3A_877, %multiple_of3A_125] : memref<64x1000000xf32, #tpu.memory_space<hbm>> -> memref<64x128xf32, #tpu.memory_space<hbm>>
    tpu.enqueue_dma source(%dma_start3A_878 : memref<64x128xf32, #tpu.memory_space<hbm>>) target(%dma_start3A_876 : memref<64x128xf32, #tpu.memory_space<vmem>>) target_semaphore(%dma_start3A_872 : memref<!tpu.dma_semaphore, #tpu.memory_space<semaphore_mem>>)
    %dma_wait3A_879 = arith.constant 5 : i32
    %dma_wait3A_880 = arith.constant 5 : i32
    %dma_wait3A_881 = arith.constant 0 : i32
    %dma_wait3A_882 = arith.constant 0 : i32
    %dma_wait3A_883 = tpu.memref_slice %arg7[%dma_wait3A_879, %dma_wait3A_881, %dma_wait3A_882] : memref<8x64x128xf32, #tpu.memory_space<vmem>> -> memref<1x64x128xf32, #tpu.memory_space<vmem>>
    %dma_wait3A_884 = tpu.memref_squeeze %dma_wait3A_883 : memref<1x64x128xf32, #tpu.memory_space<vmem>> -> memref<64x128xf32, #tpu.memory_space<vmem>>
    %dma_wait3A_885 = arith.constant 0 : i32
    %dma_wait3A_886 = tpu.memref_slice %arg2[%dma_wait3A_885, %multiple_of3A_55] : memref<64x1000000xf32, #tpu.memory_space<hbm>> -> memref<64x128xf32, #tpu.memory_space<hbm>>
    %dma_wait3A_887 = tpu.memref_slice %arg10[%dma_wait3A_880] : memref<8x!tpu.dma_semaphore, #tpu.memory_space<semaphore_mem>> -> memref<1x!tpu.dma_semaphore, #tpu.memory_space<semaphore_mem>>
    %dma_wait3A_888 = tpu.memref_squeeze %dma_wait3A_887 : memref<1x!tpu.dma_semaphore, #tpu.memory_space<semaphore_mem>> -> memref<!tpu.dma_semaphore, #tpu.memory_space<semaphore_mem>>
    %dma_wait3A_889 = arith.constant 0 : i32
    %dma_wait3A_890 = arith.constant 0 : i32
    %dma_wait3A_891 = tpu.memref_slice %arg7[%dma_wait3A_879, %dma_wait3A_889, %dma_wait3A_890] : memref<8x64x128xf32, #tpu.memory_space<vmem>> -> memref<1x64x128xf32, #tpu.memory_space<vmem>>
    %dma_wait3A_892 = tpu.memref_squeeze %dma_wait3A_891 : memref<1x64x128xf32, #tpu.memory_space<vmem>> -> memref<64x128xf32, #tpu.memory_space<vmem>>
    %dma_wait3A_893 = arith.constant 0 : i32
    %dma_wait3A_894 = tpu.memref_slice %arg2[%dma_wait3A_893, %multiple_of3A_55] : memref<64x1000000xf32, #tpu.memory_space<hbm>> -> memref<64x128xf32, #tpu.memory_space<hbm>>
    tpu.wait_dma2 semaphore(%dma_wait3A_888 : memref<!tpu.dma_semaphore, #tpu.memory_space<semaphore_mem>>) src(%dma_wait3A_894 : memref<64x128xf32, #tpu.memory_space<hbm>>) dst(%dma_wait3A_892 : memref<64x128xf32, #tpu.memory_space<vmem>>)
    %broadcast_in_dim3A_895 = vector.broadcast %rem3A_51 : i32 to vector<16xi32>
    %add3A_896 = arith.constant 0 : i32
    %add3A_897 = vector.broadcast %add3A_896 : i32 to vector<16xi32>
    %add3A_898 = arith.addi %iota3A, %add3A_897 : vector<16xi32>
    %gather3A_899 = arith.constant 5 : i32
    %gather3A_900 = arith.constant 0 : i32
    %gather3A_901 = arith.constant 0 : i32
    %gather3A_902 = tpu.memref_slice %arg7[%gather3A_899, %gather3A_900, %gather3A_901] : memref<8x64x128xf32, #tpu.memory_space<vmem>> -> memref<1x64x128xf32, #tpu.memory_space<vmem>>
    %gather3A_903 = tpu.memref_squeeze %gather3A_902 : memref<1x64x128xf32, #tpu.memory_space<vmem>> -> memref<64x128xf32, #tpu.memory_space<vmem>>
    %gather3A_904 = tpu.vector_load_idx %gather3A_903[%add3A_898, %broadcast_in_dim3A_895] : memref<64x128xf32, #tpu.memory_space<vmem>>[vector<16xi32>, vector<16xi32>], vector<16xf32>,
    %swap3A_905 = arith.constant 5 : i32
    %swap3A_906 = arith.index_cast %swap3A_905 : i32 to index
    %swap3A_907 = arith.constant 0 : index
    %swap3A_908 = tpu.vector_load %arg9[%swap3A_906, %swap3A_907] {strides = array<i32>} : memref<32x64xf32, #tpu.memory_space<vmem>>, vector<16xf32>,
    tpu.vector_store %arg9[%swap3A_906, %swap3A_907], %gather3A_904 {strides = array<i32>} : memref<32x64xf32, #tpu.memory_space<vmem>>, vector<16xf32>,
    %add3A_909 = arith.constant 16 : i32
    %add3A_910 = vector.broadcast %add3A_909 : i32 to vector<16xi32>
    %add3A_911 = arith.addi %iota3A, %add3A_910 : vector<16xi32>
    %gather3A_912 = arith.constant 5 : i32
    %gather3A_913 = arith.constant 0 : i32
    %gather3A_914 = arith.constant 0 : i32
    %gather3A_915 = tpu.memref_slice %arg7[%gather3A_912, %gather3A_913, %gather3A_914] : memref<8x64x128xf32, #tpu.memory_space<vmem>> -> memref<1x64x128xf32, #tpu.memory_space<vmem>>
    %gather3A_916 = tpu.memref_squeeze %gather3A_915 : memref<1x64x128xf32, #tpu.memory_space<vmem>> -> memref<64x128xf32, #tpu.memory_space<vmem>>
    %gather3A_917 = tpu.vector_load_idx %gather3A_916[%add3A_911, %broadcast_in_dim3A_895] : memref<64x128xf32, #tpu.memory_space<vmem>>[vector<16xi32>, vector<16xi32>], vector<16xf32>,
    %swap3A_918 = arith.constant 5 : i32
    %swap3A_919 = arith.index_cast %swap3A_918 : i32 to index
    %swap3A_920 = arith.constant 16 : index
    %swap3A_921 = tpu.vector_load %arg9[%swap3A_919, %swap3A_920] {strides = array<i32>} : memref<32x64xf32, #tpu.memory_space<vmem>>, vector<16xf32>,
    tpu.vector_store %arg9[%swap3A_919, %swap3A_920], %gather3A_917 {strides = array<i32>} : memref<32x64xf32, #tpu.memory_space<vmem>>, vector<16xf32>,
    %add3A_922 = arith.constant 32 : i32
    %add3A_923 = vector.broadcast %add3A_922 : i32 to vector<16xi32>
    %add3A_924 = arith.addi %iota3A, %add3A_923 : vector<16xi32>
    %gather3A_925 = arith.constant 5 : i32
    %gather3A_926 = arith.constant 0 : i32
    %gather3A_927 = arith.constant 0 : i32
    %gather3A_928 = tpu.memref_slice %arg7[%gather3A_925, %gather3A_926, %gather3A_927] : memref<8x64x128xf32, #tpu.memory_space<vmem>> -> memref<1x64x128xf32, #tpu.memory_space<vmem>>
    %gather3A_929 = tpu.memref_squeeze %gather3A_928 : memref<1x64x128xf32, #tpu.memory_space<vmem>> -> memref<64x128xf32, #tpu.memory_space<vmem>>
    %gather3A_930 = tpu.vector_load_idx %gather3A_929[%add3A_924, %broadcast_in_dim3A_895] : memref<64x128xf32, #tpu.memory_space<vmem>>[vector<16xi32>, vector<16xi32>], vector<16xf32>,
    %swap3A_931 = arith.constant 5 : i32
    %swap3A_932 = arith.index_cast %swap3A_931 : i32 to index
    %swap3A_933 = arith.constant 32 : index
    %swap3A_934 = tpu.vector_load %arg9[%swap3A_932, %swap3A_933] {strides = array<i32>} : memref<32x64xf32, #tpu.memory_space<vmem>>, vector<16xf32>,
    tpu.vector_store %arg9[%swap3A_932, %swap3A_933], %gather3A_930 {strides = array<i32>} : memref<32x64xf32, #tpu.memory_space<vmem>>, vector<16xf32>,
    %add3A_935 = arith.constant 48 : i32
    %add3A_936 = vector.broadcast %add3A_935 : i32 to vector<16xi32>
    %add3A_937 = arith.addi %iota3A, %add3A_936 : vector<16xi32>
    %gather3A_938 = arith.constant 5 : i32
    %gather3A_939 = arith.constant 0 : i32
    %gather3A_940 = arith.constant 0 : i32
    %gather3A_941 = tpu.memref_slice %arg7[%gather3A_938, %gather3A_939, %gather3A_940] : memref<8x64x128xf32, #tpu.memory_space<vmem>> -> memref<1x64x128xf32, #tpu.memory_space<vmem>>
    %gather3A_942 = tpu.memref_squeeze %gather3A_941 : memref<1x64x128xf32, #tpu.memory_space<vmem>> -> memref<64x128xf32, #tpu.memory_space<vmem>>
    %gather3A_943 = tpu.vector_load_idx %gather3A_942[%add3A_937, %broadcast_in_dim3A_895] : memref<64x128xf32, #tpu.memory_space<vmem>>[vector<16xi32>, vector<16xi32>], vector<16xf32>,
    %swap3A_944 = arith.constant 5 : i32
    %swap3A_945 = arith.index_cast %swap3A_944 : i32 to index
    %swap3A_946 = arith.constant 48 : index
    %swap3A_947 = tpu.vector_load %arg9[%swap3A_945, %swap3A_946] {strides = array<i32>} : memref<32x64xf32, #tpu.memory_space<vmem>>, vector<16xf32>,
    tpu.vector_store %arg9[%swap3A_945, %swap3A_946], %gather3A_943 {strides = array<i32>} : memref<32x64xf32, #tpu.memory_space<vmem>>, vector<16xf32>,
    %convert_element_type3A_948 = arith.extui %ge3A_49 : i1 to i32
    %cond3A_949 = arith.constant 0 : i32
    %cond3A_950 = arith.cmpi ne, %convert_element_type3A_948, %cond3A_949 : i32
    scf.if %cond3A_950 {
      %add3A_3135 = arith.constant 0 : i32
      %add3A_3136 = vector.broadcast %add3A_3135 : i32 to vector<16xi32>
      %add3A_3137 = arith.addi %iota3A, %add3A_3136 : vector<16xi32>
      %gather3A_3138 = tpu.vector_load_idx %arg8[%add3A_3137, %broadcast_in_dim3A_895] : memref<64x64xf32, #tpu.memory_space<vmem>>[vector<16xi32>, vector<16xi32>], vector<16xf32>,
      %swap3A_3139 = arith.constant 5 : i32
      %swap3A_3140 = arith.index_cast %swap3A_3139 : i32 to index
      %swap3A_3141 = arith.constant 0 : index
      %swap3A_3142 = tpu.vector_load %arg9[%swap3A_3140, %swap3A_3141] {strides = array<i32>} : memref<32x64xf32, #tpu.memory_space<vmem>>, vector<16xf32>,
      tpu.vector_store %arg9[%swap3A_3140, %swap3A_3141], %gather3A_3138 {strides = array<i32>} : memref<32x64xf32, #tpu.memory_space<vmem>>, vector<16xf32>,
      %add3A_3143 = arith.constant 16 : i32
      %add3A_3144 = vector.broadcast %add3A_3143 : i32 to vector<16xi32>
      %add3A_3145 = arith.addi %iota3A, %add3A_3144 : vector<16xi32>
      %gather3A_3146 = tpu.vector_load_idx %arg8[%add3A_3145, %broadcast_in_dim3A_895] : memref<64x64xf32, #tpu.memory_space<vmem>>[vector<16xi32>, vector<16xi32>], vector<16xf32>,
      %swap3A_3147 = arith.constant 5 : i32
      %swap3A_3148 = arith.index_cast %swap3A_3147 : i32 to index
      %swap3A_3149 = arith.constant 16 : index
      %swap3A_3150 = tpu.vector_load %arg9[%swap3A_3148, %swap3A_3149] {strides = array<i32>} : memref<32x64xf32, #tpu.memory_space<vmem>>, vector<16xf32>,
      tpu.vector_store %arg9[%swap3A_3148, %swap3A_3149], %gather3A_3146 {strides = array<i32>} : memref<32x64xf32, #tpu.memory_space<vmem>>, vector<16xf32>,
      %add3A_3151 = arith.constant 32 : i32
      %add3A_3152 = vector.broadcast %add3A_3151 : i32 to vector<16xi32>
      %add3A_3153 = arith.addi %iota3A, %add3A_3152 : vector<16xi32>
      %gather3A_3154 = tpu.vector_load_idx %arg8[%add3A_3153, %broadcast_in_dim3A_895] : memref<64x64xf32, #tpu.memory_space<vmem>>[vector<16xi32>, vector<16xi32>], vector<16xf32>,
      %swap3A_3155 = arith.constant 5 : i32
      %swap3A_3156 = arith.index_cast %swap3A_3155 : i32 to index
      %swap3A_3157 = arith.constant 32 : index
      %swap3A_3158 = tpu.vector_load %arg9[%swap3A_3156, %swap3A_3157] {strides = array<i32>} : memref<32x64xf32, #tpu.memory_space<vmem>>, vector<16xf32>,
      tpu.vector_store %arg9[%swap3A_3156, %swap3A_3157], %gather3A_3154 {strides = array<i32>} : memref<32x64xf32, #tpu.memory_space<vmem>>, vector<16xf32>,
      %add3A_3159 = arith.constant 48 : i32
      %add3A_3160 = vector.broadcast %add3A_3159 : i32 to vector<16xi32>
      %add3A_3161 = arith.addi %iota3A, %add3A_3160 : vector<16xi32>
      %gather3A_3162 = tpu.vector_load_idx %arg8[%add3A_3161, %broadcast_in_dim3A_895] : memref<64x64xf32, #tpu.memory_space<vmem>>[vector<16xi32>, vector<16xi32>], vector<16xf32>,
      %swap3A_3163 = arith.constant 5 : i32
      %swap3A_3164 = arith.index_cast %swap3A_3163 : i32 to index
      %swap3A_3165 = arith.constant 48 : index
      %swap3A_3166 = tpu.vector_load %arg9[%swap3A_3164, %swap3A_3165] {strides = array<i32>} : memref<32x64xf32, #tpu.memory_space<vmem>>, vector<16xf32>,
      tpu.vector_store %arg9[%swap3A_3164, %swap3A_3165], %gather3A_3162 {strides = array<i32>} : memref<32x64xf32, #tpu.memory_space<vmem>>, vector<16xf32>,
    } else {
    }
    %dma_start3A_951 = arith.constant 5 : i32
    %dma_start3A_952 = arith.constant 5 : i32
    %dma_start3A_953 = arith.constant 0 : i32
    %dma_start3A_954 = arith.constant 0 : i32
    %dma_start3A_955 = tpu.memref_slice %arg7[%dma_start3A_951, %dma_start3A_953, %dma_start3A_954] : memref<8x64x128xf32, #tpu.memory_space<vmem>> -> memref<1x64x128xf32, #tpu.memory_space<vmem>>
    %dma_start3A_956 = tpu.memref_squeeze %dma_start3A_955 : memref<1x64x128xf32, #tpu.memory_space<vmem>> -> memref<64x128xf32, #tpu.memory_space<vmem>>
    %dma_start3A_957 = arith.constant 0 : i32
    %dma_start3A_958 = tpu.memref_slice %arg2[%dma_start3A_957, %multiple_of3A_135] : memref<64x1000000xf32, #tpu.memory_space<hbm>> -> memref<64x128xf32, #tpu.memory_space<hbm>>
    %dma_start3A_959 = tpu.memref_slice %arg10[%dma_start3A_952] : memref<8x!tpu.dma_semaphore, #tpu.memory_space<semaphore_mem>> -> memref<1x!tpu.dma_semaphore, #tpu.memory_space<semaphore_mem>>
    %dma_start3A_960 = tpu.memref_squeeze %dma_start3A_959 : memref<1x!tpu.dma_semaphore, #tpu.memory_space<semaphore_mem>> -> memref<!tpu.dma_semaphore, #tpu.memory_space<semaphore_mem>>
    %dma_start3A_961 = arith.constant 0 : i32
    %dma_start3A_962 = arith.constant 0 : i32
    %dma_start3A_963 = tpu.memref_slice %arg7[%dma_start3A_951, %dma_start3A_961, %dma_start3A_962] : memref<8x64x128xf32, #tpu.memory_space<vmem>> -> memref<1x64x128xf32, #tpu.memory_space<vmem>>
    %dma_start3A_964 = tpu.memref_squeeze %dma_start3A_963 : memref<1x64x128xf32, #tpu.memory_space<vmem>> -> memref<64x128xf32, #tpu.memory_space<vmem>>
    %dma_start3A_965 = arith.constant 0 : i32
    %dma_start3A_966 = tpu.memref_slice %arg2[%dma_start3A_965, %multiple_of3A_135] : memref<64x1000000xf32, #tpu.memory_space<hbm>> -> memref<64x128xf32, #tpu.memory_space<hbm>>
    tpu.enqueue_dma source(%dma_start3A_966 : memref<64x128xf32, #tpu.memory_space<hbm>>) target(%dma_start3A_964 : memref<64x128xf32, #tpu.memory_space<vmem>>) target_semaphore(%dma_start3A_960 : memref<!tpu.dma_semaphore, #tpu.memory_space<semaphore_mem>>)
    %dma_wait3A_967 = arith.constant 6 : i32
    %dma_wait3A_968 = arith.constant 6 : i32
    %dma_wait3A_969 = arith.constant 0 : i32
    %dma_wait3A_970 = arith.constant 0 : i32
    %dma_wait3A_971 = tpu.memref_slice %arg7[%dma_wait3A_967, %dma_wait3A_969, %dma_wait3A_970] : memref<8x64x128xf32, #tpu.memory_space<vmem>> -> memref<1x64x128xf32, #tpu.memory_space<vmem>>
    %dma_wait3A_972 = tpu.memref_squeeze %dma_wait3A_971 : memref<1x64x128xf32, #tpu.memory_space<vmem>> -> memref<64x128xf32, #tpu.memory_space<vmem>>
    %dma_wait3A_973 = arith.constant 0 : i32
    %dma_wait3A_974 = tpu.memref_slice %arg2[%dma_wait3A_973, %multiple_of3A_65] : memref<64x1000000xf32, #tpu.memory_space<hbm>> -> memref<64x128xf32, #tpu.memory_space<hbm>>
    %dma_wait3A_975 = tpu.memref_slice %arg10[%dma_wait3A_968] : memref<8x!tpu.dma_semaphore, #tpu.memory_space<semaphore_mem>> -> memref<1x!tpu.dma_semaphore, #tpu.memory_space<semaphore_mem>>
    %dma_wait3A_976 = tpu.memref_squeeze %dma_wait3A_975 : memref<1x!tpu.dma_semaphore, #tpu.memory_space<semaphore_mem>> -> memref<!tpu.dma_semaphore, #tpu.memory_space<semaphore_mem>>
    %dma_wait3A_977 = arith.constant 0 : i32
    %dma_wait3A_978 = arith.constant 0 : i32
    %dma_wait3A_979 = tpu.memref_slice %arg7[%dma_wait3A_967, %dma_wait3A_977, %dma_wait3A_978] : memref<8x64x128xf32, #tpu.memory_space<vmem>> -> memref<1x64x128xf32, #tpu.memory_space<vmem>>
    %dma_wait3A_980 = tpu.memref_squeeze %dma_wait3A_979 : memref<1x64x128xf32, #tpu.memory_space<vmem>> -> memref<64x128xf32, #tpu.memory_space<vmem>>
    %dma_wait3A_981 = arith.constant 0 : i32
    %dma_wait3A_982 = tpu.memref_slice %arg2[%dma_wait3A_981, %multiple_of3A_65] : memref<64x1000000xf32, #tpu.memory_space<hbm>> -> memref<64x128xf32, #tpu.memory_space<hbm>>
    tpu.wait_dma2 semaphore(%dma_wait3A_976 : memref<!tpu.dma_semaphore, #tpu.memory_space<semaphore_mem>>) src(%dma_wait3A_982 : memref<64x128xf32, #tpu.memory_space<hbm>>) dst(%dma_wait3A_980 : memref<64x128xf32, #tpu.memory_space<vmem>>)
    %broadcast_in_dim3A_983 = vector.broadcast %rem3A_61 : i32 to vector<16xi32>
    %add3A_984 = arith.constant 0 : i32
    %add3A_985 = vector.broadcast %add3A_984 : i32 to vector<16xi32>
    %add3A_986 = arith.addi %iota3A, %add3A_985 : vector<16xi32>
    %gather3A_987 = arith.constant 6 : i32
    %gather3A_988 = arith.constant 0 : i32
    %gather3A_989 = arith.constant 0 : i32
    %gather3A_990 = tpu.memref_slice %arg7[%gather3A_987, %gather3A_988, %gather3A_989] : memref<8x64x128xf32, #tpu.memory_space<vmem>> -> memref<1x64x128xf32, #tpu.memory_space<vmem>>
    %gather3A_991 = tpu.memref_squeeze %gather3A_990 : memref<1x64x128xf32, #tpu.memory_space<vmem>> -> memref<64x128xf32, #tpu.memory_space<vmem>>
    %gather3A_992 = tpu.vector_load_idx %gather3A_991[%add3A_986, %broadcast_in_dim3A_983] : memref<64x128xf32, #tpu.memory_space<vmem>>[vector<16xi32>, vector<16xi32>], vector<16xf32>,
    %swap3A_993 = arith.constant 6 : i32
    %swap3A_994 = arith.index_cast %swap3A_993 : i32 to index
    %swap3A_995 = arith.constant 0 : index
    %swap3A_996 = tpu.vector_load %arg9[%swap3A_994, %swap3A_995] {strides = array<i32>} : memref<32x64xf32, #tpu.memory_space<vmem>>, vector<16xf32>,
    tpu.vector_store %arg9[%swap3A_994, %swap3A_995], %gather3A_992 {strides = array<i32>} : memref<32x64xf32, #tpu.memory_space<vmem>>, vector<16xf32>,
    %add3A_997 = arith.constant 16 : i32
    %add3A_998 = vector.broadcast %add3A_997 : i32 to vector<16xi32>
    %add3A_999 = arith.addi %iota3A, %add3A_998 : vector<16xi32>
    %gather3A_1000 = arith.constant 6 : i32
    %gather3A_1001 = arith.constant 0 : i32
    %gather3A_1002 = arith.constant 0 : i32
    %gather3A_1003 = tpu.memref_slice %arg7[%gather3A_1000, %gather3A_1001, %gather3A_1002] : memref<8x64x128xf32, #tpu.memory_space<vmem>> -> memref<1x64x128xf32, #tpu.memory_space<vmem>>
    %gather3A_1004 = tpu.memref_squeeze %gather3A_1003 : memref<1x64x128xf32, #tpu.memory_space<vmem>> -> memref<64x128xf32, #tpu.memory_space<vmem>>
    %gather3A_1005 = tpu.vector_load_idx %gather3A_1004[%add3A_999, %broadcast_in_dim3A_983] : memref<64x128xf32, #tpu.memory_space<vmem>>[vector<16xi32>, vector<16xi32>], vector<16xf32>,
    %swap3A_1006 = arith.constant 6 : i32
    %swap3A_1007 = arith.index_cast %swap3A_1006 : i32 to index
    %swap3A_1008 = arith.constant 16 : index
    %swap3A_1009 = tpu.vector_load %arg9[%swap3A_1007, %swap3A_1008] {strides = array<i32>} : memref<32x64xf32, #tpu.memory_space<vmem>>, vector<16xf32>,
    tpu.vector_store %arg9[%swap3A_1007, %swap3A_1008], %gather3A_1005 {strides = array<i32>} : memref<32x64xf32, #tpu.memory_space<vmem>>, vector<16xf32>,
    %add3A_1010 = arith.constant 32 : i32
    %add3A_1011 = vector.broadcast %add3A_1010 : i32 to vector<16xi32>
    %add3A_1012 = arith.addi %iota3A, %add3A_1011 : vector<16xi32>
    %gather3A_1013 = arith.constant 6 : i32
    %gather3A_1014 = arith.constant 0 : i32
    %gather3A_1015 = arith.constant 0 : i32
    %gather3A_1016 = tpu.memref_slice %arg7[%gather3A_1013, %gather3A_1014, %gather3A_1015] : memref<8x64x128xf32, #tpu.memory_space<vmem>> -> memref<1x64x128xf32, #tpu.memory_space<vmem>>
    %gather3A_1017 = tpu.memref_squeeze %gather3A_1016 : memref<1x64x128xf32, #tpu.memory_space<vmem>> -> memref<64x128xf32, #tpu.memory_space<vmem>>
    %gather3A_1018 = tpu.vector_load_idx %gather3A_1017[%add3A_1012, %broadcast_in_dim3A_983] : memref<64x128xf32, #tpu.memory_space<vmem>>[vector<16xi32>, vector<16xi32>], vector<16xf32>,
    %swap3A_1019 = arith.constant 6 : i32
    %swap3A_1020 = arith.index_cast %swap3A_1019 : i32 to index
    %swap3A_1021 = arith.constant 32 : index
    %swap3A_1022 = tpu.vector_load %arg9[%swap3A_1020, %swap3A_1021] {strides = array<i32>} : memref<32x64xf32, #tpu.memory_space<vmem>>, vector<16xf32>,
    tpu.vector_store %arg9[%swap3A_1020, %swap3A_1021], %gather3A_1018 {strides = array<i32>} : memref<32x64xf32, #tpu.memory_space<vmem>>, vector<16xf32>,
    %add3A_1023 = arith.constant 48 : i32
    %add3A_1024 = vector.broadcast %add3A_1023 : i32 to vector<16xi32>
    %add3A_1025 = arith.addi %iota3A, %add3A_1024 : vector<16xi32>
    %gather3A_1026 = arith.constant 6 : i32
    %gather3A_1027 = arith.constant 0 : i32
    %gather3A_1028 = arith.constant 0 : i32
    %gather3A_1029 = tpu.memref_slice %arg7[%gather3A_1026, %gather3A_1027, %gather3A_1028] : memref<8x64x128xf32, #tpu.memory_space<vmem>> -> memref<1x64x128xf32, #tpu.memory_space<vmem>>
    %gather3A_1030 = tpu.memref_squeeze %gather3A_1029 : memref<1x64x128xf32, #tpu.memory_space<vmem>> -> memref<64x128xf32, #tpu.memory_space<vmem>>
    %gather3A_1031 = tpu.vector_load_idx %gather3A_1030[%add3A_1025, %broadcast_in_dim3A_983] : memref<64x128xf32, #tpu.memory_space<vmem>>[vector<16xi32>, vector<16xi32>], vector<16xf32>,
    %swap3A_1032 = arith.constant 6 : i32
    %swap3A_1033 = arith.index_cast %swap3A_1032 : i32 to index
    %swap3A_1034 = arith.constant 48 : index
    %swap3A_1035 = tpu.vector_load %arg9[%swap3A_1033, %swap3A_1034] {strides = array<i32>} : memref<32x64xf32, #tpu.memory_space<vmem>>, vector<16xf32>,
    tpu.vector_store %arg9[%swap3A_1033, %swap3A_1034], %gather3A_1031 {strides = array<i32>} : memref<32x64xf32, #tpu.memory_space<vmem>>, vector<16xf32>,
    %convert_element_type3A_1036 = arith.extui %ge3A_59 : i1 to i32
    %cond3A_1037 = arith.constant 0 : i32
    %cond3A_1038 = arith.cmpi ne, %convert_element_type3A_1036, %cond3A_1037 : i32
    scf.if %cond3A_1038 {
      %add3A_3135 = arith.constant 0 : i32
      %add3A_3136 = vector.broadcast %add3A_3135 : i32 to vector<16xi32>
      %add3A_3137 = arith.addi %iota3A, %add3A_3136 : vector<16xi32>
      %gather3A_3138 = tpu.vector_load_idx %arg8[%add3A_3137, %broadcast_in_dim3A_983] : memref<64x64xf32, #tpu.memory_space<vmem>>[vector<16xi32>, vector<16xi32>], vector<16xf32>,
      %swap3A_3139 = arith.constant 6 : i32
      %swap3A_3140 = arith.index_cast %swap3A_3139 : i32 to index
      %swap3A_3141 = arith.constant 0 : index
      %swap3A_3142 = tpu.vector_load %arg9[%swap3A_3140, %swap3A_3141] {strides = array<i32>} : memref<32x64xf32, #tpu.memory_space<vmem>>, vector<16xf32>,
      tpu.vector_store %arg9[%swap3A_3140, %swap3A_3141], %gather3A_3138 {strides = array<i32>} : memref<32x64xf32, #tpu.memory_space<vmem>>, vector<16xf32>,
      %add3A_3143 = arith.constant 16 : i32
      %add3A_3144 = vector.broadcast %add3A_3143 : i32 to vector<16xi32>
      %add3A_3145 = arith.addi %iota3A, %add3A_3144 : vector<16xi32>
      %gather3A_3146 = tpu.vector_load_idx %arg8[%add3A_3145, %broadcast_in_dim3A_983] : memref<64x64xf32, #tpu.memory_space<vmem>>[vector<16xi32>, vector<16xi32>], vector<16xf32>,
      %swap3A_3147 = arith.constant 6 : i32
      %swap3A_3148 = arith.index_cast %swap3A_3147 : i32 to index
      %swap3A_3149 = arith.constant 16 : index
      %swap3A_3150 = tpu.vector_load %arg9[%swap3A_3148, %swap3A_3149] {strides = array<i32>} : memref<32x64xf32, #tpu.memory_space<vmem>>, vector<16xf32>,
      tpu.vector_store %arg9[%swap3A_3148, %swap3A_3149], %gather3A_3146 {strides = array<i32>} : memref<32x64xf32, #tpu.memory_space<vmem>>, vector<16xf32>,
      %add3A_3151 = arith.constant 32 : i32
      %add3A_3152 = vector.broadcast %add3A_3151 : i32 to vector<16xi32>
      %add3A_3153 = arith.addi %iota3A, %add3A_3152 : vector<16xi32>
      %gather3A_3154 = tpu.vector_load_idx %arg8[%add3A_3153, %broadcast_in_dim3A_983] : memref<64x64xf32, #tpu.memory_space<vmem>>[vector<16xi32>, vector<16xi32>], vector<16xf32>,
      %swap3A_3155 = arith.constant 6 : i32
      %swap3A_3156 = arith.index_cast %swap3A_3155 : i32 to index
      %swap3A_3157 = arith.constant 32 : index
      %swap3A_3158 = tpu.vector_load %arg9[%swap3A_3156, %swap3A_3157] {strides = array<i32>} : memref<32x64xf32, #tpu.memory_space<vmem>>, vector<16xf32>,
      tpu.vector_store %arg9[%swap3A_3156, %swap3A_3157], %gather3A_3154 {strides = array<i32>} : memref<32x64xf32, #tpu.memory_space<vmem>>, vector<16xf32>,
      %add3A_3159 = arith.constant 48 : i32
      %add3A_3160 = vector.broadcast %add3A_3159 : i32 to vector<16xi32>
      %add3A_3161 = arith.addi %iota3A, %add3A_3160 : vector<16xi32>
      %gather3A_3162 = tpu.vector_load_idx %arg8[%add3A_3161, %broadcast_in_dim3A_983] : memref<64x64xf32, #tpu.memory_space<vmem>>[vector<16xi32>, vector<16xi32>], vector<16xf32>,
      %swap3A_3163 = arith.constant 6 : i32
      %swap3A_3164 = arith.index_cast %swap3A_3163 : i32 to index
      %swap3A_3165 = arith.constant 48 : index
      %swap3A_3166 = tpu.vector_load %arg9[%swap3A_3164, %swap3A_3165] {strides = array<i32>} : memref<32x64xf32, #tpu.memory_space<vmem>>, vector<16xf32>,
      tpu.vector_store %arg9[%swap3A_3164, %swap3A_3165], %gather3A_3162 {strides = array<i32>} : memref<32x64xf32, #tpu.memory_space<vmem>>, vector<16xf32>,
    } else {
    }
    %dma_start3A_1039 = arith.constant 6 : i32
    %dma_start3A_1040 = arith.constant 6 : i32
    %dma_start3A_1041 = arith.constant 0 : i32
    %dma_start3A_1042 = arith.constant 0 : i32
    %dma_start3A_1043 = tpu.memref_slice %arg7[%dma_start3A_1039, %dma_start3A_1041, %dma_start3A_1042] : memref<8x64x128xf32, #tpu.memory_space<vmem>> -> memref<1x64x128xf32, #tpu.memory_space<vmem>>
    %dma_start3A_1044 = tpu.memref_squeeze %dma_start3A_1043 : memref<1x64x128xf32, #tpu.memory_space<vmem>> -> memref<64x128xf32, #tpu.memory_space<vmem>>
    %dma_start3A_1045 = arith.constant 0 : i32
    %dma_start3A_1046 = tpu.memref_slice %arg2[%dma_start3A_1045, %multiple_of3A_145] : memref<64x1000000xf32, #tpu.memory_space<hbm>> -> memref<64x128xf32, #tpu.memory_space<hbm>>
    %dma_start3A_1047 = tpu.memref_slice %arg10[%dma_start3A_1040] : memref<8x!tpu.dma_semaphore, #tpu.memory_space<semaphore_mem>> -> memref<1x!tpu.dma_semaphore, #tpu.memory_space<semaphore_mem>>
    %dma_start3A_1048 = tpu.memref_squeeze %dma_start3A_1047 : memref<1x!tpu.dma_semaphore, #tpu.memory_space<semaphore_mem>> -> memref<!tpu.dma_semaphore, #tpu.memory_space<semaphore_mem>>
    %dma_start3A_1049 = arith.constant 0 : i32
    %dma_start3A_1050 = arith.constant 0 : i32
    %dma_start3A_1051 = tpu.memref_slice %arg7[%dma_start3A_1039, %dma_start3A_1049, %dma_start3A_1050] : memref<8x64x128xf32, #tpu.memory_space<vmem>> -> memref<1x64x128xf32, #tpu.memory_space<vmem>>
    %dma_start3A_1052 = tpu.memref_squeeze %dma_start3A_1051 : memref<1x64x128xf32, #tpu.memory_space<vmem>> -> memref<64x128xf32, #tpu.memory_space<vmem>>
    %dma_start3A_1053 = arith.constant 0 : i32
    %dma_start3A_1054 = tpu.memref_slice %arg2[%dma_start3A_1053, %multiple_of3A_145] : memref<64x1000000xf32, #tpu.memory_space<hbm>> -> memref<64x128xf32, #tpu.memory_space<hbm>>
    tpu.enqueue_dma source(%dma_start3A_1054 : memref<64x128xf32, #tpu.memory_space<hbm>>) target(%dma_start3A_1052 : memref<64x128xf32, #tpu.memory_space<vmem>>) target_semaphore(%dma_start3A_1048 : memref<!tpu.dma_semaphore, #tpu.memory_space<semaphore_mem>>)
    %dma_wait3A_1055 = arith.constant 7 : i32
    %dma_wait3A_1056 = arith.constant 7 : i32
    %dma_wait3A_1057 = arith.constant 0 : i32
    %dma_wait3A_1058 = arith.constant 0 : i32
    %dma_wait3A_1059 = tpu.memref_slice %arg7[%dma_wait3A_1055, %dma_wait3A_1057, %dma_wait3A_1058] : memref<8x64x128xf32, #tpu.memory_space<vmem>> -> memref<1x64x128xf32, #tpu.memory_space<vmem>>
    %dma_wait3A_1060 = tpu.memref_squeeze %dma_wait3A_1059 : memref<1x64x128xf32, #tpu.memory_space<vmem>> -> memref<64x128xf32, #tpu.memory_space<vmem>>
    %dma_wait3A_1061 = arith.constant 0 : i32
    %dma_wait3A_1062 = tpu.memref_slice %arg2[%dma_wait3A_1061, %multiple_of3A_75] : memref<64x1000000xf32, #tpu.memory_space<hbm>> -> memref<64x128xf32, #tpu.memory_space<hbm>>
    %dma_wait3A_1063 = tpu.memref_slice %arg10[%dma_wait3A_1056] : memref<8x!tpu.dma_semaphore, #tpu.memory_space<semaphore_mem>> -> memref<1x!tpu.dma_semaphore, #tpu.memory_space<semaphore_mem>>
    %dma_wait3A_1064 = tpu.memref_squeeze %dma_wait3A_1063 : memref<1x!tpu.dma_semaphore, #tpu.memory_space<semaphore_mem>> -> memref<!tpu.dma_semaphore, #tpu.memory_space<semaphore_mem>>
    %dma_wait3A_1065 = arith.constant 0 : i32
    %dma_wait3A_1066 = arith.constant 0 : i32
    %dma_wait3A_1067 = tpu.memref_slice %arg7[%dma_wait3A_1055, %dma_wait3A_1065, %dma_wait3A_1066] : memref<8x64x128xf32, #tpu.memory_space<vmem>> -> memref<1x64x128xf32, #tpu.memory_space<vmem>>
    %dma_wait3A_1068 = tpu.memref_squeeze %dma_wait3A_1067 : memref<1x64x128xf32, #tpu.memory_space<vmem>> -> memref<64x128xf32, #tpu.memory_space<vmem>>
    %dma_wait3A_1069 = arith.constant 0 : i32
    %dma_wait3A_1070 = tpu.memref_slice %arg2[%dma_wait3A_1069, %multiple_of3A_75] : memref<64x1000000xf32, #tpu.memory_space<hbm>> -> memref<64x128xf32, #tpu.memory_space<hbm>>
    tpu.wait_dma2 semaphore(%dma_wait3A_1064 : memref<!tpu.dma_semaphore, #tpu.memory_space<semaphore_mem>>) src(%dma_wait3A_1070 : memref<64x128xf32, #tpu.memory_space<hbm>>) dst(%dma_wait3A_1068 : memref<64x128xf32, #tpu.memory_space<vmem>>)
    %broadcast_in_dim3A_1071 = vector.broadcast %rem3A_71 : i32 to vector<16xi32>
    %add3A_1072 = arith.constant 0 : i32
    %add3A_1073 = vector.broadcast %add3A_1072 : i32 to vector<16xi32>
    %add3A_1074 = arith.addi %iota3A, %add3A_1073 : vector<16xi32>
    %gather3A_1075 = arith.constant 7 : i32
    %gather3A_1076 = arith.constant 0 : i32
    %gather3A_1077 = arith.constant 0 : i32
    %gather3A_1078 = tpu.memref_slice %arg7[%gather3A_1075, %gather3A_1076, %gather3A_1077] : memref<8x64x128xf32, #tpu.memory_space<vmem>> -> memref<1x64x128xf32, #tpu.memory_space<vmem>>
    %gather3A_1079 = tpu.memref_squeeze %gather3A_1078 : memref<1x64x128xf32, #tpu.memory_space<vmem>> -> memref<64x128xf32, #tpu.memory_space<vmem>>
    %gather3A_1080 = tpu.vector_load_idx %gather3A_1079[%add3A_1074, %broadcast_in_dim3A_1071] : memref<64x128xf32, #tpu.memory_space<vmem>>[vector<16xi32>, vector<16xi32>], vector<16xf32>,
    %swap3A_1081 = arith.constant 7 : i32
    %swap3A_1082 = arith.index_cast %swap3A_1081 : i32 to index
    %swap3A_1083 = arith.constant 0 : index
    %swap3A_1084 = tpu.vector_load %arg9[%swap3A_1082, %swap3A_1083] {strides = array<i32>} : memref<32x64xf32, #tpu.memory_space<vmem>>, vector<16xf32>,
    tpu.vector_store %arg9[%swap3A_1082, %swap3A_1083], %gather3A_1080 {strides = array<i32>} : memref<32x64xf32, #tpu.memory_space<vmem>>, vector<16xf32>,
    %add3A_1085 = arith.constant 16 : i32
    %add3A_1086 = vector.broadcast %add3A_1085 : i32 to vector<16xi32>
    %add3A_1087 = arith.addi %iota3A, %add3A_1086 : vector<16xi32>
    %gather3A_1088 = arith.constant 7 : i32
    %gather3A_1089 = arith.constant 0 : i32
    %gather3A_1090 = arith.constant 0 : i32
    %gather3A_1091 = tpu.memref_slice %arg7[%gather3A_1088, %gather3A_1089, %gather3A_1090] : memref<8x64x128xf32, #tpu.memory_space<vmem>> -> memref<1x64x128xf32, #tpu.memory_space<vmem>>
    %gather3A_1092 = tpu.memref_squeeze %gather3A_1091 : memref<1x64x128xf32, #tpu.memory_space<vmem>> -> memref<64x128xf32, #tpu.memory_space<vmem>>
    %gather3A_1093 = tpu.vector_load_idx %gather3A_1092[%add3A_1087, %broadcast_in_dim3A_1071] : memref<64x128xf32, #tpu.memory_space<vmem>>[vector<16xi32>, vector<16xi32>], vector<16xf32>,
    %swap3A_1094 = arith.constant 7 : i32
    %swap3A_1095 = arith.index_cast %swap3A_1094 : i32 to index
    %swap3A_1096 = arith.constant 16 : index
    %swap3A_1097 = tpu.vector_load %arg9[%swap3A_1095, %swap3A_1096] {strides = array<i32>} : memref<32x64xf32, #tpu.memory_space<vmem>>, vector<16xf32>,
    tpu.vector_store %arg9[%swap3A_1095, %swap3A_1096], %gather3A_1093 {strides = array<i32>} : memref<32x64xf32, #tpu.memory_space<vmem>>, vector<16xf32>,
    %add3A_1098 = arith.constant 32 : i32
    %add3A_1099 = vector.broadcast %add3A_1098 : i32 to vector<16xi32>
    %add3A_1100 = arith.addi %iota3A, %add3A_1099 : vector<16xi32>
    %gather3A_1101 = arith.constant 7 : i32
    %gather3A_1102 = arith.constant 0 : i32
    %gather3A_1103 = arith.constant 0 : i32
    %gather3A_1104 = tpu.memref_slice %arg7[%gather3A_1101, %gather3A_1102, %gather3A_1103] : memref<8x64x128xf32, #tpu.memory_space<vmem>> -> memref<1x64x128xf32, #tpu.memory_space<vmem>>
    %gather3A_1105 = tpu.memref_squeeze %gather3A_1104 : memref<1x64x128xf32, #tpu.memory_space<vmem>> -> memref<64x128xf32, #tpu.memory_space<vmem>>
    %gather3A_1106 = tpu.vector_load_idx %gather3A_1105[%add3A_1100, %broadcast_in_dim3A_1071] : memref<64x128xf32, #tpu.memory_space<vmem>>[vector<16xi32>, vector<16xi32>], vector<16xf32>,
    %swap3A_1107 = arith.constant 7 : i32
    %swap3A_1108 = arith.index_cast %swap3A_1107 : i32 to index
    %swap3A_1109 = arith.constant 32 : index
    %swap3A_1110 = tpu.vector_load %arg9[%swap3A_1108, %swap3A_1109] {strides = array<i32>} : memref<32x64xf32, #tpu.memory_space<vmem>>, vector<16xf32>,
    tpu.vector_store %arg9[%swap3A_1108, %swap3A_1109], %gather3A_1106 {strides = array<i32>} : memref<32x64xf32, #tpu.memory_space<vmem>>, vector<16xf32>,
    %add3A_1111 = arith.constant 48 : i32
    %add3A_1112 = vector.broadcast %add3A_1111 : i32 to vector<16xi32>
    %add3A_1113 = arith.addi %iota3A, %add3A_1112 : vector<16xi32>
    %gather3A_1114 = arith.constant 7 : i32
    %gather3A_1115 = arith.constant 0 : i32
    %gather3A_1116 = arith.constant 0 : i32
    %gather3A_1117 = tpu.memref_slice %arg7[%gather3A_1114, %gather3A_1115, %gather3A_1116] : memref<8x64x128xf32, #tpu.memory_space<vmem>> -> memref<1x64x128xf32, #tpu.memory_space<vmem>>
    %gather3A_1118 = tpu.memref_squeeze %gather3A_1117 : memref<1x64x128xf32, #tpu.memory_space<vmem>> -> memref<64x128xf32, #tpu.memory_space<vmem>>
    %gather3A_1119 = tpu.vector_load_idx %gather3A_1118[%add3A_1113, %broadcast_in_dim3A_1071] : memref<64x128xf32, #tpu.memory_space<vmem>>[vector<16xi32>, vector<16xi32>], vector<16xf32>,
    %swap3A_1120 = arith.constant 7 : i32
    %swap3A_1121 = arith.index_cast %swap3A_1120 : i32 to index
    %swap3A_1122 = arith.constant 48 : index
    %swap3A_1123 = tpu.vector_load %arg9[%swap3A_1121, %swap3A_1122] {strides = array<i32>} : memref<32x64xf32, #tpu.memory_space<vmem>>, vector<16xf32>,
    tpu.vector_store %arg9[%swap3A_1121, %swap3A_1122], %gather3A_1119 {strides = array<i32>} : memref<32x64xf32, #tpu.memory_space<vmem>>, vector<16xf32>,
    %convert_element_type3A_1124 = arith.extui %ge3A_69 : i1 to i32
    %cond3A_1125 = arith.constant 0 : i32
    %cond3A_1126 = arith.cmpi ne, %convert_element_type3A_1124, %cond3A_1125 : i32
    scf.if %cond3A_1126 {
      %add3A_3135 = arith.constant 0 : i32
      %add3A_3136 = vector.broadcast %add3A_3135 : i32 to vector<16xi32>
      %add3A_3137 = arith.addi %iota3A, %add3A_3136 : vector<16xi32>
      %gather3A_3138 = tpu.vector_load_idx %arg8[%add3A_3137, %broadcast_in_dim3A_1071] : memref<64x64xf32, #tpu.memory_space<vmem>>[vector<16xi32>, vector<16xi32>], vector<16xf32>,
      %swap3A_3139 = arith.constant 7 : i32
      %swap3A_3140 = arith.index_cast %swap3A_3139 : i32 to index
      %swap3A_3141 = arith.constant 0 : index
      %swap3A_3142 = tpu.vector_load %arg9[%swap3A_3140, %swap3A_3141] {strides = array<i32>} : memref<32x64xf32, #tpu.memory_space<vmem>>, vector<16xf32>,
      tpu.vector_store %arg9[%swap3A_3140, %swap3A_3141], %gather3A_3138 {strides = array<i32>} : memref<32x64xf32, #tpu.memory_space<vmem>>, vector<16xf32>,
      %add3A_3143 = arith.constant 16 : i32
      %add3A_3144 = vector.broadcast %add3A_3143 : i32 to vector<16xi32>
      %add3A_3145 = arith.addi %iota3A, %add3A_3144 : vector<16xi32>
      %gather3A_3146 = tpu.vector_load_idx %arg8[%add3A_3145, %broadcast_in_dim3A_1071] : memref<64x64xf32, #tpu.memory_space<vmem>>[vector<16xi32>, vector<16xi32>], vector<16xf32>,
      %swap3A_3147 = arith.constant 7 : i32
      %swap3A_3148 = arith.index_cast %swap3A_3147 : i32 to index
      %swap3A_3149 = arith.constant 16 : index
      %swap3A_3150 = tpu.vector_load %arg9[%swap3A_3148, %swap3A_3149] {strides = array<i32>} : memref<32x64xf32, #tpu.memory_space<vmem>>, vector<16xf32>,
      tpu.vector_store %arg9[%swap3A_3148, %swap3A_3149], %gather3A_3146 {strides = array<i32>} : memref<32x64xf32, #tpu.memory_space<vmem>>, vector<16xf32>,
      %add3A_3151 = arith.constant 32 : i32
      %add3A_3152 = vector.broadcast %add3A_3151 : i32 to vector<16xi32>
      %add3A_3153 = arith.addi %iota3A, %add3A_3152 : vector<16xi32>
      %gather3A_3154 = tpu.vector_load_idx %arg8[%add3A_3153, %broadcast_in_dim3A_1071] : memref<64x64xf32, #tpu.memory_space<vmem>>[vector<16xi32>, vector<16xi32>], vector<16xf32>,
      %swap3A_3155 = arith.constant 7 : i32
      %swap3A_3156 = arith.index_cast %swap3A_3155 : i32 to index
      %swap3A_3157 = arith.constant 32 : index
      %swap3A_3158 = tpu.vector_load %arg9[%swap3A_3156, %swap3A_3157] {strides = array<i32>} : memref<32x64xf32, #tpu.memory_space<vmem>>, vector<16xf32>,
      tpu.vector_store %arg9[%swap3A_3156, %swap3A_3157], %gather3A_3154 {strides = array<i32>} : memref<32x64xf32, #tpu.memory_space<vmem>>, vector<16xf32>,
      %add3A_3159 = arith.constant 48 : i32
      %add3A_3160 = vector.broadcast %add3A_3159 : i32 to vector<16xi32>
      %add3A_3161 = arith.addi %iota3A, %add3A_3160 : vector<16xi32>
      %gather3A_3162 = tpu.vector_load_idx %arg8[%add3A_3161, %broadcast_in_dim3A_1071] : memref<64x64xf32, #tpu.memory_space<vmem>>[vector<16xi32>, vector<16xi32>], vector<16xf32>,
      %swap3A_3163 = arith.constant 7 : i32
      %swap3A_3164 = arith.index_cast %swap3A_3163 : i32 to index
      %swap3A_3165 = arith.constant 48 : index
      %swap3A_3166 = tpu.vector_load %arg9[%swap3A_3164, %swap3A_3165] {strides = array<i32>} : memref<32x64xf32, #tpu.memory_space<vmem>>, vector<16xf32>,
      tpu.vector_store %arg9[%swap3A_3164, %swap3A_3165], %gather3A_3162 {strides = array<i32>} : memref<32x64xf32, #tpu.memory_space<vmem>>, vector<16xf32>,
    } else {
    }
    %dma_start3A_1127 = arith.constant 7 : i32
    %dma_start3A_1128 = arith.constant 7 : i32
    %dma_start3A_1129 = arith.constant 0 : i32
    %dma_start3A_1130 = arith.constant 0 : i32
    %dma_start3A_1131 = tpu.memref_slice %arg7[%dma_start3A_1127, %dma_start3A_1129, %dma_start3A_1130] : memref<8x64x128xf32, #tpu.memory_space<vmem>> -> memref<1x64x128xf32, #tpu.memory_space<vmem>>
    %dma_start3A_1132 = tpu.memref_squeeze %dma_start3A_1131 : memref<1x64x128xf32, #tpu.memory_space<vmem>> -> memref<64x128xf32, #tpu.memory_space<vmem>>
    %dma_start3A_1133 = arith.constant 0 : i32
    %dma_start3A_1134 = tpu.memref_slice %arg2[%dma_start3A_1133, %multiple_of3A_155] : memref<64x1000000xf32, #tpu.memory_space<hbm>> -> memref<64x128xf32, #tpu.memory_space<hbm>>
    %dma_start3A_1135 = tpu.memref_slice %arg10[%dma_start3A_1128] : memref<8x!tpu.dma_semaphore, #tpu.memory_space<semaphore_mem>> -> memref<1x!tpu.dma_semaphore, #tpu.memory_space<semaphore_mem>>
    %dma_start3A_1136 = tpu.memref_squeeze %dma_start3A_1135 : memref<1x!tpu.dma_semaphore, #tpu.memory_space<semaphore_mem>> -> memref<!tpu.dma_semaphore, #tpu.memory_space<semaphore_mem>>
    %dma_start3A_1137 = arith.constant 0 : i32
    %dma_start3A_1138 = arith.constant 0 : i32
    %dma_start3A_1139 = tpu.memref_slice %arg7[%dma_start3A_1127, %dma_start3A_1137, %dma_start3A_1138] : memref<8x64x128xf32, #tpu.memory_space<vmem>> -> memref<1x64x128xf32, #tpu.memory_space<vmem>>
    %dma_start3A_1140 = tpu.memref_squeeze %dma_start3A_1139 : memref<1x64x128xf32, #tpu.memory_space<vmem>> -> memref<64x128xf32, #tpu.memory_space<vmem>>
    %dma_start3A_1141 = arith.constant 0 : i32
    %dma_start3A_1142 = tpu.memref_slice %arg2[%dma_start3A_1141, %multiple_of3A_155] : memref<64x1000000xf32, #tpu.memory_space<hbm>> -> memref<64x128xf32, #tpu.memory_space<hbm>>
    tpu.enqueue_dma source(%dma_start3A_1142 : memref<64x128xf32, #tpu.memory_space<hbm>>) target(%dma_start3A_1140 : memref<64x128xf32, #tpu.memory_space<vmem>>) target_semaphore(%dma_start3A_1136 : memref<!tpu.dma_semaphore, #tpu.memory_space<semaphore_mem>>)
    %dma_wait3A_1143 = arith.constant 0 : i32
    %dma_wait3A_1144 = arith.constant 0 : i32
    %dma_wait3A_1145 = arith.constant 0 : i32
    %dma_wait3A_1146 = arith.constant 0 : i32
    %dma_wait3A_1147 = tpu.memref_slice %arg7[%dma_wait3A_1143, %dma_wait3A_1145, %dma_wait3A_1146] : memref<8x64x128xf32, #tpu.memory_space<vmem>> -> memref<1x64x128xf32, #tpu.memory_space<vmem>>
    %dma_wait3A_1148 = tpu.memref_squeeze %dma_wait3A_1147 : memref<1x64x128xf32, #tpu.memory_space<vmem>> -> memref<64x128xf32, #tpu.memory_space<vmem>>
    %dma_wait3A_1149 = arith.constant 0 : i32
    %dma_wait3A_1150 = tpu.memref_slice %arg2[%dma_wait3A_1149, %multiple_of3A_85] : memref<64x1000000xf32, #tpu.memory_space<hbm>> -> memref<64x128xf32, #tpu.memory_space<hbm>>
    %dma_wait3A_1151 = tpu.memref_slice %arg10[%dma_wait3A_1144] : memref<8x!tpu.dma_semaphore, #tpu.memory_space<semaphore_mem>> -> memref<1x!tpu.dma_semaphore, #tpu.memory_space<semaphore_mem>>
    %dma_wait3A_1152 = tpu.memref_squeeze %dma_wait3A_1151 : memref<1x!tpu.dma_semaphore, #tpu.memory_space<semaphore_mem>> -> memref<!tpu.dma_semaphore, #tpu.memory_space<semaphore_mem>>
    %dma_wait3A_1153 = arith.constant 0 : i32
    %dma_wait3A_1154 = arith.constant 0 : i32
    %dma_wait3A_1155 = tpu.memref_slice %arg7[%dma_wait3A_1143, %dma_wait3A_1153, %dma_wait3A_1154] : memref<8x64x128xf32, #tpu.memory_space<vmem>> -> memref<1x64x128xf32, #tpu.memory_space<vmem>>
    %dma_wait3A_1156 = tpu.memref_squeeze %dma_wait3A_1155 : memref<1x64x128xf32, #tpu.memory_space<vmem>> -> memref<64x128xf32, #tpu.memory_space<vmem>>
    %dma_wait3A_1157 = arith.constant 0 : i32
    %dma_wait3A_1158 = tpu.memref_slice %arg2[%dma_wait3A_1157, %multiple_of3A_85] : memref<64x1000000xf32, #tpu.memory_space<hbm>> -> memref<64x128xf32, #tpu.memory_space<hbm>>
    tpu.wait_dma2 semaphore(%dma_wait3A_1152 : memref<!tpu.dma_semaphore, #tpu.memory_space<semaphore_mem>>) src(%dma_wait3A_1158 : memref<64x128xf32, #tpu.memory_space<hbm>>) dst(%dma_wait3A_1156 : memref<64x128xf32, #tpu.memory_space<vmem>>)
    %broadcast_in_dim3A_1159 = vector.broadcast %rem3A_81 : i32 to vector<16xi32>
    %add3A_1160 = arith.constant 0 : i32
    %add3A_1161 = vector.broadcast %add3A_1160 : i32 to vector<16xi32>
    %add3A_1162 = arith.addi %iota3A, %add3A_1161 : vector<16xi32>
    %gather3A_1163 = arith.constant 0 : i32
    %gather3A_1164 = arith.constant 0 : i32
    %gather3A_1165 = arith.constant 0 : i32
    %gather3A_1166 = tpu.memref_slice %arg7[%gather3A_1163, %gather3A_1164, %gather3A_1165] : memref<8x64x128xf32, #tpu.memory_space<vmem>> -> memref<1x64x128xf32, #tpu.memory_space<vmem>>
    %gather3A_1167 = tpu.memref_squeeze %gather3A_1166 : memref<1x64x128xf32, #tpu.memory_space<vmem>> -> memref<64x128xf32, #tpu.memory_space<vmem>>
    %gather3A_1168 = tpu.vector_load_idx %gather3A_1167[%add3A_1162, %broadcast_in_dim3A_1159] : memref<64x128xf32, #tpu.memory_space<vmem>>[vector<16xi32>, vector<16xi32>], vector<16xf32>,
    %swap3A_1169 = arith.constant 8 : i32
    %swap3A_1170 = arith.index_cast %swap3A_1169 : i32 to index
    %swap3A_1171 = arith.constant 0 : index
    %swap3A_1172 = tpu.vector_load %arg9[%swap3A_1170, %swap3A_1171] {strides = array<i32>} : memref<32x64xf32, #tpu.memory_space<vmem>>, vector<16xf32>,
    tpu.vector_store %arg9[%swap3A_1170, %swap3A_1171], %gather3A_1168 {strides = array<i32>} : memref<32x64xf32, #tpu.memory_space<vmem>>, vector<16xf32>,
    %add3A_1173 = arith.constant 16 : i32
    %add3A_1174 = vector.broadcast %add3A_1173 : i32 to vector<16xi32>
    %add3A_1175 = arith.addi %iota3A, %add3A_1174 : vector<16xi32>
    %gather3A_1176 = arith.constant 0 : i32
    %gather3A_1177 = arith.constant 0 : i32
    %gather3A_1178 = arith.constant 0 : i32
    %gather3A_1179 = tpu.memref_slice %arg7[%gather3A_1176, %gather3A_1177, %gather3A_1178] : memref<8x64x128xf32, #tpu.memory_space<vmem>> -> memref<1x64x128xf32, #tpu.memory_space<vmem>>
    %gather3A_1180 = tpu.memref_squeeze %gather3A_1179 : memref<1x64x128xf32, #tpu.memory_space<vmem>> -> memref<64x128xf32, #tpu.memory_space<vmem>>
    %gather3A_1181 = tpu.vector_load_idx %gather3A_1180[%add3A_1175, %broadcast_in_dim3A_1159] : memref<64x128xf32, #tpu.memory_space<vmem>>[vector<16xi32>, vector<16xi32>], vector<16xf32>,
    %swap3A_1182 = arith.constant 8 : i32
    %swap3A_1183 = arith.index_cast %swap3A_1182 : i32 to index
    %swap3A_1184 = arith.constant 16 : index
    %swap3A_1185 = tpu.vector_load %arg9[%swap3A_1183, %swap3A_1184] {strides = array<i32>} : memref<32x64xf32, #tpu.memory_space<vmem>>, vector<16xf32>,
    tpu.vector_store %arg9[%swap3A_1183, %swap3A_1184], %gather3A_1181 {strides = array<i32>} : memref<32x64xf32, #tpu.memory_space<vmem>>, vector<16xf32>,
    %add3A_1186 = arith.constant 32 : i32
    %add3A_1187 = vector.broadcast %add3A_1186 : i32 to vector<16xi32>
    %add3A_1188 = arith.addi %iota3A, %add3A_1187 : vector<16xi32>
    %gather3A_1189 = arith.constant 0 : i32
    %gather3A_1190 = arith.constant 0 : i32
    %gather3A_1191 = arith.constant 0 : i32
    %gather3A_1192 = tpu.memref_slice %arg7[%gather3A_1189, %gather3A_1190, %gather3A_1191] : memref<8x64x128xf32, #tpu.memory_space<vmem>> -> memref<1x64x128xf32, #tpu.memory_space<vmem>>
    %gather3A_1193 = tpu.memref_squeeze %gather3A_1192 : memref<1x64x128xf32, #tpu.memory_space<vmem>> -> memref<64x128xf32, #tpu.memory_space<vmem>>
    %gather3A_1194 = tpu.vector_load_idx %gather3A_1193[%add3A_1188, %broadcast_in_dim3A_1159] : memref<64x128xf32, #tpu.memory_space<vmem>>[vector<16xi32>, vector<16xi32>], vector<16xf32>,
    %swap3A_1195 = arith.constant 8 : i32
    %swap3A_1196 = arith.index_cast %swap3A_1195 : i32 to index
    %swap3A_1197 = arith.constant 32 : index
    %swap3A_1198 = tpu.vector_load %arg9[%swap3A_1196, %swap3A_1197] {strides = array<i32>} : memref<32x64xf32, #tpu.memory_space<vmem>>, vector<16xf32>,
    tpu.vector_store %arg9[%swap3A_1196, %swap3A_1197], %gather3A_1194 {strides = array<i32>} : memref<32x64xf32, #tpu.memory_space<vmem>>, vector<16xf32>,
    %add3A_1199 = arith.constant 48 : i32
    %add3A_1200 = vector.broadcast %add3A_1199 : i32 to vector<16xi32>
    %add3A_1201 = arith.addi %iota3A, %add3A_1200 : vector<16xi32>
    %gather3A_1202 = arith.constant 0 : i32
    %gather3A_1203 = arith.constant 0 : i32
    %gather3A_1204 = arith.constant 0 : i32
    %gather3A_1205 = tpu.memref_slice %arg7[%gather3A_1202, %gather3A_1203, %gather3A_1204] : memref<8x64x128xf32, #tpu.memory_space<vmem>> -> memref<1x64x128xf32, #tpu.memory_space<vmem>>
    %gather3A_1206 = tpu.memref_squeeze %gather3A_1205 : memref<1x64x128xf32, #tpu.memory_space<vmem>> -> memref<64x128xf32, #tpu.memory_space<vmem>>
    %gather3A_1207 = tpu.vector_load_idx %gather3A_1206[%add3A_1201, %broadcast_in_dim3A_1159] : memref<64x128xf32, #tpu.memory_space<vmem>>[vector<16xi32>, vector<16xi32>], vector<16xf32>,
    %swap3A_1208 = arith.constant 8 : i32
    %swap3A_1209 = arith.index_cast %swap3A_1208 : i32 to index
    %swap3A_1210 = arith.constant 48 : index
    %swap3A_1211 = tpu.vector_load %arg9[%swap3A_1209, %swap3A_1210] {strides = array<i32>} : memref<32x64xf32, #tpu.memory_space<vmem>>, vector<16xf32>,
    tpu.vector_store %arg9[%swap3A_1209, %swap3A_1210], %gather3A_1207 {strides = array<i32>} : memref<32x64xf32, #tpu.memory_space<vmem>>, vector<16xf32>,
    %convert_element_type3A_1212 = arith.extui %ge3A_79 : i1 to i32
    %cond3A_1213 = arith.constant 0 : i32
    %cond3A_1214 = arith.cmpi ne, %convert_element_type3A_1212, %cond3A_1213 : i32
    scf.if %cond3A_1214 {
      %add3A_3135 = arith.constant 0 : i32
      %add3A_3136 = vector.broadcast %add3A_3135 : i32 to vector<16xi32>
      %add3A_3137 = arith.addi %iota3A, %add3A_3136 : vector<16xi32>
      %gather3A_3138 = tpu.vector_load_idx %arg8[%add3A_3137, %broadcast_in_dim3A_1159] : memref<64x64xf32, #tpu.memory_space<vmem>>[vector<16xi32>, vector<16xi32>], vector<16xf32>,
      %swap3A_3139 = arith.constant 8 : i32
      %swap3A_3140 = arith.index_cast %swap3A_3139 : i32 to index
      %swap3A_3141 = arith.constant 0 : index
      %swap3A_3142 = tpu.vector_load %arg9[%swap3A_3140, %swap3A_3141] {strides = array<i32>} : memref<32x64xf32, #tpu.memory_space<vmem>>, vector<16xf32>,
      tpu.vector_store %arg9[%swap3A_3140, %swap3A_3141], %gather3A_3138 {strides = array<i32>} : memref<32x64xf32, #tpu.memory_space<vmem>>, vector<16xf32>,
      %add3A_3143 = arith.constant 16 : i32
      %add3A_3144 = vector.broadcast %add3A_3143 : i32 to vector<16xi32>
      %add3A_3145 = arith.addi %iota3A, %add3A_3144 : vector<16xi32>
      %gather3A_3146 = tpu.vector_load_idx %arg8[%add3A_3145, %broadcast_in_dim3A_1159] : memref<64x64xf32, #tpu.memory_space<vmem>>[vector<16xi32>, vector<16xi32>], vector<16xf32>,
      %swap3A_3147 = arith.constant 8 : i32
      %swap3A_3148 = arith.index_cast %swap3A_3147 : i32 to index
      %swap3A_3149 = arith.constant 16 : index
      %swap3A_3150 = tpu.vector_load %arg9[%swap3A_3148, %swap3A_3149] {strides = array<i32>} : memref<32x64xf32, #tpu.memory_space<vmem>>, vector<16xf32>,
      tpu.vector_store %arg9[%swap3A_3148, %swap3A_3149], %gather3A_3146 {strides = array<i32>} : memref<32x64xf32, #tpu.memory_space<vmem>>, vector<16xf32>,
      %add3A_3151 = arith.constant 32 : i32
      %add3A_3152 = vector.broadcast %add3A_3151 : i32 to vector<16xi32>
      %add3A_3153 = arith.addi %iota3A, %add3A_3152 : vector<16xi32>
      %gather3A_3154 = tpu.vector_load_idx %arg8[%add3A_3153, %broadcast_in_dim3A_1159] : memref<64x64xf32, #tpu.memory_space<vmem>>[vector<16xi32>, vector<16xi32>], vector<16xf32>,
      %swap3A_3155 = arith.constant 8 : i32
      %swap3A_3156 = arith.index_cast %swap3A_3155 : i32 to index
      %swap3A_3157 = arith.constant 32 : index
      %swap3A_3158 = tpu.vector_load %arg9[%swap3A_3156, %swap3A_3157] {strides = array<i32>} : memref<32x64xf32, #tpu.memory_space<vmem>>, vector<16xf32>,
      tpu.vector_store %arg9[%swap3A_3156, %swap3A_3157], %gather3A_3154 {strides = array<i32>} : memref<32x64xf32, #tpu.memory_space<vmem>>, vector<16xf32>,
      %add3A_3159 = arith.constant 48 : i32
      %add3A_3160 = vector.broadcast %add3A_3159 : i32 to vector<16xi32>
      %add3A_3161 = arith.addi %iota3A, %add3A_3160 : vector<16xi32>
      %gather3A_3162 = tpu.vector_load_idx %arg8[%add3A_3161, %broadcast_in_dim3A_1159] : memref<64x64xf32, #tpu.memory_space<vmem>>[vector<16xi32>, vector<16xi32>], vector<16xf32>,
      %swap3A_3163 = arith.constant 8 : i32
      %swap3A_3164 = arith.index_cast %swap3A_3163 : i32 to index
      %swap3A_3165 = arith.constant 48 : index
      %swap3A_3166 = tpu.vector_load %arg9[%swap3A_3164, %swap3A_3165] {strides = array<i32>} : memref<32x64xf32, #tpu.memory_space<vmem>>, vector<16xf32>,
      tpu.vector_store %arg9[%swap3A_3164, %swap3A_3165], %gather3A_3162 {strides = array<i32>} : memref<32x64xf32, #tpu.memory_space<vmem>>, vector<16xf32>,
    } else {
    }
    %dma_start3A_1215 = arith.constant 0 : i32
    %dma_start3A_1216 = arith.constant 0 : i32
    %dma_start3A_1217 = arith.constant 0 : i32
    %dma_start3A_1218 = arith.constant 0 : i32
    %dma_start3A_1219 = tpu.memref_slice %arg7[%dma_start3A_1215, %dma_start3A_1217, %dma_start3A_1218] : memref<8x64x128xf32, #tpu.memory_space<vmem>> -> memref<1x64x128xf32, #tpu.memory_space<vmem>>
    %dma_start3A_1220 = tpu.memref_squeeze %dma_start3A_1219 : memref<1x64x128xf32, #tpu.memory_space<vmem>> -> memref<64x128xf32, #tpu.memory_space<vmem>>
    %dma_start3A_1221 = arith.constant 0 : i32
    %dma_start3A_1222 = tpu.memref_slice %arg2[%dma_start3A_1221, %multiple_of3A_167] : memref<64x1000000xf32, #tpu.memory_space<hbm>> -> memref<64x128xf32, #tpu.memory_space<hbm>>
    %dma_start3A_1223 = tpu.memref_slice %arg10[%dma_start3A_1216] : memref<8x!tpu.dma_semaphore, #tpu.memory_space<semaphore_mem>> -> memref<1x!tpu.dma_semaphore, #tpu.memory_space<semaphore_mem>>
    %dma_start3A_1224 = tpu.memref_squeeze %dma_start3A_1223 : memref<1x!tpu.dma_semaphore, #tpu.memory_space<semaphore_mem>> -> memref<!tpu.dma_semaphore, #tpu.memory_space<semaphore_mem>>
    %dma_start3A_1225 = arith.constant 0 : i32
    %dma_start3A_1226 = arith.constant 0 : i32
    %dma_start3A_1227 = tpu.memref_slice %arg7[%dma_start3A_1215, %dma_start3A_1225, %dma_start3A_1226] : memref<8x64x128xf32, #tpu.memory_space<vmem>> -> memref<1x64x128xf32, #tpu.memory_space<vmem>>
    %dma_start3A_1228 = tpu.memref_squeeze %dma_start3A_1227 : memref<1x64x128xf32, #tpu.memory_space<vmem>> -> memref<64x128xf32, #tpu.memory_space<vmem>>
    %dma_start3A_1229 = arith.constant 0 : i32
    %dma_start3A_1230 = tpu.memref_slice %arg2[%dma_start3A_1229, %multiple_of3A_167] : memref<64x1000000xf32, #tpu.memory_space<hbm>> -> memref<64x128xf32, #tpu.memory_space<hbm>>
    tpu.enqueue_dma source(%dma_start3A_1230 : memref<64x128xf32, #tpu.memory_space<hbm>>) target(%dma_start3A_1228 : memref<64x128xf32, #tpu.memory_space<vmem>>) target_semaphore(%dma_start3A_1224 : memref<!tpu.dma_semaphore, #tpu.memory_space<semaphore_mem>>)
    %dma_wait3A_1231 = arith.constant 1 : i32
    %dma_wait3A_1232 = arith.constant 1 : i32
    %dma_wait3A_1233 = arith.constant 0 : i32
    %dma_wait3A_1234 = arith.constant 0 : i32
    %dma_wait3A_1235 = tpu.memref_slice %arg7[%dma_wait3A_1231, %dma_wait3A_1233, %dma_wait3A_1234] : memref<8x64x128xf32, #tpu.memory_space<vmem>> -> memref<1x64x128xf32, #tpu.memory_space<vmem>>
    %dma_wait3A_1236 = tpu.memref_squeeze %dma_wait3A_1235 : memref<1x64x128xf32, #tpu.memory_space<vmem>> -> memref<64x128xf32, #tpu.memory_space<vmem>>
    %dma_wait3A_1237 = arith.constant 0 : i32
    %dma_wait3A_1238 = tpu.memref_slice %arg2[%dma_wait3A_1237, %multiple_of3A_95] : memref<64x1000000xf32, #tpu.memory_space<hbm>> -> memref<64x128xf32, #tpu.memory_space<hbm>>
    %dma_wait3A_1239 = tpu.memref_slice %arg10[%dma_wait3A_1232] : memref<8x!tpu.dma_semaphore, #tpu.memory_space<semaphore_mem>> -> memref<1x!tpu.dma_semaphore, #tpu.memory_space<semaphore_mem>>
    %dma_wait3A_1240 = tpu.memref_squeeze %dma_wait3A_1239 : memref<1x!tpu.dma_semaphore, #tpu.memory_space<semaphore_mem>> -> memref<!tpu.dma_semaphore, #tpu.memory_space<semaphore_mem>>
    %dma_wait3A_1241 = arith.constant 0 : i32
    %dma_wait3A_1242 = arith.constant 0 : i32
    %dma_wait3A_1243 = tpu.memref_slice %arg7[%dma_wait3A_1231, %dma_wait3A_1241, %dma_wait3A_1242] : memref<8x64x128xf32, #tpu.memory_space<vmem>> -> memref<1x64x128xf32, #tpu.memory_space<vmem>>
    %dma_wait3A_1244 = tpu.memref_squeeze %dma_wait3A_1243 : memref<1x64x128xf32, #tpu.memory_space<vmem>> -> memref<64x128xf32, #tpu.memory_space<vmem>>
    %dma_wait3A_1245 = arith.constant 0 : i32
    %dma_wait3A_1246 = tpu.memref_slice %arg2[%dma_wait3A_1245, %multiple_of3A_95] : memref<64x1000000xf32, #tpu.memory_space<hbm>> -> memref<64x128xf32, #tpu.memory_space<hbm>>
    tpu.wait_dma2 semaphore(%dma_wait3A_1240 : memref<!tpu.dma_semaphore, #tpu.memory_space<semaphore_mem>>) src(%dma_wait3A_1246 : memref<64x128xf32, #tpu.memory_space<hbm>>) dst(%dma_wait3A_1244 : memref<64x128xf32, #tpu.memory_space<vmem>>)
    %broadcast_in_dim3A_1247 = vector.broadcast %rem3A_91 : i32 to vector<16xi32>
    %add3A_1248 = arith.constant 0 : i32
    %add3A_1249 = vector.broadcast %add3A_1248 : i32 to vector<16xi32>
    %add3A_1250 = arith.addi %iota3A, %add3A_1249 : vector<16xi32>
    %gather3A_1251 = arith.constant 1 : i32
    %gather3A_1252 = arith.constant 0 : i32
    %gather3A_1253 = arith.constant 0 : i32
    %gather3A_1254 = tpu.memref_slice %arg7[%gather3A_1251, %gather3A_1252, %gather3A_1253] : memref<8x64x128xf32, #tpu.memory_space<vmem>> -> memref<1x64x128xf32, #tpu.memory_space<vmem>>
    %gather3A_1255 = tpu.memref_squeeze %gather3A_1254 : memref<1x64x128xf32, #tpu.memory_space<vmem>> -> memref<64x128xf32, #tpu.memory_space<vmem>>
    %gather3A_1256 = tpu.vector_load_idx %gather3A_1255[%add3A_1250, %broadcast_in_dim3A_1247] : memref<64x128xf32, #tpu.memory_space<vmem>>[vector<16xi32>, vector<16xi32>], vector<16xf32>,
    %swap3A_1257 = arith.constant 9 : i32
    %swap3A_1258 = arith.index_cast %swap3A_1257 : i32 to index
    %swap3A_1259 = arith.constant 0 : index
    %swap3A_1260 = tpu.vector_load %arg9[%swap3A_1258, %swap3A_1259] {strides = array<i32>} : memref<32x64xf32, #tpu.memory_space<vmem>>, vector<16xf32>,
    tpu.vector_store %arg9[%swap3A_1258, %swap3A_1259], %gather3A_1256 {strides = array<i32>} : memref<32x64xf32, #tpu.memory_space<vmem>>, vector<16xf32>,
    %add3A_1261 = arith.constant 16 : i32
    %add3A_1262 = vector.broadcast %add3A_1261 : i32 to vector<16xi32>
    %add3A_1263 = arith.addi %iota3A, %add3A_1262 : vector<16xi32>
    %gather3A_1264 = arith.constant 1 : i32
    %gather3A_1265 = arith.constant 0 : i32
    %gather3A_1266 = arith.constant 0 : i32
    %gather3A_1267 = tpu.memref_slice %arg7[%gather3A_1264, %gather3A_1265, %gather3A_1266] : memref<8x64x128xf32, #tpu.memory_space<vmem>> -> memref<1x64x128xf32, #tpu.memory_space<vmem>>
    %gather3A_1268 = tpu.memref_squeeze %gather3A_1267 : memref<1x64x128xf32, #tpu.memory_space<vmem>> -> memref<64x128xf32, #tpu.memory_space<vmem>>
    %gather3A_1269 = tpu.vector_load_idx %gather3A_1268[%add3A_1263, %broadcast_in_dim3A_1247] : memref<64x128xf32, #tpu.memory_space<vmem>>[vector<16xi32>, vector<16xi32>], vector<16xf32>,
    %swap3A_1270 = arith.constant 9 : i32
    %swap3A_1271 = arith.index_cast %swap3A_1270 : i32 to index
    %swap3A_1272 = arith.constant 16 : index
    %swap3A_1273 = tpu.vector_load %arg9[%swap3A_1271, %swap3A_1272] {strides = array<i32>} : memref<32x64xf32, #tpu.memory_space<vmem>>, vector<16xf32>,
    tpu.vector_store %arg9[%swap3A_1271, %swap3A_1272], %gather3A_1269 {strides = array<i32>} : memref<32x64xf32, #tpu.memory_space<vmem>>, vector<16xf32>,
    %add3A_1274 = arith.constant 32 : i32
    %add3A_1275 = vector.broadcast %add3A_1274 : i32 to vector<16xi32>
    %add3A_1276 = arith.addi %iota3A, %add3A_1275 : vector<16xi32>
    %gather3A_1277 = arith.constant 1 : i32
    %gather3A_1278 = arith.constant 0 : i32
    %gather3A_1279 = arith.constant 0 : i32
    %gather3A_1280 = tpu.memref_slice %arg7[%gather3A_1277, %gather3A_1278, %gather3A_1279] : memref<8x64x128xf32, #tpu.memory_space<vmem>> -> memref<1x64x128xf32, #tpu.memory_space<vmem>>
    %gather3A_1281 = tpu.memref_squeeze %gather3A_1280 : memref<1x64x128xf32, #tpu.memory_space<vmem>> -> memref<64x128xf32, #tpu.memory_space<vmem>>
    %gather3A_1282 = tpu.vector_load_idx %gather3A_1281[%add3A_1276, %broadcast_in_dim3A_1247] : memref<64x128xf32, #tpu.memory_space<vmem>>[vector<16xi32>, vector<16xi32>], vector<16xf32>,
    %swap3A_1283 = arith.constant 9 : i32
    %swap3A_1284 = arith.index_cast %swap3A_1283 : i32 to index
    %swap3A_1285 = arith.constant 32 : index
    %swap3A_1286 = tpu.vector_load %arg9[%swap3A_1284, %swap3A_1285] {strides = array<i32>} : memref<32x64xf32, #tpu.memory_space<vmem>>, vector<16xf32>,
    tpu.vector_store %arg9[%swap3A_1284, %swap3A_1285], %gather3A_1282 {strides = array<i32>} : memref<32x64xf32, #tpu.memory_space<vmem>>, vector<16xf32>,
    %add3A_1287 = arith.constant 48 : i32
    %add3A_1288 = vector.broadcast %add3A_1287 : i32 to vector<16xi32>
    %add3A_1289 = arith.addi %iota3A, %add3A_1288 : vector<16xi32>
    %gather3A_1290 = arith.constant 1 : i32
    %gather3A_1291 = arith.constant 0 : i32
    %gather3A_1292 = arith.constant 0 : i32
    %gather3A_1293 = tpu.memref_slice %arg7[%gather3A_1290, %gather3A_1291, %gather3A_1292] : memref<8x64x128xf32, #tpu.memory_space<vmem>> -> memref<1x64x128xf32, #tpu.memory_space<vmem>>
    %gather3A_1294 = tpu.memref_squeeze %gather3A_1293 : memref<1x64x128xf32, #tpu.memory_space<vmem>> -> memref<64x128xf32, #tpu.memory_space<vmem>>
    %gather3A_1295 = tpu.vector_load_idx %gather3A_1294[%add3A_1289, %broadcast_in_dim3A_1247] : memref<64x128xf32, #tpu.memory_space<vmem>>[vector<16xi32>, vector<16xi32>], vector<16xf32>,
    %swap3A_1296 = arith.constant 9 : i32
    %swap3A_1297 = arith.index_cast %swap3A_1296 : i32 to index
    %swap3A_1298 = arith.constant 48 : index
    %swap3A_1299 = tpu.vector_load %arg9[%swap3A_1297, %swap3A_1298] {strides = array<i32>} : memref<32x64xf32, #tpu.memory_space<vmem>>, vector<16xf32>,
    tpu.vector_store %arg9[%swap3A_1297, %swap3A_1298], %gather3A_1295 {strides = array<i32>} : memref<32x64xf32, #tpu.memory_space<vmem>>, vector<16xf32>,
    %convert_element_type3A_1300 = arith.extui %ge3A_89 : i1 to i32
    %cond3A_1301 = arith.constant 0 : i32
    %cond3A_1302 = arith.cmpi ne, %convert_element_type3A_1300, %cond3A_1301 : i32
    scf.if %cond3A_1302 {
      %add3A_3135 = arith.constant 0 : i32
      %add3A_3136 = vector.broadcast %add3A_3135 : i32 to vector<16xi32>
      %add3A_3137 = arith.addi %iota3A, %add3A_3136 : vector<16xi32>
      %gather3A_3138 = tpu.vector_load_idx %arg8[%add3A_3137, %broadcast_in_dim3A_1247] : memref<64x64xf32, #tpu.memory_space<vmem>>[vector<16xi32>, vector<16xi32>], vector<16xf32>,
      %swap3A_3139 = arith.constant 9 : i32
      %swap3A_3140 = arith.index_cast %swap3A_3139 : i32 to index
      %swap3A_3141 = arith.constant 0 : index
      %swap3A_3142 = tpu.vector_load %arg9[%swap3A_3140, %swap3A_3141] {strides = array<i32>} : memref<32x64xf32, #tpu.memory_space<vmem>>, vector<16xf32>,
      tpu.vector_store %arg9[%swap3A_3140, %swap3A_3141], %gather3A_3138 {strides = array<i32>} : memref<32x64xf32, #tpu.memory_space<vmem>>, vector<16xf32>,
      %add3A_3143 = arith.constant 16 : i32
      %add3A_3144 = vector.broadcast %add3A_3143 : i32 to vector<16xi32>
      %add3A_3145 = arith.addi %iota3A, %add3A_3144 : vector<16xi32>
      %gather3A_3146 = tpu.vector_load_idx %arg8[%add3A_3145, %broadcast_in_dim3A_1247] : memref<64x64xf32, #tpu.memory_space<vmem>>[vector<16xi32>, vector<16xi32>], vector<16xf32>,
      %swap3A_3147 = arith.constant 9 : i32
      %swap3A_3148 = arith.index_cast %swap3A_3147 : i32 to index
      %swap3A_3149 = arith.constant 16 : index
      %swap3A_3150 = tpu.vector_load %arg9[%swap3A_3148, %swap3A_3149] {strides = array<i32>} : memref<32x64xf32, #tpu.memory_space<vmem>>, vector<16xf32>,
      tpu.vector_store %arg9[%swap3A_3148, %swap3A_3149], %gather3A_3146 {strides = array<i32>} : memref<32x64xf32, #tpu.memory_space<vmem>>, vector<16xf32>,
      %add3A_3151 = arith.constant 32 : i32
      %add3A_3152 = vector.broadcast %add3A_3151 : i32 to vector<16xi32>
      %add3A_3153 = arith.addi %iota3A, %add3A_3152 : vector<16xi32>
      %gather3A_3154 = tpu.vector_load_idx %arg8[%add3A_3153, %broadcast_in_dim3A_1247] : memref<64x64xf32, #tpu.memory_space<vmem>>[vector<16xi32>, vector<16xi32>], vector<16xf32>,
      %swap3A_3155 = arith.constant 9 : i32
      %swap3A_3156 = arith.index_cast %swap3A_3155 : i32 to index
      %swap3A_3157 = arith.constant 32 : index
      %swap3A_3158 = tpu.vector_load %arg9[%swap3A_3156, %swap3A_3157] {strides = array<i32>} : memref<32x64xf32, #tpu.memory_space<vmem>>, vector<16xf32>,
      tpu.vector_store %arg9[%swap3A_3156, %swap3A_3157], %gather3A_3154 {strides = array<i32>} : memref<32x64xf32, #tpu.memory_space<vmem>>, vector<16xf32>,
      %add3A_3159 = arith.constant 48 : i32
      %add3A_3160 = vector.broadcast %add3A_3159 : i32 to vector<16xi32>
      %add3A_3161 = arith.addi %iota3A, %add3A_3160 : vector<16xi32>
      %gather3A_3162 = tpu.vector_load_idx %arg8[%add3A_3161, %broadcast_in_dim3A_1247] : memref<64x64xf32, #tpu.memory_space<vmem>>[vector<16xi32>, vector<16xi32>], vector<16xf32>,
      %swap3A_3163 = arith.constant 9 : i32
      %swap3A_3164 = arith.index_cast %swap3A_3163 : i32 to index
      %swap3A_3165 = arith.constant 48 : index
      %swap3A_3166 = tpu.vector_load %arg9[%swap3A_3164, %swap3A_3165] {strides = array<i32>} : memref<32x64xf32, #tpu.memory_space<vmem>>, vector<16xf32>,
      tpu.vector_store %arg9[%swap3A_3164, %swap3A_3165], %gather3A_3162 {strides = array<i32>} : memref<32x64xf32, #tpu.memory_space<vmem>>, vector<16xf32>,
    } else {
    }
    %dma_start3A_1303 = arith.constant 1 : i32
    %dma_start3A_1304 = arith.constant 1 : i32
    %dma_start3A_1305 = arith.constant 0 : i32
    %dma_start3A_1306 = arith.constant 0 : i32
    %dma_start3A_1307 = tpu.memref_slice %arg7[%dma_start3A_1303, %dma_start3A_1305, %dma_start3A_1306] : memref<8x64x128xf32, #tpu.memory_space<vmem>> -> memref<1x64x128xf32, #tpu.memory_space<vmem>>
    %dma_start3A_1308 = tpu.memref_squeeze %dma_start3A_1307 : memref<1x64x128xf32, #tpu.memory_space<vmem>> -> memref<64x128xf32, #tpu.memory_space<vmem>>
    %dma_start3A_1309 = arith.constant 0 : i32
    %dma_start3A_1310 = tpu.memref_slice %arg2[%dma_start3A_1309, %multiple_of3A_177] : memref<64x1000000xf32, #tpu.memory_space<hbm>> -> memref<64x128xf32, #tpu.memory_space<hbm>>
    %dma_start3A_1311 = tpu.memref_slice %arg10[%dma_start3A_1304] : memref<8x!tpu.dma_semaphore, #tpu.memory_space<semaphore_mem>> -> memref<1x!tpu.dma_semaphore, #tpu.memory_space<semaphore_mem>>
    %dma_start3A_1312 = tpu.memref_squeeze %dma_start3A_1311 : memref<1x!tpu.dma_semaphore, #tpu.memory_space<semaphore_mem>> -> memref<!tpu.dma_semaphore, #tpu.memory_space<semaphore_mem>>
    %dma_start3A_1313 = arith.constant 0 : i32
    %dma_start3A_1314 = arith.constant 0 : i32
    %dma_start3A_1315 = tpu.memref_slice %arg7[%dma_start3A_1303, %dma_start3A_1313, %dma_start3A_1314] : memref<8x64x128xf32, #tpu.memory_space<vmem>> -> memref<1x64x128xf32, #tpu.memory_space<vmem>>
    %dma_start3A_1316 = tpu.memref_squeeze %dma_start3A_1315 : memref<1x64x128xf32, #tpu.memory_space<vmem>> -> memref<64x128xf32, #tpu.memory_space<vmem>>
    %dma_start3A_1317 = arith.constant 0 : i32
    %dma_start3A_1318 = tpu.memref_slice %arg2[%dma_start3A_1317, %multiple_of3A_177] : memref<64x1000000xf32, #tpu.memory_space<hbm>> -> memref<64x128xf32, #tpu.memory_space<hbm>>
    tpu.enqueue_dma source(%dma_start3A_1318 : memref<64x128xf32, #tpu.memory_space<hbm>>) target(%dma_start3A_1316 : memref<64x128xf32, #tpu.memory_space<vmem>>) target_semaphore(%dma_start3A_1312 : memref<!tpu.dma_semaphore, #tpu.memory_space<semaphore_mem>>)
    %dma_wait3A_1319 = arith.constant 2 : i32
    %dma_wait3A_1320 = arith.constant 2 : i32
    %dma_wait3A_1321 = arith.constant 0 : i32
    %dma_wait3A_1322 = arith.constant 0 : i32
    %dma_wait3A_1323 = tpu.memref_slice %arg7[%dma_wait3A_1319, %dma_wait3A_1321, %dma_wait3A_1322] : memref<8x64x128xf32, #tpu.memory_space<vmem>> -> memref<1x64x128xf32, #tpu.memory_space<vmem>>
    %dma_wait3A_1324 = tpu.memref_squeeze %dma_wait3A_1323 : memref<1x64x128xf32, #tpu.memory_space<vmem>> -> memref<64x128xf32, #tpu.memory_space<vmem>>
    %dma_wait3A_1325 = arith.constant 0 : i32
    %dma_wait3A_1326 = tpu.memref_slice %arg2[%dma_wait3A_1325, %multiple_of3A_105] : memref<64x1000000xf32, #tpu.memory_space<hbm>> -> memref<64x128xf32, #tpu.memory_space<hbm>>
    %dma_wait3A_1327 = tpu.memref_slice %arg10[%dma_wait3A_1320] : memref<8x!tpu.dma_semaphore, #tpu.memory_space<semaphore_mem>> -> memref<1x!tpu.dma_semaphore, #tpu.memory_space<semaphore_mem>>
    %dma_wait3A_1328 = tpu.memref_squeeze %dma_wait3A_1327 : memref<1x!tpu.dma_semaphore, #tpu.memory_space<semaphore_mem>> -> memref<!tpu.dma_semaphore, #tpu.memory_space<semaphore_mem>>
    %dma_wait3A_1329 = arith.constant 0 : i32
    %dma_wait3A_1330 = arith.constant 0 : i32
    %dma_wait3A_1331 = tpu.memref_slice %arg7[%dma_wait3A_1319, %dma_wait3A_1329, %dma_wait3A_1330] : memref<8x64x128xf32, #tpu.memory_space<vmem>> -> memref<1x64x128xf32, #tpu.memory_space<vmem>>
    %dma_wait3A_1332 = tpu.memref_squeeze %dma_wait3A_1331 : memref<1x64x128xf32, #tpu.memory_space<vmem>> -> memref<64x128xf32, #tpu.memory_space<vmem>>
    %dma_wait3A_1333 = arith.constant 0 : i32
    %dma_wait3A_1334 = tpu.memref_slice %arg2[%dma_wait3A_1333, %multiple_of3A_105] : memref<64x1000000xf32, #tpu.memory_space<hbm>> -> memref<64x128xf32, #tpu.memory_space<hbm>>
    tpu.wait_dma2 semaphore(%dma_wait3A_1328 : memref<!tpu.dma_semaphore, #tpu.memory_space<semaphore_mem>>) src(%dma_wait3A_1334 : memref<64x128xf32, #tpu.memory_space<hbm>>) dst(%dma_wait3A_1332 : memref<64x128xf32, #tpu.memory_space<vmem>>)
    %broadcast_in_dim3A_1335 = vector.broadcast %rem3A_101 : i32 to vector<16xi32>
    %add3A_1336 = arith.constant 0 : i32
    %add3A_1337 = vector.broadcast %add3A_1336 : i32 to vector<16xi32>
    %add3A_1338 = arith.addi %iota3A, %add3A_1337 : vector<16xi32>
    %gather3A_1339 = arith.constant 2 : i32
    %gather3A_1340 = arith.constant 0 : i32
    %gather3A_1341 = arith.constant 0 : i32
    %gather3A_1342 = tpu.memref_slice %arg7[%gather3A_1339, %gather3A_1340, %gather3A_1341] : memref<8x64x128xf32, #tpu.memory_space<vmem>> -> memref<1x64x128xf32, #tpu.memory_space<vmem>>
    %gather3A_1343 = tpu.memref_squeeze %gather3A_1342 : memref<1x64x128xf32, #tpu.memory_space<vmem>> -> memref<64x128xf32, #tpu.memory_space<vmem>>
    %gather3A_1344 = tpu.vector_load_idx %gather3A_1343[%add3A_1338, %broadcast_in_dim3A_1335] : memref<64x128xf32, #tpu.memory_space<vmem>>[vector<16xi32>, vector<16xi32>], vector<16xf32>,
    %swap3A_1345 = arith.constant 10 : i32
    %swap3A_1346 = arith.index_cast %swap3A_1345 : i32 to index
    %swap3A_1347 = arith.constant 0 : index
    %swap3A_1348 = tpu.vector_load %arg9[%swap3A_1346, %swap3A_1347] {strides = array<i32>} : memref<32x64xf32, #tpu.memory_space<vmem>>, vector<16xf32>,
    tpu.vector_store %arg9[%swap3A_1346, %swap3A_1347], %gather3A_1344 {strides = array<i32>} : memref<32x64xf32, #tpu.memory_space<vmem>>, vector<16xf32>,
    %add3A_1349 = arith.constant 16 : i32
    %add3A_1350 = vector.broadcast %add3A_1349 : i32 to vector<16xi32>
    %add3A_1351 = arith.addi %iota3A, %add3A_1350 : vector<16xi32>
    %gather3A_1352 = arith.constant 2 : i32
    %gather3A_1353 = arith.constant 0 : i32
    %gather3A_1354 = arith.constant 0 : i32
    %gather3A_1355 = tpu.memref_slice %arg7[%gather3A_1352, %gather3A_1353, %gather3A_1354] : memref<8x64x128xf32, #tpu.memory_space<vmem>> -> memref<1x64x128xf32, #tpu.memory_space<vmem>>
    %gather3A_1356 = tpu.memref_squeeze %gather3A_1355 : memref<1x64x128xf32, #tpu.memory_space<vmem>> -> memref<64x128xf32, #tpu.memory_space<vmem>>
    %gather3A_1357 = tpu.vector_load_idx %gather3A_1356[%add3A_1351, %broadcast_in_dim3A_1335] : memref<64x128xf32, #tpu.memory_space<vmem>>[vector<16xi32>, vector<16xi32>], vector<16xf32>,
    %swap3A_1358 = arith.constant 10 : i32
    %swap3A_1359 = arith.index_cast %swap3A_1358 : i32 to index
    %swap3A_1360 = arith.constant 16 : index
    %swap3A_1361 = tpu.vector_load %arg9[%swap3A_1359, %swap3A_1360] {strides = array<i32>} : memref<32x64xf32, #tpu.memory_space<vmem>>, vector<16xf32>,
    tpu.vector_store %arg9[%swap3A_1359, %swap3A_1360], %gather3A_1357 {strides = array<i32>} : memref<32x64xf32, #tpu.memory_space<vmem>>, vector<16xf32>,
    %add3A_1362 = arith.constant 32 : i32
    %add3A_1363 = vector.broadcast %add3A_1362 : i32 to vector<16xi32>
    %add3A_1364 = arith.addi %iota3A, %add3A_1363 : vector<16xi32>
    %gather3A_1365 = arith.constant 2 : i32
    %gather3A_1366 = arith.constant 0 : i32
    %gather3A_1367 = arith.constant 0 : i32
    %gather3A_1368 = tpu.memref_slice %arg7[%gather3A_1365, %gather3A_1366, %gather3A_1367] : memref<8x64x128xf32, #tpu.memory_space<vmem>> -> memref<1x64x128xf32, #tpu.memory_space<vmem>>
    %gather3A_1369 = tpu.memref_squeeze %gather3A_1368 : memref<1x64x128xf32, #tpu.memory_space<vmem>> -> memref<64x128xf32, #tpu.memory_space<vmem>>
    %gather3A_1370 = tpu.vector_load_idx %gather3A_1369[%add3A_1364, %broadcast_in_dim3A_1335] : memref<64x128xf32, #tpu.memory_space<vmem>>[vector<16xi32>, vector<16xi32>], vector<16xf32>,
    %swap3A_1371 = arith.constant 10 : i32
    %swap3A_1372 = arith.index_cast %swap3A_1371 : i32 to index
    %swap3A_1373 = arith.constant 32 : index
    %swap3A_1374 = tpu.vector_load %arg9[%swap3A_1372, %swap3A_1373] {strides = array<i32>} : memref<32x64xf32, #tpu.memory_space<vmem>>, vector<16xf32>,
    tpu.vector_store %arg9[%swap3A_1372, %swap3A_1373], %gather3A_1370 {strides = array<i32>} : memref<32x64xf32, #tpu.memory_space<vmem>>, vector<16xf32>,
    %add3A_1375 = arith.constant 48 : i32
    %add3A_1376 = vector.broadcast %add3A_1375 : i32 to vector<16xi32>
    %add3A_1377 = arith.addi %iota3A, %add3A_1376 : vector<16xi32>
    %gather3A_1378 = arith.constant 2 : i32
    %gather3A_1379 = arith.constant 0 : i32
    %gather3A_1380 = arith.constant 0 : i32
    %gather3A_1381 = tpu.memref_slice %arg7[%gather3A_1378, %gather3A_1379, %gather3A_1380] : memref<8x64x128xf32, #tpu.memory_space<vmem>> -> memref<1x64x128xf32, #tpu.memory_space<vmem>>
    %gather3A_1382 = tpu.memref_squeeze %gather3A_1381 : memref<1x64x128xf32, #tpu.memory_space<vmem>> -> memref<64x128xf32, #tpu.memory_space<vmem>>
    %gather3A_1383 = tpu.vector_load_idx %gather3A_1382[%add3A_1377, %broadcast_in_dim3A_1335] : memref<64x128xf32, #tpu.memory_space<vmem>>[vector<16xi32>, vector<16xi32>], vector<16xf32>,
    %swap3A_1384 = arith.constant 10 : i32
    %swap3A_1385 = arith.index_cast %swap3A_1384 : i32 to index
    %swap3A_1386 = arith.constant 48 : index
    %swap3A_1387 = tpu.vector_load %arg9[%swap3A_1385, %swap3A_1386] {strides = array<i32>} : memref<32x64xf32, #tpu.memory_space<vmem>>, vector<16xf32>,
    tpu.vector_store %arg9[%swap3A_1385, %swap3A_1386], %gather3A_1383 {strides = array<i32>} : memref<32x64xf32, #tpu.memory_space<vmem>>, vector<16xf32>,
    %convert_element_type3A_1388 = arith.extui %ge3A_99 : i1 to i32
    %cond3A_1389 = arith.constant 0 : i32
    %cond3A_1390 = arith.cmpi ne, %convert_element_type3A_1388, %cond3A_1389 : i32
    scf.if %cond3A_1390 {
      %add3A_3135 = arith.constant 0 : i32
      %add3A_3136 = vector.broadcast %add3A_3135 : i32 to vector<16xi32>
      %add3A_3137 = arith.addi %iota3A, %add3A_3136 : vector<16xi32>
      %gather3A_3138 = tpu.vector_load_idx %arg8[%add3A_3137, %broadcast_in_dim3A_1335] : memref<64x64xf32, #tpu.memory_space<vmem>>[vector<16xi32>, vector<16xi32>], vector<16xf32>,
      %swap3A_3139 = arith.constant 10 : i32
      %swap3A_3140 = arith.index_cast %swap3A_3139 : i32 to index
      %swap3A_3141 = arith.constant 0 : index
      %swap3A_3142 = tpu.vector_load %arg9[%swap3A_3140, %swap3A_3141] {strides = array<i32>} : memref<32x64xf32, #tpu.memory_space<vmem>>, vector<16xf32>,
      tpu.vector_store %arg9[%swap3A_3140, %swap3A_3141], %gather3A_3138 {strides = array<i32>} : memref<32x64xf32, #tpu.memory_space<vmem>>, vector<16xf32>,
      %add3A_3143 = arith.constant 16 : i32
      %add3A_3144 = vector.broadcast %add3A_3143 : i32 to vector<16xi32>
      %add3A_3145 = arith.addi %iota3A, %add3A_3144 : vector<16xi32>
      %gather3A_3146 = tpu.vector_load_idx %arg8[%add3A_3145, %broadcast_in_dim3A_1335] : memref<64x64xf32, #tpu.memory_space<vmem>>[vector<16xi32>, vector<16xi32>], vector<16xf32>,
      %swap3A_3147 = arith.constant 10 : i32
      %swap3A_3148 = arith.index_cast %swap3A_3147 : i32 to index
      %swap3A_3149 = arith.constant 16 : index
      %swap3A_3150 = tpu.vector_load %arg9[%swap3A_3148, %swap3A_3149] {strides = array<i32>} : memref<32x64xf32, #tpu.memory_space<vmem>>, vector<16xf32>,
      tpu.vector_store %arg9[%swap3A_3148, %swap3A_3149], %gather3A_3146 {strides = array<i32>} : memref<32x64xf32, #tpu.memory_space<vmem>>, vector<16xf32>,
      %add3A_3151 = arith.constant 32 : i32
      %add3A_3152 = vector.broadcast %add3A_3151 : i32 to vector<16xi32>
      %add3A_3153 = arith.addi %iota3A, %add3A_3152 : vector<16xi32>
      %gather3A_3154 = tpu.vector_load_idx %arg8[%add3A_3153, %broadcast_in_dim3A_1335] : memref<64x64xf32, #tpu.memory_space<vmem>>[vector<16xi32>, vector<16xi32>], vector<16xf32>,
      %swap3A_3155 = arith.constant 10 : i32
      %swap3A_3156 = arith.index_cast %swap3A_3155 : i32 to index
      %swap3A_3157 = arith.constant 32 : index
      %swap3A_3158 = tpu.vector_load %arg9[%swap3A_3156, %swap3A_3157] {strides = array<i32>} : memref<32x64xf32, #tpu.memory_space<vmem>>, vector<16xf32>,
      tpu.vector_store %arg9[%swap3A_3156, %swap3A_3157], %gather3A_3154 {strides = array<i32>} : memref<32x64xf32, #tpu.memory_space<vmem>>, vector<16xf32>,
      %add3A_3159 = arith.constant 48 : i32
      %add3A_3160 = vector.broadcast %add3A_3159 : i32 to vector<16xi32>
      %add3A_3161 = arith.addi %iota3A, %add3A_3160 : vector<16xi32>
      %gather3A_3162 = tpu.vector_load_idx %arg8[%add3A_3161, %broadcast_in_dim3A_1335] : memref<64x64xf32, #tpu.memory_space<vmem>>[vector<16xi32>, vector<16xi32>], vector<16xf32>,
      %swap3A_3163 = arith.constant 10 : i32
      %swap3A_3164 = arith.index_cast %swap3A_3163 : i32 to index
      %swap3A_3165 = arith.constant 48 : index
      %swap3A_3166 = tpu.vector_load %arg9[%swap3A_3164, %swap3A_3165] {strides = array<i32>} : memref<32x64xf32, #tpu.memory_space<vmem>>, vector<16xf32>,
      tpu.vector_store %arg9[%swap3A_3164, %swap3A_3165], %gather3A_3162 {strides = array<i32>} : memref<32x64xf32, #tpu.memory_space<vmem>>, vector<16xf32>,
    } else {
    }
    %dma_start3A_1391 = arith.constant 2 : i32
    %dma_start3A_1392 = arith.constant 2 : i32
    %dma_start3A_1393 = arith.constant 0 : i32
    %dma_start3A_1394 = arith.constant 0 : i32
    %dma_start3A_1395 = tpu.memref_slice %arg7[%dma_start3A_1391, %dma_start3A_1393, %dma_start3A_1394] : memref<8x64x128xf32, #tpu.memory_space<vmem>> -> memref<1x64x128xf32, #tpu.memory_space<vmem>>
    %dma_start3A_1396 = tpu.memref_squeeze %dma_start3A_1395 : memref<1x64x128xf32, #tpu.memory_space<vmem>> -> memref<64x128xf32, #tpu.memory_space<vmem>>
    %dma_start3A_1397 = arith.constant 0 : i32
    %dma_start3A_1398 = tpu.memref_slice %arg2[%dma_start3A_1397, %multiple_of3A_187] : memref<64x1000000xf32, #tpu.memory_space<hbm>> -> memref<64x128xf32, #tpu.memory_space<hbm>>
    %dma_start3A_1399 = tpu.memref_slice %arg10[%dma_start3A_1392] : memref<8x!tpu.dma_semaphore, #tpu.memory_space<semaphore_mem>> -> memref<1x!tpu.dma_semaphore, #tpu.memory_space<semaphore_mem>>
    %dma_start3A_1400 = tpu.memref_squeeze %dma_start3A_1399 : memref<1x!tpu.dma_semaphore, #tpu.memory_space<semaphore_mem>> -> memref<!tpu.dma_semaphore, #tpu.memory_space<semaphore_mem>>
    %dma_start3A_1401 = arith.constant 0 : i32
    %dma_start3A_1402 = arith.constant 0 : i32
    %dma_start3A_1403 = tpu.memref_slice %arg7[%dma_start3A_1391, %dma_start3A_1401, %dma_start3A_1402] : memref<8x64x128xf32, #tpu.memory_space<vmem>> -> memref<1x64x128xf32, #tpu.memory_space<vmem>>
    %dma_start3A_1404 = tpu.memref_squeeze %dma_start3A_1403 : memref<1x64x128xf32, #tpu.memory_space<vmem>> -> memref<64x128xf32, #tpu.memory_space<vmem>>
    %dma_start3A_1405 = arith.constant 0 : i32
    %dma_start3A_1406 = tpu.memref_slice %arg2[%dma_start3A_1405, %multiple_of3A_187] : memref<64x1000000xf32, #tpu.memory_space<hbm>> -> memref<64x128xf32, #tpu.memory_space<hbm>>
    tpu.enqueue_dma source(%dma_start3A_1406 : memref<64x128xf32, #tpu.memory_space<hbm>>) target(%dma_start3A_1404 : memref<64x128xf32, #tpu.memory_space<vmem>>) target_semaphore(%dma_start3A_1400 : memref<!tpu.dma_semaphore, #tpu.memory_space<semaphore_mem>>)
    %dma_wait3A_1407 = arith.constant 3 : i32
    %dma_wait3A_1408 = arith.constant 3 : i32
    %dma_wait3A_1409 = arith.constant 0 : i32
    %dma_wait3A_1410 = arith.constant 0 : i32
    %dma_wait3A_1411 = tpu.memref_slice %arg7[%dma_wait3A_1407, %dma_wait3A_1409, %dma_wait3A_1410] : memref<8x64x128xf32, #tpu.memory_space<vmem>> -> memref<1x64x128xf32, #tpu.memory_space<vmem>>
    %dma_wait3A_1412 = tpu.memref_squeeze %dma_wait3A_1411 : memref<1x64x128xf32, #tpu.memory_space<vmem>> -> memref<64x128xf32, #tpu.memory_space<vmem>>
    %dma_wait3A_1413 = arith.constant 0 : i32
    %dma_wait3A_1414 = tpu.memref_slice %arg2[%dma_wait3A_1413, %multiple_of3A_115] : memref<64x1000000xf32, #tpu.memory_space<hbm>> -> memref<64x128xf32, #tpu.memory_space<hbm>>
    %dma_wait3A_1415 = tpu.memref_slice %arg10[%dma_wait3A_1408] : memref<8x!tpu.dma_semaphore, #tpu.memory_space<semaphore_mem>> -> memref<1x!tpu.dma_semaphore, #tpu.memory_space<semaphore_mem>>
    %dma_wait3A_1416 = tpu.memref_squeeze %dma_wait3A_1415 : memref<1x!tpu.dma_semaphore, #tpu.memory_space<semaphore_mem>> -> memref<!tpu.dma_semaphore, #tpu.memory_space<semaphore_mem>>
    %dma_wait3A_1417 = arith.constant 0 : i32
    %dma_wait3A_1418 = arith.constant 0 : i32
    %dma_wait3A_1419 = tpu.memref_slice %arg7[%dma_wait3A_1407, %dma_wait3A_1417, %dma_wait3A_1418] : memref<8x64x128xf32, #tpu.memory_space<vmem>> -> memref<1x64x128xf32, #tpu.memory_space<vmem>>
    %dma_wait3A_1420 = tpu.memref_squeeze %dma_wait3A_1419 : memref<1x64x128xf32, #tpu.memory_space<vmem>> -> memref<64x128xf32, #tpu.memory_space<vmem>>
    %dma_wait3A_1421 = arith.constant 0 : i32
    %dma_wait3A_1422 = tpu.memref_slice %arg2[%dma_wait3A_1421, %multiple_of3A_115] : memref<64x1000000xf32, #tpu.memory_space<hbm>> -> memref<64x128xf32, #tpu.memory_space<hbm>>
    tpu.wait_dma2 semaphore(%dma_wait3A_1416 : memref<!tpu.dma_semaphore, #tpu.memory_space<semaphore_mem>>) src(%dma_wait3A_1422 : memref<64x128xf32, #tpu.memory_space<hbm>>) dst(%dma_wait3A_1420 : memref<64x128xf32, #tpu.memory_space<vmem>>)
    %broadcast_in_dim3A_1423 = vector.broadcast %rem3A_111 : i32 to vector<16xi32>
    %add3A_1424 = arith.constant 0 : i32
    %add3A_1425 = vector.broadcast %add3A_1424 : i32 to vector<16xi32>
    %add3A_1426 = arith.addi %iota3A, %add3A_1425 : vector<16xi32>
    %gather3A_1427 = arith.constant 3 : i32
    %gather3A_1428 = arith.constant 0 : i32
    %gather3A_1429 = arith.constant 0 : i32
    %gather3A_1430 = tpu.memref_slice %arg7[%gather3A_1427, %gather3A_1428, %gather3A_1429] : memref<8x64x128xf32, #tpu.memory_space<vmem>> -> memref<1x64x128xf32, #tpu.memory_space<vmem>>
    %gather3A_1431 = tpu.memref_squeeze %gather3A_1430 : memref<1x64x128xf32, #tpu.memory_space<vmem>> -> memref<64x128xf32, #tpu.memory_space<vmem>>
    %gather3A_1432 = tpu.vector_load_idx %gather3A_1431[%add3A_1426, %broadcast_in_dim3A_1423] : memref<64x128xf32, #tpu.memory_space<vmem>>[vector<16xi32>, vector<16xi32>], vector<16xf32>,
    %swap3A_1433 = arith.constant 11 : i32
    %swap3A_1434 = arith.index_cast %swap3A_1433 : i32 to index
    %swap3A_1435 = arith.constant 0 : index
    %swap3A_1436 = tpu.vector_load %arg9[%swap3A_1434, %swap3A_1435] {strides = array<i32>} : memref<32x64xf32, #tpu.memory_space<vmem>>, vector<16xf32>,
    tpu.vector_store %arg9[%swap3A_1434, %swap3A_1435], %gather3A_1432 {strides = array<i32>} : memref<32x64xf32, #tpu.memory_space<vmem>>, vector<16xf32>,
    %add3A_1437 = arith.constant 16 : i32
    %add3A_1438 = vector.broadcast %add3A_1437 : i32 to vector<16xi32>
    %add3A_1439 = arith.addi %iota3A, %add3A_1438 : vector<16xi32>
    %gather3A_1440 = arith.constant 3 : i32
    %gather3A_1441 = arith.constant 0 : i32
    %gather3A_1442 = arith.constant 0 : i32
    %gather3A_1443 = tpu.memref_slice %arg7[%gather3A_1440, %gather3A_1441, %gather3A_1442] : memref<8x64x128xf32, #tpu.memory_space<vmem>> -> memref<1x64x128xf32, #tpu.memory_space<vmem>>
    %gather3A_1444 = tpu.memref_squeeze %gather3A_1443 : memref<1x64x128xf32, #tpu.memory_space<vmem>> -> memref<64x128xf32, #tpu.memory_space<vmem>>
    %gather3A_1445 = tpu.vector_load_idx %gather3A_1444[%add3A_1439, %broadcast_in_dim3A_1423] : memref<64x128xf32, #tpu.memory_space<vmem>>[vector<16xi32>, vector<16xi32>], vector<16xf32>,
    %swap3A_1446 = arith.constant 11 : i32
    %swap3A_1447 = arith.index_cast %swap3A_1446 : i32 to index
    %swap3A_1448 = arith.constant 16 : index
    %swap3A_1449 = tpu.vector_load %arg9[%swap3A_1447, %swap3A_1448] {strides = array<i32>} : memref<32x64xf32, #tpu.memory_space<vmem>>, vector<16xf32>,
    tpu.vector_store %arg9[%swap3A_1447, %swap3A_1448], %gather3A_1445 {strides = array<i32>} : memref<32x64xf32, #tpu.memory_space<vmem>>, vector<16xf32>,
    %add3A_1450 = arith.constant 32 : i32
    %add3A_1451 = vector.broadcast %add3A_1450 : i32 to vector<16xi32>
    %add3A_1452 = arith.addi %iota3A, %add3A_1451 : vector<16xi32>
    %gather3A_1453 = arith.constant 3 : i32
    %gather3A_1454 = arith.constant 0 : i32
    %gather3A_1455 = arith.constant 0 : i32
    %gather3A_1456 = tpu.memref_slice %arg7[%gather3A_1453, %gather3A_1454, %gather3A_1455] : memref<8x64x128xf32, #tpu.memory_space<vmem>> -> memref<1x64x128xf32, #tpu.memory_space<vmem>>
    %gather3A_1457 = tpu.memref_squeeze %gather3A_1456 : memref<1x64x128xf32, #tpu.memory_space<vmem>> -> memref<64x128xf32, #tpu.memory_space<vmem>>
    %gather3A_1458 = tpu.vector_load_idx %gather3A_1457[%add3A_1452, %broadcast_in_dim3A_1423] : memref<64x128xf32, #tpu.memory_space<vmem>>[vector<16xi32>, vector<16xi32>], vector<16xf32>,
    %swap3A_1459 = arith.constant 11 : i32
    %swap3A_1460 = arith.index_cast %swap3A_1459 : i32 to index
    %swap3A_1461 = arith.constant 32 : index
    %swap3A_1462 = tpu.vector_load %arg9[%swap3A_1460, %swap3A_1461] {strides = array<i32>} : memref<32x64xf32, #tpu.memory_space<vmem>>, vector<16xf32>,
    tpu.vector_store %arg9[%swap3A_1460, %swap3A_1461], %gather3A_1458 {strides = array<i32>} : memref<32x64xf32, #tpu.memory_space<vmem>>, vector<16xf32>,
    %add3A_1463 = arith.constant 48 : i32
    %add3A_1464 = vector.broadcast %add3A_1463 : i32 to vector<16xi32>
    %add3A_1465 = arith.addi %iota3A, %add3A_1464 : vector<16xi32>
    %gather3A_1466 = arith.constant 3 : i32
    %gather3A_1467 = arith.constant 0 : i32
    %gather3A_1468 = arith.constant 0 : i32
    %gather3A_1469 = tpu.memref_slice %arg7[%gather3A_1466, %gather3A_1467, %gather3A_1468] : memref<8x64x128xf32, #tpu.memory_space<vmem>> -> memref<1x64x128xf32, #tpu.memory_space<vmem>>
    %gather3A_1470 = tpu.memref_squeeze %gather3A_1469 : memref<1x64x128xf32, #tpu.memory_space<vmem>> -> memref<64x128xf32, #tpu.memory_space<vmem>>
    %gather3A_1471 = tpu.vector_load_idx %gather3A_1470[%add3A_1465, %broadcast_in_dim3A_1423] : memref<64x128xf32, #tpu.memory_space<vmem>>[vector<16xi32>, vector<16xi32>], vector<16xf32>,
    %swap3A_1472 = arith.constant 11 : i32
    %swap3A_1473 = arith.index_cast %swap3A_1472 : i32 to index
    %swap3A_1474 = arith.constant 48 : index
    %swap3A_1475 = tpu.vector_load %arg9[%swap3A_1473, %swap3A_1474] {strides = array<i32>} : memref<32x64xf32, #tpu.memory_space<vmem>>, vector<16xf32>,
    tpu.vector_store %arg9[%swap3A_1473, %swap3A_1474], %gather3A_1471 {strides = array<i32>} : memref<32x64xf32, #tpu.memory_space<vmem>>, vector<16xf32>,
    %convert_element_type3A_1476 = arith.extui %ge3A_109 : i1 to i32
    %cond3A_1477 = arith.constant 0 : i32
    %cond3A_1478 = arith.cmpi ne, %convert_element_type3A_1476, %cond3A_1477 : i32
    scf.if %cond3A_1478 {
      %add3A_3135 = arith.constant 0 : i32
      %add3A_3136 = vector.broadcast %add3A_3135 : i32 to vector<16xi32>
      %add3A_3137 = arith.addi %iota3A, %add3A_3136 : vector<16xi32>
      %gather3A_3138 = tpu.vector_load_idx %arg8[%add3A_3137, %broadcast_in_dim3A_1423] : memref<64x64xf32, #tpu.memory_space<vmem>>[vector<16xi32>, vector<16xi32>], vector<16xf32>,
      %swap3A_3139 = arith.constant 11 : i32
      %swap3A_3140 = arith.index_cast %swap3A_3139 : i32 to index
      %swap3A_3141 = arith.constant 0 : index
      %swap3A_3142 = tpu.vector_load %arg9[%swap3A_3140, %swap3A_3141] {strides = array<i32>} : memref<32x64xf32, #tpu.memory_space<vmem>>, vector<16xf32>,
      tpu.vector_store %arg9[%swap3A_3140, %swap3A_3141], %gather3A_3138 {strides = array<i32>} : memref<32x64xf32, #tpu.memory_space<vmem>>, vector<16xf32>,
      %add3A_3143 = arith.constant 16 : i32
      %add3A_3144 = vector.broadcast %add3A_3143 : i32 to vector<16xi32>
      %add3A_3145 = arith.addi %iota3A, %add3A_3144 : vector<16xi32>
      %gather3A_3146 = tpu.vector_load_idx %arg8[%add3A_3145, %broadcast_in_dim3A_1423] : memref<64x64xf32, #tpu.memory_space<vmem>>[vector<16xi32>, vector<16xi32>], vector<16xf32>,
      %swap3A_3147 = arith.constant 11 : i32
      %swap3A_3148 = arith.index_cast %swap3A_3147 : i32 to index
      %swap3A_3149 = arith.constant 16 : index
      %swap3A_3150 = tpu.vector_load %arg9[%swap3A_3148, %swap3A_3149] {strides = array<i32>} : memref<32x64xf32, #tpu.memory_space<vmem>>, vector<16xf32>,
      tpu.vector_store %arg9[%swap3A_3148, %swap3A_3149], %gather3A_3146 {strides = array<i32>} : memref<32x64xf32, #tpu.memory_space<vmem>>, vector<16xf32>,
      %add3A_3151 = arith.constant 32 : i32
      %add3A_3152 = vector.broadcast %add3A_3151 : i32 to vector<16xi32>
      %add3A_3153 = arith.addi %iota3A, %add3A_3152 : vector<16xi32>
      %gather3A_3154 = tpu.vector_load_idx %arg8[%add3A_3153, %broadcast_in_dim3A_1423] : memref<64x64xf32, #tpu.memory_space<vmem>>[vector<16xi32>, vector<16xi32>], vector<16xf32>,
      %swap3A_3155 = arith.constant 11 : i32
      %swap3A_3156 = arith.index_cast %swap3A_3155 : i32 to index
      %swap3A_3157 = arith.constant 32 : index
      %swap3A_3158 = tpu.vector_load %arg9[%swap3A_3156, %swap3A_3157] {strides = array<i32>} : memref<32x64xf32, #tpu.memory_space<vmem>>, vector<16xf32>,
      tpu.vector_store %arg9[%swap3A_3156, %swap3A_3157], %gather3A_3154 {strides = array<i32>} : memref<32x64xf32, #tpu.memory_space<vmem>>, vector<16xf32>,
      %add3A_3159 = arith.constant 48 : i32
      %add3A_3160 = vector.broadcast %add3A_3159 : i32 to vector<16xi32>
      %add3A_3161 = arith.addi %iota3A, %add3A_3160 : vector<16xi32>
      %gather3A_3162 = tpu.vector_load_idx %arg8[%add3A_3161, %broadcast_in_dim3A_1423] : memref<64x64xf32, #tpu.memory_space<vmem>>[vector<16xi32>, vector<16xi32>], vector<16xf32>,
      %swap3A_3163 = arith.constant 11 : i32
      %swap3A_3164 = arith.index_cast %swap3A_3163 : i32 to index
      %swap3A_3165 = arith.constant 48 : index
      %swap3A_3166 = tpu.vector_load %arg9[%swap3A_3164, %swap3A_3165] {strides = array<i32>} : memref<32x64xf32, #tpu.memory_space<vmem>>, vector<16xf32>,
      tpu.vector_store %arg9[%swap3A_3164, %swap3A_3165], %gather3A_3162 {strides = array<i32>} : memref<32x64xf32, #tpu.memory_space<vmem>>, vector<16xf32>,
    } else {
    }
    %dma_start3A_1479 = arith.constant 3 : i32
    %dma_start3A_1480 = arith.constant 3 : i32
    %dma_start3A_1481 = arith.constant 0 : i32
    %dma_start3A_1482 = arith.constant 0 : i32
    %dma_start3A_1483 = tpu.memref_slice %arg7[%dma_start3A_1479, %dma_start3A_1481, %dma_start3A_1482] : memref<8x64x128xf32, #tpu.memory_space<vmem>> -> memref<1x64x128xf32, #tpu.memory_space<vmem>>
    %dma_start3A_1484 = tpu.memref_squeeze %dma_start3A_1483 : memref<1x64x128xf32, #tpu.memory_space<vmem>> -> memref<64x128xf32, #tpu.memory_space<vmem>>
    %dma_start3A_1485 = arith.constant 0 : i32
    %dma_start3A_1486 = tpu.memref_slice %arg2[%dma_start3A_1485, %multiple_of3A_197] : memref<64x1000000xf32, #tpu.memory_space<hbm>> -> memref<64x128xf32, #tpu.memory_space<hbm>>
    %dma_start3A_1487 = tpu.memref_slice %arg10[%dma_start3A_1480] : memref<8x!tpu.dma_semaphore, #tpu.memory_space<semaphore_mem>> -> memref<1x!tpu.dma_semaphore, #tpu.memory_space<semaphore_mem>>
    %dma_start3A_1488 = tpu.memref_squeeze %dma_start3A_1487 : memref<1x!tpu.dma_semaphore, #tpu.memory_space<semaphore_mem>> -> memref<!tpu.dma_semaphore, #tpu.memory_space<semaphore_mem>>
    %dma_start3A_1489 = arith.constant 0 : i32
    %dma_start3A_1490 = arith.constant 0 : i32
    %dma_start3A_1491 = tpu.memref_slice %arg7[%dma_start3A_1479, %dma_start3A_1489, %dma_start3A_1490] : memref<8x64x128xf32, #tpu.memory_space<vmem>> -> memref<1x64x128xf32, #tpu.memory_space<vmem>>
    %dma_start3A_1492 = tpu.memref_squeeze %dma_start3A_1491 : memref<1x64x128xf32, #tpu.memory_space<vmem>> -> memref<64x128xf32, #tpu.memory_space<vmem>>
    %dma_start3A_1493 = arith.constant 0 : i32
    %dma_start3A_1494 = tpu.memref_slice %arg2[%dma_start3A_1493, %multiple_of3A_197] : memref<64x1000000xf32, #tpu.memory_space<hbm>> -> memref<64x128xf32, #tpu.memory_space<hbm>>
    tpu.enqueue_dma source(%dma_start3A_1494 : memref<64x128xf32, #tpu.memory_space<hbm>>) target(%dma_start3A_1492 : memref<64x128xf32, #tpu.memory_space<vmem>>) target_semaphore(%dma_start3A_1488 : memref<!tpu.dma_semaphore, #tpu.memory_space<semaphore_mem>>)
    %dma_wait3A_1495 = arith.constant 4 : i32
    %dma_wait3A_1496 = arith.constant 4 : i32
    %dma_wait3A_1497 = arith.constant 0 : i32
    %dma_wait3A_1498 = arith.constant 0 : i32
    %dma_wait3A_1499 = tpu.memref_slice %arg7[%dma_wait3A_1495, %dma_wait3A_1497, %dma_wait3A_1498] : memref<8x64x128xf32, #tpu.memory_space<vmem>> -> memref<1x64x128xf32, #tpu.memory_space<vmem>>
    %dma_wait3A_1500 = tpu.memref_squeeze %dma_wait3A_1499 : memref<1x64x128xf32, #tpu.memory_space<vmem>> -> memref<64x128xf32, #tpu.memory_space<vmem>>
    %dma_wait3A_1501 = arith.constant 0 : i32
    %dma_wait3A_1502 = tpu.memref_slice %arg2[%dma_wait3A_1501, %multiple_of3A_125] : memref<64x1000000xf32, #tpu.memory_space<hbm>> -> memref<64x128xf32, #tpu.memory_space<hbm>>
    %dma_wait3A_1503 = tpu.memref_slice %arg10[%dma_wait3A_1496] : memref<8x!tpu.dma_semaphore, #tpu.memory_space<semaphore_mem>> -> memref<1x!tpu.dma_semaphore, #tpu.memory_space<semaphore_mem>>
    %dma_wait3A_1504 = tpu.memref_squeeze %dma_wait3A_1503 : memref<1x!tpu.dma_semaphore, #tpu.memory_space<semaphore_mem>> -> memref<!tpu.dma_semaphore, #tpu.memory_space<semaphore_mem>>
    %dma_wait3A_1505 = arith.constant 0 : i32
    %dma_wait3A_1506 = arith.constant 0 : i32
    %dma_wait3A_1507 = tpu.memref_slice %arg7[%dma_wait3A_1495, %dma_wait3A_1505, %dma_wait3A_1506] : memref<8x64x128xf32, #tpu.memory_space<vmem>> -> memref<1x64x128xf32, #tpu.memory_space<vmem>>
    %dma_wait3A_1508 = tpu.memref_squeeze %dma_wait3A_1507 : memref<1x64x128xf32, #tpu.memory_space<vmem>> -> memref<64x128xf32, #tpu.memory_space<vmem>>
    %dma_wait3A_1509 = arith.constant 0 : i32
    %dma_wait3A_1510 = tpu.memref_slice %arg2[%dma_wait3A_1509, %multiple_of3A_125] : memref<64x1000000xf32, #tpu.memory_space<hbm>> -> memref<64x128xf32, #tpu.memory_space<hbm>>
    tpu.wait_dma2 semaphore(%dma_wait3A_1504 : memref<!tpu.dma_semaphore, #tpu.memory_space<semaphore_mem>>) src(%dma_wait3A_1510 : memref<64x128xf32, #tpu.memory_space<hbm>>) dst(%dma_wait3A_1508 : memref<64x128xf32, #tpu.memory_space<vmem>>)
    %broadcast_in_dim3A_1511 = vector.broadcast %rem3A_121 : i32 to vector<16xi32>
    %add3A_1512 = arith.constant 0 : i32
    %add3A_1513 = vector.broadcast %add3A_1512 : i32 to vector<16xi32>
    %add3A_1514 = arith.addi %iota3A, %add3A_1513 : vector<16xi32>
    %gather3A_1515 = arith.constant 4 : i32
    %gather3A_1516 = arith.constant 0 : i32
    %gather3A_1517 = arith.constant 0 : i32
    %gather3A_1518 = tpu.memref_slice %arg7[%gather3A_1515, %gather3A_1516, %gather3A_1517] : memref<8x64x128xf32, #tpu.memory_space<vmem>> -> memref<1x64x128xf32, #tpu.memory_space<vmem>>
    %gather3A_1519 = tpu.memref_squeeze %gather3A_1518 : memref<1x64x128xf32, #tpu.memory_space<vmem>> -> memref<64x128xf32, #tpu.memory_space<vmem>>
    %gather3A_1520 = tpu.vector_load_idx %gather3A_1519[%add3A_1514, %broadcast_in_dim3A_1511] : memref<64x128xf32, #tpu.memory_space<vmem>>[vector<16xi32>, vector<16xi32>], vector<16xf32>,
    %swap3A_1521 = arith.constant 12 : i32
    %swap3A_1522 = arith.index_cast %swap3A_1521 : i32 to index
    %swap3A_1523 = arith.constant 0 : index
    %swap3A_1524 = tpu.vector_load %arg9[%swap3A_1522, %swap3A_1523] {strides = array<i32>} : memref<32x64xf32, #tpu.memory_space<vmem>>, vector<16xf32>,
    tpu.vector_store %arg9[%swap3A_1522, %swap3A_1523], %gather3A_1520 {strides = array<i32>} : memref<32x64xf32, #tpu.memory_space<vmem>>, vector<16xf32>,
    %add3A_1525 = arith.constant 16 : i32
    %add3A_1526 = vector.broadcast %add3A_1525 : i32 to vector<16xi32>
    %add3A_1527 = arith.addi %iota3A, %add3A_1526 : vector<16xi32>
    %gather3A_1528 = arith.constant 4 : i32
    %gather3A_1529 = arith.constant 0 : i32
    %gather3A_1530 = arith.constant 0 : i32
    %gather3A_1531 = tpu.memref_slice %arg7[%gather3A_1528, %gather3A_1529, %gather3A_1530] : memref<8x64x128xf32, #tpu.memory_space<vmem>> -> memref<1x64x128xf32, #tpu.memory_space<vmem>>
    %gather3A_1532 = tpu.memref_squeeze %gather3A_1531 : memref<1x64x128xf32, #tpu.memory_space<vmem>> -> memref<64x128xf32, #tpu.memory_space<vmem>>
    %gather3A_1533 = tpu.vector_load_idx %gather3A_1532[%add3A_1527, %broadcast_in_dim3A_1511] : memref<64x128xf32, #tpu.memory_space<vmem>>[vector<16xi32>, vector<16xi32>], vector<16xf32>,
    %swap3A_1534 = arith.constant 12 : i32
    %swap3A_1535 = arith.index_cast %swap3A_1534 : i32 to index
    %swap3A_1536 = arith.constant 16 : index
    %swap3A_1537 = tpu.vector_load %arg9[%swap3A_1535, %swap3A_1536] {strides = array<i32>} : memref<32x64xf32, #tpu.memory_space<vmem>>, vector<16xf32>,
    tpu.vector_store %arg9[%swap3A_1535, %swap3A_1536], %gather3A_1533 {strides = array<i32>} : memref<32x64xf32, #tpu.memory_space<vmem>>, vector<16xf32>,
    %add3A_1538 = arith.constant 32 : i32
    %add3A_1539 = vector.broadcast %add3A_1538 : i32 to vector<16xi32>
    %add3A_1540 = arith.addi %iota3A, %add3A_1539 : vector<16xi32>
    %gather3A_1541 = arith.constant 4 : i32
    %gather3A_1542 = arith.constant 0 : i32
    %gather3A_1543 = arith.constant 0 : i32
    %gather3A_1544 = tpu.memref_slice %arg7[%gather3A_1541, %gather3A_1542, %gather3A_1543] : memref<8x64x128xf32, #tpu.memory_space<vmem>> -> memref<1x64x128xf32, #tpu.memory_space<vmem>>
    %gather3A_1545 = tpu.memref_squeeze %gather3A_1544 : memref<1x64x128xf32, #tpu.memory_space<vmem>> -> memref<64x128xf32, #tpu.memory_space<vmem>>
    %gather3A_1546 = tpu.vector_load_idx %gather3A_1545[%add3A_1540, %broadcast_in_dim3A_1511] : memref<64x128xf32, #tpu.memory_space<vmem>>[vector<16xi32>, vector<16xi32>], vector<16xf32>,
    %swap3A_1547 = arith.constant 12 : i32
    %swap3A_1548 = arith.index_cast %swap3A_1547 : i32 to index
    %swap3A_1549 = arith.constant 32 : index
    %swap3A_1550 = tpu.vector_load %arg9[%swap3A_1548, %swap3A_1549] {strides = array<i32>} : memref<32x64xf32, #tpu.memory_space<vmem>>, vector<16xf32>,
    tpu.vector_store %arg9[%swap3A_1548, %swap3A_1549], %gather3A_1546 {strides = array<i32>} : memref<32x64xf32, #tpu.memory_space<vmem>>, vector<16xf32>,
    %add3A_1551 = arith.constant 48 : i32
    %add3A_1552 = vector.broadcast %add3A_1551 : i32 to vector<16xi32>
    %add3A_1553 = arith.addi %iota3A, %add3A_1552 : vector<16xi32>
    %gather3A_1554 = arith.constant 4 : i32
    %gather3A_1555 = arith.constant 0 : i32
    %gather3A_1556 = arith.constant 0 : i32
    %gather3A_1557 = tpu.memref_slice %arg7[%gather3A_1554, %gather3A_1555, %gather3A_1556] : memref<8x64x128xf32, #tpu.memory_space<vmem>> -> memref<1x64x128xf32, #tpu.memory_space<vmem>>
    %gather3A_1558 = tpu.memref_squeeze %gather3A_1557 : memref<1x64x128xf32, #tpu.memory_space<vmem>> -> memref<64x128xf32, #tpu.memory_space<vmem>>
    %gather3A_1559 = tpu.vector_load_idx %gather3A_1558[%add3A_1553, %broadcast_in_dim3A_1511] : memref<64x128xf32, #tpu.memory_space<vmem>>[vector<16xi32>, vector<16xi32>], vector<16xf32>,
    %swap3A_1560 = arith.constant 12 : i32
    %swap3A_1561 = arith.index_cast %swap3A_1560 : i32 to index
    %swap3A_1562 = arith.constant 48 : index
    %swap3A_1563 = tpu.vector_load %arg9[%swap3A_1561, %swap3A_1562] {strides = array<i32>} : memref<32x64xf32, #tpu.memory_space<vmem>>, vector<16xf32>,
    tpu.vector_store %arg9[%swap3A_1561, %swap3A_1562], %gather3A_1559 {strides = array<i32>} : memref<32x64xf32, #tpu.memory_space<vmem>>, vector<16xf32>,
    %convert_element_type3A_1564 = arith.extui %ge3A_119 : i1 to i32
    %cond3A_1565 = arith.constant 0 : i32
    %cond3A_1566 = arith.cmpi ne, %convert_element_type3A_1564, %cond3A_1565 : i32
    scf.if %cond3A_1566 {
      %add3A_3135 = arith.constant 0 : i32
      %add3A_3136 = vector.broadcast %add3A_3135 : i32 to vector<16xi32>
      %add3A_3137 = arith.addi %iota3A, %add3A_3136 : vector<16xi32>
      %gather3A_3138 = tpu.vector_load_idx %arg8[%add3A_3137, %broadcast_in_dim3A_1511] : memref<64x64xf32, #tpu.memory_space<vmem>>[vector<16xi32>, vector<16xi32>], vector<16xf32>,
      %swap3A_3139 = arith.constant 12 : i32
      %swap3A_3140 = arith.index_cast %swap3A_3139 : i32 to index
      %swap3A_3141 = arith.constant 0 : index
      %swap3A_3142 = tpu.vector_load %arg9[%swap3A_3140, %swap3A_3141] {strides = array<i32>} : memref<32x64xf32, #tpu.memory_space<vmem>>, vector<16xf32>,
      tpu.vector_store %arg9[%swap3A_3140, %swap3A_3141], %gather3A_3138 {strides = array<i32>} : memref<32x64xf32, #tpu.memory_space<vmem>>, vector<16xf32>,
      %add3A_3143 = arith.constant 16 : i32
      %add3A_3144 = vector.broadcast %add3A_3143 : i32 to vector<16xi32>
      %add3A_3145 = arith.addi %iota3A, %add3A_3144 : vector<16xi32>
      %gather3A_3146 = tpu.vector_load_idx %arg8[%add3A_3145, %broadcast_in_dim3A_1511] : memref<64x64xf32, #tpu.memory_space<vmem>>[vector<16xi32>, vector<16xi32>], vector<16xf32>,
      %swap3A_3147 = arith.constant 12 : i32
      %swap3A_3148 = arith.index_cast %swap3A_3147 : i32 to index
      %swap3A_3149 = arith.constant 16 : index
      %swap3A_3150 = tpu.vector_load %arg9[%swap3A_3148, %swap3A_3149] {strides = array<i32>} : memref<32x64xf32, #tpu.memory_space<vmem>>, vector<16xf32>,
      tpu.vector_store %arg9[%swap3A_3148, %swap3A_3149], %gather3A_3146 {strides = array<i32>} : memref<32x64xf32, #tpu.memory_space<vmem>>, vector<16xf32>,
      %add3A_3151 = arith.constant 32 : i32
      %add3A_3152 = vector.broadcast %add3A_3151 : i32 to vector<16xi32>
      %add3A_3153 = arith.addi %iota3A, %add3A_3152 : vector<16xi32>
      %gather3A_3154 = tpu.vector_load_idx %arg8[%add3A_3153, %broadcast_in_dim3A_1511] : memref<64x64xf32, #tpu.memory_space<vmem>>[vector<16xi32>, vector<16xi32>], vector<16xf32>,
      %swap3A_3155 = arith.constant 12 : i32
      %swap3A_3156 = arith.index_cast %swap3A_3155 : i32 to index
      %swap3A_3157 = arith.constant 32 : index
      %swap3A_3158 = tpu.vector_load %arg9[%swap3A_3156, %swap3A_3157] {strides = array<i32>} : memref<32x64xf32, #tpu.memory_space<vmem>>, vector<16xf32>,
      tpu.vector_store %arg9[%swap3A_3156, %swap3A_3157], %gather3A_3154 {strides = array<i32>} : memref<32x64xf32, #tpu.memory_space<vmem>>, vector<16xf32>,
      %add3A_3159 = arith.constant 48 : i32
      %add3A_3160 = vector.broadcast %add3A_3159 : i32 to vector<16xi32>
      %add3A_3161 = arith.addi %iota3A, %add3A_3160 : vector<16xi32>
      %gather3A_3162 = tpu.vector_load_idx %arg8[%add3A_3161, %broadcast_in_dim3A_1511] : memref<64x64xf32, #tpu.memory_space<vmem>>[vector<16xi32>, vector<16xi32>], vector<16xf32>,
      %swap3A_3163 = arith.constant 12 : i32
      %swap3A_3164 = arith.index_cast %swap3A_3163 : i32 to index
      %swap3A_3165 = arith.constant 48 : index
      %swap3A_3166 = tpu.vector_load %arg9[%swap3A_3164, %swap3A_3165] {strides = array<i32>} : memref<32x64xf32, #tpu.memory_space<vmem>>, vector<16xf32>,
      tpu.vector_store %arg9[%swap3A_3164, %swap3A_3165], %gather3A_3162 {strides = array<i32>} : memref<32x64xf32, #tpu.memory_space<vmem>>, vector<16xf32>,
    } else {
    }
    %dma_start3A_1567 = arith.constant 4 : i32
    %dma_start3A_1568 = arith.constant 4 : i32
    %dma_start3A_1569 = arith.constant 0 : i32
    %dma_start3A_1570 = arith.constant 0 : i32
    %dma_start3A_1571 = tpu.memref_slice %arg7[%dma_start3A_1567, %dma_start3A_1569, %dma_start3A_1570] : memref<8x64x128xf32, #tpu.memory_space<vmem>> -> memref<1x64x128xf32, #tpu.memory_space<vmem>>
    %dma_start3A_1572 = tpu.memref_squeeze %dma_start3A_1571 : memref<1x64x128xf32, #tpu.memory_space<vmem>> -> memref<64x128xf32, #tpu.memory_space<vmem>>
    %dma_start3A_1573 = arith.constant 0 : i32
    %dma_start3A_1574 = tpu.memref_slice %arg2[%dma_start3A_1573, %multiple_of3A_207] : memref<64x1000000xf32, #tpu.memory_space<hbm>> -> memref<64x128xf32, #tpu.memory_space<hbm>>
    %dma_start3A_1575 = tpu.memref_slice %arg10[%dma_start3A_1568] : memref<8x!tpu.dma_semaphore, #tpu.memory_space<semaphore_mem>> -> memref<1x!tpu.dma_semaphore, #tpu.memory_space<semaphore_mem>>
    %dma_start3A_1576 = tpu.memref_squeeze %dma_start3A_1575 : memref<1x!tpu.dma_semaphore, #tpu.memory_space<semaphore_mem>> -> memref<!tpu.dma_semaphore, #tpu.memory_space<semaphore_mem>>
    %dma_start3A_1577 = arith.constant 0 : i32
    %dma_start3A_1578 = arith.constant 0 : i32
    %dma_start3A_1579 = tpu.memref_slice %arg7[%dma_start3A_1567, %dma_start3A_1577, %dma_start3A_1578] : memref<8x64x128xf32, #tpu.memory_space<vmem>> -> memref<1x64x128xf32, #tpu.memory_space<vmem>>
    %dma_start3A_1580 = tpu.memref_squeeze %dma_start3A_1579 : memref<1x64x128xf32, #tpu.memory_space<vmem>> -> memref<64x128xf32, #tpu.memory_space<vmem>>
    %dma_start3A_1581 = arith.constant 0 : i32
    %dma_start3A_1582 = tpu.memref_slice %arg2[%dma_start3A_1581, %multiple_of3A_207] : memref<64x1000000xf32, #tpu.memory_space<hbm>> -> memref<64x128xf32, #tpu.memory_space<hbm>>
    tpu.enqueue_dma source(%dma_start3A_1582 : memref<64x128xf32, #tpu.memory_space<hbm>>) target(%dma_start3A_1580 : memref<64x128xf32, #tpu.memory_space<vmem>>) target_semaphore(%dma_start3A_1576 : memref<!tpu.dma_semaphore, #tpu.memory_space<semaphore_mem>>)
    %dma_wait3A_1583 = arith.constant 5 : i32
    %dma_wait3A_1584 = arith.constant 5 : i32
    %dma_wait3A_1585 = arith.constant 0 : i32
    %dma_wait3A_1586 = arith.constant 0 : i32
    %dma_wait3A_1587 = tpu.memref_slice %arg7[%dma_wait3A_1583, %dma_wait3A_1585, %dma_wait3A_1586] : memref<8x64x128xf32, #tpu.memory_space<vmem>> -> memref<1x64x128xf32, #tpu.memory_space<vmem>>
    %dma_wait3A_1588 = tpu.memref_squeeze %dma_wait3A_1587 : memref<1x64x128xf32, #tpu.memory_space<vmem>> -> memref<64x128xf32, #tpu.memory_space<vmem>>
    %dma_wait3A_1589 = arith.constant 0 : i32
    %dma_wait3A_1590 = tpu.memref_slice %arg2[%dma_wait3A_1589, %multiple_of3A_135] : memref<64x1000000xf32, #tpu.memory_space<hbm>> -> memref<64x128xf32, #tpu.memory_space<hbm>>
    %dma_wait3A_1591 = tpu.memref_slice %arg10[%dma_wait3A_1584] : memref<8x!tpu.dma_semaphore, #tpu.memory_space<semaphore_mem>> -> memref<1x!tpu.dma_semaphore, #tpu.memory_space<semaphore_mem>>
    %dma_wait3A_1592 = tpu.memref_squeeze %dma_wait3A_1591 : memref<1x!tpu.dma_semaphore, #tpu.memory_space<semaphore_mem>> -> memref<!tpu.dma_semaphore, #tpu.memory_space<semaphore_mem>>
    %dma_wait3A_1593 = arith.constant 0 : i32
    %dma_wait3A_1594 = arith.constant 0 : i32
    %dma_wait3A_1595 = tpu.memref_slice %arg7[%dma_wait3A_1583, %dma_wait3A_1593, %dma_wait3A_1594] : memref<8x64x128xf32, #tpu.memory_space<vmem>> -> memref<1x64x128xf32, #tpu.memory_space<vmem>>
    %dma_wait3A_1596 = tpu.memref_squeeze %dma_wait3A_1595 : memref<1x64x128xf32, #tpu.memory_space<vmem>> -> memref<64x128xf32, #tpu.memory_space<vmem>>
    %dma_wait3A_1597 = arith.constant 0 : i32
    %dma_wait3A_1598 = tpu.memref_slice %arg2[%dma_wait3A_1597, %multiple_of3A_135] : memref<64x1000000xf32, #tpu.memory_space<hbm>> -> memref<64x128xf32, #tpu.memory_space<hbm>>
    tpu.wait_dma2 semaphore(%dma_wait3A_1592 : memref<!tpu.dma_semaphore, #tpu.memory_space<semaphore_mem>>) src(%dma_wait3A_1598 : memref<64x128xf32, #tpu.memory_space<hbm>>) dst(%dma_wait3A_1596 : memref<64x128xf32, #tpu.memory_space<vmem>>)
    %broadcast_in_dim3A_1599 = vector.broadcast %rem3A_131 : i32 to vector<16xi32>
    %add3A_1600 = arith.constant 0 : i32
    %add3A_1601 = vector.broadcast %add3A_1600 : i32 to vector<16xi32>
    %add3A_1602 = arith.addi %iota3A, %add3A_1601 : vector<16xi32>
    %gather3A_1603 = arith.constant 5 : i32
    %gather3A_1604 = arith.constant 0 : i32
    %gather3A_1605 = arith.constant 0 : i32
    %gather3A_1606 = tpu.memref_slice %arg7[%gather3A_1603, %gather3A_1604, %gather3A_1605] : memref<8x64x128xf32, #tpu.memory_space<vmem>> -> memref<1x64x128xf32, #tpu.memory_space<vmem>>
    %gather3A_1607 = tpu.memref_squeeze %gather3A_1606 : memref<1x64x128xf32, #tpu.memory_space<vmem>> -> memref<64x128xf32, #tpu.memory_space<vmem>>
    %gather3A_1608 = tpu.vector_load_idx %gather3A_1607[%add3A_1602, %broadcast_in_dim3A_1599] : memref<64x128xf32, #tpu.memory_space<vmem>>[vector<16xi32>, vector<16xi32>], vector<16xf32>,
    %swap3A_1609 = arith.constant 13 : i32
    %swap3A_1610 = arith.index_cast %swap3A_1609 : i32 to index
    %swap3A_1611 = arith.constant 0 : index
    %swap3A_1612 = tpu.vector_load %arg9[%swap3A_1610, %swap3A_1611] {strides = array<i32>} : memref<32x64xf32, #tpu.memory_space<vmem>>, vector<16xf32>,
    tpu.vector_store %arg9[%swap3A_1610, %swap3A_1611], %gather3A_1608 {strides = array<i32>} : memref<32x64xf32, #tpu.memory_space<vmem>>, vector<16xf32>,
    %add3A_1613 = arith.constant 16 : i32
    %add3A_1614 = vector.broadcast %add3A_1613 : i32 to vector<16xi32>
    %add3A_1615 = arith.addi %iota3A, %add3A_1614 : vector<16xi32>
    %gather3A_1616 = arith.constant 5 : i32
    %gather3A_1617 = arith.constant 0 : i32
    %gather3A_1618 = arith.constant 0 : i32
    %gather3A_1619 = tpu.memref_slice %arg7[%gather3A_1616, %gather3A_1617, %gather3A_1618] : memref<8x64x128xf32, #tpu.memory_space<vmem>> -> memref<1x64x128xf32, #tpu.memory_space<vmem>>
    %gather3A_1620 = tpu.memref_squeeze %gather3A_1619 : memref<1x64x128xf32, #tpu.memory_space<vmem>> -> memref<64x128xf32, #tpu.memory_space<vmem>>
    %gather3A_1621 = tpu.vector_load_idx %gather3A_1620[%add3A_1615, %broadcast_in_dim3A_1599] : memref<64x128xf32, #tpu.memory_space<vmem>>[vector<16xi32>, vector<16xi32>], vector<16xf32>,
    %swap3A_1622 = arith.constant 13 : i32
    %swap3A_1623 = arith.index_cast %swap3A_1622 : i32 to index
    %swap3A_1624 = arith.constant 16 : index
    %swap3A_1625 = tpu.vector_load %arg9[%swap3A_1623, %swap3A_1624] {strides = array<i32>} : memref<32x64xf32, #tpu.memory_space<vmem>>, vector<16xf32>,
    tpu.vector_store %arg9[%swap3A_1623, %swap3A_1624], %gather3A_1621 {strides = array<i32>} : memref<32x64xf32, #tpu.memory_space<vmem>>, vector<16xf32>,
    %add3A_1626 = arith.constant 32 : i32
    %add3A_1627 = vector.broadcast %add3A_1626 : i32 to vector<16xi32>
    %add3A_1628 = arith.addi %iota3A, %add3A_1627 : vector<16xi32>
    %gather3A_1629 = arith.constant 5 : i32
    %gather3A_1630 = arith.constant 0 : i32
    %gather3A_1631 = arith.constant 0 : i32
    %gather3A_1632 = tpu.memref_slice %arg7[%gather3A_1629, %gather3A_1630, %gather3A_1631] : memref<8x64x128xf32, #tpu.memory_space<vmem>> -> memref<1x64x128xf32, #tpu.memory_space<vmem>>
    %gather3A_1633 = tpu.memref_squeeze %gather3A_1632 : memref<1x64x128xf32, #tpu.memory_space<vmem>> -> memref<64x128xf32, #tpu.memory_space<vmem>>
    %gather3A_1634 = tpu.vector_load_idx %gather3A_1633[%add3A_1628, %broadcast_in_dim3A_1599] : memref<64x128xf32, #tpu.memory_space<vmem>>[vector<16xi32>, vector<16xi32>], vector<16xf32>,
    %swap3A_1635 = arith.constant 13 : i32
    %swap3A_1636 = arith.index_cast %swap3A_1635 : i32 to index
    %swap3A_1637 = arith.constant 32 : index
    %swap3A_1638 = tpu.vector_load %arg9[%swap3A_1636, %swap3A_1637] {strides = array<i32>} : memref<32x64xf32, #tpu.memory_space<vmem>>, vector<16xf32>,
    tpu.vector_store %arg9[%swap3A_1636, %swap3A_1637], %gather3A_1634 {strides = array<i32>} : memref<32x64xf32, #tpu.memory_space<vmem>>, vector<16xf32>,
    %add3A_1639 = arith.constant 48 : i32
    %add3A_1640 = vector.broadcast %add3A_1639 : i32 to vector<16xi32>
    %add3A_1641 = arith.addi %iota3A, %add3A_1640 : vector<16xi32>
    %gather3A_1642 = arith.constant 5 : i32
    %gather3A_1643 = arith.constant 0 : i32
    %gather3A_1644 = arith.constant 0 : i32
    %gather3A_1645 = tpu.memref_slice %arg7[%gather3A_1642, %gather3A_1643, %gather3A_1644] : memref<8x64x128xf32, #tpu.memory_space<vmem>> -> memref<1x64x128xf32, #tpu.memory_space<vmem>>
    %gather3A_1646 = tpu.memref_squeeze %gather3A_1645 : memref<1x64x128xf32, #tpu.memory_space<vmem>> -> memref<64x128xf32, #tpu.memory_space<vmem>>
    %gather3A_1647 = tpu.vector_load_idx %gather3A_1646[%add3A_1641, %broadcast_in_dim3A_1599] : memref<64x128xf32, #tpu.memory_space<vmem>>[vector<16xi32>, vector<16xi32>], vector<16xf32>,
    %swap3A_1648 = arith.constant 13 : i32
    %swap3A_1649 = arith.index_cast %swap3A_1648 : i32 to index
    %swap3A_1650 = arith.constant 48 : index
    %swap3A_1651 = tpu.vector_load %arg9[%swap3A_1649, %swap3A_1650] {strides = array<i32>} : memref<32x64xf32, #tpu.memory_space<vmem>>, vector<16xf32>,
    tpu.vector_store %arg9[%swap3A_1649, %swap3A_1650], %gather3A_1647 {strides = array<i32>} : memref<32x64xf32, #tpu.memory_space<vmem>>, vector<16xf32>,
    %convert_element_type3A_1652 = arith.extui %ge3A_129 : i1 to i32
    %cond3A_1653 = arith.constant 0 : i32
    %cond3A_1654 = arith.cmpi ne, %convert_element_type3A_1652, %cond3A_1653 : i32
    scf.if %cond3A_1654 {
      %add3A_3135 = arith.constant 0 : i32
      %add3A_3136 = vector.broadcast %add3A_3135 : i32 to vector<16xi32>
      %add3A_3137 = arith.addi %iota3A, %add3A_3136 : vector<16xi32>
      %gather3A_3138 = tpu.vector_load_idx %arg8[%add3A_3137, %broadcast_in_dim3A_1599] : memref<64x64xf32, #tpu.memory_space<vmem>>[vector<16xi32>, vector<16xi32>], vector<16xf32>,
      %swap3A_3139 = arith.constant 13 : i32
      %swap3A_3140 = arith.index_cast %swap3A_3139 : i32 to index
      %swap3A_3141 = arith.constant 0 : index
      %swap3A_3142 = tpu.vector_load %arg9[%swap3A_3140, %swap3A_3141] {strides = array<i32>} : memref<32x64xf32, #tpu.memory_space<vmem>>, vector<16xf32>,
      tpu.vector_store %arg9[%swap3A_3140, %swap3A_3141], %gather3A_3138 {strides = array<i32>} : memref<32x64xf32, #tpu.memory_space<vmem>>, vector<16xf32>,
      %add3A_3143 = arith.constant 16 : i32
      %add3A_3144 = vector.broadcast %add3A_3143 : i32 to vector<16xi32>
      %add3A_3145 = arith.addi %iota3A, %add3A_3144 : vector<16xi32>
      %gather3A_3146 = tpu.vector_load_idx %arg8[%add3A_3145, %broadcast_in_dim3A_1599] : memref<64x64xf32, #tpu.memory_space<vmem>>[vector<16xi32>, vector<16xi32>], vector<16xf32>,
      %swap3A_3147 = arith.constant 13 : i32
      %swap3A_3148 = arith.index_cast %swap3A_3147 : i32 to index
      %swap3A_3149 = arith.constant 16 : index
      %swap3A_3150 = tpu.vector_load %arg9[%swap3A_3148, %swap3A_3149] {strides = array<i32>} : memref<32x64xf32, #tpu.memory_space<vmem>>, vector<16xf32>,
      tpu.vector_store %arg9[%swap3A_3148, %swap3A_3149], %gather3A_3146 {strides = array<i32>} : memref<32x64xf32, #tpu.memory_space<vmem>>, vector<16xf32>,
      %add3A_3151 = arith.constant 32 : i32
      %add3A_3152 = vector.broadcast %add3A_3151 : i32 to vector<16xi32>
      %add3A_3153 = arith.addi %iota3A, %add3A_3152 : vector<16xi32>
      %gather3A_3154 = tpu.vector_load_idx %arg8[%add3A_3153, %broadcast_in_dim3A_1599] : memref<64x64xf32, #tpu.memory_space<vmem>>[vector<16xi32>, vector<16xi32>], vector<16xf32>,
      %swap3A_3155 = arith.constant 13 : i32
      %swap3A_3156 = arith.index_cast %swap3A_3155 : i32 to index
      %swap3A_3157 = arith.constant 32 : index
      %swap3A_3158 = tpu.vector_load %arg9[%swap3A_3156, %swap3A_3157] {strides = array<i32>} : memref<32x64xf32, #tpu.memory_space<vmem>>, vector<16xf32>,
      tpu.vector_store %arg9[%swap3A_3156, %swap3A_3157], %gather3A_3154 {strides = array<i32>} : memref<32x64xf32, #tpu.memory_space<vmem>>, vector<16xf32>,
      %add3A_3159 = arith.constant 48 : i32
      %add3A_3160 = vector.broadcast %add3A_3159 : i32 to vector<16xi32>
      %add3A_3161 = arith.addi %iota3A, %add3A_3160 : vector<16xi32>
      %gather3A_3162 = tpu.vector_load_idx %arg8[%add3A_3161, %broadcast_in_dim3A_1599] : memref<64x64xf32, #tpu.memory_space<vmem>>[vector<16xi32>, vector<16xi32>], vector<16xf32>,
      %swap3A_3163 = arith.constant 13 : i32
      %swap3A_3164 = arith.index_cast %swap3A_3163 : i32 to index
      %swap3A_3165 = arith.constant 48 : index
      %swap3A_3166 = tpu.vector_load %arg9[%swap3A_3164, %swap3A_3165] {strides = array<i32>} : memref<32x64xf32, #tpu.memory_space<vmem>>, vector<16xf32>,
      tpu.vector_store %arg9[%swap3A_3164, %swap3A_3165], %gather3A_3162 {strides = array<i32>} : memref<32x64xf32, #tpu.memory_space<vmem>>, vector<16xf32>,
    } else {
    }
    %dma_start3A_1655 = arith.constant 5 : i32
    %dma_start3A_1656 = arith.constant 5 : i32
    %dma_start3A_1657 = arith.constant 0 : i32
    %dma_start3A_1658 = arith.constant 0 : i32
    %dma_start3A_1659 = tpu.memref_slice %arg7[%dma_start3A_1655, %dma_start3A_1657, %dma_start3A_1658] : memref<8x64x128xf32, #tpu.memory_space<vmem>> -> memref<1x64x128xf32, #tpu.memory_space<vmem>>
    %dma_start3A_1660 = tpu.memref_squeeze %dma_start3A_1659 : memref<1x64x128xf32, #tpu.memory_space<vmem>> -> memref<64x128xf32, #tpu.memory_space<vmem>>
    %dma_start3A_1661 = arith.constant 0 : i32
    %dma_start3A_1662 = tpu.memref_slice %arg2[%dma_start3A_1661, %multiple_of3A_217] : memref<64x1000000xf32, #tpu.memory_space<hbm>> -> memref<64x128xf32, #tpu.memory_space<hbm>>
    %dma_start3A_1663 = tpu.memref_slice %arg10[%dma_start3A_1656] : memref<8x!tpu.dma_semaphore, #tpu.memory_space<semaphore_mem>> -> memref<1x!tpu.dma_semaphore, #tpu.memory_space<semaphore_mem>>
    %dma_start3A_1664 = tpu.memref_squeeze %dma_start3A_1663 : memref<1x!tpu.dma_semaphore, #tpu.memory_space<semaphore_mem>> -> memref<!tpu.dma_semaphore, #tpu.memory_space<semaphore_mem>>
    %dma_start3A_1665 = arith.constant 0 : i32
    %dma_start3A_1666 = arith.constant 0 : i32
    %dma_start3A_1667 = tpu.memref_slice %arg7[%dma_start3A_1655, %dma_start3A_1665, %dma_start3A_1666] : memref<8x64x128xf32, #tpu.memory_space<vmem>> -> memref<1x64x128xf32, #tpu.memory_space<vmem>>
    %dma_start3A_1668 = tpu.memref_squeeze %dma_start3A_1667 : memref<1x64x128xf32, #tpu.memory_space<vmem>> -> memref<64x128xf32, #tpu.memory_space<vmem>>
    %dma_start3A_1669 = arith.constant 0 : i32
    %dma_start3A_1670 = tpu.memref_slice %arg2[%dma_start3A_1669, %multiple_of3A_217] : memref<64x1000000xf32, #tpu.memory_space<hbm>> -> memref<64x128xf32, #tpu.memory_space<hbm>>
    tpu.enqueue_dma source(%dma_start3A_1670 : memref<64x128xf32, #tpu.memory_space<hbm>>) target(%dma_start3A_1668 : memref<64x128xf32, #tpu.memory_space<vmem>>) target_semaphore(%dma_start3A_1664 : memref<!tpu.dma_semaphore, #tpu.memory_space<semaphore_mem>>)
    %dma_wait3A_1671 = arith.constant 6 : i32
    %dma_wait3A_1672 = arith.constant 6 : i32
    %dma_wait3A_1673 = arith.constant 0 : i32
    %dma_wait3A_1674 = arith.constant 0 : i32
    %dma_wait3A_1675 = tpu.memref_slice %arg7[%dma_wait3A_1671, %dma_wait3A_1673, %dma_wait3A_1674] : memref<8x64x128xf32, #tpu.memory_space<vmem>> -> memref<1x64x128xf32, #tpu.memory_space<vmem>>
    %dma_wait3A_1676 = tpu.memref_squeeze %dma_wait3A_1675 : memref<1x64x128xf32, #tpu.memory_space<vmem>> -> memref<64x128xf32, #tpu.memory_space<vmem>>
    %dma_wait3A_1677 = arith.constant 0 : i32
    %dma_wait3A_1678 = tpu.memref_slice %arg2[%dma_wait3A_1677, %multiple_of3A_145] : memref<64x1000000xf32, #tpu.memory_space<hbm>> -> memref<64x128xf32, #tpu.memory_space<hbm>>
    %dma_wait3A_1679 = tpu.memref_slice %arg10[%dma_wait3A_1672] : memref<8x!tpu.dma_semaphore, #tpu.memory_space<semaphore_mem>> -> memref<1x!tpu.dma_semaphore, #tpu.memory_space<semaphore_mem>>
    %dma_wait3A_1680 = tpu.memref_squeeze %dma_wait3A_1679 : memref<1x!tpu.dma_semaphore, #tpu.memory_space<semaphore_mem>> -> memref<!tpu.dma_semaphore, #tpu.memory_space<semaphore_mem>>
    %dma_wait3A_1681 = arith.constant 0 : i32
    %dma_wait3A_1682 = arith.constant 0 : i32
    %dma_wait3A_1683 = tpu.memref_slice %arg7[%dma_wait3A_1671, %dma_wait3A_1681, %dma_wait3A_1682] : memref<8x64x128xf32, #tpu.memory_space<vmem>> -> memref<1x64x128xf32, #tpu.memory_space<vmem>>
    %dma_wait3A_1684 = tpu.memref_squeeze %dma_wait3A_1683 : memref<1x64x128xf32, #tpu.memory_space<vmem>> -> memref<64x128xf32, #tpu.memory_space<vmem>>
    %dma_wait3A_1685 = arith.constant 0 : i32
    %dma_wait3A_1686 = tpu.memref_slice %arg2[%dma_wait3A_1685, %multiple_of3A_145] : memref<64x1000000xf32, #tpu.memory_space<hbm>> -> memref<64x128xf32, #tpu.memory_space<hbm>>
    tpu.wait_dma2 semaphore(%dma_wait3A_1680 : memref<!tpu.dma_semaphore, #tpu.memory_space<semaphore_mem>>) src(%dma_wait3A_1686 : memref<64x128xf32, #tpu.memory_space<hbm>>) dst(%dma_wait3A_1684 : memref<64x128xf32, #tpu.memory_space<vmem>>)
    %broadcast_in_dim3A_1687 = vector.broadcast %rem3A_141 : i32 to vector<16xi32>
    %add3A_1688 = arith.constant 0 : i32
    %add3A_1689 = vector.broadcast %add3A_1688 : i32 to vector<16xi32>
    %add3A_1690 = arith.addi %iota3A, %add3A_1689 : vector<16xi32>
    %gather3A_1691 = arith.constant 6 : i32
    %gather3A_1692 = arith.constant 0 : i32
    %gather3A_1693 = arith.constant 0 : i32
    %gather3A_1694 = tpu.memref_slice %arg7[%gather3A_1691, %gather3A_1692, %gather3A_1693] : memref<8x64x128xf32, #tpu.memory_space<vmem>> -> memref<1x64x128xf32, #tpu.memory_space<vmem>>
    %gather3A_1695 = tpu.memref_squeeze %gather3A_1694 : memref<1x64x128xf32, #tpu.memory_space<vmem>> -> memref<64x128xf32, #tpu.memory_space<vmem>>
    %gather3A_1696 = tpu.vector_load_idx %gather3A_1695[%add3A_1690, %broadcast_in_dim3A_1687] : memref<64x128xf32, #tpu.memory_space<vmem>>[vector<16xi32>, vector<16xi32>], vector<16xf32>,
    %swap3A_1697 = arith.constant 14 : i32
    %swap3A_1698 = arith.index_cast %swap3A_1697 : i32 to index
    %swap3A_1699 = arith.constant 0 : index
    %swap3A_1700 = tpu.vector_load %arg9[%swap3A_1698, %swap3A_1699] {strides = array<i32>} : memref<32x64xf32, #tpu.memory_space<vmem>>, vector<16xf32>,
    tpu.vector_store %arg9[%swap3A_1698, %swap3A_1699], %gather3A_1696 {strides = array<i32>} : memref<32x64xf32, #tpu.memory_space<vmem>>, vector<16xf32>,
    %add3A_1701 = arith.constant 16 : i32
    %add3A_1702 = vector.broadcast %add3A_1701 : i32 to vector<16xi32>
    %add3A_1703 = arith.addi %iota3A, %add3A_1702 : vector<16xi32>
    %gather3A_1704 = arith.constant 6 : i32
    %gather3A_1705 = arith.constant 0 : i32
    %gather3A_1706 = arith.constant 0 : i32
    %gather3A_1707 = tpu.memref_slice %arg7[%gather3A_1704, %gather3A_1705, %gather3A_1706] : memref<8x64x128xf32, #tpu.memory_space<vmem>> -> memref<1x64x128xf32, #tpu.memory_space<vmem>>
    %gather3A_1708 = tpu.memref_squeeze %gather3A_1707 : memref<1x64x128xf32, #tpu.memory_space<vmem>> -> memref<64x128xf32, #tpu.memory_space<vmem>>
    %gather3A_1709 = tpu.vector_load_idx %gather3A_1708[%add3A_1703, %broadcast_in_dim3A_1687] : memref<64x128xf32, #tpu.memory_space<vmem>>[vector<16xi32>, vector<16xi32>], vector<16xf32>,
    %swap3A_1710 = arith.constant 14 : i32
    %swap3A_1711 = arith.index_cast %swap3A_1710 : i32 to index
    %swap3A_1712 = arith.constant 16 : index
    %swap3A_1713 = tpu.vector_load %arg9[%swap3A_1711, %swap3A_1712] {strides = array<i32>} : memref<32x64xf32, #tpu.memory_space<vmem>>, vector<16xf32>,
    tpu.vector_store %arg9[%swap3A_1711, %swap3A_1712], %gather3A_1709 {strides = array<i32>} : memref<32x64xf32, #tpu.memory_space<vmem>>, vector<16xf32>,
    %add3A_1714 = arith.constant 32 : i32
    %add3A_1715 = vector.broadcast %add3A_1714 : i32 to vector<16xi32>
    %add3A_1716 = arith.addi %iota3A, %add3A_1715 : vector<16xi32>
    %gather3A_1717 = arith.constant 6 : i32
    %gather3A_1718 = arith.constant 0 : i32
    %gather3A_1719 = arith.constant 0 : i32
    %gather3A_1720 = tpu.memref_slice %arg7[%gather3A_1717, %gather3A_1718, %gather3A_1719] : memref<8x64x128xf32, #tpu.memory_space<vmem>> -> memref<1x64x128xf32, #tpu.memory_space<vmem>>
    %gather3A_1721 = tpu.memref_squeeze %gather3A_1720 : memref<1x64x128xf32, #tpu.memory_space<vmem>> -> memref<64x128xf32, #tpu.memory_space<vmem>>
    %gather3A_1722 = tpu.vector_load_idx %gather3A_1721[%add3A_1716, %broadcast_in_dim3A_1687] : memref<64x128xf32, #tpu.memory_space<vmem>>[vector<16xi32>, vector<16xi32>], vector<16xf32>,
    %swap3A_1723 = arith.constant 14 : i32
    %swap3A_1724 = arith.index_cast %swap3A_1723 : i32 to index
    %swap3A_1725 = arith.constant 32 : index
    %swap3A_1726 = tpu.vector_load %arg9[%swap3A_1724, %swap3A_1725] {strides = array<i32>} : memref<32x64xf32, #tpu.memory_space<vmem>>, vector<16xf32>,
    tpu.vector_store %arg9[%swap3A_1724, %swap3A_1725], %gather3A_1722 {strides = array<i32>} : memref<32x64xf32, #tpu.memory_space<vmem>>, vector<16xf32>,
    %add3A_1727 = arith.constant 48 : i32
    %add3A_1728 = vector.broadcast %add3A_1727 : i32 to vector<16xi32>
    %add3A_1729 = arith.addi %iota3A, %add3A_1728 : vector<16xi32>
    %gather3A_1730 = arith.constant 6 : i32
    %gather3A_1731 = arith.constant 0 : i32
    %gather3A_1732 = arith.constant 0 : i32
    %gather3A_1733 = tpu.memref_slice %arg7[%gather3A_1730, %gather3A_1731, %gather3A_1732] : memref<8x64x128xf32, #tpu.memory_space<vmem>> -> memref<1x64x128xf32, #tpu.memory_space<vmem>>
    %gather3A_1734 = tpu.memref_squeeze %gather3A_1733 : memref<1x64x128xf32, #tpu.memory_space<vmem>> -> memref<64x128xf32, #tpu.memory_space<vmem>>
    %gather3A_1735 = tpu.vector_load_idx %gather3A_1734[%add3A_1729, %broadcast_in_dim3A_1687] : memref<64x128xf32, #tpu.memory_space<vmem>>[vector<16xi32>, vector<16xi32>], vector<16xf32>,
    %swap3A_1736 = arith.constant 14 : i32
    %swap3A_1737 = arith.index_cast %swap3A_1736 : i32 to index
    %swap3A_1738 = arith.constant 48 : index
    %swap3A_1739 = tpu.vector_load %arg9[%swap3A_1737, %swap3A_1738] {strides = array<i32>} : memref<32x64xf32, #tpu.memory_space<vmem>>, vector<16xf32>,
    tpu.vector_store %arg9[%swap3A_1737, %swap3A_1738], %gather3A_1735 {strides = array<i32>} : memref<32x64xf32, #tpu.memory_space<vmem>>, vector<16xf32>,
    %convert_element_type3A_1740 = arith.extui %ge3A_139 : i1 to i32
    %cond3A_1741 = arith.constant 0 : i32
    %cond3A_1742 = arith.cmpi ne, %convert_element_type3A_1740, %cond3A_1741 : i32
    scf.if %cond3A_1742 {
      %add3A_3135 = arith.constant 0 : i32
      %add3A_3136 = vector.broadcast %add3A_3135 : i32 to vector<16xi32>
      %add3A_3137 = arith.addi %iota3A, %add3A_3136 : vector<16xi32>
      %gather3A_3138 = tpu.vector_load_idx %arg8[%add3A_3137, %broadcast_in_dim3A_1687] : memref<64x64xf32, #tpu.memory_space<vmem>>[vector<16xi32>, vector<16xi32>], vector<16xf32>,
      %swap3A_3139 = arith.constant 14 : i32
      %swap3A_3140 = arith.index_cast %swap3A_3139 : i32 to index
      %swap3A_3141 = arith.constant 0 : index
      %swap3A_3142 = tpu.vector_load %arg9[%swap3A_3140, %swap3A_3141] {strides = array<i32>} : memref<32x64xf32, #tpu.memory_space<vmem>>, vector<16xf32>,
      tpu.vector_store %arg9[%swap3A_3140, %swap3A_3141], %gather3A_3138 {strides = array<i32>} : memref<32x64xf32, #tpu.memory_space<vmem>>, vector<16xf32>,
      %add3A_3143 = arith.constant 16 : i32
      %add3A_3144 = vector.broadcast %add3A_3143 : i32 to vector<16xi32>
      %add3A_3145 = arith.addi %iota3A, %add3A_3144 : vector<16xi32>
      %gather3A_3146 = tpu.vector_load_idx %arg8[%add3A_3145, %broadcast_in_dim3A_1687] : memref<64x64xf32, #tpu.memory_space<vmem>>[vector<16xi32>, vector<16xi32>], vector<16xf32>,
      %swap3A_3147 = arith.constant 14 : i32
      %swap3A_3148 = arith.index_cast %swap3A_3147 : i32 to index
      %swap3A_3149 = arith.constant 16 : index
      %swap3A_3150 = tpu.vector_load %arg9[%swap3A_3148, %swap3A_3149] {strides = array<i32>} : memref<32x64xf32, #tpu.memory_space<vmem>>, vector<16xf32>,
      tpu.vector_store %arg9[%swap3A_3148, %swap3A_3149], %gather3A_3146 {strides = array<i32>} : memref<32x64xf32, #tpu.memory_space<vmem>>, vector<16xf32>,
      %add3A_3151 = arith.constant 32 : i32
      %add3A_3152 = vector.broadcast %add3A_3151 : i32 to vector<16xi32>
      %add3A_3153 = arith.addi %iota3A, %add3A_3152 : vector<16xi32>
      %gather3A_3154 = tpu.vector_load_idx %arg8[%add3A_3153, %broadcast_in_dim3A_1687] : memref<64x64xf32, #tpu.memory_space<vmem>>[vector<16xi32>, vector<16xi32>], vector<16xf32>,
      %swap3A_3155 = arith.constant 14 : i32
      %swap3A_3156 = arith.index_cast %swap3A_3155 : i32 to index
      %swap3A_3157 = arith.constant 32 : index
      %swap3A_3158 = tpu.vector_load %arg9[%swap3A_3156, %swap3A_3157] {strides = array<i32>} : memref<32x64xf32, #tpu.memory_space<vmem>>, vector<16xf32>,
      tpu.vector_store %arg9[%swap3A_3156, %swap3A_3157], %gather3A_3154 {strides = array<i32>} : memref<32x64xf32, #tpu.memory_space<vmem>>, vector<16xf32>,
      %add3A_3159 = arith.constant 48 : i32
      %add3A_3160 = vector.broadcast %add3A_3159 : i32 to vector<16xi32>
      %add3A_3161 = arith.addi %iota3A, %add3A_3160 : vector<16xi32>
      %gather3A_3162 = tpu.vector_load_idx %arg8[%add3A_3161, %broadcast_in_dim3A_1687] : memref<64x64xf32, #tpu.memory_space<vmem>>[vector<16xi32>, vector<16xi32>], vector<16xf32>,
      %swap3A_3163 = arith.constant 14 : i32
      %swap3A_3164 = arith.index_cast %swap3A_3163 : i32 to index
      %swap3A_3165 = arith.constant 48 : index
      %swap3A_3166 = tpu.vector_load %arg9[%swap3A_3164, %swap3A_3165] {strides = array<i32>} : memref<32x64xf32, #tpu.memory_space<vmem>>, vector<16xf32>,
      tpu.vector_store %arg9[%swap3A_3164, %swap3A_3165], %gather3A_3162 {strides = array<i32>} : memref<32x64xf32, #tpu.memory_space<vmem>>, vector<16xf32>,
    } else {
    }
    %dma_start3A_1743 = arith.constant 6 : i32
    %dma_start3A_1744 = arith.constant 6 : i32
    %dma_start3A_1745 = arith.constant 0 : i32
    %dma_start3A_1746 = arith.constant 0 : i32
    %dma_start3A_1747 = tpu.memref_slice %arg7[%dma_start3A_1743, %dma_start3A_1745, %dma_start3A_1746] : memref<8x64x128xf32, #tpu.memory_space<vmem>> -> memref<1x64x128xf32, #tpu.memory_space<vmem>>
    %dma_start3A_1748 = tpu.memref_squeeze %dma_start3A_1747 : memref<1x64x128xf32, #tpu.memory_space<vmem>> -> memref<64x128xf32, #tpu.memory_space<vmem>>
    %dma_start3A_1749 = arith.constant 0 : i32
    %dma_start3A_1750 = tpu.memref_slice %arg2[%dma_start3A_1749, %multiple_of3A_227] : memref<64x1000000xf32, #tpu.memory_space<hbm>> -> memref<64x128xf32, #tpu.memory_space<hbm>>
    %dma_start3A_1751 = tpu.memref_slice %arg10[%dma_start3A_1744] : memref<8x!tpu.dma_semaphore, #tpu.memory_space<semaphore_mem>> -> memref<1x!tpu.dma_semaphore, #tpu.memory_space<semaphore_mem>>
    %dma_start3A_1752 = tpu.memref_squeeze %dma_start3A_1751 : memref<1x!tpu.dma_semaphore, #tpu.memory_space<semaphore_mem>> -> memref<!tpu.dma_semaphore, #tpu.memory_space<semaphore_mem>>
    %dma_start3A_1753 = arith.constant 0 : i32
    %dma_start3A_1754 = arith.constant 0 : i32
    %dma_start3A_1755 = tpu.memref_slice %arg7[%dma_start3A_1743, %dma_start3A_1753, %dma_start3A_1754] : memref<8x64x128xf32, #tpu.memory_space<vmem>> -> memref<1x64x128xf32, #tpu.memory_space<vmem>>
    %dma_start3A_1756 = tpu.memref_squeeze %dma_start3A_1755 : memref<1x64x128xf32, #tpu.memory_space<vmem>> -> memref<64x128xf32, #tpu.memory_space<vmem>>
    %dma_start3A_1757 = arith.constant 0 : i32
    %dma_start3A_1758 = tpu.memref_slice %arg2[%dma_start3A_1757, %multiple_of3A_227] : memref<64x1000000xf32, #tpu.memory_space<hbm>> -> memref<64x128xf32, #tpu.memory_space<hbm>>
    tpu.enqueue_dma source(%dma_start3A_1758 : memref<64x128xf32, #tpu.memory_space<hbm>>) target(%dma_start3A_1756 : memref<64x128xf32, #tpu.memory_space<vmem>>) target_semaphore(%dma_start3A_1752 : memref<!tpu.dma_semaphore, #tpu.memory_space<semaphore_mem>>)
    %dma_wait3A_1759 = arith.constant 7 : i32
    %dma_wait3A_1760 = arith.constant 7 : i32
    %dma_wait3A_1761 = arith.constant 0 : i32
    %dma_wait3A_1762 = arith.constant 0 : i32
    %dma_wait3A_1763 = tpu.memref_slice %arg7[%dma_wait3A_1759, %dma_wait3A_1761, %dma_wait3A_1762] : memref<8x64x128xf32, #tpu.memory_space<vmem>> -> memref<1x64x128xf32, #tpu.memory_space<vmem>>
    %dma_wait3A_1764 = tpu.memref_squeeze %dma_wait3A_1763 : memref<1x64x128xf32, #tpu.memory_space<vmem>> -> memref<64x128xf32, #tpu.memory_space<vmem>>
    %dma_wait3A_1765 = arith.constant 0 : i32
    %dma_wait3A_1766 = tpu.memref_slice %arg2[%dma_wait3A_1765, %multiple_of3A_155] : memref<64x1000000xf32, #tpu.memory_space<hbm>> -> memref<64x128xf32, #tpu.memory_space<hbm>>
    %dma_wait3A_1767 = tpu.memref_slice %arg10[%dma_wait3A_1760] : memref<8x!tpu.dma_semaphore, #tpu.memory_space<semaphore_mem>> -> memref<1x!tpu.dma_semaphore, #tpu.memory_space<semaphore_mem>>
    %dma_wait3A_1768 = tpu.memref_squeeze %dma_wait3A_1767 : memref<1x!tpu.dma_semaphore, #tpu.memory_space<semaphore_mem>> -> memref<!tpu.dma_semaphore, #tpu.memory_space<semaphore_mem>>
    %dma_wait3A_1769 = arith.constant 0 : i32
    %dma_wait3A_1770 = arith.constant 0 : i32
    %dma_wait3A_1771 = tpu.memref_slice %arg7[%dma_wait3A_1759, %dma_wait3A_1769, %dma_wait3A_1770] : memref<8x64x128xf32, #tpu.memory_space<vmem>> -> memref<1x64x128xf32, #tpu.memory_space<vmem>>
    %dma_wait3A_1772 = tpu.memref_squeeze %dma_wait3A_1771 : memref<1x64x128xf32, #tpu.memory_space<vmem>> -> memref<64x128xf32, #tpu.memory_space<vmem>>
    %dma_wait3A_1773 = arith.constant 0 : i32
    %dma_wait3A_1774 = tpu.memref_slice %arg2[%dma_wait3A_1773, %multiple_of3A_155] : memref<64x1000000xf32, #tpu.memory_space<hbm>> -> memref<64x128xf32, #tpu.memory_space<hbm>>
    tpu.wait_dma2 semaphore(%dma_wait3A_1768 : memref<!tpu.dma_semaphore, #tpu.memory_space<semaphore_mem>>) src(%dma_wait3A_1774 : memref<64x128xf32, #tpu.memory_space<hbm>>) dst(%dma_wait3A_1772 : memref<64x128xf32, #tpu.memory_space<vmem>>)
    %broadcast_in_dim3A_1775 = vector.broadcast %rem3A_151 : i32 to vector<16xi32>
    %add3A_1776 = arith.constant 0 : i32
    %add3A_1777 = vector.broadcast %add3A_1776 : i32 to vector<16xi32>
    %add3A_1778 = arith.addi %iota3A, %add3A_1777 : vector<16xi32>
    %gather3A_1779 = arith.constant 7 : i32
    %gather3A_1780 = arith.constant 0 : i32
    %gather3A_1781 = arith.constant 0 : i32
    %gather3A_1782 = tpu.memref_slice %arg7[%gather3A_1779, %gather3A_1780, %gather3A_1781] : memref<8x64x128xf32, #tpu.memory_space<vmem>> -> memref<1x64x128xf32, #tpu.memory_space<vmem>>
    %gather3A_1783 = tpu.memref_squeeze %gather3A_1782 : memref<1x64x128xf32, #tpu.memory_space<vmem>> -> memref<64x128xf32, #tpu.memory_space<vmem>>
    %gather3A_1784 = tpu.vector_load_idx %gather3A_1783[%add3A_1778, %broadcast_in_dim3A_1775] : memref<64x128xf32, #tpu.memory_space<vmem>>[vector<16xi32>, vector<16xi32>], vector<16xf32>,
    %swap3A_1785 = arith.constant 15 : i32
    %swap3A_1786 = arith.index_cast %swap3A_1785 : i32 to index
    %swap3A_1787 = arith.constant 0 : index
    %swap3A_1788 = tpu.vector_load %arg9[%swap3A_1786, %swap3A_1787] {strides = array<i32>} : memref<32x64xf32, #tpu.memory_space<vmem>>, vector<16xf32>,
    tpu.vector_store %arg9[%swap3A_1786, %swap3A_1787], %gather3A_1784 {strides = array<i32>} : memref<32x64xf32, #tpu.memory_space<vmem>>, vector<16xf32>,
    %add3A_1789 = arith.constant 16 : i32
    %add3A_1790 = vector.broadcast %add3A_1789 : i32 to vector<16xi32>
    %add3A_1791 = arith.addi %iota3A, %add3A_1790 : vector<16xi32>
    %gather3A_1792 = arith.constant 7 : i32
    %gather3A_1793 = arith.constant 0 : i32
    %gather3A_1794 = arith.constant 0 : i32
    %gather3A_1795 = tpu.memref_slice %arg7[%gather3A_1792, %gather3A_1793, %gather3A_1794] : memref<8x64x128xf32, #tpu.memory_space<vmem>> -> memref<1x64x128xf32, #tpu.memory_space<vmem>>
    %gather3A_1796 = tpu.memref_squeeze %gather3A_1795 : memref<1x64x128xf32, #tpu.memory_space<vmem>> -> memref<64x128xf32, #tpu.memory_space<vmem>>
    %gather3A_1797 = tpu.vector_load_idx %gather3A_1796[%add3A_1791, %broadcast_in_dim3A_1775] : memref<64x128xf32, #tpu.memory_space<vmem>>[vector<16xi32>, vector<16xi32>], vector<16xf32>,
    %swap3A_1798 = arith.constant 15 : i32
    %swap3A_1799 = arith.index_cast %swap3A_1798 : i32 to index
    %swap3A_1800 = arith.constant 16 : index
    %swap3A_1801 = tpu.vector_load %arg9[%swap3A_1799, %swap3A_1800] {strides = array<i32>} : memref<32x64xf32, #tpu.memory_space<vmem>>, vector<16xf32>,
    tpu.vector_store %arg9[%swap3A_1799, %swap3A_1800], %gather3A_1797 {strides = array<i32>} : memref<32x64xf32, #tpu.memory_space<vmem>>, vector<16xf32>,
    %add3A_1802 = arith.constant 32 : i32
    %add3A_1803 = vector.broadcast %add3A_1802 : i32 to vector<16xi32>
    %add3A_1804 = arith.addi %iota3A, %add3A_1803 : vector<16xi32>
    %gather3A_1805 = arith.constant 7 : i32
    %gather3A_1806 = arith.constant 0 : i32
    %gather3A_1807 = arith.constant 0 : i32
    %gather3A_1808 = tpu.memref_slice %arg7[%gather3A_1805, %gather3A_1806, %gather3A_1807] : memref<8x64x128xf32, #tpu.memory_space<vmem>> -> memref<1x64x128xf32, #tpu.memory_space<vmem>>
    %gather3A_1809 = tpu.memref_squeeze %gather3A_1808 : memref<1x64x128xf32, #tpu.memory_space<vmem>> -> memref<64x128xf32, #tpu.memory_space<vmem>>
    %gather3A_1810 = tpu.vector_load_idx %gather3A_1809[%add3A_1804, %broadcast_in_dim3A_1775] : memref<64x128xf32, #tpu.memory_space<vmem>>[vector<16xi32>, vector<16xi32>], vector<16xf32>,
    %swap3A_1811 = arith.constant 15 : i32
    %swap3A_1812 = arith.index_cast %swap3A_1811 : i32 to index
    %swap3A_1813 = arith.constant 32 : index
    %swap3A_1814 = tpu.vector_load %arg9[%swap3A_1812, %swap3A_1813] {strides = array<i32>} : memref<32x64xf32, #tpu.memory_space<vmem>>, vector<16xf32>,
    tpu.vector_store %arg9[%swap3A_1812, %swap3A_1813], %gather3A_1810 {strides = array<i32>} : memref<32x64xf32, #tpu.memory_space<vmem>>, vector<16xf32>,
    %add3A_1815 = arith.constant 48 : i32
    %add3A_1816 = vector.broadcast %add3A_1815 : i32 to vector<16xi32>
    %add3A_1817 = arith.addi %iota3A, %add3A_1816 : vector<16xi32>
    %gather3A_1818 = arith.constant 7 : i32
    %gather3A_1819 = arith.constant 0 : i32
    %gather3A_1820 = arith.constant 0 : i32
    %gather3A_1821 = tpu.memref_slice %arg7[%gather3A_1818, %gather3A_1819, %gather3A_1820] : memref<8x64x128xf32, #tpu.memory_space<vmem>> -> memref<1x64x128xf32, #tpu.memory_space<vmem>>
    %gather3A_1822 = tpu.memref_squeeze %gather3A_1821 : memref<1x64x128xf32, #tpu.memory_space<vmem>> -> memref<64x128xf32, #tpu.memory_space<vmem>>
    %gather3A_1823 = tpu.vector_load_idx %gather3A_1822[%add3A_1817, %broadcast_in_dim3A_1775] : memref<64x128xf32, #tpu.memory_space<vmem>>[vector<16xi32>, vector<16xi32>], vector<16xf32>,
    %swap3A_1824 = arith.constant 15 : i32
    %swap3A_1825 = arith.index_cast %swap3A_1824 : i32 to index
    %swap3A_1826 = arith.constant 48 : index
    %swap3A_1827 = tpu.vector_load %arg9[%swap3A_1825, %swap3A_1826] {strides = array<i32>} : memref<32x64xf32, #tpu.memory_space<vmem>>, vector<16xf32>,
    tpu.vector_store %arg9[%swap3A_1825, %swap3A_1826], %gather3A_1823 {strides = array<i32>} : memref<32x64xf32, #tpu.memory_space<vmem>>, vector<16xf32>,
    %convert_element_type3A_1828 = arith.extui %ge3A_149 : i1 to i32
    %cond3A_1829 = arith.constant 0 : i32
    %cond3A_1830 = arith.cmpi ne, %convert_element_type3A_1828, %cond3A_1829 : i32
    scf.if %cond3A_1830 {
      %add3A_3135 = arith.constant 0 : i32
      %add3A_3136 = vector.broadcast %add3A_3135 : i32 to vector<16xi32>
      %add3A_3137 = arith.addi %iota3A, %add3A_3136 : vector<16xi32>
      %gather3A_3138 = tpu.vector_load_idx %arg8[%add3A_3137, %broadcast_in_dim3A_1775] : memref<64x64xf32, #tpu.memory_space<vmem>>[vector<16xi32>, vector<16xi32>], vector<16xf32>,
      %swap3A_3139 = arith.constant 15 : i32
      %swap3A_3140 = arith.index_cast %swap3A_3139 : i32 to index
      %swap3A_3141 = arith.constant 0 : index
      %swap3A_3142 = tpu.vector_load %arg9[%swap3A_3140, %swap3A_3141] {strides = array<i32>} : memref<32x64xf32, #tpu.memory_space<vmem>>, vector<16xf32>,
      tpu.vector_store %arg9[%swap3A_3140, %swap3A_3141], %gather3A_3138 {strides = array<i32>} : memref<32x64xf32, #tpu.memory_space<vmem>>, vector<16xf32>,
      %add3A_3143 = arith.constant 16 : i32
      %add3A_3144 = vector.broadcast %add3A_3143 : i32 to vector<16xi32>
      %add3A_3145 = arith.addi %iota3A, %add3A_3144 : vector<16xi32>
      %gather3A_3146 = tpu.vector_load_idx %arg8[%add3A_3145, %broadcast_in_dim3A_1775] : memref<64x64xf32, #tpu.memory_space<vmem>>[vector<16xi32>, vector<16xi32>], vector<16xf32>,
      %swap3A_3147 = arith.constant 15 : i32
      %swap3A_3148 = arith.index_cast %swap3A_3147 : i32 to index
      %swap3A_3149 = arith.constant 16 : index
      %swap3A_3150 = tpu.vector_load %arg9[%swap3A_3148, %swap3A_3149] {strides = array<i32>} : memref<32x64xf32, #tpu.memory_space<vmem>>, vector<16xf32>,
      tpu.vector_store %arg9[%swap3A_3148, %swap3A_3149], %gather3A_3146 {strides = array<i32>} : memref<32x64xf32, #tpu.memory_space<vmem>>, vector<16xf32>,
      %add3A_3151 = arith.constant 32 : i32
      %add3A_3152 = vector.broadcast %add3A_3151 : i32 to vector<16xi32>
      %add3A_3153 = arith.addi %iota3A, %add3A_3152 : vector<16xi32>
      %gather3A_3154 = tpu.vector_load_idx %arg8[%add3A_3153, %broadcast_in_dim3A_1775] : memref<64x64xf32, #tpu.memory_space<vmem>>[vector<16xi32>, vector<16xi32>], vector<16xf32>,
      %swap3A_3155 = arith.constant 15 : i32
      %swap3A_3156 = arith.index_cast %swap3A_3155 : i32 to index
      %swap3A_3157 = arith.constant 32 : index
      %swap3A_3158 = tpu.vector_load %arg9[%swap3A_3156, %swap3A_3157] {strides = array<i32>} : memref<32x64xf32, #tpu.memory_space<vmem>>, vector<16xf32>,
      tpu.vector_store %arg9[%swap3A_3156, %swap3A_3157], %gather3A_3154 {strides = array<i32>} : memref<32x64xf32, #tpu.memory_space<vmem>>, vector<16xf32>,
      %add3A_3159 = arith.constant 48 : i32
      %add3A_3160 = vector.broadcast %add3A_3159 : i32 to vector<16xi32>
      %add3A_3161 = arith.addi %iota3A, %add3A_3160 : vector<16xi32>
      %gather3A_3162 = tpu.vector_load_idx %arg8[%add3A_3161, %broadcast_in_dim3A_1775] : memref<64x64xf32, #tpu.memory_space<vmem>>[vector<16xi32>, vector<16xi32>], vector<16xf32>,
      %swap3A_3163 = arith.constant 15 : i32
      %swap3A_3164 = arith.index_cast %swap3A_3163 : i32 to index
      %swap3A_3165 = arith.constant 48 : index
      %swap3A_3166 = tpu.vector_load %arg9[%swap3A_3164, %swap3A_3165] {strides = array<i32>} : memref<32x64xf32, #tpu.memory_space<vmem>>, vector<16xf32>,
      tpu.vector_store %arg9[%swap3A_3164, %swap3A_3165], %gather3A_3162 {strides = array<i32>} : memref<32x64xf32, #tpu.memory_space<vmem>>, vector<16xf32>,
    } else {
    }
    %dma_start3A_1831 = arith.constant 7 : i32
    %dma_start3A_1832 = arith.constant 7 : i32
    %dma_start3A_1833 = arith.constant 0 : i32
    %dma_start3A_1834 = arith.constant 0 : i32
    %dma_start3A_1835 = tpu.memref_slice %arg7[%dma_start3A_1831, %dma_start3A_1833, %dma_start3A_1834] : memref<8x64x128xf32, #tpu.memory_space<vmem>> -> memref<1x64x128xf32, #tpu.memory_space<vmem>>
    %dma_start3A_1836 = tpu.memref_squeeze %dma_start3A_1835 : memref<1x64x128xf32, #tpu.memory_space<vmem>> -> memref<64x128xf32, #tpu.memory_space<vmem>>
    %dma_start3A_1837 = arith.constant 0 : i32
    %dma_start3A_1838 = tpu.memref_slice %arg2[%dma_start3A_1837, %multiple_of3A_237] : memref<64x1000000xf32, #tpu.memory_space<hbm>> -> memref<64x128xf32, #tpu.memory_space<hbm>>
    %dma_start3A_1839 = tpu.memref_slice %arg10[%dma_start3A_1832] : memref<8x!tpu.dma_semaphore, #tpu.memory_space<semaphore_mem>> -> memref<1x!tpu.dma_semaphore, #tpu.memory_space<semaphore_mem>>
    %dma_start3A_1840 = tpu.memref_squeeze %dma_start3A_1839 : memref<1x!tpu.dma_semaphore, #tpu.memory_space<semaphore_mem>> -> memref<!tpu.dma_semaphore, #tpu.memory_space<semaphore_mem>>
    %dma_start3A_1841 = arith.constant 0 : i32
    %dma_start3A_1842 = arith.constant 0 : i32
    %dma_start3A_1843 = tpu.memref_slice %arg7[%dma_start3A_1831, %dma_start3A_1841, %dma_start3A_1842] : memref<8x64x128xf32, #tpu.memory_space<vmem>> -> memref<1x64x128xf32, #tpu.memory_space<vmem>>
    %dma_start3A_1844 = tpu.memref_squeeze %dma_start3A_1843 : memref<1x64x128xf32, #tpu.memory_space<vmem>> -> memref<64x128xf32, #tpu.memory_space<vmem>>
    %dma_start3A_1845 = arith.constant 0 : i32
    %dma_start3A_1846 = tpu.memref_slice %arg2[%dma_start3A_1845, %multiple_of3A_237] : memref<64x1000000xf32, #tpu.memory_space<hbm>> -> memref<64x128xf32, #tpu.memory_space<hbm>>
    tpu.enqueue_dma source(%dma_start3A_1846 : memref<64x128xf32, #tpu.memory_space<hbm>>) target(%dma_start3A_1844 : memref<64x128xf32, #tpu.memory_space<vmem>>) target_semaphore(%dma_start3A_1840 : memref<!tpu.dma_semaphore, #tpu.memory_space<semaphore_mem>>)
    %dma_wait3A_1847 = arith.constant 0 : i32
    %dma_wait3A_1848 = arith.constant 0 : i32
    %dma_wait3A_1849 = arith.constant 0 : i32
    %dma_wait3A_1850 = arith.constant 0 : i32
    %dma_wait3A_1851 = tpu.memref_slice %arg7[%dma_wait3A_1847, %dma_wait3A_1849, %dma_wait3A_1850] : memref<8x64x128xf32, #tpu.memory_space<vmem>> -> memref<1x64x128xf32, #tpu.memory_space<vmem>>
    %dma_wait3A_1852 = tpu.memref_squeeze %dma_wait3A_1851 : memref<1x64x128xf32, #tpu.memory_space<vmem>> -> memref<64x128xf32, #tpu.memory_space<vmem>>
    %dma_wait3A_1853 = arith.constant 0 : i32
    %dma_wait3A_1854 = tpu.memref_slice %arg2[%dma_wait3A_1853, %multiple_of3A_167] : memref<64x1000000xf32, #tpu.memory_space<hbm>> -> memref<64x128xf32, #tpu.memory_space<hbm>>
    %dma_wait3A_1855 = tpu.memref_slice %arg10[%dma_wait3A_1848] : memref<8x!tpu.dma_semaphore, #tpu.memory_space<semaphore_mem>> -> memref<1x!tpu.dma_semaphore, #tpu.memory_space<semaphore_mem>>
    %dma_wait3A_1856 = tpu.memref_squeeze %dma_wait3A_1855 : memref<1x!tpu.dma_semaphore, #tpu.memory_space<semaphore_mem>> -> memref<!tpu.dma_semaphore, #tpu.memory_space<semaphore_mem>>
    %dma_wait3A_1857 = arith.constant 0 : i32
    %dma_wait3A_1858 = arith.constant 0 : i32
    %dma_wait3A_1859 = tpu.memref_slice %arg7[%dma_wait3A_1847, %dma_wait3A_1857, %dma_wait3A_1858] : memref<8x64x128xf32, #tpu.memory_space<vmem>> -> memref<1x64x128xf32, #tpu.memory_space<vmem>>
    %dma_wait3A_1860 = tpu.memref_squeeze %dma_wait3A_1859 : memref<1x64x128xf32, #tpu.memory_space<vmem>> -> memref<64x128xf32, #tpu.memory_space<vmem>>
    %dma_wait3A_1861 = arith.constant 0 : i32
    %dma_wait3A_1862 = tpu.memref_slice %arg2[%dma_wait3A_1861, %multiple_of3A_167] : memref<64x1000000xf32, #tpu.memory_space<hbm>> -> memref<64x128xf32, #tpu.memory_space<hbm>>
    tpu.wait_dma2 semaphore(%dma_wait3A_1856 : memref<!tpu.dma_semaphore, #tpu.memory_space<semaphore_mem>>) src(%dma_wait3A_1862 : memref<64x128xf32, #tpu.memory_space<hbm>>) dst(%dma_wait3A_1860 : memref<64x128xf32, #tpu.memory_space<vmem>>)
    %broadcast_in_dim3A_1863 = vector.broadcast %rem3A_163 : i32 to vector<16xi32>
    %add3A_1864 = arith.constant 0 : i32
    %add3A_1865 = vector.broadcast %add3A_1864 : i32 to vector<16xi32>
    %add3A_1866 = arith.addi %iota3A, %add3A_1865 : vector<16xi32>
    %gather3A_1867 = arith.constant 0 : i32
    %gather3A_1868 = arith.constant 0 : i32
    %gather3A_1869 = arith.constant 0 : i32
    %gather3A_1870 = tpu.memref_slice %arg7[%gather3A_1867, %gather3A_1868, %gather3A_1869] : memref<8x64x128xf32, #tpu.memory_space<vmem>> -> memref<1x64x128xf32, #tpu.memory_space<vmem>>
    %gather3A_1871 = tpu.memref_squeeze %gather3A_1870 : memref<1x64x128xf32, #tpu.memory_space<vmem>> -> memref<64x128xf32, #tpu.memory_space<vmem>>
    %gather3A_1872 = tpu.vector_load_idx %gather3A_1871[%add3A_1866, %broadcast_in_dim3A_1863] : memref<64x128xf32, #tpu.memory_space<vmem>>[vector<16xi32>, vector<16xi32>], vector<16xf32>,
    %swap3A_1873 = arith.constant 16 : i32
    %swap3A_1874 = arith.index_cast %swap3A_1873 : i32 to index
    %swap3A_1875 = arith.constant 0 : index
    %swap3A_1876 = tpu.vector_load %arg9[%swap3A_1874, %swap3A_1875] {strides = array<i32>} : memref<32x64xf32, #tpu.memory_space<vmem>>, vector<16xf32>,
    tpu.vector_store %arg9[%swap3A_1874, %swap3A_1875], %gather3A_1872 {strides = array<i32>} : memref<32x64xf32, #tpu.memory_space<vmem>>, vector<16xf32>,
    %add3A_1877 = arith.constant 16 : i32
    %add3A_1878 = vector.broadcast %add3A_1877 : i32 to vector<16xi32>
    %add3A_1879 = arith.addi %iota3A, %add3A_1878 : vector<16xi32>
    %gather3A_1880 = arith.constant 0 : i32
    %gather3A_1881 = arith.constant 0 : i32
    %gather3A_1882 = arith.constant 0 : i32
    %gather3A_1883 = tpu.memref_slice %arg7[%gather3A_1880, %gather3A_1881, %gather3A_1882] : memref<8x64x128xf32, #tpu.memory_space<vmem>> -> memref<1x64x128xf32, #tpu.memory_space<vmem>>
    %gather3A_1884 = tpu.memref_squeeze %gather3A_1883 : memref<1x64x128xf32, #tpu.memory_space<vmem>> -> memref<64x128xf32, #tpu.memory_space<vmem>>
    %gather3A_1885 = tpu.vector_load_idx %gather3A_1884[%add3A_1879, %broadcast_in_dim3A_1863] : memref<64x128xf32, #tpu.memory_space<vmem>>[vector<16xi32>, vector<16xi32>], vector<16xf32>,
    %swap3A_1886 = arith.constant 16 : i32
    %swap3A_1887 = arith.index_cast %swap3A_1886 : i32 to index
    %swap3A_1888 = arith.constant 16 : index
    %swap3A_1889 = tpu.vector_load %arg9[%swap3A_1887, %swap3A_1888] {strides = array<i32>} : memref<32x64xf32, #tpu.memory_space<vmem>>, vector<16xf32>,
    tpu.vector_store %arg9[%swap3A_1887, %swap3A_1888], %gather3A_1885 {strides = array<i32>} : memref<32x64xf32, #tpu.memory_space<vmem>>, vector<16xf32>,
    %add3A_1890 = arith.constant 32 : i32
    %add3A_1891 = vector.broadcast %add3A_1890 : i32 to vector<16xi32>
    %add3A_1892 = arith.addi %iota3A, %add3A_1891 : vector<16xi32>
    %gather3A_1893 = arith.constant 0 : i32
    %gather3A_1894 = arith.constant 0 : i32
    %gather3A_1895 = arith.constant 0 : i32
    %gather3A_1896 = tpu.memref_slice %arg7[%gather3A_1893, %gather3A_1894, %gather3A_1895] : memref<8x64x128xf32, #tpu.memory_space<vmem>> -> memref<1x64x128xf32, #tpu.memory_space<vmem>>
    %gather3A_1897 = tpu.memref_squeeze %gather3A_1896 : memref<1x64x128xf32, #tpu.memory_space<vmem>> -> memref<64x128xf32, #tpu.memory_space<vmem>>
    %gather3A_1898 = tpu.vector_load_idx %gather3A_1897[%add3A_1892, %broadcast_in_dim3A_1863] : memref<64x128xf32, #tpu.memory_space<vmem>>[vector<16xi32>, vector<16xi32>], vector<16xf32>,
    %swap3A_1899 = arith.constant 16 : i32
    %swap3A_1900 = arith.index_cast %swap3A_1899 : i32 to index
    %swap3A_1901 = arith.constant 32 : index
    %swap3A_1902 = tpu.vector_load %arg9[%swap3A_1900, %swap3A_1901] {strides = array<i32>} : memref<32x64xf32, #tpu.memory_space<vmem>>, vector<16xf32>,
    tpu.vector_store %arg9[%swap3A_1900, %swap3A_1901], %gather3A_1898 {strides = array<i32>} : memref<32x64xf32, #tpu.memory_space<vmem>>, vector<16xf32>,
    %add3A_1903 = arith.constant 48 : i32
    %add3A_1904 = vector.broadcast %add3A_1903 : i32 to vector<16xi32>
    %add3A_1905 = arith.addi %iota3A, %add3A_1904 : vector<16xi32>
    %gather3A_1906 = arith.constant 0 : i32
    %gather3A_1907 = arith.constant 0 : i32
    %gather3A_1908 = arith.constant 0 : i32
    %gather3A_1909 = tpu.memref_slice %arg7[%gather3A_1906, %gather3A_1907, %gather3A_1908] : memref<8x64x128xf32, #tpu.memory_space<vmem>> -> memref<1x64x128xf32, #tpu.memory_space<vmem>>
    %gather3A_1910 = tpu.memref_squeeze %gather3A_1909 : memref<1x64x128xf32, #tpu.memory_space<vmem>> -> memref<64x128xf32, #tpu.memory_space<vmem>>
    %gather3A_1911 = tpu.vector_load_idx %gather3A_1910[%add3A_1905, %broadcast_in_dim3A_1863] : memref<64x128xf32, #tpu.memory_space<vmem>>[vector<16xi32>, vector<16xi32>], vector<16xf32>,
    %swap3A_1912 = arith.constant 16 : i32
    %swap3A_1913 = arith.index_cast %swap3A_1912 : i32 to index
    %swap3A_1914 = arith.constant 48 : index
    %swap3A_1915 = tpu.vector_load %arg9[%swap3A_1913, %swap3A_1914] {strides = array<i32>} : memref<32x64xf32, #tpu.memory_space<vmem>>, vector<16xf32>,
    tpu.vector_store %arg9[%swap3A_1913, %swap3A_1914], %gather3A_1911 {strides = array<i32>} : memref<32x64xf32, #tpu.memory_space<vmem>>, vector<16xf32>,
    %convert_element_type3A_1916 = arith.extui %ge3A_161 : i1 to i32
    %cond3A_1917 = arith.constant 0 : i32
    %cond3A_1918 = arith.cmpi ne, %convert_element_type3A_1916, %cond3A_1917 : i32
    scf.if %cond3A_1918 {
      %add3A_3135 = arith.constant 0 : i32
      %add3A_3136 = vector.broadcast %add3A_3135 : i32 to vector<16xi32>
      %add3A_3137 = arith.addi %iota3A, %add3A_3136 : vector<16xi32>
      %gather3A_3138 = tpu.vector_load_idx %arg8[%add3A_3137, %broadcast_in_dim3A_1863] : memref<64x64xf32, #tpu.memory_space<vmem>>[vector<16xi32>, vector<16xi32>], vector<16xf32>,
      %swap3A_3139 = arith.constant 16 : i32
      %swap3A_3140 = arith.index_cast %swap3A_3139 : i32 to index
      %swap3A_3141 = arith.constant 0 : index
      %swap3A_3142 = tpu.vector_load %arg9[%swap3A_3140, %swap3A_3141] {strides = array<i32>} : memref<32x64xf32, #tpu.memory_space<vmem>>, vector<16xf32>,
      tpu.vector_store %arg9[%swap3A_3140, %swap3A_3141], %gather3A_3138 {strides = array<i32>} : memref<32x64xf32, #tpu.memory_space<vmem>>, vector<16xf32>,
      %add3A_3143 = arith.constant 16 : i32
      %add3A_3144 = vector.broadcast %add3A_3143 : i32 to vector<16xi32>
      %add3A_3145 = arith.addi %iota3A, %add3A_3144 : vector<16xi32>
      %gather3A_3146 = tpu.vector_load_idx %arg8[%add3A_3145, %broadcast_in_dim3A_1863] : memref<64x64xf32, #tpu.memory_space<vmem>>[vector<16xi32>, vector<16xi32>], vector<16xf32>,
      %swap3A_3147 = arith.constant 16 : i32
      %swap3A_3148 = arith.index_cast %swap3A_3147 : i32 to index
      %swap3A_3149 = arith.constant 16 : index
      %swap3A_3150 = tpu.vector_load %arg9[%swap3A_3148, %swap3A_3149] {strides = array<i32>} : memref<32x64xf32, #tpu.memory_space<vmem>>, vector<16xf32>,
      tpu.vector_store %arg9[%swap3A_3148, %swap3A_3149], %gather3A_3146 {strides = array<i32>} : memref<32x64xf32, #tpu.memory_space<vmem>>, vector<16xf32>,
      %add3A_3151 = arith.constant 32 : i32
      %add3A_3152 = vector.broadcast %add3A_3151 : i32 to vector<16xi32>
      %add3A_3153 = arith.addi %iota3A, %add3A_3152 : vector<16xi32>
      %gather3A_3154 = tpu.vector_load_idx %arg8[%add3A_3153, %broadcast_in_dim3A_1863] : memref<64x64xf32, #tpu.memory_space<vmem>>[vector<16xi32>, vector<16xi32>], vector<16xf32>,
      %swap3A_3155 = arith.constant 16 : i32
      %swap3A_3156 = arith.index_cast %swap3A_3155 : i32 to index
      %swap3A_3157 = arith.constant 32 : index
      %swap3A_3158 = tpu.vector_load %arg9[%swap3A_3156, %swap3A_3157] {strides = array<i32>} : memref<32x64xf32, #tpu.memory_space<vmem>>, vector<16xf32>,
      tpu.vector_store %arg9[%swap3A_3156, %swap3A_3157], %gather3A_3154 {strides = array<i32>} : memref<32x64xf32, #tpu.memory_space<vmem>>, vector<16xf32>,
      %add3A_3159 = arith.constant 48 : i32
      %add3A_3160 = vector.broadcast %add3A_3159 : i32 to vector<16xi32>
      %add3A_3161 = arith.addi %iota3A, %add3A_3160 : vector<16xi32>
      %gather3A_3162 = tpu.vector_load_idx %arg8[%add3A_3161, %broadcast_in_dim3A_1863] : memref<64x64xf32, #tpu.memory_space<vmem>>[vector<16xi32>, vector<16xi32>], vector<16xf32>,
      %swap3A_3163 = arith.constant 16 : i32
      %swap3A_3164 = arith.index_cast %swap3A_3163 : i32 to index
      %swap3A_3165 = arith.constant 48 : index
      %swap3A_3166 = tpu.vector_load %arg9[%swap3A_3164, %swap3A_3165] {strides = array<i32>} : memref<32x64xf32, #tpu.memory_space<vmem>>, vector<16xf32>,
      tpu.vector_store %arg9[%swap3A_3164, %swap3A_3165], %gather3A_3162 {strides = array<i32>} : memref<32x64xf32, #tpu.memory_space<vmem>>, vector<16xf32>,
    } else {
    }
    %dma_start3A_1919 = arith.constant 0 : i32
    %dma_start3A_1920 = arith.constant 0 : i32
    %dma_start3A_1921 = arith.constant 0 : i32
    %dma_start3A_1922 = arith.constant 0 : i32
    %dma_start3A_1923 = tpu.memref_slice %arg7[%dma_start3A_1919, %dma_start3A_1921, %dma_start3A_1922] : memref<8x64x128xf32, #tpu.memory_space<vmem>> -> memref<1x64x128xf32, #tpu.memory_space<vmem>>
    %dma_start3A_1924 = tpu.memref_squeeze %dma_start3A_1923 : memref<1x64x128xf32, #tpu.memory_space<vmem>> -> memref<64x128xf32, #tpu.memory_space<vmem>>
    %dma_start3A_1925 = arith.constant 0 : i32
    %dma_start3A_1926 = tpu.memref_slice %arg2[%dma_start3A_1925, %multiple_of3A_247] : memref<64x1000000xf32, #tpu.memory_space<hbm>> -> memref<64x128xf32, #tpu.memory_space<hbm>>
    %dma_start3A_1927 = tpu.memref_slice %arg10[%dma_start3A_1920] : memref<8x!tpu.dma_semaphore, #tpu.memory_space<semaphore_mem>> -> memref<1x!tpu.dma_semaphore, #tpu.memory_space<semaphore_mem>>
    %dma_start3A_1928 = tpu.memref_squeeze %dma_start3A_1927 : memref<1x!tpu.dma_semaphore, #tpu.memory_space<semaphore_mem>> -> memref<!tpu.dma_semaphore, #tpu.memory_space<semaphore_mem>>
    %dma_start3A_1929 = arith.constant 0 : i32
    %dma_start3A_1930 = arith.constant 0 : i32
    %dma_start3A_1931 = tpu.memref_slice %arg7[%dma_start3A_1919, %dma_start3A_1929, %dma_start3A_1930] : memref<8x64x128xf32, #tpu.memory_space<vmem>> -> memref<1x64x128xf32, #tpu.memory_space<vmem>>
    %dma_start3A_1932 = tpu.memref_squeeze %dma_start3A_1931 : memref<1x64x128xf32, #tpu.memory_space<vmem>> -> memref<64x128xf32, #tpu.memory_space<vmem>>
    %dma_start3A_1933 = arith.constant 0 : i32
    %dma_start3A_1934 = tpu.memref_slice %arg2[%dma_start3A_1933, %multiple_of3A_247] : memref<64x1000000xf32, #tpu.memory_space<hbm>> -> memref<64x128xf32, #tpu.memory_space<hbm>>
    tpu.enqueue_dma source(%dma_start3A_1934 : memref<64x128xf32, #tpu.memory_space<hbm>>) target(%dma_start3A_1932 : memref<64x128xf32, #tpu.memory_space<vmem>>) target_semaphore(%dma_start3A_1928 : memref<!tpu.dma_semaphore, #tpu.memory_space<semaphore_mem>>)
    %dma_wait3A_1935 = arith.constant 1 : i32
    %dma_wait3A_1936 = arith.constant 1 : i32
    %dma_wait3A_1937 = arith.constant 0 : i32
    %dma_wait3A_1938 = arith.constant 0 : i32
    %dma_wait3A_1939 = tpu.memref_slice %arg7[%dma_wait3A_1935, %dma_wait3A_1937, %dma_wait3A_1938] : memref<8x64x128xf32, #tpu.memory_space<vmem>> -> memref<1x64x128xf32, #tpu.memory_space<vmem>>
    %dma_wait3A_1940 = tpu.memref_squeeze %dma_wait3A_1939 : memref<1x64x128xf32, #tpu.memory_space<vmem>> -> memref<64x128xf32, #tpu.memory_space<vmem>>
    %dma_wait3A_1941 = arith.constant 0 : i32
    %dma_wait3A_1942 = tpu.memref_slice %arg2[%dma_wait3A_1941, %multiple_of3A_177] : memref<64x1000000xf32, #tpu.memory_space<hbm>> -> memref<64x128xf32, #tpu.memory_space<hbm>>
    %dma_wait3A_1943 = tpu.memref_slice %arg10[%dma_wait3A_1936] : memref<8x!tpu.dma_semaphore, #tpu.memory_space<semaphore_mem>> -> memref<1x!tpu.dma_semaphore, #tpu.memory_space<semaphore_mem>>
    %dma_wait3A_1944 = tpu.memref_squeeze %dma_wait3A_1943 : memref<1x!tpu.dma_semaphore, #tpu.memory_space<semaphore_mem>> -> memref<!tpu.dma_semaphore, #tpu.memory_space<semaphore_mem>>
    %dma_wait3A_1945 = arith.constant 0 : i32
    %dma_wait3A_1946 = arith.constant 0 : i32
    %dma_wait3A_1947 = tpu.memref_slice %arg7[%dma_wait3A_1935, %dma_wait3A_1945, %dma_wait3A_1946] : memref<8x64x128xf32, #tpu.memory_space<vmem>> -> memref<1x64x128xf32, #tpu.memory_space<vmem>>
    %dma_wait3A_1948 = tpu.memref_squeeze %dma_wait3A_1947 : memref<1x64x128xf32, #tpu.memory_space<vmem>> -> memref<64x128xf32, #tpu.memory_space<vmem>>
    %dma_wait3A_1949 = arith.constant 0 : i32
    %dma_wait3A_1950 = tpu.memref_slice %arg2[%dma_wait3A_1949, %multiple_of3A_177] : memref<64x1000000xf32, #tpu.memory_space<hbm>> -> memref<64x128xf32, #tpu.memory_space<hbm>>
    tpu.wait_dma2 semaphore(%dma_wait3A_1944 : memref<!tpu.dma_semaphore, #tpu.memory_space<semaphore_mem>>) src(%dma_wait3A_1950 : memref<64x128xf32, #tpu.memory_space<hbm>>) dst(%dma_wait3A_1948 : memref<64x128xf32, #tpu.memory_space<vmem>>)
    %broadcast_in_dim3A_1951 = vector.broadcast %rem3A_173 : i32 to vector<16xi32>
    %add3A_1952 = arith.constant 0 : i32
    %add3A_1953 = vector.broadcast %add3A_1952 : i32 to vector<16xi32>
    %add3A_1954 = arith.addi %iota3A, %add3A_1953 : vector<16xi32>
    %gather3A_1955 = arith.constant 1 : i32
    %gather3A_1956 = arith.constant 0 : i32
    %gather3A_1957 = arith.constant 0 : i32
    %gather3A_1958 = tpu.memref_slice %arg7[%gather3A_1955, %gather3A_1956, %gather3A_1957] : memref<8x64x128xf32, #tpu.memory_space<vmem>> -> memref<1x64x128xf32, #tpu.memory_space<vmem>>
    %gather3A_1959 = tpu.memref_squeeze %gather3A_1958 : memref<1x64x128xf32, #tpu.memory_space<vmem>> -> memref<64x128xf32, #tpu.memory_space<vmem>>
    %gather3A_1960 = tpu.vector_load_idx %gather3A_1959[%add3A_1954, %broadcast_in_dim3A_1951] : memref<64x128xf32, #tpu.memory_space<vmem>>[vector<16xi32>, vector<16xi32>], vector<16xf32>,
    %swap3A_1961 = arith.constant 17 : i32
    %swap3A_1962 = arith.index_cast %swap3A_1961 : i32 to index
    %swap3A_1963 = arith.constant 0 : index
    %swap3A_1964 = tpu.vector_load %arg9[%swap3A_1962, %swap3A_1963] {strides = array<i32>} : memref<32x64xf32, #tpu.memory_space<vmem>>, vector<16xf32>,
    tpu.vector_store %arg9[%swap3A_1962, %swap3A_1963], %gather3A_1960 {strides = array<i32>} : memref<32x64xf32, #tpu.memory_space<vmem>>, vector<16xf32>,
    %add3A_1965 = arith.constant 16 : i32
    %add3A_1966 = vector.broadcast %add3A_1965 : i32 to vector<16xi32>
    %add3A_1967 = arith.addi %iota3A, %add3A_1966 : vector<16xi32>
    %gather3A_1968 = arith.constant 1 : i32
    %gather3A_1969 = arith.constant 0 : i32
    %gather3A_1970 = arith.constant 0 : i32
    %gather3A_1971 = tpu.memref_slice %arg7[%gather3A_1968, %gather3A_1969, %gather3A_1970] : memref<8x64x128xf32, #tpu.memory_space<vmem>> -> memref<1x64x128xf32, #tpu.memory_space<vmem>>
    %gather3A_1972 = tpu.memref_squeeze %gather3A_1971 : memref<1x64x128xf32, #tpu.memory_space<vmem>> -> memref<64x128xf32, #tpu.memory_space<vmem>>
    %gather3A_1973 = tpu.vector_load_idx %gather3A_1972[%add3A_1967, %broadcast_in_dim3A_1951] : memref<64x128xf32, #tpu.memory_space<vmem>>[vector<16xi32>, vector<16xi32>], vector<16xf32>,
    %swap3A_1974 = arith.constant 17 : i32
    %swap3A_1975 = arith.index_cast %swap3A_1974 : i32 to index
    %swap3A_1976 = arith.constant 16 : index
    %swap3A_1977 = tpu.vector_load %arg9[%swap3A_1975, %swap3A_1976] {strides = array<i32>} : memref<32x64xf32, #tpu.memory_space<vmem>>, vector<16xf32>,
    tpu.vector_store %arg9[%swap3A_1975, %swap3A_1976], %gather3A_1973 {strides = array<i32>} : memref<32x64xf32, #tpu.memory_space<vmem>>, vector<16xf32>,
    %add3A_1978 = arith.constant 32 : i32
    %add3A_1979 = vector.broadcast %add3A_1978 : i32 to vector<16xi32>
    %add3A_1980 = arith.addi %iota3A, %add3A_1979 : vector<16xi32>
    %gather3A_1981 = arith.constant 1 : i32
    %gather3A_1982 = arith.constant 0 : i32
    %gather3A_1983 = arith.constant 0 : i32
    %gather3A_1984 = tpu.memref_slice %arg7[%gather3A_1981, %gather3A_1982, %gather3A_1983] : memref<8x64x128xf32, #tpu.memory_space<vmem>> -> memref<1x64x128xf32, #tpu.memory_space<vmem>>
    %gather3A_1985 = tpu.memref_squeeze %gather3A_1984 : memref<1x64x128xf32, #tpu.memory_space<vmem>> -> memref<64x128xf32, #tpu.memory_space<vmem>>
    %gather3A_1986 = tpu.vector_load_idx %gather3A_1985[%add3A_1980, %broadcast_in_dim3A_1951] : memref<64x128xf32, #tpu.memory_space<vmem>>[vector<16xi32>, vector<16xi32>], vector<16xf32>,
    %swap3A_1987 = arith.constant 17 : i32
    %swap3A_1988 = arith.index_cast %swap3A_1987 : i32 to index
    %swap3A_1989 = arith.constant 32 : index
    %swap3A_1990 = tpu.vector_load %arg9[%swap3A_1988, %swap3A_1989] {strides = array<i32>} : memref<32x64xf32, #tpu.memory_space<vmem>>, vector<16xf32>,
    tpu.vector_store %arg9[%swap3A_1988, %swap3A_1989], %gather3A_1986 {strides = array<i32>} : memref<32x64xf32, #tpu.memory_space<vmem>>, vector<16xf32>,
    %add3A_1991 = arith.constant 48 : i32
    %add3A_1992 = vector.broadcast %add3A_1991 : i32 to vector<16xi32>
    %add3A_1993 = arith.addi %iota3A, %add3A_1992 : vector<16xi32>
    %gather3A_1994 = arith.constant 1 : i32
    %gather3A_1995 = arith.constant 0 : i32
    %gather3A_1996 = arith.constant 0 : i32
    %gather3A_1997 = tpu.memref_slice %arg7[%gather3A_1994, %gather3A_1995, %gather3A_1996] : memref<8x64x128xf32, #tpu.memory_space<vmem>> -> memref<1x64x128xf32, #tpu.memory_space<vmem>>
    %gather3A_1998 = tpu.memref_squeeze %gather3A_1997 : memref<1x64x128xf32, #tpu.memory_space<vmem>> -> memref<64x128xf32, #tpu.memory_space<vmem>>
    %gather3A_1999 = tpu.vector_load_idx %gather3A_1998[%add3A_1993, %broadcast_in_dim3A_1951] : memref<64x128xf32, #tpu.memory_space<vmem>>[vector<16xi32>, vector<16xi32>], vector<16xf32>,
    %swap3A_2000 = arith.constant 17 : i32
    %swap3A_2001 = arith.index_cast %swap3A_2000 : i32 to index
    %swap3A_2002 = arith.constant 48 : index
    %swap3A_2003 = tpu.vector_load %arg9[%swap3A_2001, %swap3A_2002] {strides = array<i32>} : memref<32x64xf32, #tpu.memory_space<vmem>>, vector<16xf32>,
    tpu.vector_store %arg9[%swap3A_2001, %swap3A_2002], %gather3A_1999 {strides = array<i32>} : memref<32x64xf32, #tpu.memory_space<vmem>>, vector<16xf32>,
    %convert_element_type3A_2004 = arith.extui %ge3A_171 : i1 to i32
    %cond3A_2005 = arith.constant 0 : i32
    %cond3A_2006 = arith.cmpi ne, %convert_element_type3A_2004, %cond3A_2005 : i32
    scf.if %cond3A_2006 {
      %add3A_3135 = arith.constant 0 : i32
      %add3A_3136 = vector.broadcast %add3A_3135 : i32 to vector<16xi32>
      %add3A_3137 = arith.addi %iota3A, %add3A_3136 : vector<16xi32>
      %gather3A_3138 = tpu.vector_load_idx %arg8[%add3A_3137, %broadcast_in_dim3A_1951] : memref<64x64xf32, #tpu.memory_space<vmem>>[vector<16xi32>, vector<16xi32>], vector<16xf32>,
      %swap3A_3139 = arith.constant 17 : i32
      %swap3A_3140 = arith.index_cast %swap3A_3139 : i32 to index
      %swap3A_3141 = arith.constant 0 : index
      %swap3A_3142 = tpu.vector_load %arg9[%swap3A_3140, %swap3A_3141] {strides = array<i32>} : memref<32x64xf32, #tpu.memory_space<vmem>>, vector<16xf32>,
      tpu.vector_store %arg9[%swap3A_3140, %swap3A_3141], %gather3A_3138 {strides = array<i32>} : memref<32x64xf32, #tpu.memory_space<vmem>>, vector<16xf32>,
      %add3A_3143 = arith.constant 16 : i32
      %add3A_3144 = vector.broadcast %add3A_3143 : i32 to vector<16xi32>
      %add3A_3145 = arith.addi %iota3A, %add3A_3144 : vector<16xi32>
      %gather3A_3146 = tpu.vector_load_idx %arg8[%add3A_3145, %broadcast_in_dim3A_1951] : memref<64x64xf32, #tpu.memory_space<vmem>>[vector<16xi32>, vector<16xi32>], vector<16xf32>,
      %swap3A_3147 = arith.constant 17 : i32
      %swap3A_3148 = arith.index_cast %swap3A_3147 : i32 to index
      %swap3A_3149 = arith.constant 16 : index
      %swap3A_3150 = tpu.vector_load %arg9[%swap3A_3148, %swap3A_3149] {strides = array<i32>} : memref<32x64xf32, #tpu.memory_space<vmem>>, vector<16xf32>,
      tpu.vector_store %arg9[%swap3A_3148, %swap3A_3149], %gather3A_3146 {strides = array<i32>} : memref<32x64xf32, #tpu.memory_space<vmem>>, vector<16xf32>,
      %add3A_3151 = arith.constant 32 : i32
      %add3A_3152 = vector.broadcast %add3A_3151 : i32 to vector<16xi32>
      %add3A_3153 = arith.addi %iota3A, %add3A_3152 : vector<16xi32>
      %gather3A_3154 = tpu.vector_load_idx %arg8[%add3A_3153, %broadcast_in_dim3A_1951] : memref<64x64xf32, #tpu.memory_space<vmem>>[vector<16xi32>, vector<16xi32>], vector<16xf32>,
      %swap3A_3155 = arith.constant 17 : i32
      %swap3A_3156 = arith.index_cast %swap3A_3155 : i32 to index
      %swap3A_3157 = arith.constant 32 : index
      %swap3A_3158 = tpu.vector_load %arg9[%swap3A_3156, %swap3A_3157] {strides = array<i32>} : memref<32x64xf32, #tpu.memory_space<vmem>>, vector<16xf32>,
      tpu.vector_store %arg9[%swap3A_3156, %swap3A_3157], %gather3A_3154 {strides = array<i32>} : memref<32x64xf32, #tpu.memory_space<vmem>>, vector<16xf32>,
      %add3A_3159 = arith.constant 48 : i32
      %add3A_3160 = vector.broadcast %add3A_3159 : i32 to vector<16xi32>
      %add3A_3161 = arith.addi %iota3A, %add3A_3160 : vector<16xi32>
      %gather3A_3162 = tpu.vector_load_idx %arg8[%add3A_3161, %broadcast_in_dim3A_1951] : memref<64x64xf32, #tpu.memory_space<vmem>>[vector<16xi32>, vector<16xi32>], vector<16xf32>,
      %swap3A_3163 = arith.constant 17 : i32
      %swap3A_3164 = arith.index_cast %swap3A_3163 : i32 to index
      %swap3A_3165 = arith.constant 48 : index
      %swap3A_3166 = tpu.vector_load %arg9[%swap3A_3164, %swap3A_3165] {strides = array<i32>} : memref<32x64xf32, #tpu.memory_space<vmem>>, vector<16xf32>,
      tpu.vector_store %arg9[%swap3A_3164, %swap3A_3165], %gather3A_3162 {strides = array<i32>} : memref<32x64xf32, #tpu.memory_space<vmem>>, vector<16xf32>,
    } else {
    }
    %dma_start3A_2007 = arith.constant 1 : i32
    %dma_start3A_2008 = arith.constant 1 : i32
    %dma_start3A_2009 = arith.constant 0 : i32
    %dma_start3A_2010 = arith.constant 0 : i32
    %dma_start3A_2011 = tpu.memref_slice %arg7[%dma_start3A_2007, %dma_start3A_2009, %dma_start3A_2010] : memref<8x64x128xf32, #tpu.memory_space<vmem>> -> memref<1x64x128xf32, #tpu.memory_space<vmem>>
    %dma_start3A_2012 = tpu.memref_squeeze %dma_start3A_2011 : memref<1x64x128xf32, #tpu.memory_space<vmem>> -> memref<64x128xf32, #tpu.memory_space<vmem>>
    %dma_start3A_2013 = arith.constant 0 : i32
    %dma_start3A_2014 = tpu.memref_slice %arg2[%dma_start3A_2013, %multiple_of3A_257] : memref<64x1000000xf32, #tpu.memory_space<hbm>> -> memref<64x128xf32, #tpu.memory_space<hbm>>
    %dma_start3A_2015 = tpu.memref_slice %arg10[%dma_start3A_2008] : memref<8x!tpu.dma_semaphore, #tpu.memory_space<semaphore_mem>> -> memref<1x!tpu.dma_semaphore, #tpu.memory_space<semaphore_mem>>
    %dma_start3A_2016 = tpu.memref_squeeze %dma_start3A_2015 : memref<1x!tpu.dma_semaphore, #tpu.memory_space<semaphore_mem>> -> memref<!tpu.dma_semaphore, #tpu.memory_space<semaphore_mem>>
    %dma_start3A_2017 = arith.constant 0 : i32
    %dma_start3A_2018 = arith.constant 0 : i32
    %dma_start3A_2019 = tpu.memref_slice %arg7[%dma_start3A_2007, %dma_start3A_2017, %dma_start3A_2018] : memref<8x64x128xf32, #tpu.memory_space<vmem>> -> memref<1x64x128xf32, #tpu.memory_space<vmem>>
    %dma_start3A_2020 = tpu.memref_squeeze %dma_start3A_2019 : memref<1x64x128xf32, #tpu.memory_space<vmem>> -> memref<64x128xf32, #tpu.memory_space<vmem>>
    %dma_start3A_2021 = arith.constant 0 : i32
    %dma_start3A_2022 = tpu.memref_slice %arg2[%dma_start3A_2021, %multiple_of3A_257] : memref<64x1000000xf32, #tpu.memory_space<hbm>> -> memref<64x128xf32, #tpu.memory_space<hbm>>
    tpu.enqueue_dma source(%dma_start3A_2022 : memref<64x128xf32, #tpu.memory_space<hbm>>) target(%dma_start3A_2020 : memref<64x128xf32, #tpu.memory_space<vmem>>) target_semaphore(%dma_start3A_2016 : memref<!tpu.dma_semaphore, #tpu.memory_space<semaphore_mem>>)
    %dma_wait3A_2023 = arith.constant 2 : i32
    %dma_wait3A_2024 = arith.constant 2 : i32
    %dma_wait3A_2025 = arith.constant 0 : i32
    %dma_wait3A_2026 = arith.constant 0 : i32
    %dma_wait3A_2027 = tpu.memref_slice %arg7[%dma_wait3A_2023, %dma_wait3A_2025, %dma_wait3A_2026] : memref<8x64x128xf32, #tpu.memory_space<vmem>> -> memref<1x64x128xf32, #tpu.memory_space<vmem>>
    %dma_wait3A_2028 = tpu.memref_squeeze %dma_wait3A_2027 : memref<1x64x128xf32, #tpu.memory_space<vmem>> -> memref<64x128xf32, #tpu.memory_space<vmem>>
    %dma_wait3A_2029 = arith.constant 0 : i32
    %dma_wait3A_2030 = tpu.memref_slice %arg2[%dma_wait3A_2029, %multiple_of3A_187] : memref<64x1000000xf32, #tpu.memory_space<hbm>> -> memref<64x128xf32, #tpu.memory_space<hbm>>
    %dma_wait3A_2031 = tpu.memref_slice %arg10[%dma_wait3A_2024] : memref<8x!tpu.dma_semaphore, #tpu.memory_space<semaphore_mem>> -> memref<1x!tpu.dma_semaphore, #tpu.memory_space<semaphore_mem>>
    %dma_wait3A_2032 = tpu.memref_squeeze %dma_wait3A_2031 : memref<1x!tpu.dma_semaphore, #tpu.memory_space<semaphore_mem>> -> memref<!tpu.dma_semaphore, #tpu.memory_space<semaphore_mem>>
    %dma_wait3A_2033 = arith.constant 0 : i32
    %dma_wait3A_2034 = arith.constant 0 : i32
    %dma_wait3A_2035 = tpu.memref_slice %arg7[%dma_wait3A_2023, %dma_wait3A_2033, %dma_wait3A_2034] : memref<8x64x128xf32, #tpu.memory_space<vmem>> -> memref<1x64x128xf32, #tpu.memory_space<vmem>>
    %dma_wait3A_2036 = tpu.memref_squeeze %dma_wait3A_2035 : memref<1x64x128xf32, #tpu.memory_space<vmem>> -> memref<64x128xf32, #tpu.memory_space<vmem>>
    %dma_wait3A_2037 = arith.constant 0 : i32
    %dma_wait3A_2038 = tpu.memref_slice %arg2[%dma_wait3A_2037, %multiple_of3A_187] : memref<64x1000000xf32, #tpu.memory_space<hbm>> -> memref<64x128xf32, #tpu.memory_space<hbm>>
    tpu.wait_dma2 semaphore(%dma_wait3A_2032 : memref<!tpu.dma_semaphore, #tpu.memory_space<semaphore_mem>>) src(%dma_wait3A_2038 : memref<64x128xf32, #tpu.memory_space<hbm>>) dst(%dma_wait3A_2036 : memref<64x128xf32, #tpu.memory_space<vmem>>)
    %broadcast_in_dim3A_2039 = vector.broadcast %rem3A_183 : i32 to vector<16xi32>
    %add3A_2040 = arith.constant 0 : i32
    %add3A_2041 = vector.broadcast %add3A_2040 : i32 to vector<16xi32>
    %add3A_2042 = arith.addi %iota3A, %add3A_2041 : vector<16xi32>
    %gather3A_2043 = arith.constant 2 : i32
    %gather3A_2044 = arith.constant 0 : i32
    %gather3A_2045 = arith.constant 0 : i32
    %gather3A_2046 = tpu.memref_slice %arg7[%gather3A_2043, %gather3A_2044, %gather3A_2045] : memref<8x64x128xf32, #tpu.memory_space<vmem>> -> memref<1x64x128xf32, #tpu.memory_space<vmem>>
    %gather3A_2047 = tpu.memref_squeeze %gather3A_2046 : memref<1x64x128xf32, #tpu.memory_space<vmem>> -> memref<64x128xf32, #tpu.memory_space<vmem>>
    %gather3A_2048 = tpu.vector_load_idx %gather3A_2047[%add3A_2042, %broadcast_in_dim3A_2039] : memref<64x128xf32, #tpu.memory_space<vmem>>[vector<16xi32>, vector<16xi32>], vector<16xf32>,
    %swap3A_2049 = arith.constant 18 : i32
    %swap3A_2050 = arith.index_cast %swap3A_2049 : i32 to index
    %swap3A_2051 = arith.constant 0 : index
    %swap3A_2052 = tpu.vector_load %arg9[%swap3A_2050, %swap3A_2051] {strides = array<i32>} : memref<32x64xf32, #tpu.memory_space<vmem>>, vector<16xf32>,
    tpu.vector_store %arg9[%swap3A_2050, %swap3A_2051], %gather3A_2048 {strides = array<i32>} : memref<32x64xf32, #tpu.memory_space<vmem>>, vector<16xf32>,
    %add3A_2053 = arith.constant 16 : i32
    %add3A_2054 = vector.broadcast %add3A_2053 : i32 to vector<16xi32>
    %add3A_2055 = arith.addi %iota3A, %add3A_2054 : vector<16xi32>
    %gather3A_2056 = arith.constant 2 : i32
    %gather3A_2057 = arith.constant 0 : i32
    %gather3A_2058 = arith.constant 0 : i32
    %gather3A_2059 = tpu.memref_slice %arg7[%gather3A_2056, %gather3A_2057, %gather3A_2058] : memref<8x64x128xf32, #tpu.memory_space<vmem>> -> memref<1x64x128xf32, #tpu.memory_space<vmem>>
    %gather3A_2060 = tpu.memref_squeeze %gather3A_2059 : memref<1x64x128xf32, #tpu.memory_space<vmem>> -> memref<64x128xf32, #tpu.memory_space<vmem>>
    %gather3A_2061 = tpu.vector_load_idx %gather3A_2060[%add3A_2055, %broadcast_in_dim3A_2039] : memref<64x128xf32, #tpu.memory_space<vmem>>[vector<16xi32>, vector<16xi32>], vector<16xf32>,
    %swap3A_2062 = arith.constant 18 : i32
    %swap3A_2063 = arith.index_cast %swap3A_2062 : i32 to index
    %swap3A_2064 = arith.constant 16 : index
    %swap3A_2065 = tpu.vector_load %arg9[%swap3A_2063, %swap3A_2064] {strides = array<i32>} : memref<32x64xf32, #tpu.memory_space<vmem>>, vector<16xf32>,
    tpu.vector_store %arg9[%swap3A_2063, %swap3A_2064], %gather3A_2061 {strides = array<i32>} : memref<32x64xf32, #tpu.memory_space<vmem>>, vector<16xf32>,
    %add3A_2066 = arith.constant 32 : i32
    %add3A_2067 = vector.broadcast %add3A_2066 : i32 to vector<16xi32>
    %add3A_2068 = arith.addi %iota3A, %add3A_2067 : vector<16xi32>
    %gather3A_2069 = arith.constant 2 : i32
    %gather3A_2070 = arith.constant 0 : i32
    %gather3A_2071 = arith.constant 0 : i32
    %gather3A_2072 = tpu.memref_slice %arg7[%gather3A_2069, %gather3A_2070, %gather3A_2071] : memref<8x64x128xf32, #tpu.memory_space<vmem>> -> memref<1x64x128xf32, #tpu.memory_space<vmem>>
    %gather3A_2073 = tpu.memref_squeeze %gather3A_2072 : memref<1x64x128xf32, #tpu.memory_space<vmem>> -> memref<64x128xf32, #tpu.memory_space<vmem>>
    %gather3A_2074 = tpu.vector_load_idx %gather3A_2073[%add3A_2068, %broadcast_in_dim3A_2039] : memref<64x128xf32, #tpu.memory_space<vmem>>[vector<16xi32>, vector<16xi32>], vector<16xf32>,
    %swap3A_2075 = arith.constant 18 : i32
    %swap3A_2076 = arith.index_cast %swap3A_2075 : i32 to index
    %swap3A_2077 = arith.constant 32 : index
    %swap3A_2078 = tpu.vector_load %arg9[%swap3A_2076, %swap3A_2077] {strides = array<i32>} : memref<32x64xf32, #tpu.memory_space<vmem>>, vector<16xf32>,
    tpu.vector_store %arg9[%swap3A_2076, %swap3A_2077], %gather3A_2074 {strides = array<i32>} : memref<32x64xf32, #tpu.memory_space<vmem>>, vector<16xf32>,
    %add3A_2079 = arith.constant 48 : i32
    %add3A_2080 = vector.broadcast %add3A_2079 : i32 to vector<16xi32>
    %add3A_2081 = arith.addi %iota3A, %add3A_2080 : vector<16xi32>
    %gather3A_2082 = arith.constant 2 : i32
    %gather3A_2083 = arith.constant 0 : i32
    %gather3A_2084 = arith.constant 0 : i32
    %gather3A_2085 = tpu.memref_slice %arg7[%gather3A_2082, %gather3A_2083, %gather3A_2084] : memref<8x64x128xf32, #tpu.memory_space<vmem>> -> memref<1x64x128xf32, #tpu.memory_space<vmem>>
    %gather3A_2086 = tpu.memref_squeeze %gather3A_2085 : memref<1x64x128xf32, #tpu.memory_space<vmem>> -> memref<64x128xf32, #tpu.memory_space<vmem>>
    %gather3A_2087 = tpu.vector_load_idx %gather3A_2086[%add3A_2081, %broadcast_in_dim3A_2039] : memref<64x128xf32, #tpu.memory_space<vmem>>[vector<16xi32>, vector<16xi32>], vector<16xf32>,
    %swap3A_2088 = arith.constant 18 : i32
    %swap3A_2089 = arith.index_cast %swap3A_2088 : i32 to index
    %swap3A_2090 = arith.constant 48 : index
    %swap3A_2091 = tpu.vector_load %arg9[%swap3A_2089, %swap3A_2090] {strides = array<i32>} : memref<32x64xf32, #tpu.memory_space<vmem>>, vector<16xf32>,
    tpu.vector_store %arg9[%swap3A_2089, %swap3A_2090], %gather3A_2087 {strides = array<i32>} : memref<32x64xf32, #tpu.memory_space<vmem>>, vector<16xf32>,
    %convert_element_type3A_2092 = arith.extui %ge3A_181 : i1 to i32
    %cond3A_2093 = arith.constant 0 : i32
    %cond3A_2094 = arith.cmpi ne, %convert_element_type3A_2092, %cond3A_2093 : i32
    scf.if %cond3A_2094 {
      %add3A_3135 = arith.constant 0 : i32
      %add3A_3136 = vector.broadcast %add3A_3135 : i32 to vector<16xi32>
      %add3A_3137 = arith.addi %iota3A, %add3A_3136 : vector<16xi32>
      %gather3A_3138 = tpu.vector_load_idx %arg8[%add3A_3137, %broadcast_in_dim3A_2039] : memref<64x64xf32, #tpu.memory_space<vmem>>[vector<16xi32>, vector<16xi32>], vector<16xf32>,
      %swap3A_3139 = arith.constant 18 : i32
      %swap3A_3140 = arith.index_cast %swap3A_3139 : i32 to index
      %swap3A_3141 = arith.constant 0 : index
      %swap3A_3142 = tpu.vector_load %arg9[%swap3A_3140, %swap3A_3141] {strides = array<i32>} : memref<32x64xf32, #tpu.memory_space<vmem>>, vector<16xf32>,
      tpu.vector_store %arg9[%swap3A_3140, %swap3A_3141], %gather3A_3138 {strides = array<i32>} : memref<32x64xf32, #tpu.memory_space<vmem>>, vector<16xf32>,
      %add3A_3143 = arith.constant 16 : i32
      %add3A_3144 = vector.broadcast %add3A_3143 : i32 to vector<16xi32>
      %add3A_3145 = arith.addi %iota3A, %add3A_3144 : vector<16xi32>
      %gather3A_3146 = tpu.vector_load_idx %arg8[%add3A_3145, %broadcast_in_dim3A_2039] : memref<64x64xf32, #tpu.memory_space<vmem>>[vector<16xi32>, vector<16xi32>], vector<16xf32>,
      %swap3A_3147 = arith.constant 18 : i32
      %swap3A_3148 = arith.index_cast %swap3A_3147 : i32 to index
      %swap3A_3149 = arith.constant 16 : index
      %swap3A_3150 = tpu.vector_load %arg9[%swap3A_3148, %swap3A_3149] {strides = array<i32>} : memref<32x64xf32, #tpu.memory_space<vmem>>, vector<16xf32>,
      tpu.vector_store %arg9[%swap3A_3148, %swap3A_3149], %gather3A_3146 {strides = array<i32>} : memref<32x64xf32, #tpu.memory_space<vmem>>, vector<16xf32>,
      %add3A_3151 = arith.constant 32 : i32
      %add3A_3152 = vector.broadcast %add3A_3151 : i32 to vector<16xi32>
      %add3A_3153 = arith.addi %iota3A, %add3A_3152 : vector<16xi32>
      %gather3A_3154 = tpu.vector_load_idx %arg8[%add3A_3153, %broadcast_in_dim3A_2039] : memref<64x64xf32, #tpu.memory_space<vmem>>[vector<16xi32>, vector<16xi32>], vector<16xf32>,
      %swap3A_3155 = arith.constant 18 : i32
      %swap3A_3156 = arith.index_cast %swap3A_3155 : i32 to index
      %swap3A_3157 = arith.constant 32 : index
      %swap3A_3158 = tpu.vector_load %arg9[%swap3A_3156, %swap3A_3157] {strides = array<i32>} : memref<32x64xf32, #tpu.memory_space<vmem>>, vector<16xf32>,
      tpu.vector_store %arg9[%swap3A_3156, %swap3A_3157], %gather3A_3154 {strides = array<i32>} : memref<32x64xf32, #tpu.memory_space<vmem>>, vector<16xf32>,
      %add3A_3159 = arith.constant 48 : i32
      %add3A_3160 = vector.broadcast %add3A_3159 : i32 to vector<16xi32>
      %add3A_3161 = arith.addi %iota3A, %add3A_3160 : vector<16xi32>
      %gather3A_3162 = tpu.vector_load_idx %arg8[%add3A_3161, %broadcast_in_dim3A_2039] : memref<64x64xf32, #tpu.memory_space<vmem>>[vector<16xi32>, vector<16xi32>], vector<16xf32>,
      %swap3A_3163 = arith.constant 18 : i32
      %swap3A_3164 = arith.index_cast %swap3A_3163 : i32 to index
      %swap3A_3165 = arith.constant 48 : index
      %swap3A_3166 = tpu.vector_load %arg9[%swap3A_3164, %swap3A_3165] {strides = array<i32>} : memref<32x64xf32, #tpu.memory_space<vmem>>, vector<16xf32>,
      tpu.vector_store %arg9[%swap3A_3164, %swap3A_3165], %gather3A_3162 {strides = array<i32>} : memref<32x64xf32, #tpu.memory_space<vmem>>, vector<16xf32>,
    } else {
    }
    %dma_start3A_2095 = arith.constant 2 : i32
    %dma_start3A_2096 = arith.constant 2 : i32
    %dma_start3A_2097 = arith.constant 0 : i32
    %dma_start3A_2098 = arith.constant 0 : i32
    %dma_start3A_2099 = tpu.memref_slice %arg7[%dma_start3A_2095, %dma_start3A_2097, %dma_start3A_2098] : memref<8x64x128xf32, #tpu.memory_space<vmem>> -> memref<1x64x128xf32, #tpu.memory_space<vmem>>
    %dma_start3A_2100 = tpu.memref_squeeze %dma_start3A_2099 : memref<1x64x128xf32, #tpu.memory_space<vmem>> -> memref<64x128xf32, #tpu.memory_space<vmem>>
    %dma_start3A_2101 = arith.constant 0 : i32
    %dma_start3A_2102 = tpu.memref_slice %arg2[%dma_start3A_2101, %multiple_of3A_267] : memref<64x1000000xf32, #tpu.memory_space<hbm>> -> memref<64x128xf32, #tpu.memory_space<hbm>>
    %dma_start3A_2103 = tpu.memref_slice %arg10[%dma_start3A_2096] : memref<8x!tpu.dma_semaphore, #tpu.memory_space<semaphore_mem>> -> memref<1x!tpu.dma_semaphore, #tpu.memory_space<semaphore_mem>>
    %dma_start3A_2104 = tpu.memref_squeeze %dma_start3A_2103 : memref<1x!tpu.dma_semaphore, #tpu.memory_space<semaphore_mem>> -> memref<!tpu.dma_semaphore, #tpu.memory_space<semaphore_mem>>
    %dma_start3A_2105 = arith.constant 0 : i32
    %dma_start3A_2106 = arith.constant 0 : i32
    %dma_start3A_2107 = tpu.memref_slice %arg7[%dma_start3A_2095, %dma_start3A_2105, %dma_start3A_2106] : memref<8x64x128xf32, #tpu.memory_space<vmem>> -> memref<1x64x128xf32, #tpu.memory_space<vmem>>
    %dma_start3A_2108 = tpu.memref_squeeze %dma_start3A_2107 : memref<1x64x128xf32, #tpu.memory_space<vmem>> -> memref<64x128xf32, #tpu.memory_space<vmem>>
    %dma_start3A_2109 = arith.constant 0 : i32
    %dma_start3A_2110 = tpu.memref_slice %arg2[%dma_start3A_2109, %multiple_of3A_267] : memref<64x1000000xf32, #tpu.memory_space<hbm>> -> memref<64x128xf32, #tpu.memory_space<hbm>>
    tpu.enqueue_dma source(%dma_start3A_2110 : memref<64x128xf32, #tpu.memory_space<hbm>>) target(%dma_start3A_2108 : memref<64x128xf32, #tpu.memory_space<vmem>>) target_semaphore(%dma_start3A_2104 : memref<!tpu.dma_semaphore, #tpu.memory_space<semaphore_mem>>)
    %dma_wait3A_2111 = arith.constant 3 : i32
    %dma_wait3A_2112 = arith.constant 3 : i32
    %dma_wait3A_2113 = arith.constant 0 : i32
    %dma_wait3A_2114 = arith.constant 0 : i32
    %dma_wait3A_2115 = tpu.memref_slice %arg7[%dma_wait3A_2111, %dma_wait3A_2113, %dma_wait3A_2114] : memref<8x64x128xf32, #tpu.memory_space<vmem>> -> memref<1x64x128xf32, #tpu.memory_space<vmem>>
    %dma_wait3A_2116 = tpu.memref_squeeze %dma_wait3A_2115 : memref<1x64x128xf32, #tpu.memory_space<vmem>> -> memref<64x128xf32, #tpu.memory_space<vmem>>
    %dma_wait3A_2117 = arith.constant 0 : i32
    %dma_wait3A_2118 = tpu.memref_slice %arg2[%dma_wait3A_2117, %multiple_of3A_197] : memref<64x1000000xf32, #tpu.memory_space<hbm>> -> memref<64x128xf32, #tpu.memory_space<hbm>>
    %dma_wait3A_2119 = tpu.memref_slice %arg10[%dma_wait3A_2112] : memref<8x!tpu.dma_semaphore, #tpu.memory_space<semaphore_mem>> -> memref<1x!tpu.dma_semaphore, #tpu.memory_space<semaphore_mem>>
    %dma_wait3A_2120 = tpu.memref_squeeze %dma_wait3A_2119 : memref<1x!tpu.dma_semaphore, #tpu.memory_space<semaphore_mem>> -> memref<!tpu.dma_semaphore, #tpu.memory_space<semaphore_mem>>
    %dma_wait3A_2121 = arith.constant 0 : i32
    %dma_wait3A_2122 = arith.constant 0 : i32
    %dma_wait3A_2123 = tpu.memref_slice %arg7[%dma_wait3A_2111, %dma_wait3A_2121, %dma_wait3A_2122] : memref<8x64x128xf32, #tpu.memory_space<vmem>> -> memref<1x64x128xf32, #tpu.memory_space<vmem>>
    %dma_wait3A_2124 = tpu.memref_squeeze %dma_wait3A_2123 : memref<1x64x128xf32, #tpu.memory_space<vmem>> -> memref<64x128xf32, #tpu.memory_space<vmem>>
    %dma_wait3A_2125 = arith.constant 0 : i32
    %dma_wait3A_2126 = tpu.memref_slice %arg2[%dma_wait3A_2125, %multiple_of3A_197] : memref<64x1000000xf32, #tpu.memory_space<hbm>> -> memref<64x128xf32, #tpu.memory_space<hbm>>
    tpu.wait_dma2 semaphore(%dma_wait3A_2120 : memref<!tpu.dma_semaphore, #tpu.memory_space<semaphore_mem>>) src(%dma_wait3A_2126 : memref<64x128xf32, #tpu.memory_space<hbm>>) dst(%dma_wait3A_2124 : memref<64x128xf32, #tpu.memory_space<vmem>>)
    %broadcast_in_dim3A_2127 = vector.broadcast %rem3A_193 : i32 to vector<16xi32>
    %add3A_2128 = arith.constant 0 : i32
    %add3A_2129 = vector.broadcast %add3A_2128 : i32 to vector<16xi32>
    %add3A_2130 = arith.addi %iota3A, %add3A_2129 : vector<16xi32>
    %gather3A_2131 = arith.constant 3 : i32
    %gather3A_2132 = arith.constant 0 : i32
    %gather3A_2133 = arith.constant 0 : i32
    %gather3A_2134 = tpu.memref_slice %arg7[%gather3A_2131, %gather3A_2132, %gather3A_2133] : memref<8x64x128xf32, #tpu.memory_space<vmem>> -> memref<1x64x128xf32, #tpu.memory_space<vmem>>
    %gather3A_2135 = tpu.memref_squeeze %gather3A_2134 : memref<1x64x128xf32, #tpu.memory_space<vmem>> -> memref<64x128xf32, #tpu.memory_space<vmem>>
    %gather3A_2136 = tpu.vector_load_idx %gather3A_2135[%add3A_2130, %broadcast_in_dim3A_2127] : memref<64x128xf32, #tpu.memory_space<vmem>>[vector<16xi32>, vector<16xi32>], vector<16xf32>,
    %swap3A_2137 = arith.constant 19 : i32
    %swap3A_2138 = arith.index_cast %swap3A_2137 : i32 to index
    %swap3A_2139 = arith.constant 0 : index
    %swap3A_2140 = tpu.vector_load %arg9[%swap3A_2138, %swap3A_2139] {strides = array<i32>} : memref<32x64xf32, #tpu.memory_space<vmem>>, vector<16xf32>,
    tpu.vector_store %arg9[%swap3A_2138, %swap3A_2139], %gather3A_2136 {strides = array<i32>} : memref<32x64xf32, #tpu.memory_space<vmem>>, vector<16xf32>,
    %add3A_2141 = arith.constant 16 : i32
    %add3A_2142 = vector.broadcast %add3A_2141 : i32 to vector<16xi32>
    %add3A_2143 = arith.addi %iota3A, %add3A_2142 : vector<16xi32>
    %gather3A_2144 = arith.constant 3 : i32
    %gather3A_2145 = arith.constant 0 : i32
    %gather3A_2146 = arith.constant 0 : i32
    %gather3A_2147 = tpu.memref_slice %arg7[%gather3A_2144, %gather3A_2145, %gather3A_2146] : memref<8x64x128xf32, #tpu.memory_space<vmem>> -> memref<1x64x128xf32, #tpu.memory_space<vmem>>
    %gather3A_2148 = tpu.memref_squeeze %gather3A_2147 : memref<1x64x128xf32, #tpu.memory_space<vmem>> -> memref<64x128xf32, #tpu.memory_space<vmem>>
    %gather3A_2149 = tpu.vector_load_idx %gather3A_2148[%add3A_2143, %broadcast_in_dim3A_2127] : memref<64x128xf32, #tpu.memory_space<vmem>>[vector<16xi32>, vector<16xi32>], vector<16xf32>,
    %swap3A_2150 = arith.constant 19 : i32
    %swap3A_2151 = arith.index_cast %swap3A_2150 : i32 to index
    %swap3A_2152 = arith.constant 16 : index
    %swap3A_2153 = tpu.vector_load %arg9[%swap3A_2151, %swap3A_2152] {strides = array<i32>} : memref<32x64xf32, #tpu.memory_space<vmem>>, vector<16xf32>,
    tpu.vector_store %arg9[%swap3A_2151, %swap3A_2152], %gather3A_2149 {strides = array<i32>} : memref<32x64xf32, #tpu.memory_space<vmem>>, vector<16xf32>,
    %add3A_2154 = arith.constant 32 : i32
    %add3A_2155 = vector.broadcast %add3A_2154 : i32 to vector<16xi32>
    %add3A_2156 = arith.addi %iota3A, %add3A_2155 : vector<16xi32>
    %gather3A_2157 = arith.constant 3 : i32
    %gather3A_2158 = arith.constant 0 : i32
    %gather3A_2159 = arith.constant 0 : i32
    %gather3A_2160 = tpu.memref_slice %arg7[%gather3A_2157, %gather3A_2158, %gather3A_2159] : memref<8x64x128xf32, #tpu.memory_space<vmem>> -> memref<1x64x128xf32, #tpu.memory_space<vmem>>
    %gather3A_2161 = tpu.memref_squeeze %gather3A_2160 : memref<1x64x128xf32, #tpu.memory_space<vmem>> -> memref<64x128xf32, #tpu.memory_space<vmem>>
    %gather3A_2162 = tpu.vector_load_idx %gather3A_2161[%add3A_2156, %broadcast_in_dim3A_2127] : memref<64x128xf32, #tpu.memory_space<vmem>>[vector<16xi32>, vector<16xi32>], vector<16xf32>,
    %swap3A_2163 = arith.constant 19 : i32
    %swap3A_2164 = arith.index_cast %swap3A_2163 : i32 to index
    %swap3A_2165 = arith.constant 32 : index
    %swap3A_2166 = tpu.vector_load %arg9[%swap3A_2164, %swap3A_2165] {strides = array<i32>} : memref<32x64xf32, #tpu.memory_space<vmem>>, vector<16xf32>,
    tpu.vector_store %arg9[%swap3A_2164, %swap3A_2165], %gather3A_2162 {strides = array<i32>} : memref<32x64xf32, #tpu.memory_space<vmem>>, vector<16xf32>,
    %add3A_2167 = arith.constant 48 : i32
    %add3A_2168 = vector.broadcast %add3A_2167 : i32 to vector<16xi32>
    %add3A_2169 = arith.addi %iota3A, %add3A_2168 : vector<16xi32>
    %gather3A_2170 = arith.constant 3 : i32
    %gather3A_2171 = arith.constant 0 : i32
    %gather3A_2172 = arith.constant 0 : i32
    %gather3A_2173 = tpu.memref_slice %arg7[%gather3A_2170, %gather3A_2171, %gather3A_2172] : memref<8x64x128xf32, #tpu.memory_space<vmem>> -> memref<1x64x128xf32, #tpu.memory_space<vmem>>
    %gather3A_2174 = tpu.memref_squeeze %gather3A_2173 : memref<1x64x128xf32, #tpu.memory_space<vmem>> -> memref<64x128xf32, #tpu.memory_space<vmem>>
    %gather3A_2175 = tpu.vector_load_idx %gather3A_2174[%add3A_2169, %broadcast_in_dim3A_2127] : memref<64x128xf32, #tpu.memory_space<vmem>>[vector<16xi32>, vector<16xi32>], vector<16xf32>,
    %swap3A_2176 = arith.constant 19 : i32
    %swap3A_2177 = arith.index_cast %swap3A_2176 : i32 to index
    %swap3A_2178 = arith.constant 48 : index
    %swap3A_2179 = tpu.vector_load %arg9[%swap3A_2177, %swap3A_2178] {strides = array<i32>} : memref<32x64xf32, #tpu.memory_space<vmem>>, vector<16xf32>,
    tpu.vector_store %arg9[%swap3A_2177, %swap3A_2178], %gather3A_2175 {strides = array<i32>} : memref<32x64xf32, #tpu.memory_space<vmem>>, vector<16xf32>,
    %convert_element_type3A_2180 = arith.extui %ge3A_191 : i1 to i32
    %cond3A_2181 = arith.constant 0 : i32
    %cond3A_2182 = arith.cmpi ne, %convert_element_type3A_2180, %cond3A_2181 : i32
    scf.if %cond3A_2182 {
      %add3A_3135 = arith.constant 0 : i32
      %add3A_3136 = vector.broadcast %add3A_3135 : i32 to vector<16xi32>
      %add3A_3137 = arith.addi %iota3A, %add3A_3136 : vector<16xi32>
      %gather3A_3138 = tpu.vector_load_idx %arg8[%add3A_3137, %broadcast_in_dim3A_2127] : memref<64x64xf32, #tpu.memory_space<vmem>>[vector<16xi32>, vector<16xi32>], vector<16xf32>,
      %swap3A_3139 = arith.constant 19 : i32
      %swap3A_3140 = arith.index_cast %swap3A_3139 : i32 to index
      %swap3A_3141 = arith.constant 0 : index
      %swap3A_3142 = tpu.vector_load %arg9[%swap3A_3140, %swap3A_3141] {strides = array<i32>} : memref<32x64xf32, #tpu.memory_space<vmem>>, vector<16xf32>,
      tpu.vector_store %arg9[%swap3A_3140, %swap3A_3141], %gather3A_3138 {strides = array<i32>} : memref<32x64xf32, #tpu.memory_space<vmem>>, vector<16xf32>,
      %add3A_3143 = arith.constant 16 : i32
      %add3A_3144 = vector.broadcast %add3A_3143 : i32 to vector<16xi32>
      %add3A_3145 = arith.addi %iota3A, %add3A_3144 : vector<16xi32>
      %gather3A_3146 = tpu.vector_load_idx %arg8[%add3A_3145, %broadcast_in_dim3A_2127] : memref<64x64xf32, #tpu.memory_space<vmem>>[vector<16xi32>, vector<16xi32>], vector<16xf32>,
      %swap3A_3147 = arith.constant 19 : i32
      %swap3A_3148 = arith.index_cast %swap3A_3147 : i32 to index
      %swap3A_3149 = arith.constant 16 : index
      %swap3A_3150 = tpu.vector_load %arg9[%swap3A_3148, %swap3A_3149] {strides = array<i32>} : memref<32x64xf32, #tpu.memory_space<vmem>>, vector<16xf32>,
      tpu.vector_store %arg9[%swap3A_3148, %swap3A_3149], %gather3A_3146 {strides = array<i32>} : memref<32x64xf32, #tpu.memory_space<vmem>>, vector<16xf32>,
      %add3A_3151 = arith.constant 32 : i32
      %add3A_3152 = vector.broadcast %add3A_3151 : i32 to vector<16xi32>
      %add3A_3153 = arith.addi %iota3A, %add3A_3152 : vector<16xi32>
      %gather3A_3154 = tpu.vector_load_idx %arg8[%add3A_3153, %broadcast_in_dim3A_2127] : memref<64x64xf32, #tpu.memory_space<vmem>>[vector<16xi32>, vector<16xi32>], vector<16xf32>,
      %swap3A_3155 = arith.constant 19 : i32
      %swap3A_3156 = arith.index_cast %swap3A_3155 : i32 to index
      %swap3A_3157 = arith.constant 32 : index
      %swap3A_3158 = tpu.vector_load %arg9[%swap3A_3156, %swap3A_3157] {strides = array<i32>} : memref<32x64xf32, #tpu.memory_space<vmem>>, vector<16xf32>,
      tpu.vector_store %arg9[%swap3A_3156, %swap3A_3157], %gather3A_3154 {strides = array<i32>} : memref<32x64xf32, #tpu.memory_space<vmem>>, vector<16xf32>,
      %add3A_3159 = arith.constant 48 : i32
      %add3A_3160 = vector.broadcast %add3A_3159 : i32 to vector<16xi32>
      %add3A_3161 = arith.addi %iota3A, %add3A_3160 : vector<16xi32>
      %gather3A_3162 = tpu.vector_load_idx %arg8[%add3A_3161, %broadcast_in_dim3A_2127] : memref<64x64xf32, #tpu.memory_space<vmem>>[vector<16xi32>, vector<16xi32>], vector<16xf32>,
      %swap3A_3163 = arith.constant 19 : i32
      %swap3A_3164 = arith.index_cast %swap3A_3163 : i32 to index
      %swap3A_3165 = arith.constant 48 : index
      %swap3A_3166 = tpu.vector_load %arg9[%swap3A_3164, %swap3A_3165] {strides = array<i32>} : memref<32x64xf32, #tpu.memory_space<vmem>>, vector<16xf32>,
      tpu.vector_store %arg9[%swap3A_3164, %swap3A_3165], %gather3A_3162 {strides = array<i32>} : memref<32x64xf32, #tpu.memory_space<vmem>>, vector<16xf32>,
    } else {
    }
    %dma_start3A_2183 = arith.constant 3 : i32
    %dma_start3A_2184 = arith.constant 3 : i32
    %dma_start3A_2185 = arith.constant 0 : i32
    %dma_start3A_2186 = arith.constant 0 : i32
    %dma_start3A_2187 = tpu.memref_slice %arg7[%dma_start3A_2183, %dma_start3A_2185, %dma_start3A_2186] : memref<8x64x128xf32, #tpu.memory_space<vmem>> -> memref<1x64x128xf32, #tpu.memory_space<vmem>>
    %dma_start3A_2188 = tpu.memref_squeeze %dma_start3A_2187 : memref<1x64x128xf32, #tpu.memory_space<vmem>> -> memref<64x128xf32, #tpu.memory_space<vmem>>
    %dma_start3A_2189 = arith.constant 0 : i32
    %dma_start3A_2190 = tpu.memref_slice %arg2[%dma_start3A_2189, %multiple_of3A_277] : memref<64x1000000xf32, #tpu.memory_space<hbm>> -> memref<64x128xf32, #tpu.memory_space<hbm>>
    %dma_start3A_2191 = tpu.memref_slice %arg10[%dma_start3A_2184] : memref<8x!tpu.dma_semaphore, #tpu.memory_space<semaphore_mem>> -> memref<1x!tpu.dma_semaphore, #tpu.memory_space<semaphore_mem>>
    %dma_start3A_2192 = tpu.memref_squeeze %dma_start3A_2191 : memref<1x!tpu.dma_semaphore, #tpu.memory_space<semaphore_mem>> -> memref<!tpu.dma_semaphore, #tpu.memory_space<semaphore_mem>>
    %dma_start3A_2193 = arith.constant 0 : i32
    %dma_start3A_2194 = arith.constant 0 : i32
    %dma_start3A_2195 = tpu.memref_slice %arg7[%dma_start3A_2183, %dma_start3A_2193, %dma_start3A_2194] : memref<8x64x128xf32, #tpu.memory_space<vmem>> -> memref<1x64x128xf32, #tpu.memory_space<vmem>>
    %dma_start3A_2196 = tpu.memref_squeeze %dma_start3A_2195 : memref<1x64x128xf32, #tpu.memory_space<vmem>> -> memref<64x128xf32, #tpu.memory_space<vmem>>
    %dma_start3A_2197 = arith.constant 0 : i32
    %dma_start3A_2198 = tpu.memref_slice %arg2[%dma_start3A_2197, %multiple_of3A_277] : memref<64x1000000xf32, #tpu.memory_space<hbm>> -> memref<64x128xf32, #tpu.memory_space<hbm>>
    tpu.enqueue_dma source(%dma_start3A_2198 : memref<64x128xf32, #tpu.memory_space<hbm>>) target(%dma_start3A_2196 : memref<64x128xf32, #tpu.memory_space<vmem>>) target_semaphore(%dma_start3A_2192 : memref<!tpu.dma_semaphore, #tpu.memory_space<semaphore_mem>>)
    %dma_wait3A_2199 = arith.constant 4 : i32
    %dma_wait3A_2200 = arith.constant 4 : i32
    %dma_wait3A_2201 = arith.constant 0 : i32
    %dma_wait3A_2202 = arith.constant 0 : i32
    %dma_wait3A_2203 = tpu.memref_slice %arg7[%dma_wait3A_2199, %dma_wait3A_2201, %dma_wait3A_2202] : memref<8x64x128xf32, #tpu.memory_space<vmem>> -> memref<1x64x128xf32, #tpu.memory_space<vmem>>
    %dma_wait3A_2204 = tpu.memref_squeeze %dma_wait3A_2203 : memref<1x64x128xf32, #tpu.memory_space<vmem>> -> memref<64x128xf32, #tpu.memory_space<vmem>>
    %dma_wait3A_2205 = arith.constant 0 : i32
    %dma_wait3A_2206 = tpu.memref_slice %arg2[%dma_wait3A_2205, %multiple_of3A_207] : memref<64x1000000xf32, #tpu.memory_space<hbm>> -> memref<64x128xf32, #tpu.memory_space<hbm>>
    %dma_wait3A_2207 = tpu.memref_slice %arg10[%dma_wait3A_2200] : memref<8x!tpu.dma_semaphore, #tpu.memory_space<semaphore_mem>> -> memref<1x!tpu.dma_semaphore, #tpu.memory_space<semaphore_mem>>
    %dma_wait3A_2208 = tpu.memref_squeeze %dma_wait3A_2207 : memref<1x!tpu.dma_semaphore, #tpu.memory_space<semaphore_mem>> -> memref<!tpu.dma_semaphore, #tpu.memory_space<semaphore_mem>>
    %dma_wait3A_2209 = arith.constant 0 : i32
    %dma_wait3A_2210 = arith.constant 0 : i32
    %dma_wait3A_2211 = tpu.memref_slice %arg7[%dma_wait3A_2199, %dma_wait3A_2209, %dma_wait3A_2210] : memref<8x64x128xf32, #tpu.memory_space<vmem>> -> memref<1x64x128xf32, #tpu.memory_space<vmem>>
    %dma_wait3A_2212 = tpu.memref_squeeze %dma_wait3A_2211 : memref<1x64x128xf32, #tpu.memory_space<vmem>> -> memref<64x128xf32, #tpu.memory_space<vmem>>
    %dma_wait3A_2213 = arith.constant 0 : i32
    %dma_wait3A_2214 = tpu.memref_slice %arg2[%dma_wait3A_2213, %multiple_of3A_207] : memref<64x1000000xf32, #tpu.memory_space<hbm>> -> memref<64x128xf32, #tpu.memory_space<hbm>>
    tpu.wait_dma2 semaphore(%dma_wait3A_2208 : memref<!tpu.dma_semaphore, #tpu.memory_space<semaphore_mem>>) src(%dma_wait3A_2214 : memref<64x128xf32, #tpu.memory_space<hbm>>) dst(%dma_wait3A_2212 : memref<64x128xf32, #tpu.memory_space<vmem>>)
    %broadcast_in_dim3A_2215 = vector.broadcast %rem3A_203 : i32 to vector<16xi32>
    %add3A_2216 = arith.constant 0 : i32
    %add3A_2217 = vector.broadcast %add3A_2216 : i32 to vector<16xi32>
    %add3A_2218 = arith.addi %iota3A, %add3A_2217 : vector<16xi32>
    %gather3A_2219 = arith.constant 4 : i32
    %gather3A_2220 = arith.constant 0 : i32
    %gather3A_2221 = arith.constant 0 : i32
    %gather3A_2222 = tpu.memref_slice %arg7[%gather3A_2219, %gather3A_2220, %gather3A_2221] : memref<8x64x128xf32, #tpu.memory_space<vmem>> -> memref<1x64x128xf32, #tpu.memory_space<vmem>>
    %gather3A_2223 = tpu.memref_squeeze %gather3A_2222 : memref<1x64x128xf32, #tpu.memory_space<vmem>> -> memref<64x128xf32, #tpu.memory_space<vmem>>
    %gather3A_2224 = tpu.vector_load_idx %gather3A_2223[%add3A_2218, %broadcast_in_dim3A_2215] : memref<64x128xf32, #tpu.memory_space<vmem>>[vector<16xi32>, vector<16xi32>], vector<16xf32>,
    %swap3A_2225 = arith.constant 20 : i32
    %swap3A_2226 = arith.index_cast %swap3A_2225 : i32 to index
    %swap3A_2227 = arith.constant 0 : index
    %swap3A_2228 = tpu.vector_load %arg9[%swap3A_2226, %swap3A_2227] {strides = array<i32>} : memref<32x64xf32, #tpu.memory_space<vmem>>, vector<16xf32>,
    tpu.vector_store %arg9[%swap3A_2226, %swap3A_2227], %gather3A_2224 {strides = array<i32>} : memref<32x64xf32, #tpu.memory_space<vmem>>, vector<16xf32>,
    %add3A_2229 = arith.constant 16 : i32
    %add3A_2230 = vector.broadcast %add3A_2229 : i32 to vector<16xi32>
    %add3A_2231 = arith.addi %iota3A, %add3A_2230 : vector<16xi32>
    %gather3A_2232 = arith.constant 4 : i32
    %gather3A_2233 = arith.constant 0 : i32
    %gather3A_2234 = arith.constant 0 : i32
    %gather3A_2235 = tpu.memref_slice %arg7[%gather3A_2232, %gather3A_2233, %gather3A_2234] : memref<8x64x128xf32, #tpu.memory_space<vmem>> -> memref<1x64x128xf32, #tpu.memory_space<vmem>>
    %gather3A_2236 = tpu.memref_squeeze %gather3A_2235 : memref<1x64x128xf32, #tpu.memory_space<vmem>> -> memref<64x128xf32, #tpu.memory_space<vmem>>
    %gather3A_2237 = tpu.vector_load_idx %gather3A_2236[%add3A_2231, %broadcast_in_dim3A_2215] : memref<64x128xf32, #tpu.memory_space<vmem>>[vector<16xi32>, vector<16xi32>], vector<16xf32>,
    %swap3A_2238 = arith.constant 20 : i32
    %swap3A_2239 = arith.index_cast %swap3A_2238 : i32 to index
    %swap3A_2240 = arith.constant 16 : index
    %swap3A_2241 = tpu.vector_load %arg9[%swap3A_2239, %swap3A_2240] {strides = array<i32>} : memref<32x64xf32, #tpu.memory_space<vmem>>, vector<16xf32>,
    tpu.vector_store %arg9[%swap3A_2239, %swap3A_2240], %gather3A_2237 {strides = array<i32>} : memref<32x64xf32, #tpu.memory_space<vmem>>, vector<16xf32>,
    %add3A_2242 = arith.constant 32 : i32
    %add3A_2243 = vector.broadcast %add3A_2242 : i32 to vector<16xi32>
    %add3A_2244 = arith.addi %iota3A, %add3A_2243 : vector<16xi32>
    %gather3A_2245 = arith.constant 4 : i32
    %gather3A_2246 = arith.constant 0 : i32
    %gather3A_2247 = arith.constant 0 : i32
    %gather3A_2248 = tpu.memref_slice %arg7[%gather3A_2245, %gather3A_2246, %gather3A_2247] : memref<8x64x128xf32, #tpu.memory_space<vmem>> -> memref<1x64x128xf32, #tpu.memory_space<vmem>>
    %gather3A_2249 = tpu.memref_squeeze %gather3A_2248 : memref<1x64x128xf32, #tpu.memory_space<vmem>> -> memref<64x128xf32, #tpu.memory_space<vmem>>
    %gather3A_2250 = tpu.vector_load_idx %gather3A_2249[%add3A_2244, %broadcast_in_dim3A_2215] : memref<64x128xf32, #tpu.memory_space<vmem>>[vector<16xi32>, vector<16xi32>], vector<16xf32>,
    %swap3A_2251 = arith.constant 20 : i32
    %swap3A_2252 = arith.index_cast %swap3A_2251 : i32 to index
    %swap3A_2253 = arith.constant 32 : index
    %swap3A_2254 = tpu.vector_load %arg9[%swap3A_2252, %swap3A_2253] {strides = array<i32>} : memref<32x64xf32, #tpu.memory_space<vmem>>, vector<16xf32>,
    tpu.vector_store %arg9[%swap3A_2252, %swap3A_2253], %gather3A_2250 {strides = array<i32>} : memref<32x64xf32, #tpu.memory_space<vmem>>, vector<16xf32>,
    %add3A_2255 = arith.constant 48 : i32
    %add3A_2256 = vector.broadcast %add3A_2255 : i32 to vector<16xi32>
    %add3A_2257 = arith.addi %iota3A, %add3A_2256 : vector<16xi32>
    %gather3A_2258 = arith.constant 4 : i32
    %gather3A_2259 = arith.constant 0 : i32
    %gather3A_2260 = arith.constant 0 : i32
    %gather3A_2261 = tpu.memref_slice %arg7[%gather3A_2258, %gather3A_2259, %gather3A_2260] : memref<8x64x128xf32, #tpu.memory_space<vmem>> -> memref<1x64x128xf32, #tpu.memory_space<vmem>>
    %gather3A_2262 = tpu.memref_squeeze %gather3A_2261 : memref<1x64x128xf32, #tpu.memory_space<vmem>> -> memref<64x128xf32, #tpu.memory_space<vmem>>
    %gather3A_2263 = tpu.vector_load_idx %gather3A_2262[%add3A_2257, %broadcast_in_dim3A_2215] : memref<64x128xf32, #tpu.memory_space<vmem>>[vector<16xi32>, vector<16xi32>], vector<16xf32>,
    %swap3A_2264 = arith.constant 20 : i32
    %swap3A_2265 = arith.index_cast %swap3A_2264 : i32 to index
    %swap3A_2266 = arith.constant 48 : index
    %swap3A_2267 = tpu.vector_load %arg9[%swap3A_2265, %swap3A_2266] {strides = array<i32>} : memref<32x64xf32, #tpu.memory_space<vmem>>, vector<16xf32>,
    tpu.vector_store %arg9[%swap3A_2265, %swap3A_2266], %gather3A_2263 {strides = array<i32>} : memref<32x64xf32, #tpu.memory_space<vmem>>, vector<16xf32>,
    %convert_element_type3A_2268 = arith.extui %ge3A_201 : i1 to i32
    %cond3A_2269 = arith.constant 0 : i32
    %cond3A_2270 = arith.cmpi ne, %convert_element_type3A_2268, %cond3A_2269 : i32
    scf.if %cond3A_2270 {
      %add3A_3135 = arith.constant 0 : i32
      %add3A_3136 = vector.broadcast %add3A_3135 : i32 to vector<16xi32>
      %add3A_3137 = arith.addi %iota3A, %add3A_3136 : vector<16xi32>
      %gather3A_3138 = tpu.vector_load_idx %arg8[%add3A_3137, %broadcast_in_dim3A_2215] : memref<64x64xf32, #tpu.memory_space<vmem>>[vector<16xi32>, vector<16xi32>], vector<16xf32>,
      %swap3A_3139 = arith.constant 20 : i32
      %swap3A_3140 = arith.index_cast %swap3A_3139 : i32 to index
      %swap3A_3141 = arith.constant 0 : index
      %swap3A_3142 = tpu.vector_load %arg9[%swap3A_3140, %swap3A_3141] {strides = array<i32>} : memref<32x64xf32, #tpu.memory_space<vmem>>, vector<16xf32>,
      tpu.vector_store %arg9[%swap3A_3140, %swap3A_3141], %gather3A_3138 {strides = array<i32>} : memref<32x64xf32, #tpu.memory_space<vmem>>, vector<16xf32>,
      %add3A_3143 = arith.constant 16 : i32
      %add3A_3144 = vector.broadcast %add3A_3143 : i32 to vector<16xi32>
      %add3A_3145 = arith.addi %iota3A, %add3A_3144 : vector<16xi32>
      %gather3A_3146 = tpu.vector_load_idx %arg8[%add3A_3145, %broadcast_in_dim3A_2215] : memref<64x64xf32, #tpu.memory_space<vmem>>[vector<16xi32>, vector<16xi32>], vector<16xf32>,
      %swap3A_3147 = arith.constant 20 : i32
      %swap3A_3148 = arith.index_cast %swap3A_3147 : i32 to index
      %swap3A_3149 = arith.constant 16 : index
      %swap3A_3150 = tpu.vector_load %arg9[%swap3A_3148, %swap3A_3149] {strides = array<i32>} : memref<32x64xf32, #tpu.memory_space<vmem>>, vector<16xf32>,
      tpu.vector_store %arg9[%swap3A_3148, %swap3A_3149], %gather3A_3146 {strides = array<i32>} : memref<32x64xf32, #tpu.memory_space<vmem>>, vector<16xf32>,
      %add3A_3151 = arith.constant 32 : i32
      %add3A_3152 = vector.broadcast %add3A_3151 : i32 to vector<16xi32>
      %add3A_3153 = arith.addi %iota3A, %add3A_3152 : vector<16xi32>
      %gather3A_3154 = tpu.vector_load_idx %arg8[%add3A_3153, %broadcast_in_dim3A_2215] : memref<64x64xf32, #tpu.memory_space<vmem>>[vector<16xi32>, vector<16xi32>], vector<16xf32>,
      %swap3A_3155 = arith.constant 20 : i32
      %swap3A_3156 = arith.index_cast %swap3A_3155 : i32 to index
      %swap3A_3157 = arith.constant 32 : index
      %swap3A_3158 = tpu.vector_load %arg9[%swap3A_3156, %swap3A_3157] {strides = array<i32>} : memref<32x64xf32, #tpu.memory_space<vmem>>, vector<16xf32>,
      tpu.vector_store %arg9[%swap3A_3156, %swap3A_3157], %gather3A_3154 {strides = array<i32>} : memref<32x64xf32, #tpu.memory_space<vmem>>, vector<16xf32>,
      %add3A_3159 = arith.constant 48 : i32
      %add3A_3160 = vector.broadcast %add3A_3159 : i32 to vector<16xi32>
      %add3A_3161 = arith.addi %iota3A, %add3A_3160 : vector<16xi32>
      %gather3A_3162 = tpu.vector_load_idx %arg8[%add3A_3161, %broadcast_in_dim3A_2215] : memref<64x64xf32, #tpu.memory_space<vmem>>[vector<16xi32>, vector<16xi32>], vector<16xf32>,
      %swap3A_3163 = arith.constant 20 : i32
      %swap3A_3164 = arith.index_cast %swap3A_3163 : i32 to index
      %swap3A_3165 = arith.constant 48 : index
      %swap3A_3166 = tpu.vector_load %arg9[%swap3A_3164, %swap3A_3165] {strides = array<i32>} : memref<32x64xf32, #tpu.memory_space<vmem>>, vector<16xf32>,
      tpu.vector_store %arg9[%swap3A_3164, %swap3A_3165], %gather3A_3162 {strides = array<i32>} : memref<32x64xf32, #tpu.memory_space<vmem>>, vector<16xf32>,
    } else {
    }
    %dma_start3A_2271 = arith.constant 4 : i32
    %dma_start3A_2272 = arith.constant 4 : i32
    %dma_start3A_2273 = arith.constant 0 : i32
    %dma_start3A_2274 = arith.constant 0 : i32
    %dma_start3A_2275 = tpu.memref_slice %arg7[%dma_start3A_2271, %dma_start3A_2273, %dma_start3A_2274] : memref<8x64x128xf32, #tpu.memory_space<vmem>> -> memref<1x64x128xf32, #tpu.memory_space<vmem>>
    %dma_start3A_2276 = tpu.memref_squeeze %dma_start3A_2275 : memref<1x64x128xf32, #tpu.memory_space<vmem>> -> memref<64x128xf32, #tpu.memory_space<vmem>>
    %dma_start3A_2277 = arith.constant 0 : i32
    %dma_start3A_2278 = tpu.memref_slice %arg2[%dma_start3A_2277, %multiple_of3A_287] : memref<64x1000000xf32, #tpu.memory_space<hbm>> -> memref<64x128xf32, #tpu.memory_space<hbm>>
    %dma_start3A_2279 = tpu.memref_slice %arg10[%dma_start3A_2272] : memref<8x!tpu.dma_semaphore, #tpu.memory_space<semaphore_mem>> -> memref<1x!tpu.dma_semaphore, #tpu.memory_space<semaphore_mem>>
    %dma_start3A_2280 = tpu.memref_squeeze %dma_start3A_2279 : memref<1x!tpu.dma_semaphore, #tpu.memory_space<semaphore_mem>> -> memref<!tpu.dma_semaphore, #tpu.memory_space<semaphore_mem>>
    %dma_start3A_2281 = arith.constant 0 : i32
    %dma_start3A_2282 = arith.constant 0 : i32
    %dma_start3A_2283 = tpu.memref_slice %arg7[%dma_start3A_2271, %dma_start3A_2281, %dma_start3A_2282] : memref<8x64x128xf32, #tpu.memory_space<vmem>> -> memref<1x64x128xf32, #tpu.memory_space<vmem>>
    %dma_start3A_2284 = tpu.memref_squeeze %dma_start3A_2283 : memref<1x64x128xf32, #tpu.memory_space<vmem>> -> memref<64x128xf32, #tpu.memory_space<vmem>>
    %dma_start3A_2285 = arith.constant 0 : i32
    %dma_start3A_2286 = tpu.memref_slice %arg2[%dma_start3A_2285, %multiple_of3A_287] : memref<64x1000000xf32, #tpu.memory_space<hbm>> -> memref<64x128xf32, #tpu.memory_space<hbm>>
    tpu.enqueue_dma source(%dma_start3A_2286 : memref<64x128xf32, #tpu.memory_space<hbm>>) target(%dma_start3A_2284 : memref<64x128xf32, #tpu.memory_space<vmem>>) target_semaphore(%dma_start3A_2280 : memref<!tpu.dma_semaphore, #tpu.memory_space<semaphore_mem>>)
    %dma_wait3A_2287 = arith.constant 5 : i32
    %dma_wait3A_2288 = arith.constant 5 : i32
    %dma_wait3A_2289 = arith.constant 0 : i32
    %dma_wait3A_2290 = arith.constant 0 : i32
    %dma_wait3A_2291 = tpu.memref_slice %arg7[%dma_wait3A_2287, %dma_wait3A_2289, %dma_wait3A_2290] : memref<8x64x128xf32, #tpu.memory_space<vmem>> -> memref<1x64x128xf32, #tpu.memory_space<vmem>>
    %dma_wait3A_2292 = tpu.memref_squeeze %dma_wait3A_2291 : memref<1x64x128xf32, #tpu.memory_space<vmem>> -> memref<64x128xf32, #tpu.memory_space<vmem>>
    %dma_wait3A_2293 = arith.constant 0 : i32
    %dma_wait3A_2294 = tpu.memref_slice %arg2[%dma_wait3A_2293, %multiple_of3A_217] : memref<64x1000000xf32, #tpu.memory_space<hbm>> -> memref<64x128xf32, #tpu.memory_space<hbm>>
    %dma_wait3A_2295 = tpu.memref_slice %arg10[%dma_wait3A_2288] : memref<8x!tpu.dma_semaphore, #tpu.memory_space<semaphore_mem>> -> memref<1x!tpu.dma_semaphore, #tpu.memory_space<semaphore_mem>>
    %dma_wait3A_2296 = tpu.memref_squeeze %dma_wait3A_2295 : memref<1x!tpu.dma_semaphore, #tpu.memory_space<semaphore_mem>> -> memref<!tpu.dma_semaphore, #tpu.memory_space<semaphore_mem>>
    %dma_wait3A_2297 = arith.constant 0 : i32
    %dma_wait3A_2298 = arith.constant 0 : i32
    %dma_wait3A_2299 = tpu.memref_slice %arg7[%dma_wait3A_2287, %dma_wait3A_2297, %dma_wait3A_2298] : memref<8x64x128xf32, #tpu.memory_space<vmem>> -> memref<1x64x128xf32, #tpu.memory_space<vmem>>
    %dma_wait3A_2300 = tpu.memref_squeeze %dma_wait3A_2299 : memref<1x64x128xf32, #tpu.memory_space<vmem>> -> memref<64x128xf32, #tpu.memory_space<vmem>>
    %dma_wait3A_2301 = arith.constant 0 : i32
    %dma_wait3A_2302 = tpu.memref_slice %arg2[%dma_wait3A_2301, %multiple_of3A_217] : memref<64x1000000xf32, #tpu.memory_space<hbm>> -> memref<64x128xf32, #tpu.memory_space<hbm>>
    tpu.wait_dma2 semaphore(%dma_wait3A_2296 : memref<!tpu.dma_semaphore, #tpu.memory_space<semaphore_mem>>) src(%dma_wait3A_2302 : memref<64x128xf32, #tpu.memory_space<hbm>>) dst(%dma_wait3A_2300 : memref<64x128xf32, #tpu.memory_space<vmem>>)
    %broadcast_in_dim3A_2303 = vector.broadcast %rem3A_213 : i32 to vector<16xi32>
    %add3A_2304 = arith.constant 0 : i32
    %add3A_2305 = vector.broadcast %add3A_2304 : i32 to vector<16xi32>
    %add3A_2306 = arith.addi %iota3A, %add3A_2305 : vector<16xi32>
    %gather3A_2307 = arith.constant 5 : i32
    %gather3A_2308 = arith.constant 0 : i32
    %gather3A_2309 = arith.constant 0 : i32
    %gather3A_2310 = tpu.memref_slice %arg7[%gather3A_2307, %gather3A_2308, %gather3A_2309] : memref<8x64x128xf32, #tpu.memory_space<vmem>> -> memref<1x64x128xf32, #tpu.memory_space<vmem>>
    %gather3A_2311 = tpu.memref_squeeze %gather3A_2310 : memref<1x64x128xf32, #tpu.memory_space<vmem>> -> memref<64x128xf32, #tpu.memory_space<vmem>>
    %gather3A_2312 = tpu.vector_load_idx %gather3A_2311[%add3A_2306, %broadcast_in_dim3A_2303] : memref<64x128xf32, #tpu.memory_space<vmem>>[vector<16xi32>, vector<16xi32>], vector<16xf32>,
    %swap3A_2313 = arith.constant 21 : i32
    %swap3A_2314 = arith.index_cast %swap3A_2313 : i32 to index
    %swap3A_2315 = arith.constant 0 : index
    %swap3A_2316 = tpu.vector_load %arg9[%swap3A_2314, %swap3A_2315] {strides = array<i32>} : memref<32x64xf32, #tpu.memory_space<vmem>>, vector<16xf32>,
    tpu.vector_store %arg9[%swap3A_2314, %swap3A_2315], %gather3A_2312 {strides = array<i32>} : memref<32x64xf32, #tpu.memory_space<vmem>>, vector<16xf32>,
    %add3A_2317 = arith.constant 16 : i32
    %add3A_2318 = vector.broadcast %add3A_2317 : i32 to vector<16xi32>
    %add3A_2319 = arith.addi %iota3A, %add3A_2318 : vector<16xi32>
    %gather3A_2320 = arith.constant 5 : i32
    %gather3A_2321 = arith.constant 0 : i32
    %gather3A_2322 = arith.constant 0 : i32
    %gather3A_2323 = tpu.memref_slice %arg7[%gather3A_2320, %gather3A_2321, %gather3A_2322] : memref<8x64x128xf32, #tpu.memory_space<vmem>> -> memref<1x64x128xf32, #tpu.memory_space<vmem>>
    %gather3A_2324 = tpu.memref_squeeze %gather3A_2323 : memref<1x64x128xf32, #tpu.memory_space<vmem>> -> memref<64x128xf32, #tpu.memory_space<vmem>>
    %gather3A_2325 = tpu.vector_load_idx %gather3A_2324[%add3A_2319, %broadcast_in_dim3A_2303] : memref<64x128xf32, #tpu.memory_space<vmem>>[vector<16xi32>, vector<16xi32>], vector<16xf32>,
    %swap3A_2326 = arith.constant 21 : i32
    %swap3A_2327 = arith.index_cast %swap3A_2326 : i32 to index
    %swap3A_2328 = arith.constant 16 : index
    %swap3A_2329 = tpu.vector_load %arg9[%swap3A_2327, %swap3A_2328] {strides = array<i32>} : memref<32x64xf32, #tpu.memory_space<vmem>>, vector<16xf32>,
    tpu.vector_store %arg9[%swap3A_2327, %swap3A_2328], %gather3A_2325 {strides = array<i32>} : memref<32x64xf32, #tpu.memory_space<vmem>>, vector<16xf32>,
    %add3A_2330 = arith.constant 32 : i32
    %add3A_2331 = vector.broadcast %add3A_2330 : i32 to vector<16xi32>
    %add3A_2332 = arith.addi %iota3A, %add3A_2331 : vector<16xi32>
    %gather3A_2333 = arith.constant 5 : i32
    %gather3A_2334 = arith.constant 0 : i32
    %gather3A_2335 = arith.constant 0 : i32
    %gather3A_2336 = tpu.memref_slice %arg7[%gather3A_2333, %gather3A_2334, %gather3A_2335] : memref<8x64x128xf32, #tpu.memory_space<vmem>> -> memref<1x64x128xf32, #tpu.memory_space<vmem>>
    %gather3A_2337 = tpu.memref_squeeze %gather3A_2336 : memref<1x64x128xf32, #tpu.memory_space<vmem>> -> memref<64x128xf32, #tpu.memory_space<vmem>>
    %gather3A_2338 = tpu.vector_load_idx %gather3A_2337[%add3A_2332, %broadcast_in_dim3A_2303] : memref<64x128xf32, #tpu.memory_space<vmem>>[vector<16xi32>, vector<16xi32>], vector<16xf32>,
    %swap3A_2339 = arith.constant 21 : i32
    %swap3A_2340 = arith.index_cast %swap3A_2339 : i32 to index
    %swap3A_2341 = arith.constant 32 : index
    %swap3A_2342 = tpu.vector_load %arg9[%swap3A_2340, %swap3A_2341] {strides = array<i32>} : memref<32x64xf32, #tpu.memory_space<vmem>>, vector<16xf32>,
    tpu.vector_store %arg9[%swap3A_2340, %swap3A_2341], %gather3A_2338 {strides = array<i32>} : memref<32x64xf32, #tpu.memory_space<vmem>>, vector<16xf32>,
    %add3A_2343 = arith.constant 48 : i32
    %add3A_2344 = vector.broadcast %add3A_2343 : i32 to vector<16xi32>
    %add3A_2345 = arith.addi %iota3A, %add3A_2344 : vector<16xi32>
    %gather3A_2346 = arith.constant 5 : i32
    %gather3A_2347 = arith.constant 0 : i32
    %gather3A_2348 = arith.constant 0 : i32
    %gather3A_2349 = tpu.memref_slice %arg7[%gather3A_2346, %gather3A_2347, %gather3A_2348] : memref<8x64x128xf32, #tpu.memory_space<vmem>> -> memref<1x64x128xf32, #tpu.memory_space<vmem>>
    %gather3A_2350 = tpu.memref_squeeze %gather3A_2349 : memref<1x64x128xf32, #tpu.memory_space<vmem>> -> memref<64x128xf32, #tpu.memory_space<vmem>>
    %gather3A_2351 = tpu.vector_load_idx %gather3A_2350[%add3A_2345, %broadcast_in_dim3A_2303] : memref<64x128xf32, #tpu.memory_space<vmem>>[vector<16xi32>, vector<16xi32>], vector<16xf32>,
    %swap3A_2352 = arith.constant 21 : i32
    %swap3A_2353 = arith.index_cast %swap3A_2352 : i32 to index
    %swap3A_2354 = arith.constant 48 : index
    %swap3A_2355 = tpu.vector_load %arg9[%swap3A_2353, %swap3A_2354] {strides = array<i32>} : memref<32x64xf32, #tpu.memory_space<vmem>>, vector<16xf32>,
    tpu.vector_store %arg9[%swap3A_2353, %swap3A_2354], %gather3A_2351 {strides = array<i32>} : memref<32x64xf32, #tpu.memory_space<vmem>>, vector<16xf32>,
    %convert_element_type3A_2356 = arith.extui %ge3A_211 : i1 to i32
    %cond3A_2357 = arith.constant 0 : i32
    %cond3A_2358 = arith.cmpi ne, %convert_element_type3A_2356, %cond3A_2357 : i32
    scf.if %cond3A_2358 {
      %add3A_3135 = arith.constant 0 : i32
      %add3A_3136 = vector.broadcast %add3A_3135 : i32 to vector<16xi32>
      %add3A_3137 = arith.addi %iota3A, %add3A_3136 : vector<16xi32>
      %gather3A_3138 = tpu.vector_load_idx %arg8[%add3A_3137, %broadcast_in_dim3A_2303] : memref<64x64xf32, #tpu.memory_space<vmem>>[vector<16xi32>, vector<16xi32>], vector<16xf32>,
      %swap3A_3139 = arith.constant 21 : i32
      %swap3A_3140 = arith.index_cast %swap3A_3139 : i32 to index
      %swap3A_3141 = arith.constant 0 : index
      %swap3A_3142 = tpu.vector_load %arg9[%swap3A_3140, %swap3A_3141] {strides = array<i32>} : memref<32x64xf32, #tpu.memory_space<vmem>>, vector<16xf32>,
      tpu.vector_store %arg9[%swap3A_3140, %swap3A_3141], %gather3A_3138 {strides = array<i32>} : memref<32x64xf32, #tpu.memory_space<vmem>>, vector<16xf32>,
      %add3A_3143 = arith.constant 16 : i32
      %add3A_3144 = vector.broadcast %add3A_3143 : i32 to vector<16xi32>
      %add3A_3145 = arith.addi %iota3A, %add3A_3144 : vector<16xi32>
      %gather3A_3146 = tpu.vector_load_idx %arg8[%add3A_3145, %broadcast_in_dim3A_2303] : memref<64x64xf32, #tpu.memory_space<vmem>>[vector<16xi32>, vector<16xi32>], vector<16xf32>,
      %swap3A_3147 = arith.constant 21 : i32
      %swap3A_3148 = arith.index_cast %swap3A_3147 : i32 to index
      %swap3A_3149 = arith.constant 16 : index
      %swap3A_3150 = tpu.vector_load %arg9[%swap3A_3148, %swap3A_3149] {strides = array<i32>} : memref<32x64xf32, #tpu.memory_space<vmem>>, vector<16xf32>,
      tpu.vector_store %arg9[%swap3A_3148, %swap3A_3149], %gather3A_3146 {strides = array<i32>} : memref<32x64xf32, #tpu.memory_space<vmem>>, vector<16xf32>,
      %add3A_3151 = arith.constant 32 : i32
      %add3A_3152 = vector.broadcast %add3A_3151 : i32 to vector<16xi32>
      %add3A_3153 = arith.addi %iota3A, %add3A_3152 : vector<16xi32>
      %gather3A_3154 = tpu.vector_load_idx %arg8[%add3A_3153, %broadcast_in_dim3A_2303] : memref<64x64xf32, #tpu.memory_space<vmem>>[vector<16xi32>, vector<16xi32>], vector<16xf32>,
      %swap3A_3155 = arith.constant 21 : i32
      %swap3A_3156 = arith.index_cast %swap3A_3155 : i32 to index
      %swap3A_3157 = arith.constant 32 : index
      %swap3A_3158 = tpu.vector_load %arg9[%swap3A_3156, %swap3A_3157] {strides = array<i32>} : memref<32x64xf32, #tpu.memory_space<vmem>>, vector<16xf32>,
      tpu.vector_store %arg9[%swap3A_3156, %swap3A_3157], %gather3A_3154 {strides = array<i32>} : memref<32x64xf32, #tpu.memory_space<vmem>>, vector<16xf32>,
      %add3A_3159 = arith.constant 48 : i32
      %add3A_3160 = vector.broadcast %add3A_3159 : i32 to vector<16xi32>
      %add3A_3161 = arith.addi %iota3A, %add3A_3160 : vector<16xi32>
      %gather3A_3162 = tpu.vector_load_idx %arg8[%add3A_3161, %broadcast_in_dim3A_2303] : memref<64x64xf32, #tpu.memory_space<vmem>>[vector<16xi32>, vector<16xi32>], vector<16xf32>,
      %swap3A_3163 = arith.constant 21 : i32
      %swap3A_3164 = arith.index_cast %swap3A_3163 : i32 to index
      %swap3A_3165 = arith.constant 48 : index
      %swap3A_3166 = tpu.vector_load %arg9[%swap3A_3164, %swap3A_3165] {strides = array<i32>} : memref<32x64xf32, #tpu.memory_space<vmem>>, vector<16xf32>,
      tpu.vector_store %arg9[%swap3A_3164, %swap3A_3165], %gather3A_3162 {strides = array<i32>} : memref<32x64xf32, #tpu.memory_space<vmem>>, vector<16xf32>,
    } else {
    }
    %dma_start3A_2359 = arith.constant 5 : i32
    %dma_start3A_2360 = arith.constant 5 : i32
    %dma_start3A_2361 = arith.constant 0 : i32
    %dma_start3A_2362 = arith.constant 0 : i32
    %dma_start3A_2363 = tpu.memref_slice %arg7[%dma_start3A_2359, %dma_start3A_2361, %dma_start3A_2362] : memref<8x64x128xf32, #tpu.memory_space<vmem>> -> memref<1x64x128xf32, #tpu.memory_space<vmem>>
    %dma_start3A_2364 = tpu.memref_squeeze %dma_start3A_2363 : memref<1x64x128xf32, #tpu.memory_space<vmem>> -> memref<64x128xf32, #tpu.memory_space<vmem>>
    %dma_start3A_2365 = arith.constant 0 : i32
    %dma_start3A_2366 = tpu.memref_slice %arg2[%dma_start3A_2365, %multiple_of3A_297] : memref<64x1000000xf32, #tpu.memory_space<hbm>> -> memref<64x128xf32, #tpu.memory_space<hbm>>
    %dma_start3A_2367 = tpu.memref_slice %arg10[%dma_start3A_2360] : memref<8x!tpu.dma_semaphore, #tpu.memory_space<semaphore_mem>> -> memref<1x!tpu.dma_semaphore, #tpu.memory_space<semaphore_mem>>
    %dma_start3A_2368 = tpu.memref_squeeze %dma_start3A_2367 : memref<1x!tpu.dma_semaphore, #tpu.memory_space<semaphore_mem>> -> memref<!tpu.dma_semaphore, #tpu.memory_space<semaphore_mem>>
    %dma_start3A_2369 = arith.constant 0 : i32
    %dma_start3A_2370 = arith.constant 0 : i32
    %dma_start3A_2371 = tpu.memref_slice %arg7[%dma_start3A_2359, %dma_start3A_2369, %dma_start3A_2370] : memref<8x64x128xf32, #tpu.memory_space<vmem>> -> memref<1x64x128xf32, #tpu.memory_space<vmem>>
    %dma_start3A_2372 = tpu.memref_squeeze %dma_start3A_2371 : memref<1x64x128xf32, #tpu.memory_space<vmem>> -> memref<64x128xf32, #tpu.memory_space<vmem>>
    %dma_start3A_2373 = arith.constant 0 : i32
    %dma_start3A_2374 = tpu.memref_slice %arg2[%dma_start3A_2373, %multiple_of3A_297] : memref<64x1000000xf32, #tpu.memory_space<hbm>> -> memref<64x128xf32, #tpu.memory_space<hbm>>
    tpu.enqueue_dma source(%dma_start3A_2374 : memref<64x128xf32, #tpu.memory_space<hbm>>) target(%dma_start3A_2372 : memref<64x128xf32, #tpu.memory_space<vmem>>) target_semaphore(%dma_start3A_2368 : memref<!tpu.dma_semaphore, #tpu.memory_space<semaphore_mem>>)
    %dma_wait3A_2375 = arith.constant 6 : i32
    %dma_wait3A_2376 = arith.constant 6 : i32
    %dma_wait3A_2377 = arith.constant 0 : i32
    %dma_wait3A_2378 = arith.constant 0 : i32
    %dma_wait3A_2379 = tpu.memref_slice %arg7[%dma_wait3A_2375, %dma_wait3A_2377, %dma_wait3A_2378] : memref<8x64x128xf32, #tpu.memory_space<vmem>> -> memref<1x64x128xf32, #tpu.memory_space<vmem>>
    %dma_wait3A_2380 = tpu.memref_squeeze %dma_wait3A_2379 : memref<1x64x128xf32, #tpu.memory_space<vmem>> -> memref<64x128xf32, #tpu.memory_space<vmem>>
    %dma_wait3A_2381 = arith.constant 0 : i32
    %dma_wait3A_2382 = tpu.memref_slice %arg2[%dma_wait3A_2381, %multiple_of3A_227] : memref<64x1000000xf32, #tpu.memory_space<hbm>> -> memref<64x128xf32, #tpu.memory_space<hbm>>
    %dma_wait3A_2383 = tpu.memref_slice %arg10[%dma_wait3A_2376] : memref<8x!tpu.dma_semaphore, #tpu.memory_space<semaphore_mem>> -> memref<1x!tpu.dma_semaphore, #tpu.memory_space<semaphore_mem>>
    %dma_wait3A_2384 = tpu.memref_squeeze %dma_wait3A_2383 : memref<1x!tpu.dma_semaphore, #tpu.memory_space<semaphore_mem>> -> memref<!tpu.dma_semaphore, #tpu.memory_space<semaphore_mem>>
    %dma_wait3A_2385 = arith.constant 0 : i32
    %dma_wait3A_2386 = arith.constant 0 : i32
    %dma_wait3A_2387 = tpu.memref_slice %arg7[%dma_wait3A_2375, %dma_wait3A_2385, %dma_wait3A_2386] : memref<8x64x128xf32, #tpu.memory_space<vmem>> -> memref<1x64x128xf32, #tpu.memory_space<vmem>>
    %dma_wait3A_2388 = tpu.memref_squeeze %dma_wait3A_2387 : memref<1x64x128xf32, #tpu.memory_space<vmem>> -> memref<64x128xf32, #tpu.memory_space<vmem>>
    %dma_wait3A_2389 = arith.constant 0 : i32
    %dma_wait3A_2390 = tpu.memref_slice %arg2[%dma_wait3A_2389, %multiple_of3A_227] : memref<64x1000000xf32, #tpu.memory_space<hbm>> -> memref<64x128xf32, #tpu.memory_space<hbm>>
    tpu.wait_dma2 semaphore(%dma_wait3A_2384 : memref<!tpu.dma_semaphore, #tpu.memory_space<semaphore_mem>>) src(%dma_wait3A_2390 : memref<64x128xf32, #tpu.memory_space<hbm>>) dst(%dma_wait3A_2388 : memref<64x128xf32, #tpu.memory_space<vmem>>)
    %broadcast_in_dim3A_2391 = vector.broadcast %rem3A_223 : i32 to vector<16xi32>
    %add3A_2392 = arith.constant 0 : i32
    %add3A_2393 = vector.broadcast %add3A_2392 : i32 to vector<16xi32>
    %add3A_2394 = arith.addi %iota3A, %add3A_2393 : vector<16xi32>
    %gather3A_2395 = arith.constant 6 : i32
    %gather3A_2396 = arith.constant 0 : i32
    %gather3A_2397 = arith.constant 0 : i32
    %gather3A_2398 = tpu.memref_slice %arg7[%gather3A_2395, %gather3A_2396, %gather3A_2397] : memref<8x64x128xf32, #tpu.memory_space<vmem>> -> memref<1x64x128xf32, #tpu.memory_space<vmem>>
    %gather3A_2399 = tpu.memref_squeeze %gather3A_2398 : memref<1x64x128xf32, #tpu.memory_space<vmem>> -> memref<64x128xf32, #tpu.memory_space<vmem>>
    %gather3A_2400 = tpu.vector_load_idx %gather3A_2399[%add3A_2394, %broadcast_in_dim3A_2391] : memref<64x128xf32, #tpu.memory_space<vmem>>[vector<16xi32>, vector<16xi32>], vector<16xf32>,
    %swap3A_2401 = arith.constant 22 : i32
    %swap3A_2402 = arith.index_cast %swap3A_2401 : i32 to index
    %swap3A_2403 = arith.constant 0 : index
    %swap3A_2404 = tpu.vector_load %arg9[%swap3A_2402, %swap3A_2403] {strides = array<i32>} : memref<32x64xf32, #tpu.memory_space<vmem>>, vector<16xf32>,
    tpu.vector_store %arg9[%swap3A_2402, %swap3A_2403], %gather3A_2400 {strides = array<i32>} : memref<32x64xf32, #tpu.memory_space<vmem>>, vector<16xf32>,
    %add3A_2405 = arith.constant 16 : i32
    %add3A_2406 = vector.broadcast %add3A_2405 : i32 to vector<16xi32>
    %add3A_2407 = arith.addi %iota3A, %add3A_2406 : vector<16xi32>
    %gather3A_2408 = arith.constant 6 : i32
    %gather3A_2409 = arith.constant 0 : i32
    %gather3A_2410 = arith.constant 0 : i32
    %gather3A_2411 = tpu.memref_slice %arg7[%gather3A_2408, %gather3A_2409, %gather3A_2410] : memref<8x64x128xf32, #tpu.memory_space<vmem>> -> memref<1x64x128xf32, #tpu.memory_space<vmem>>
    %gather3A_2412 = tpu.memref_squeeze %gather3A_2411 : memref<1x64x128xf32, #tpu.memory_space<vmem>> -> memref<64x128xf32, #tpu.memory_space<vmem>>
    %gather3A_2413 = tpu.vector_load_idx %gather3A_2412[%add3A_2407, %broadcast_in_dim3A_2391] : memref<64x128xf32, #tpu.memory_space<vmem>>[vector<16xi32>, vector<16xi32>], vector<16xf32>,
    %swap3A_2414 = arith.constant 22 : i32
    %swap3A_2415 = arith.index_cast %swap3A_2414 : i32 to index
    %swap3A_2416 = arith.constant 16 : index
    %swap3A_2417 = tpu.vector_load %arg9[%swap3A_2415, %swap3A_2416] {strides = array<i32>} : memref<32x64xf32, #tpu.memory_space<vmem>>, vector<16xf32>,
    tpu.vector_store %arg9[%swap3A_2415, %swap3A_2416], %gather3A_2413 {strides = array<i32>} : memref<32x64xf32, #tpu.memory_space<vmem>>, vector<16xf32>,
    %add3A_2418 = arith.constant 32 : i32
    %add3A_2419 = vector.broadcast %add3A_2418 : i32 to vector<16xi32>
    %add3A_2420 = arith.addi %iota3A, %add3A_2419 : vector<16xi32>
    %gather3A_2421 = arith.constant 6 : i32
    %gather3A_2422 = arith.constant 0 : i32
    %gather3A_2423 = arith.constant 0 : i32
    %gather3A_2424 = tpu.memref_slice %arg7[%gather3A_2421, %gather3A_2422, %gather3A_2423] : memref<8x64x128xf32, #tpu.memory_space<vmem>> -> memref<1x64x128xf32, #tpu.memory_space<vmem>>
    %gather3A_2425 = tpu.memref_squeeze %gather3A_2424 : memref<1x64x128xf32, #tpu.memory_space<vmem>> -> memref<64x128xf32, #tpu.memory_space<vmem>>
    %gather3A_2426 = tpu.vector_load_idx %gather3A_2425[%add3A_2420, %broadcast_in_dim3A_2391] : memref<64x128xf32, #tpu.memory_space<vmem>>[vector<16xi32>, vector<16xi32>], vector<16xf32>,
    %swap3A_2427 = arith.constant 22 : i32
    %swap3A_2428 = arith.index_cast %swap3A_2427 : i32 to index
    %swap3A_2429 = arith.constant 32 : index
    %swap3A_2430 = tpu.vector_load %arg9[%swap3A_2428, %swap3A_2429] {strides = array<i32>} : memref<32x64xf32, #tpu.memory_space<vmem>>, vector<16xf32>,
    tpu.vector_store %arg9[%swap3A_2428, %swap3A_2429], %gather3A_2426 {strides = array<i32>} : memref<32x64xf32, #tpu.memory_space<vmem>>, vector<16xf32>,
    %add3A_2431 = arith.constant 48 : i32
    %add3A_2432 = vector.broadcast %add3A_2431 : i32 to vector<16xi32>
    %add3A_2433 = arith.addi %iota3A, %add3A_2432 : vector<16xi32>
    %gather3A_2434 = arith.constant 6 : i32
    %gather3A_2435 = arith.constant 0 : i32
    %gather3A_2436 = arith.constant 0 : i32
    %gather3A_2437 = tpu.memref_slice %arg7[%gather3A_2434, %gather3A_2435, %gather3A_2436] : memref<8x64x128xf32, #tpu.memory_space<vmem>> -> memref<1x64x128xf32, #tpu.memory_space<vmem>>
    %gather3A_2438 = tpu.memref_squeeze %gather3A_2437 : memref<1x64x128xf32, #tpu.memory_space<vmem>> -> memref<64x128xf32, #tpu.memory_space<vmem>>
    %gather3A_2439 = tpu.vector_load_idx %gather3A_2438[%add3A_2433, %broadcast_in_dim3A_2391] : memref<64x128xf32, #tpu.memory_space<vmem>>[vector<16xi32>, vector<16xi32>], vector<16xf32>,
    %swap3A_2440 = arith.constant 22 : i32
    %swap3A_2441 = arith.index_cast %swap3A_2440 : i32 to index
    %swap3A_2442 = arith.constant 48 : index
    %swap3A_2443 = tpu.vector_load %arg9[%swap3A_2441, %swap3A_2442] {strides = array<i32>} : memref<32x64xf32, #tpu.memory_space<vmem>>, vector<16xf32>,
    tpu.vector_store %arg9[%swap3A_2441, %swap3A_2442], %gather3A_2439 {strides = array<i32>} : memref<32x64xf32, #tpu.memory_space<vmem>>, vector<16xf32>,
    %convert_element_type3A_2444 = arith.extui %ge3A_221 : i1 to i32
    %cond3A_2445 = arith.constant 0 : i32
    %cond3A_2446 = arith.cmpi ne, %convert_element_type3A_2444, %cond3A_2445 : i32
    scf.if %cond3A_2446 {
      %add3A_3135 = arith.constant 0 : i32
      %add3A_3136 = vector.broadcast %add3A_3135 : i32 to vector<16xi32>
      %add3A_3137 = arith.addi %iota3A, %add3A_3136 : vector<16xi32>
      %gather3A_3138 = tpu.vector_load_idx %arg8[%add3A_3137, %broadcast_in_dim3A_2391] : memref<64x64xf32, #tpu.memory_space<vmem>>[vector<16xi32>, vector<16xi32>], vector<16xf32>,
      %swap3A_3139 = arith.constant 22 : i32
      %swap3A_3140 = arith.index_cast %swap3A_3139 : i32 to index
      %swap3A_3141 = arith.constant 0 : index
      %swap3A_3142 = tpu.vector_load %arg9[%swap3A_3140, %swap3A_3141] {strides = array<i32>} : memref<32x64xf32, #tpu.memory_space<vmem>>, vector<16xf32>,
      tpu.vector_store %arg9[%swap3A_3140, %swap3A_3141], %gather3A_3138 {strides = array<i32>} : memref<32x64xf32, #tpu.memory_space<vmem>>, vector<16xf32>,
      %add3A_3143 = arith.constant 16 : i32
      %add3A_3144 = vector.broadcast %add3A_3143 : i32 to vector<16xi32>
      %add3A_3145 = arith.addi %iota3A, %add3A_3144 : vector<16xi32>
      %gather3A_3146 = tpu.vector_load_idx %arg8[%add3A_3145, %broadcast_in_dim3A_2391] : memref<64x64xf32, #tpu.memory_space<vmem>>[vector<16xi32>, vector<16xi32>], vector<16xf32>,
      %swap3A_3147 = arith.constant 22 : i32
      %swap3A_3148 = arith.index_cast %swap3A_3147 : i32 to index
      %swap3A_3149 = arith.constant 16 : index
      %swap3A_3150 = tpu.vector_load %arg9[%swap3A_3148, %swap3A_3149] {strides = array<i32>} : memref<32x64xf32, #tpu.memory_space<vmem>>, vector<16xf32>,
      tpu.vector_store %arg9[%swap3A_3148, %swap3A_3149], %gather3A_3146 {strides = array<i32>} : memref<32x64xf32, #tpu.memory_space<vmem>>, vector<16xf32>,
      %add3A_3151 = arith.constant 32 : i32
      %add3A_3152 = vector.broadcast %add3A_3151 : i32 to vector<16xi32>
      %add3A_3153 = arith.addi %iota3A, %add3A_3152 : vector<16xi32>
      %gather3A_3154 = tpu.vector_load_idx %arg8[%add3A_3153, %broadcast_in_dim3A_2391] : memref<64x64xf32, #tpu.memory_space<vmem>>[vector<16xi32>, vector<16xi32>], vector<16xf32>,
      %swap3A_3155 = arith.constant 22 : i32
      %swap3A_3156 = arith.index_cast %swap3A_3155 : i32 to index
      %swap3A_3157 = arith.constant 32 : index
      %swap3A_3158 = tpu.vector_load %arg9[%swap3A_3156, %swap3A_3157] {strides = array<i32>} : memref<32x64xf32, #tpu.memory_space<vmem>>, vector<16xf32>,
      tpu.vector_store %arg9[%swap3A_3156, %swap3A_3157], %gather3A_3154 {strides = array<i32>} : memref<32x64xf32, #tpu.memory_space<vmem>>, vector<16xf32>,
      %add3A_3159 = arith.constant 48 : i32
      %add3A_3160 = vector.broadcast %add3A_3159 : i32 to vector<16xi32>
      %add3A_3161 = arith.addi %iota3A, %add3A_3160 : vector<16xi32>
      %gather3A_3162 = tpu.vector_load_idx %arg8[%add3A_3161, %broadcast_in_dim3A_2391] : memref<64x64xf32, #tpu.memory_space<vmem>>[vector<16xi32>, vector<16xi32>], vector<16xf32>,
      %swap3A_3163 = arith.constant 22 : i32
      %swap3A_3164 = arith.index_cast %swap3A_3163 : i32 to index
      %swap3A_3165 = arith.constant 48 : index
      %swap3A_3166 = tpu.vector_load %arg9[%swap3A_3164, %swap3A_3165] {strides = array<i32>} : memref<32x64xf32, #tpu.memory_space<vmem>>, vector<16xf32>,
      tpu.vector_store %arg9[%swap3A_3164, %swap3A_3165], %gather3A_3162 {strides = array<i32>} : memref<32x64xf32, #tpu.memory_space<vmem>>, vector<16xf32>,
    } else {
    }
    %dma_start3A_2447 = arith.constant 6 : i32
    %dma_start3A_2448 = arith.constant 6 : i32
    %dma_start3A_2449 = arith.constant 0 : i32
    %dma_start3A_2450 = arith.constant 0 : i32
    %dma_start3A_2451 = tpu.memref_slice %arg7[%dma_start3A_2447, %dma_start3A_2449, %dma_start3A_2450] : memref<8x64x128xf32, #tpu.memory_space<vmem>> -> memref<1x64x128xf32, #tpu.memory_space<vmem>>
    %dma_start3A_2452 = tpu.memref_squeeze %dma_start3A_2451 : memref<1x64x128xf32, #tpu.memory_space<vmem>> -> memref<64x128xf32, #tpu.memory_space<vmem>>
    %dma_start3A_2453 = arith.constant 0 : i32
    %dma_start3A_2454 = tpu.memref_slice %arg2[%dma_start3A_2453, %multiple_of3A_307] : memref<64x1000000xf32, #tpu.memory_space<hbm>> -> memref<64x128xf32, #tpu.memory_space<hbm>>
    %dma_start3A_2455 = tpu.memref_slice %arg10[%dma_start3A_2448] : memref<8x!tpu.dma_semaphore, #tpu.memory_space<semaphore_mem>> -> memref<1x!tpu.dma_semaphore, #tpu.memory_space<semaphore_mem>>
    %dma_start3A_2456 = tpu.memref_squeeze %dma_start3A_2455 : memref<1x!tpu.dma_semaphore, #tpu.memory_space<semaphore_mem>> -> memref<!tpu.dma_semaphore, #tpu.memory_space<semaphore_mem>>
    %dma_start3A_2457 = arith.constant 0 : i32
    %dma_start3A_2458 = arith.constant 0 : i32
    %dma_start3A_2459 = tpu.memref_slice %arg7[%dma_start3A_2447, %dma_start3A_2457, %dma_start3A_2458] : memref<8x64x128xf32, #tpu.memory_space<vmem>> -> memref<1x64x128xf32, #tpu.memory_space<vmem>>
    %dma_start3A_2460 = tpu.memref_squeeze %dma_start3A_2459 : memref<1x64x128xf32, #tpu.memory_space<vmem>> -> memref<64x128xf32, #tpu.memory_space<vmem>>
    %dma_start3A_2461 = arith.constant 0 : i32
    %dma_start3A_2462 = tpu.memref_slice %arg2[%dma_start3A_2461, %multiple_of3A_307] : memref<64x1000000xf32, #tpu.memory_space<hbm>> -> memref<64x128xf32, #tpu.memory_space<hbm>>
    tpu.enqueue_dma source(%dma_start3A_2462 : memref<64x128xf32, #tpu.memory_space<hbm>>) target(%dma_start3A_2460 : memref<64x128xf32, #tpu.memory_space<vmem>>) target_semaphore(%dma_start3A_2456 : memref<!tpu.dma_semaphore, #tpu.memory_space<semaphore_mem>>)
    %dma_wait3A_2463 = arith.constant 7 : i32
    %dma_wait3A_2464 = arith.constant 7 : i32
    %dma_wait3A_2465 = arith.constant 0 : i32
    %dma_wait3A_2466 = arith.constant 0 : i32
    %dma_wait3A_2467 = tpu.memref_slice %arg7[%dma_wait3A_2463, %dma_wait3A_2465, %dma_wait3A_2466] : memref<8x64x128xf32, #tpu.memory_space<vmem>> -> memref<1x64x128xf32, #tpu.memory_space<vmem>>
    %dma_wait3A_2468 = tpu.memref_squeeze %dma_wait3A_2467 : memref<1x64x128xf32, #tpu.memory_space<vmem>> -> memref<64x128xf32, #tpu.memory_space<vmem>>
    %dma_wait3A_2469 = arith.constant 0 : i32
    %dma_wait3A_2470 = tpu.memref_slice %arg2[%dma_wait3A_2469, %multiple_of3A_237] : memref<64x1000000xf32, #tpu.memory_space<hbm>> -> memref<64x128xf32, #tpu.memory_space<hbm>>
    %dma_wait3A_2471 = tpu.memref_slice %arg10[%dma_wait3A_2464] : memref<8x!tpu.dma_semaphore, #tpu.memory_space<semaphore_mem>> -> memref<1x!tpu.dma_semaphore, #tpu.memory_space<semaphore_mem>>
    %dma_wait3A_2472 = tpu.memref_squeeze %dma_wait3A_2471 : memref<1x!tpu.dma_semaphore, #tpu.memory_space<semaphore_mem>> -> memref<!tpu.dma_semaphore, #tpu.memory_space<semaphore_mem>>
    %dma_wait3A_2473 = arith.constant 0 : i32
    %dma_wait3A_2474 = arith.constant 0 : i32
    %dma_wait3A_2475 = tpu.memref_slice %arg7[%dma_wait3A_2463, %dma_wait3A_2473, %dma_wait3A_2474] : memref<8x64x128xf32, #tpu.memory_space<vmem>> -> memref<1x64x128xf32, #tpu.memory_space<vmem>>
    %dma_wait3A_2476 = tpu.memref_squeeze %dma_wait3A_2475 : memref<1x64x128xf32, #tpu.memory_space<vmem>> -> memref<64x128xf32, #tpu.memory_space<vmem>>
    %dma_wait3A_2477 = arith.constant 0 : i32
    %dma_wait3A_2478 = tpu.memref_slice %arg2[%dma_wait3A_2477, %multiple_of3A_237] : memref<64x1000000xf32, #tpu.memory_space<hbm>> -> memref<64x128xf32, #tpu.memory_space<hbm>>
    tpu.wait_dma2 semaphore(%dma_wait3A_2472 : memref<!tpu.dma_semaphore, #tpu.memory_space<semaphore_mem>>) src(%dma_wait3A_2478 : memref<64x128xf32, #tpu.memory_space<hbm>>) dst(%dma_wait3A_2476 : memref<64x128xf32, #tpu.memory_space<vmem>>)
    %broadcast_in_dim3A_2479 = vector.broadcast %rem3A_233 : i32 to vector<16xi32>
    %add3A_2480 = arith.constant 0 : i32
    %add3A_2481 = vector.broadcast %add3A_2480 : i32 to vector<16xi32>
    %add3A_2482 = arith.addi %iota3A, %add3A_2481 : vector<16xi32>
    %gather3A_2483 = arith.constant 7 : i32
    %gather3A_2484 = arith.constant 0 : i32
    %gather3A_2485 = arith.constant 0 : i32
    %gather3A_2486 = tpu.memref_slice %arg7[%gather3A_2483, %gather3A_2484, %gather3A_2485] : memref<8x64x128xf32, #tpu.memory_space<vmem>> -> memref<1x64x128xf32, #tpu.memory_space<vmem>>
    %gather3A_2487 = tpu.memref_squeeze %gather3A_2486 : memref<1x64x128xf32, #tpu.memory_space<vmem>> -> memref<64x128xf32, #tpu.memory_space<vmem>>
    %gather3A_2488 = tpu.vector_load_idx %gather3A_2487[%add3A_2482, %broadcast_in_dim3A_2479] : memref<64x128xf32, #tpu.memory_space<vmem>>[vector<16xi32>, vector<16xi32>], vector<16xf32>,
    %swap3A_2489 = arith.constant 23 : i32
    %swap3A_2490 = arith.index_cast %swap3A_2489 : i32 to index
    %swap3A_2491 = arith.constant 0 : index
    %swap3A_2492 = tpu.vector_load %arg9[%swap3A_2490, %swap3A_2491] {strides = array<i32>} : memref<32x64xf32, #tpu.memory_space<vmem>>, vector<16xf32>,
    tpu.vector_store %arg9[%swap3A_2490, %swap3A_2491], %gather3A_2488 {strides = array<i32>} : memref<32x64xf32, #tpu.memory_space<vmem>>, vector<16xf32>,
    %add3A_2493 = arith.constant 16 : i32
    %add3A_2494 = vector.broadcast %add3A_2493 : i32 to vector<16xi32>
    %add3A_2495 = arith.addi %iota3A, %add3A_2494 : vector<16xi32>
    %gather3A_2496 = arith.constant 7 : i32
    %gather3A_2497 = arith.constant 0 : i32
    %gather3A_2498 = arith.constant 0 : i32
    %gather3A_2499 = tpu.memref_slice %arg7[%gather3A_2496, %gather3A_2497, %gather3A_2498] : memref<8x64x128xf32, #tpu.memory_space<vmem>> -> memref<1x64x128xf32, #tpu.memory_space<vmem>>
    %gather3A_2500 = tpu.memref_squeeze %gather3A_2499 : memref<1x64x128xf32, #tpu.memory_space<vmem>> -> memref<64x128xf32, #tpu.memory_space<vmem>>
    %gather3A_2501 = tpu.vector_load_idx %gather3A_2500[%add3A_2495, %broadcast_in_dim3A_2479] : memref<64x128xf32, #tpu.memory_space<vmem>>[vector<16xi32>, vector<16xi32>], vector<16xf32>,
    %swap3A_2502 = arith.constant 23 : i32
    %swap3A_2503 = arith.index_cast %swap3A_2502 : i32 to index
    %swap3A_2504 = arith.constant 16 : index
    %swap3A_2505 = tpu.vector_load %arg9[%swap3A_2503, %swap3A_2504] {strides = array<i32>} : memref<32x64xf32, #tpu.memory_space<vmem>>, vector<16xf32>,
    tpu.vector_store %arg9[%swap3A_2503, %swap3A_2504], %gather3A_2501 {strides = array<i32>} : memref<32x64xf32, #tpu.memory_space<vmem>>, vector<16xf32>,
    %add3A_2506 = arith.constant 32 : i32
    %add3A_2507 = vector.broadcast %add3A_2506 : i32 to vector<16xi32>
    %add3A_2508 = arith.addi %iota3A, %add3A_2507 : vector<16xi32>
    %gather3A_2509 = arith.constant 7 : i32
    %gather3A_2510 = arith.constant 0 : i32
    %gather3A_2511 = arith.constant 0 : i32
    %gather3A_2512 = tpu.memref_slice %arg7[%gather3A_2509, %gather3A_2510, %gather3A_2511] : memref<8x64x128xf32, #tpu.memory_space<vmem>> -> memref<1x64x128xf32, #tpu.memory_space<vmem>>
    %gather3A_2513 = tpu.memref_squeeze %gather3A_2512 : memref<1x64x128xf32, #tpu.memory_space<vmem>> -> memref<64x128xf32, #tpu.memory_space<vmem>>
    %gather3A_2514 = tpu.vector_load_idx %gather3A_2513[%add3A_2508, %broadcast_in_dim3A_2479] : memref<64x128xf32, #tpu.memory_space<vmem>>[vector<16xi32>, vector<16xi32>], vector<16xf32>,
    %swap3A_2515 = arith.constant 23 : i32
    %swap3A_2516 = arith.index_cast %swap3A_2515 : i32 to index
    %swap3A_2517 = arith.constant 32 : index
    %swap3A_2518 = tpu.vector_load %arg9[%swap3A_2516, %swap3A_2517] {strides = array<i32>} : memref<32x64xf32, #tpu.memory_space<vmem>>, vector<16xf32>,
    tpu.vector_store %arg9[%swap3A_2516, %swap3A_2517], %gather3A_2514 {strides = array<i32>} : memref<32x64xf32, #tpu.memory_space<vmem>>, vector<16xf32>,
    %add3A_2519 = arith.constant 48 : i32
    %add3A_2520 = vector.broadcast %add3A_2519 : i32 to vector<16xi32>
    %add3A_2521 = arith.addi %iota3A, %add3A_2520 : vector<16xi32>
    %gather3A_2522 = arith.constant 7 : i32
    %gather3A_2523 = arith.constant 0 : i32
    %gather3A_2524 = arith.constant 0 : i32
    %gather3A_2525 = tpu.memref_slice %arg7[%gather3A_2522, %gather3A_2523, %gather3A_2524] : memref<8x64x128xf32, #tpu.memory_space<vmem>> -> memref<1x64x128xf32, #tpu.memory_space<vmem>>
    %gather3A_2526 = tpu.memref_squeeze %gather3A_2525 : memref<1x64x128xf32, #tpu.memory_space<vmem>> -> memref<64x128xf32, #tpu.memory_space<vmem>>
    %gather3A_2527 = tpu.vector_load_idx %gather3A_2526[%add3A_2521, %broadcast_in_dim3A_2479] : memref<64x128xf32, #tpu.memory_space<vmem>>[vector<16xi32>, vector<16xi32>], vector<16xf32>,
    %swap3A_2528 = arith.constant 23 : i32
    %swap3A_2529 = arith.index_cast %swap3A_2528 : i32 to index
    %swap3A_2530 = arith.constant 48 : index
    %swap3A_2531 = tpu.vector_load %arg9[%swap3A_2529, %swap3A_2530] {strides = array<i32>} : memref<32x64xf32, #tpu.memory_space<vmem>>, vector<16xf32>,
    tpu.vector_store %arg9[%swap3A_2529, %swap3A_2530], %gather3A_2527 {strides = array<i32>} : memref<32x64xf32, #tpu.memory_space<vmem>>, vector<16xf32>,
    %convert_element_type3A_2532 = arith.extui %ge3A_231 : i1 to i32
    %cond3A_2533 = arith.constant 0 : i32
    %cond3A_2534 = arith.cmpi ne, %convert_element_type3A_2532, %cond3A_2533 : i32
    scf.if %cond3A_2534 {
      %add3A_3135 = arith.constant 0 : i32
      %add3A_3136 = vector.broadcast %add3A_3135 : i32 to vector<16xi32>
      %add3A_3137 = arith.addi %iota3A, %add3A_3136 : vector<16xi32>
      %gather3A_3138 = tpu.vector_load_idx %arg8[%add3A_3137, %broadcast_in_dim3A_2479] : memref<64x64xf32, #tpu.memory_space<vmem>>[vector<16xi32>, vector<16xi32>], vector<16xf32>,
      %swap3A_3139 = arith.constant 23 : i32
      %swap3A_3140 = arith.index_cast %swap3A_3139 : i32 to index
      %swap3A_3141 = arith.constant 0 : index
      %swap3A_3142 = tpu.vector_load %arg9[%swap3A_3140, %swap3A_3141] {strides = array<i32>} : memref<32x64xf32, #tpu.memory_space<vmem>>, vector<16xf32>,
      tpu.vector_store %arg9[%swap3A_3140, %swap3A_3141], %gather3A_3138 {strides = array<i32>} : memref<32x64xf32, #tpu.memory_space<vmem>>, vector<16xf32>,
      %add3A_3143 = arith.constant 16 : i32
      %add3A_3144 = vector.broadcast %add3A_3143 : i32 to vector<16xi32>
      %add3A_3145 = arith.addi %iota3A, %add3A_3144 : vector<16xi32>
      %gather3A_3146 = tpu.vector_load_idx %arg8[%add3A_3145, %broadcast_in_dim3A_2479] : memref<64x64xf32, #tpu.memory_space<vmem>>[vector<16xi32>, vector<16xi32>], vector<16xf32>,
      %swap3A_3147 = arith.constant 23 : i32
      %swap3A_3148 = arith.index_cast %swap3A_3147 : i32 to index
      %swap3A_3149 = arith.constant 16 : index
      %swap3A_3150 = tpu.vector_load %arg9[%swap3A_3148, %swap3A_3149] {strides = array<i32>} : memref<32x64xf32, #tpu.memory_space<vmem>>, vector<16xf32>,
      tpu.vector_store %arg9[%swap3A_3148, %swap3A_3149], %gather3A_3146 {strides = array<i32>} : memref<32x64xf32, #tpu.memory_space<vmem>>, vector<16xf32>,
      %add3A_3151 = arith.constant 32 : i32
      %add3A_3152 = vector.broadcast %add3A_3151 : i32 to vector<16xi32>
      %add3A_3153 = arith.addi %iota3A, %add3A_3152 : vector<16xi32>
      %gather3A_3154 = tpu.vector_load_idx %arg8[%add3A_3153, %broadcast_in_dim3A_2479] : memref<64x64xf32, #tpu.memory_space<vmem>>[vector<16xi32>, vector<16xi32>], vector<16xf32>,
      %swap3A_3155 = arith.constant 23 : i32
      %swap3A_3156 = arith.index_cast %swap3A_3155 : i32 to index
      %swap3A_3157 = arith.constant 32 : index
      %swap3A_3158 = tpu.vector_load %arg9[%swap3A_3156, %swap3A_3157] {strides = array<i32>} : memref<32x64xf32, #tpu.memory_space<vmem>>, vector<16xf32>,
      tpu.vector_store %arg9[%swap3A_3156, %swap3A_3157], %gather3A_3154 {strides = array<i32>} : memref<32x64xf32, #tpu.memory_space<vmem>>, vector<16xf32>,
      %add3A_3159 = arith.constant 48 : i32
      %add3A_3160 = vector.broadcast %add3A_3159 : i32 to vector<16xi32>
      %add3A_3161 = arith.addi %iota3A, %add3A_3160 : vector<16xi32>
      %gather3A_3162 = tpu.vector_load_idx %arg8[%add3A_3161, %broadcast_in_dim3A_2479] : memref<64x64xf32, #tpu.memory_space<vmem>>[vector<16xi32>, vector<16xi32>], vector<16xf32>,
      %swap3A_3163 = arith.constant 23 : i32
      %swap3A_3164 = arith.index_cast %swap3A_3163 : i32 to index
      %swap3A_3165 = arith.constant 48 : index
      %swap3A_3166 = tpu.vector_load %arg9[%swap3A_3164, %swap3A_3165] {strides = array<i32>} : memref<32x64xf32, #tpu.memory_space<vmem>>, vector<16xf32>,
      tpu.vector_store %arg9[%swap3A_3164, %swap3A_3165], %gather3A_3162 {strides = array<i32>} : memref<32x64xf32, #tpu.memory_space<vmem>>, vector<16xf32>,
    } else {
    }
    %dma_start3A_2535 = arith.constant 7 : i32
    %dma_start3A_2536 = arith.constant 7 : i32
    %dma_start3A_2537 = arith.constant 0 : i32
    %dma_start3A_2538 = arith.constant 0 : i32
    %dma_start3A_2539 = tpu.memref_slice %arg7[%dma_start3A_2535, %dma_start3A_2537, %dma_start3A_2538] : memref<8x64x128xf32, #tpu.memory_space<vmem>> -> memref<1x64x128xf32, #tpu.memory_space<vmem>>
    %dma_start3A_2540 = tpu.memref_squeeze %dma_start3A_2539 : memref<1x64x128xf32, #tpu.memory_space<vmem>> -> memref<64x128xf32, #tpu.memory_space<vmem>>
    %dma_start3A_2541 = arith.constant 0 : i32
    %dma_start3A_2542 = tpu.memref_slice %arg2[%dma_start3A_2541, %multiple_of3A_317] : memref<64x1000000xf32, #tpu.memory_space<hbm>> -> memref<64x128xf32, #tpu.memory_space<hbm>>
    %dma_start3A_2543 = tpu.memref_slice %arg10[%dma_start3A_2536] : memref<8x!tpu.dma_semaphore, #tpu.memory_space<semaphore_mem>> -> memref<1x!tpu.dma_semaphore, #tpu.memory_space<semaphore_mem>>
    %dma_start3A_2544 = tpu.memref_squeeze %dma_start3A_2543 : memref<1x!tpu.dma_semaphore, #tpu.memory_space<semaphore_mem>> -> memref<!tpu.dma_semaphore, #tpu.memory_space<semaphore_mem>>
    %dma_start3A_2545 = arith.constant 0 : i32
    %dma_start3A_2546 = arith.constant 0 : i32
    %dma_start3A_2547 = tpu.memref_slice %arg7[%dma_start3A_2535, %dma_start3A_2545, %dma_start3A_2546] : memref<8x64x128xf32, #tpu.memory_space<vmem>> -> memref<1x64x128xf32, #tpu.memory_space<vmem>>
    %dma_start3A_2548 = tpu.memref_squeeze %dma_start3A_2547 : memref<1x64x128xf32, #tpu.memory_space<vmem>> -> memref<64x128xf32, #tpu.memory_space<vmem>>
    %dma_start3A_2549 = arith.constant 0 : i32
    %dma_start3A_2550 = tpu.memref_slice %arg2[%dma_start3A_2549, %multiple_of3A_317] : memref<64x1000000xf32, #tpu.memory_space<hbm>> -> memref<64x128xf32, #tpu.memory_space<hbm>>
    tpu.enqueue_dma source(%dma_start3A_2550 : memref<64x128xf32, #tpu.memory_space<hbm>>) target(%dma_start3A_2548 : memref<64x128xf32, #tpu.memory_space<vmem>>) target_semaphore(%dma_start3A_2544 : memref<!tpu.dma_semaphore, #tpu.memory_space<semaphore_mem>>)
    %dma_wait3A_2551 = arith.constant 0 : i32
    %dma_wait3A_2552 = arith.constant 0 : i32
    %dma_wait3A_2553 = arith.constant 0 : i32
    %dma_wait3A_2554 = arith.constant 0 : i32
    %dma_wait3A_2555 = tpu.memref_slice %arg7[%dma_wait3A_2551, %dma_wait3A_2553, %dma_wait3A_2554] : memref<8x64x128xf32, #tpu.memory_space<vmem>> -> memref<1x64x128xf32, #tpu.memory_space<vmem>>
    %dma_wait3A_2556 = tpu.memref_squeeze %dma_wait3A_2555 : memref<1x64x128xf32, #tpu.memory_space<vmem>> -> memref<64x128xf32, #tpu.memory_space<vmem>>
    %dma_wait3A_2557 = arith.constant 0 : i32
    %dma_wait3A_2558 = tpu.memref_slice %arg2[%dma_wait3A_2557, %multiple_of3A_247] : memref<64x1000000xf32, #tpu.memory_space<hbm>> -> memref<64x128xf32, #tpu.memory_space<hbm>>
    %dma_wait3A_2559 = tpu.memref_slice %arg10[%dma_wait3A_2552] : memref<8x!tpu.dma_semaphore, #tpu.memory_space<semaphore_mem>> -> memref<1x!tpu.dma_semaphore, #tpu.memory_space<semaphore_mem>>
    %dma_wait3A_2560 = tpu.memref_squeeze %dma_wait3A_2559 : memref<1x!tpu.dma_semaphore, #tpu.memory_space<semaphore_mem>> -> memref<!tpu.dma_semaphore, #tpu.memory_space<semaphore_mem>>
    %dma_wait3A_2561 = arith.constant 0 : i32
    %dma_wait3A_2562 = arith.constant 0 : i32
    %dma_wait3A_2563 = tpu.memref_slice %arg7[%dma_wait3A_2551, %dma_wait3A_2561, %dma_wait3A_2562] : memref<8x64x128xf32, #tpu.memory_space<vmem>> -> memref<1x64x128xf32, #tpu.memory_space<vmem>>
    %dma_wait3A_2564 = tpu.memref_squeeze %dma_wait3A_2563 : memref<1x64x128xf32, #tpu.memory_space<vmem>> -> memref<64x128xf32, #tpu.memory_space<vmem>>
    %dma_wait3A_2565 = arith.constant 0 : i32
    %dma_wait3A_2566 = tpu.memref_slice %arg2[%dma_wait3A_2565, %multiple_of3A_247] : memref<64x1000000xf32, #tpu.memory_space<hbm>> -> memref<64x128xf32, #tpu.memory_space<hbm>>
    tpu.wait_dma2 semaphore(%dma_wait3A_2560 : memref<!tpu.dma_semaphore, #tpu.memory_space<semaphore_mem>>) src(%dma_wait3A_2566 : memref<64x128xf32, #tpu.memory_space<hbm>>) dst(%dma_wait3A_2564 : memref<64x128xf32, #tpu.memory_space<vmem>>)
    %broadcast_in_dim3A_2567 = vector.broadcast %rem3A_243 : i32 to vector<16xi32>
    %add3A_2568 = arith.constant 0 : i32
    %add3A_2569 = vector.broadcast %add3A_2568 : i32 to vector<16xi32>
    %add3A_2570 = arith.addi %iota3A, %add3A_2569 : vector<16xi32>
    %gather3A_2571 = arith.constant 0 : i32
    %gather3A_2572 = arith.constant 0 : i32
    %gather3A_2573 = arith.constant 0 : i32
    %gather3A_2574 = tpu.memref_slice %arg7[%gather3A_2571, %gather3A_2572, %gather3A_2573] : memref<8x64x128xf32, #tpu.memory_space<vmem>> -> memref<1x64x128xf32, #tpu.memory_space<vmem>>
    %gather3A_2575 = tpu.memref_squeeze %gather3A_2574 : memref<1x64x128xf32, #tpu.memory_space<vmem>> -> memref<64x128xf32, #tpu.memory_space<vmem>>
    %gather3A_2576 = tpu.vector_load_idx %gather3A_2575[%add3A_2570, %broadcast_in_dim3A_2567] : memref<64x128xf32, #tpu.memory_space<vmem>>[vector<16xi32>, vector<16xi32>], vector<16xf32>,
    %swap3A_2577 = arith.constant 24 : i32
    %swap3A_2578 = arith.index_cast %swap3A_2577 : i32 to index
    %swap3A_2579 = arith.constant 0 : index
    %swap3A_2580 = tpu.vector_load %arg9[%swap3A_2578, %swap3A_2579] {strides = array<i32>} : memref<32x64xf32, #tpu.memory_space<vmem>>, vector<16xf32>,
    tpu.vector_store %arg9[%swap3A_2578, %swap3A_2579], %gather3A_2576 {strides = array<i32>} : memref<32x64xf32, #tpu.memory_space<vmem>>, vector<16xf32>,
    %add3A_2581 = arith.constant 16 : i32
    %add3A_2582 = vector.broadcast %add3A_2581 : i32 to vector<16xi32>
    %add3A_2583 = arith.addi %iota3A, %add3A_2582 : vector<16xi32>
    %gather3A_2584 = arith.constant 0 : i32
    %gather3A_2585 = arith.constant 0 : i32
    %gather3A_2586 = arith.constant 0 : i32
    %gather3A_2587 = tpu.memref_slice %arg7[%gather3A_2584, %gather3A_2585, %gather3A_2586] : memref<8x64x128xf32, #tpu.memory_space<vmem>> -> memref<1x64x128xf32, #tpu.memory_space<vmem>>
    %gather3A_2588 = tpu.memref_squeeze %gather3A_2587 : memref<1x64x128xf32, #tpu.memory_space<vmem>> -> memref<64x128xf32, #tpu.memory_space<vmem>>
    %gather3A_2589 = tpu.vector_load_idx %gather3A_2588[%add3A_2583, %broadcast_in_dim3A_2567] : memref<64x128xf32, #tpu.memory_space<vmem>>[vector<16xi32>, vector<16xi32>], vector<16xf32>,
    %swap3A_2590 = arith.constant 24 : i32
    %swap3A_2591 = arith.index_cast %swap3A_2590 : i32 to index
    %swap3A_2592 = arith.constant 16 : index
    %swap3A_2593 = tpu.vector_load %arg9[%swap3A_2591, %swap3A_2592] {strides = array<i32>} : memref<32x64xf32, #tpu.memory_space<vmem>>, vector<16xf32>,
    tpu.vector_store %arg9[%swap3A_2591, %swap3A_2592], %gather3A_2589 {strides = array<i32>} : memref<32x64xf32, #tpu.memory_space<vmem>>, vector<16xf32>,
    %add3A_2594 = arith.constant 32 : i32
    %add3A_2595 = vector.broadcast %add3A_2594 : i32 to vector<16xi32>
    %add3A_2596 = arith.addi %iota3A, %add3A_2595 : vector<16xi32>
    %gather3A_2597 = arith.constant 0 : i32
    %gather3A_2598 = arith.constant 0 : i32
    %gather3A_2599 = arith.constant 0 : i32
    %gather3A_2600 = tpu.memref_slice %arg7[%gather3A_2597, %gather3A_2598, %gather3A_2599] : memref<8x64x128xf32, #tpu.memory_space<vmem>> -> memref<1x64x128xf32, #tpu.memory_space<vmem>>
    %gather3A_2601 = tpu.memref_squeeze %gather3A_2600 : memref<1x64x128xf32, #tpu.memory_space<vmem>> -> memref<64x128xf32, #tpu.memory_space<vmem>>
    %gather3A_2602 = tpu.vector_load_idx %gather3A_2601[%add3A_2596, %broadcast_in_dim3A_2567] : memref<64x128xf32, #tpu.memory_space<vmem>>[vector<16xi32>, vector<16xi32>], vector<16xf32>,
    %swap3A_2603 = arith.constant 24 : i32
    %swap3A_2604 = arith.index_cast %swap3A_2603 : i32 to index
    %swap3A_2605 = arith.constant 32 : index
    %swap3A_2606 = tpu.vector_load %arg9[%swap3A_2604, %swap3A_2605] {strides = array<i32>} : memref<32x64xf32, #tpu.memory_space<vmem>>, vector<16xf32>,
    tpu.vector_store %arg9[%swap3A_2604, %swap3A_2605], %gather3A_2602 {strides = array<i32>} : memref<32x64xf32, #tpu.memory_space<vmem>>, vector<16xf32>,
    %add3A_2607 = arith.constant 48 : i32
    %add3A_2608 = vector.broadcast %add3A_2607 : i32 to vector<16xi32>
    %add3A_2609 = arith.addi %iota3A, %add3A_2608 : vector<16xi32>
    %gather3A_2610 = arith.constant 0 : i32
    %gather3A_2611 = arith.constant 0 : i32
    %gather3A_2612 = arith.constant 0 : i32
    %gather3A_2613 = tpu.memref_slice %arg7[%gather3A_2610, %gather3A_2611, %gather3A_2612] : memref<8x64x128xf32, #tpu.memory_space<vmem>> -> memref<1x64x128xf32, #tpu.memory_space<vmem>>
    %gather3A_2614 = tpu.memref_squeeze %gather3A_2613 : memref<1x64x128xf32, #tpu.memory_space<vmem>> -> memref<64x128xf32, #tpu.memory_space<vmem>>
    %gather3A_2615 = tpu.vector_load_idx %gather3A_2614[%add3A_2609, %broadcast_in_dim3A_2567] : memref<64x128xf32, #tpu.memory_space<vmem>>[vector<16xi32>, vector<16xi32>], vector<16xf32>,
    %swap3A_2616 = arith.constant 24 : i32
    %swap3A_2617 = arith.index_cast %swap3A_2616 : i32 to index
    %swap3A_2618 = arith.constant 48 : index
    %swap3A_2619 = tpu.vector_load %arg9[%swap3A_2617, %swap3A_2618] {strides = array<i32>} : memref<32x64xf32, #tpu.memory_space<vmem>>, vector<16xf32>,
    tpu.vector_store %arg9[%swap3A_2617, %swap3A_2618], %gather3A_2615 {strides = array<i32>} : memref<32x64xf32, #tpu.memory_space<vmem>>, vector<16xf32>,
    %convert_element_type3A_2620 = arith.extui %ge3A_241 : i1 to i32
    %cond3A_2621 = arith.constant 0 : i32
    %cond3A_2622 = arith.cmpi ne, %convert_element_type3A_2620, %cond3A_2621 : i32
    scf.if %cond3A_2622 {
      %add3A_3135 = arith.constant 0 : i32
      %add3A_3136 = vector.broadcast %add3A_3135 : i32 to vector<16xi32>
      %add3A_3137 = arith.addi %iota3A, %add3A_3136 : vector<16xi32>
      %gather3A_3138 = tpu.vector_load_idx %arg8[%add3A_3137, %broadcast_in_dim3A_2567] : memref<64x64xf32, #tpu.memory_space<vmem>>[vector<16xi32>, vector<16xi32>], vector<16xf32>,
      %swap3A_3139 = arith.constant 24 : i32
      %swap3A_3140 = arith.index_cast %swap3A_3139 : i32 to index
      %swap3A_3141 = arith.constant 0 : index
      %swap3A_3142 = tpu.vector_load %arg9[%swap3A_3140, %swap3A_3141] {strides = array<i32>} : memref<32x64xf32, #tpu.memory_space<vmem>>, vector<16xf32>,
      tpu.vector_store %arg9[%swap3A_3140, %swap3A_3141], %gather3A_3138 {strides = array<i32>} : memref<32x64xf32, #tpu.memory_space<vmem>>, vector<16xf32>,
      %add3A_3143 = arith.constant 16 : i32
      %add3A_3144 = vector.broadcast %add3A_3143 : i32 to vector<16xi32>
      %add3A_3145 = arith.addi %iota3A, %add3A_3144 : vector<16xi32>
      %gather3A_3146 = tpu.vector_load_idx %arg8[%add3A_3145, %broadcast_in_dim3A_2567] : memref<64x64xf32, #tpu.memory_space<vmem>>[vector<16xi32>, vector<16xi32>], vector<16xf32>,
      %swap3A_3147 = arith.constant 24 : i32
      %swap3A_3148 = arith.index_cast %swap3A_3147 : i32 to index
      %swap3A_3149 = arith.constant 16 : index
      %swap3A_3150 = tpu.vector_load %arg9[%swap3A_3148, %swap3A_3149] {strides = array<i32>} : memref<32x64xf32, #tpu.memory_space<vmem>>, vector<16xf32>,
      tpu.vector_store %arg9[%swap3A_3148, %swap3A_3149], %gather3A_3146 {strides = array<i32>} : memref<32x64xf32, #tpu.memory_space<vmem>>, vector<16xf32>,
      %add3A_3151 = arith.constant 32 : i32
      %add3A_3152 = vector.broadcast %add3A_3151 : i32 to vector<16xi32>
      %add3A_3153 = arith.addi %iota3A, %add3A_3152 : vector<16xi32>
      %gather3A_3154 = tpu.vector_load_idx %arg8[%add3A_3153, %broadcast_in_dim3A_2567] : memref<64x64xf32, #tpu.memory_space<vmem>>[vector<16xi32>, vector<16xi32>], vector<16xf32>,
      %swap3A_3155 = arith.constant 24 : i32
      %swap3A_3156 = arith.index_cast %swap3A_3155 : i32 to index
      %swap3A_3157 = arith.constant 32 : index
      %swap3A_3158 = tpu.vector_load %arg9[%swap3A_3156, %swap3A_3157] {strides = array<i32>} : memref<32x64xf32, #tpu.memory_space<vmem>>, vector<16xf32>,
      tpu.vector_store %arg9[%swap3A_3156, %swap3A_3157], %gather3A_3154 {strides = array<i32>} : memref<32x64xf32, #tpu.memory_space<vmem>>, vector<16xf32>,
      %add3A_3159 = arith.constant 48 : i32
      %add3A_3160 = vector.broadcast %add3A_3159 : i32 to vector<16xi32>
      %add3A_3161 = arith.addi %iota3A, %add3A_3160 : vector<16xi32>
      %gather3A_3162 = tpu.vector_load_idx %arg8[%add3A_3161, %broadcast_in_dim3A_2567] : memref<64x64xf32, #tpu.memory_space<vmem>>[vector<16xi32>, vector<16xi32>], vector<16xf32>,
      %swap3A_3163 = arith.constant 24 : i32
      %swap3A_3164 = arith.index_cast %swap3A_3163 : i32 to index
      %swap3A_3165 = arith.constant 48 : index
      %swap3A_3166 = tpu.vector_load %arg9[%swap3A_3164, %swap3A_3165] {strides = array<i32>} : memref<32x64xf32, #tpu.memory_space<vmem>>, vector<16xf32>,
      tpu.vector_store %arg9[%swap3A_3164, %swap3A_3165], %gather3A_3162 {strides = array<i32>} : memref<32x64xf32, #tpu.memory_space<vmem>>, vector<16xf32>,
    } else {
    }
    %dma_wait3A_2623 = arith.constant 1 : i32
    %dma_wait3A_2624 = arith.constant 1 : i32
    %dma_wait3A_2625 = arith.constant 0 : i32
    %dma_wait3A_2626 = arith.constant 0 : i32
    %dma_wait3A_2627 = tpu.memref_slice %arg7[%dma_wait3A_2623, %dma_wait3A_2625, %dma_wait3A_2626] : memref<8x64x128xf32, #tpu.memory_space<vmem>> -> memref<1x64x128xf32, #tpu.memory_space<vmem>>
    %dma_wait3A_2628 = tpu.memref_squeeze %dma_wait3A_2627 : memref<1x64x128xf32, #tpu.memory_space<vmem>> -> memref<64x128xf32, #tpu.memory_space<vmem>>
    %dma_wait3A_2629 = arith.constant 0 : i32
    %dma_wait3A_2630 = tpu.memref_slice %arg2[%dma_wait3A_2629, %multiple_of3A_257] : memref<64x1000000xf32, #tpu.memory_space<hbm>> -> memref<64x128xf32, #tpu.memory_space<hbm>>
    %dma_wait3A_2631 = tpu.memref_slice %arg10[%dma_wait3A_2624] : memref<8x!tpu.dma_semaphore, #tpu.memory_space<semaphore_mem>> -> memref<1x!tpu.dma_semaphore, #tpu.memory_space<semaphore_mem>>
    %dma_wait3A_2632 = tpu.memref_squeeze %dma_wait3A_2631 : memref<1x!tpu.dma_semaphore, #tpu.memory_space<semaphore_mem>> -> memref<!tpu.dma_semaphore, #tpu.memory_space<semaphore_mem>>
    %dma_wait3A_2633 = arith.constant 0 : i32
    %dma_wait3A_2634 = arith.constant 0 : i32
    %dma_wait3A_2635 = tpu.memref_slice %arg7[%dma_wait3A_2623, %dma_wait3A_2633, %dma_wait3A_2634] : memref<8x64x128xf32, #tpu.memory_space<vmem>> -> memref<1x64x128xf32, #tpu.memory_space<vmem>>
    %dma_wait3A_2636 = tpu.memref_squeeze %dma_wait3A_2635 : memref<1x64x128xf32, #tpu.memory_space<vmem>> -> memref<64x128xf32, #tpu.memory_space<vmem>>
    %dma_wait3A_2637 = arith.constant 0 : i32
    %dma_wait3A_2638 = tpu.memref_slice %arg2[%dma_wait3A_2637, %multiple_of3A_257] : memref<64x1000000xf32, #tpu.memory_space<hbm>> -> memref<64x128xf32, #tpu.memory_space<hbm>>
    tpu.wait_dma2 semaphore(%dma_wait3A_2632 : memref<!tpu.dma_semaphore, #tpu.memory_space<semaphore_mem>>) src(%dma_wait3A_2638 : memref<64x128xf32, #tpu.memory_space<hbm>>) dst(%dma_wait3A_2636 : memref<64x128xf32, #tpu.memory_space<vmem>>)
    %broadcast_in_dim3A_2639 = vector.broadcast %rem3A_253 : i32 to vector<16xi32>
    %add3A_2640 = arith.constant 0 : i32
    %add3A_2641 = vector.broadcast %add3A_2640 : i32 to vector<16xi32>
    %add3A_2642 = arith.addi %iota3A, %add3A_2641 : vector<16xi32>
    %gather3A_2643 = arith.constant 1 : i32
    %gather3A_2644 = arith.constant 0 : i32
    %gather3A_2645 = arith.constant 0 : i32
    %gather3A_2646 = tpu.memref_slice %arg7[%gather3A_2643, %gather3A_2644, %gather3A_2645] : memref<8x64x128xf32, #tpu.memory_space<vmem>> -> memref<1x64x128xf32, #tpu.memory_space<vmem>>
    %gather3A_2647 = tpu.memref_squeeze %gather3A_2646 : memref<1x64x128xf32, #tpu.memory_space<vmem>> -> memref<64x128xf32, #tpu.memory_space<vmem>>
    %gather3A_2648 = tpu.vector_load_idx %gather3A_2647[%add3A_2642, %broadcast_in_dim3A_2639] : memref<64x128xf32, #tpu.memory_space<vmem>>[vector<16xi32>, vector<16xi32>], vector<16xf32>,
    %swap3A_2649 = arith.constant 25 : i32
    %swap3A_2650 = arith.index_cast %swap3A_2649 : i32 to index
    %swap3A_2651 = arith.constant 0 : index
    %swap3A_2652 = tpu.vector_load %arg9[%swap3A_2650, %swap3A_2651] {strides = array<i32>} : memref<32x64xf32, #tpu.memory_space<vmem>>, vector<16xf32>,
    tpu.vector_store %arg9[%swap3A_2650, %swap3A_2651], %gather3A_2648 {strides = array<i32>} : memref<32x64xf32, #tpu.memory_space<vmem>>, vector<16xf32>,
    %add3A_2653 = arith.constant 16 : i32
    %add3A_2654 = vector.broadcast %add3A_2653 : i32 to vector<16xi32>
    %add3A_2655 = arith.addi %iota3A, %add3A_2654 : vector<16xi32>
    %gather3A_2656 = arith.constant 1 : i32
    %gather3A_2657 = arith.constant 0 : i32
    %gather3A_2658 = arith.constant 0 : i32
    %gather3A_2659 = tpu.memref_slice %arg7[%gather3A_2656, %gather3A_2657, %gather3A_2658] : memref<8x64x128xf32, #tpu.memory_space<vmem>> -> memref<1x64x128xf32, #tpu.memory_space<vmem>>
    %gather3A_2660 = tpu.memref_squeeze %gather3A_2659 : memref<1x64x128xf32, #tpu.memory_space<vmem>> -> memref<64x128xf32, #tpu.memory_space<vmem>>
    %gather3A_2661 = tpu.vector_load_idx %gather3A_2660[%add3A_2655, %broadcast_in_dim3A_2639] : memref<64x128xf32, #tpu.memory_space<vmem>>[vector<16xi32>, vector<16xi32>], vector<16xf32>,
    %swap3A_2662 = arith.constant 25 : i32
    %swap3A_2663 = arith.index_cast %swap3A_2662 : i32 to index
    %swap3A_2664 = arith.constant 16 : index
    %swap3A_2665 = tpu.vector_load %arg9[%swap3A_2663, %swap3A_2664] {strides = array<i32>} : memref<32x64xf32, #tpu.memory_space<vmem>>, vector<16xf32>,
    tpu.vector_store %arg9[%swap3A_2663, %swap3A_2664], %gather3A_2661 {strides = array<i32>} : memref<32x64xf32, #tpu.memory_space<vmem>>, vector<16xf32>,
    %add3A_2666 = arith.constant 32 : i32
    %add3A_2667 = vector.broadcast %add3A_2666 : i32 to vector<16xi32>
    %add3A_2668 = arith.addi %iota3A, %add3A_2667 : vector<16xi32>
    %gather3A_2669 = arith.constant 1 : i32
    %gather3A_2670 = arith.constant 0 : i32
    %gather3A_2671 = arith.constant 0 : i32
    %gather3A_2672 = tpu.memref_slice %arg7[%gather3A_2669, %gather3A_2670, %gather3A_2671] : memref<8x64x128xf32, #tpu.memory_space<vmem>> -> memref<1x64x128xf32, #tpu.memory_space<vmem>>
    %gather3A_2673 = tpu.memref_squeeze %gather3A_2672 : memref<1x64x128xf32, #tpu.memory_space<vmem>> -> memref<64x128xf32, #tpu.memory_space<vmem>>
    %gather3A_2674 = tpu.vector_load_idx %gather3A_2673[%add3A_2668, %broadcast_in_dim3A_2639] : memref<64x128xf32, #tpu.memory_space<vmem>>[vector<16xi32>, vector<16xi32>], vector<16xf32>,
    %swap3A_2675 = arith.constant 25 : i32
    %swap3A_2676 = arith.index_cast %swap3A_2675 : i32 to index
    %swap3A_2677 = arith.constant 32 : index
    %swap3A_2678 = tpu.vector_load %arg9[%swap3A_2676, %swap3A_2677] {strides = array<i32>} : memref<32x64xf32, #tpu.memory_space<vmem>>, vector<16xf32>,
    tpu.vector_store %arg9[%swap3A_2676, %swap3A_2677], %gather3A_2674 {strides = array<i32>} : memref<32x64xf32, #tpu.memory_space<vmem>>, vector<16xf32>,
    %add3A_2679 = arith.constant 48 : i32
    %add3A_2680 = vector.broadcast %add3A_2679 : i32 to vector<16xi32>
    %add3A_2681 = arith.addi %iota3A, %add3A_2680 : vector<16xi32>
    %gather3A_2682 = arith.constant 1 : i32
    %gather3A_2683 = arith.constant 0 : i32
    %gather3A_2684 = arith.constant 0 : i32
    %gather3A_2685 = tpu.memref_slice %arg7[%gather3A_2682, %gather3A_2683, %gather3A_2684] : memref<8x64x128xf32, #tpu.memory_space<vmem>> -> memref<1x64x128xf32, #tpu.memory_space<vmem>>
    %gather3A_2686 = tpu.memref_squeeze %gather3A_2685 : memref<1x64x128xf32, #tpu.memory_space<vmem>> -> memref<64x128xf32, #tpu.memory_space<vmem>>
    %gather3A_2687 = tpu.vector_load_idx %gather3A_2686[%add3A_2681, %broadcast_in_dim3A_2639] : memref<64x128xf32, #tpu.memory_space<vmem>>[vector<16xi32>, vector<16xi32>], vector<16xf32>,
    %swap3A_2688 = arith.constant 25 : i32
    %swap3A_2689 = arith.index_cast %swap3A_2688 : i32 to index
    %swap3A_2690 = arith.constant 48 : index
    %swap3A_2691 = tpu.vector_load %arg9[%swap3A_2689, %swap3A_2690] {strides = array<i32>} : memref<32x64xf32, #tpu.memory_space<vmem>>, vector<16xf32>,
    tpu.vector_store %arg9[%swap3A_2689, %swap3A_2690], %gather3A_2687 {strides = array<i32>} : memref<32x64xf32, #tpu.memory_space<vmem>>, vector<16xf32>,
    %convert_element_type3A_2692 = arith.extui %ge3A_251 : i1 to i32
    %cond3A_2693 = arith.constant 0 : i32
    %cond3A_2694 = arith.cmpi ne, %convert_element_type3A_2692, %cond3A_2693 : i32
    scf.if %cond3A_2694 {
      %add3A_3135 = arith.constant 0 : i32
      %add3A_3136 = vector.broadcast %add3A_3135 : i32 to vector<16xi32>
      %add3A_3137 = arith.addi %iota3A, %add3A_3136 : vector<16xi32>
      %gather3A_3138 = tpu.vector_load_idx %arg8[%add3A_3137, %broadcast_in_dim3A_2639] : memref<64x64xf32, #tpu.memory_space<vmem>>[vector<16xi32>, vector<16xi32>], vector<16xf32>,
      %swap3A_3139 = arith.constant 25 : i32
      %swap3A_3140 = arith.index_cast %swap3A_3139 : i32 to index
      %swap3A_3141 = arith.constant 0 : index
      %swap3A_3142 = tpu.vector_load %arg9[%swap3A_3140, %swap3A_3141] {strides = array<i32>} : memref<32x64xf32, #tpu.memory_space<vmem>>, vector<16xf32>,
      tpu.vector_store %arg9[%swap3A_3140, %swap3A_3141], %gather3A_3138 {strides = array<i32>} : memref<32x64xf32, #tpu.memory_space<vmem>>, vector<16xf32>,
      %add3A_3143 = arith.constant 16 : i32
      %add3A_3144 = vector.broadcast %add3A_3143 : i32 to vector<16xi32>
      %add3A_3145 = arith.addi %iota3A, %add3A_3144 : vector<16xi32>
      %gather3A_3146 = tpu.vector_load_idx %arg8[%add3A_3145, %broadcast_in_dim3A_2639] : memref<64x64xf32, #tpu.memory_space<vmem>>[vector<16xi32>, vector<16xi32>], vector<16xf32>,
      %swap3A_3147 = arith.constant 25 : i32
      %swap3A_3148 = arith.index_cast %swap3A_3147 : i32 to index
      %swap3A_3149 = arith.constant 16 : index
      %swap3A_3150 = tpu.vector_load %arg9[%swap3A_3148, %swap3A_3149] {strides = array<i32>} : memref<32x64xf32, #tpu.memory_space<vmem>>, vector<16xf32>,
      tpu.vector_store %arg9[%swap3A_3148, %swap3A_3149], %gather3A_3146 {strides = array<i32>} : memref<32x64xf32, #tpu.memory_space<vmem>>, vector<16xf32>,
      %add3A_3151 = arith.constant 32 : i32
      %add3A_3152 = vector.broadcast %add3A_3151 : i32 to vector<16xi32>
      %add3A_3153 = arith.addi %iota3A, %add3A_3152 : vector<16xi32>
      %gather3A_3154 = tpu.vector_load_idx %arg8[%add3A_3153, %broadcast_in_dim3A_2639] : memref<64x64xf32, #tpu.memory_space<vmem>>[vector<16xi32>, vector<16xi32>], vector<16xf32>,
      %swap3A_3155 = arith.constant 25 : i32
      %swap3A_3156 = arith.index_cast %swap3A_3155 : i32 to index
      %swap3A_3157 = arith.constant 32 : index
      %swap3A_3158 = tpu.vector_load %arg9[%swap3A_3156, %swap3A_3157] {strides = array<i32>} : memref<32x64xf32, #tpu.memory_space<vmem>>, vector<16xf32>,
      tpu.vector_store %arg9[%swap3A_3156, %swap3A_3157], %gather3A_3154 {strides = array<i32>} : memref<32x64xf32, #tpu.memory_space<vmem>>, vector<16xf32>,
      %add3A_3159 = arith.constant 48 : i32
      %add3A_3160 = vector.broadcast %add3A_3159 : i32 to vector<16xi32>
      %add3A_3161 = arith.addi %iota3A, %add3A_3160 : vector<16xi32>
      %gather3A_3162 = tpu.vector_load_idx %arg8[%add3A_3161, %broadcast_in_dim3A_2639] : memref<64x64xf32, #tpu.memory_space<vmem>>[vector<16xi32>, vector<16xi32>], vector<16xf32>,
      %swap3A_3163 = arith.constant 25 : i32
      %swap3A_3164 = arith.index_cast %swap3A_3163 : i32 to index
      %swap3A_3165 = arith.constant 48 : index
      %swap3A_3166 = tpu.vector_load %arg9[%swap3A_3164, %swap3A_3165] {strides = array<i32>} : memref<32x64xf32, #tpu.memory_space<vmem>>, vector<16xf32>,
      tpu.vector_store %arg9[%swap3A_3164, %swap3A_3165], %gather3A_3162 {strides = array<i32>} : memref<32x64xf32, #tpu.memory_space<vmem>>, vector<16xf32>,
    } else {
    }
    %dma_wait3A_2695 = arith.constant 2 : i32
    %dma_wait3A_2696 = arith.constant 2 : i32
    %dma_wait3A_2697 = arith.constant 0 : i32
    %dma_wait3A_2698 = arith.constant 0 : i32
    %dma_wait3A_2699 = tpu.memref_slice %arg7[%dma_wait3A_2695, %dma_wait3A_2697, %dma_wait3A_2698] : memref<8x64x128xf32, #tpu.memory_space<vmem>> -> memref<1x64x128xf32, #tpu.memory_space<vmem>>
    %dma_wait3A_2700 = tpu.memref_squeeze %dma_wait3A_2699 : memref<1x64x128xf32, #tpu.memory_space<vmem>> -> memref<64x128xf32, #tpu.memory_space<vmem>>
    %dma_wait3A_2701 = arith.constant 0 : i32
    %dma_wait3A_2702 = tpu.memref_slice %arg2[%dma_wait3A_2701, %multiple_of3A_267] : memref<64x1000000xf32, #tpu.memory_space<hbm>> -> memref<64x128xf32, #tpu.memory_space<hbm>>
    %dma_wait3A_2703 = tpu.memref_slice %arg10[%dma_wait3A_2696] : memref<8x!tpu.dma_semaphore, #tpu.memory_space<semaphore_mem>> -> memref<1x!tpu.dma_semaphore, #tpu.memory_space<semaphore_mem>>
    %dma_wait3A_2704 = tpu.memref_squeeze %dma_wait3A_2703 : memref<1x!tpu.dma_semaphore, #tpu.memory_space<semaphore_mem>> -> memref<!tpu.dma_semaphore, #tpu.memory_space<semaphore_mem>>
    %dma_wait3A_2705 = arith.constant 0 : i32
    %dma_wait3A_2706 = arith.constant 0 : i32
    %dma_wait3A_2707 = tpu.memref_slice %arg7[%dma_wait3A_2695, %dma_wait3A_2705, %dma_wait3A_2706] : memref<8x64x128xf32, #tpu.memory_space<vmem>> -> memref<1x64x128xf32, #tpu.memory_space<vmem>>
    %dma_wait3A_2708 = tpu.memref_squeeze %dma_wait3A_2707 : memref<1x64x128xf32, #tpu.memory_space<vmem>> -> memref<64x128xf32, #tpu.memory_space<vmem>>
    %dma_wait3A_2709 = arith.constant 0 : i32
    %dma_wait3A_2710 = tpu.memref_slice %arg2[%dma_wait3A_2709, %multiple_of3A_267] : memref<64x1000000xf32, #tpu.memory_space<hbm>> -> memref<64x128xf32, #tpu.memory_space<hbm>>
    tpu.wait_dma2 semaphore(%dma_wait3A_2704 : memref<!tpu.dma_semaphore, #tpu.memory_space<semaphore_mem>>) src(%dma_wait3A_2710 : memref<64x128xf32, #tpu.memory_space<hbm>>) dst(%dma_wait3A_2708 : memref<64x128xf32, #tpu.memory_space<vmem>>)
    %broadcast_in_dim3A_2711 = vector.broadcast %rem3A_263 : i32 to vector<16xi32>
    %add3A_2712 = arith.constant 0 : i32
    %add3A_2713 = vector.broadcast %add3A_2712 : i32 to vector<16xi32>
    %add3A_2714 = arith.addi %iota3A, %add3A_2713 : vector<16xi32>
    %gather3A_2715 = arith.constant 2 : i32
    %gather3A_2716 = arith.constant 0 : i32
    %gather3A_2717 = arith.constant 0 : i32
    %gather3A_2718 = tpu.memref_slice %arg7[%gather3A_2715, %gather3A_2716, %gather3A_2717] : memref<8x64x128xf32, #tpu.memory_space<vmem>> -> memref<1x64x128xf32, #tpu.memory_space<vmem>>
    %gather3A_2719 = tpu.memref_squeeze %gather3A_2718 : memref<1x64x128xf32, #tpu.memory_space<vmem>> -> memref<64x128xf32, #tpu.memory_space<vmem>>
    %gather3A_2720 = tpu.vector_load_idx %gather3A_2719[%add3A_2714, %broadcast_in_dim3A_2711] : memref<64x128xf32, #tpu.memory_space<vmem>>[vector<16xi32>, vector<16xi32>], vector<16xf32>,
    %swap3A_2721 = arith.constant 26 : i32
    %swap3A_2722 = arith.index_cast %swap3A_2721 : i32 to index
    %swap3A_2723 = arith.constant 0 : index
    %swap3A_2724 = tpu.vector_load %arg9[%swap3A_2722, %swap3A_2723] {strides = array<i32>} : memref<32x64xf32, #tpu.memory_space<vmem>>, vector<16xf32>,
    tpu.vector_store %arg9[%swap3A_2722, %swap3A_2723], %gather3A_2720 {strides = array<i32>} : memref<32x64xf32, #tpu.memory_space<vmem>>, vector<16xf32>,
    %add3A_2725 = arith.constant 16 : i32
    %add3A_2726 = vector.broadcast %add3A_2725 : i32 to vector<16xi32>
    %add3A_2727 = arith.addi %iota3A, %add3A_2726 : vector<16xi32>
    %gather3A_2728 = arith.constant 2 : i32
    %gather3A_2729 = arith.constant 0 : i32
    %gather3A_2730 = arith.constant 0 : i32
    %gather3A_2731 = tpu.memref_slice %arg7[%gather3A_2728, %gather3A_2729, %gather3A_2730] : memref<8x64x128xf32, #tpu.memory_space<vmem>> -> memref<1x64x128xf32, #tpu.memory_space<vmem>>
    %gather3A_2732 = tpu.memref_squeeze %gather3A_2731 : memref<1x64x128xf32, #tpu.memory_space<vmem>> -> memref<64x128xf32, #tpu.memory_space<vmem>>
    %gather3A_2733 = tpu.vector_load_idx %gather3A_2732[%add3A_2727, %broadcast_in_dim3A_2711] : memref<64x128xf32, #tpu.memory_space<vmem>>[vector<16xi32>, vector<16xi32>], vector<16xf32>,
    %swap3A_2734 = arith.constant 26 : i32
    %swap3A_2735 = arith.index_cast %swap3A_2734 : i32 to index
    %swap3A_2736 = arith.constant 16 : index
    %swap3A_2737 = tpu.vector_load %arg9[%swap3A_2735, %swap3A_2736] {strides = array<i32>} : memref<32x64xf32, #tpu.memory_space<vmem>>, vector<16xf32>,
    tpu.vector_store %arg9[%swap3A_2735, %swap3A_2736], %gather3A_2733 {strides = array<i32>} : memref<32x64xf32, #tpu.memory_space<vmem>>, vector<16xf32>,
    %add3A_2738 = arith.constant 32 : i32
    %add3A_2739 = vector.broadcast %add3A_2738 : i32 to vector<16xi32>
    %add3A_2740 = arith.addi %iota3A, %add3A_2739 : vector<16xi32>
    %gather3A_2741 = arith.constant 2 : i32
    %gather3A_2742 = arith.constant 0 : i32
    %gather3A_2743 = arith.constant 0 : i32
    %gather3A_2744 = tpu.memref_slice %arg7[%gather3A_2741, %gather3A_2742, %gather3A_2743] : memref<8x64x128xf32, #tpu.memory_space<vmem>> -> memref<1x64x128xf32, #tpu.memory_space<vmem>>
    %gather3A_2745 = tpu.memref_squeeze %gather3A_2744 : memref<1x64x128xf32, #tpu.memory_space<vmem>> -> memref<64x128xf32, #tpu.memory_space<vmem>>
    %gather3A_2746 = tpu.vector_load_idx %gather3A_2745[%add3A_2740, %broadcast_in_dim3A_2711] : memref<64x128xf32, #tpu.memory_space<vmem>>[vector<16xi32>, vector<16xi32>], vector<16xf32>,
    %swap3A_2747 = arith.constant 26 : i32
    %swap3A_2748 = arith.index_cast %swap3A_2747 : i32 to index
    %swap3A_2749 = arith.constant 32 : index
    %swap3A_2750 = tpu.vector_load %arg9[%swap3A_2748, %swap3A_2749] {strides = array<i32>} : memref<32x64xf32, #tpu.memory_space<vmem>>, vector<16xf32>,
    tpu.vector_store %arg9[%swap3A_2748, %swap3A_2749], %gather3A_2746 {strides = array<i32>} : memref<32x64xf32, #tpu.memory_space<vmem>>, vector<16xf32>,
    %add3A_2751 = arith.constant 48 : i32
    %add3A_2752 = vector.broadcast %add3A_2751 : i32 to vector<16xi32>
    %add3A_2753 = arith.addi %iota3A, %add3A_2752 : vector<16xi32>
    %gather3A_2754 = arith.constant 2 : i32
    %gather3A_2755 = arith.constant 0 : i32
    %gather3A_2756 = arith.constant 0 : i32
    %gather3A_2757 = tpu.memref_slice %arg7[%gather3A_2754, %gather3A_2755, %gather3A_2756] : memref<8x64x128xf32, #tpu.memory_space<vmem>> -> memref<1x64x128xf32, #tpu.memory_space<vmem>>
    %gather3A_2758 = tpu.memref_squeeze %gather3A_2757 : memref<1x64x128xf32, #tpu.memory_space<vmem>> -> memref<64x128xf32, #tpu.memory_space<vmem>>
    %gather3A_2759 = tpu.vector_load_idx %gather3A_2758[%add3A_2753, %broadcast_in_dim3A_2711] : memref<64x128xf32, #tpu.memory_space<vmem>>[vector<16xi32>, vector<16xi32>], vector<16xf32>,
    %swap3A_2760 = arith.constant 26 : i32
    %swap3A_2761 = arith.index_cast %swap3A_2760 : i32 to index
    %swap3A_2762 = arith.constant 48 : index
    %swap3A_2763 = tpu.vector_load %arg9[%swap3A_2761, %swap3A_2762] {strides = array<i32>} : memref<32x64xf32, #tpu.memory_space<vmem>>, vector<16xf32>,
    tpu.vector_store %arg9[%swap3A_2761, %swap3A_2762], %gather3A_2759 {strides = array<i32>} : memref<32x64xf32, #tpu.memory_space<vmem>>, vector<16xf32>,
    %convert_element_type3A_2764 = arith.extui %ge3A_261 : i1 to i32
    %cond3A_2765 = arith.constant 0 : i32
    %cond3A_2766 = arith.cmpi ne, %convert_element_type3A_2764, %cond3A_2765 : i32
    scf.if %cond3A_2766 {
      %add3A_3135 = arith.constant 0 : i32
      %add3A_3136 = vector.broadcast %add3A_3135 : i32 to vector<16xi32>
      %add3A_3137 = arith.addi %iota3A, %add3A_3136 : vector<16xi32>
      %gather3A_3138 = tpu.vector_load_idx %arg8[%add3A_3137, %broadcast_in_dim3A_2711] : memref<64x64xf32, #tpu.memory_space<vmem>>[vector<16xi32>, vector<16xi32>], vector<16xf32>,
      %swap3A_3139 = arith.constant 26 : i32
      %swap3A_3140 = arith.index_cast %swap3A_3139 : i32 to index
      %swap3A_3141 = arith.constant 0 : index
      %swap3A_3142 = tpu.vector_load %arg9[%swap3A_3140, %swap3A_3141] {strides = array<i32>} : memref<32x64xf32, #tpu.memory_space<vmem>>, vector<16xf32>,
      tpu.vector_store %arg9[%swap3A_3140, %swap3A_3141], %gather3A_3138 {strides = array<i32>} : memref<32x64xf32, #tpu.memory_space<vmem>>, vector<16xf32>,
      %add3A_3143 = arith.constant 16 : i32
      %add3A_3144 = vector.broadcast %add3A_3143 : i32 to vector<16xi32>
      %add3A_3145 = arith.addi %iota3A, %add3A_3144 : vector<16xi32>
      %gather3A_3146 = tpu.vector_load_idx %arg8[%add3A_3145, %broadcast_in_dim3A_2711] : memref<64x64xf32, #tpu.memory_space<vmem>>[vector<16xi32>, vector<16xi32>], vector<16xf32>,
      %swap3A_3147 = arith.constant 26 : i32
      %swap3A_3148 = arith.index_cast %swap3A_3147 : i32 to index
      %swap3A_3149 = arith.constant 16 : index
      %swap3A_3150 = tpu.vector_load %arg9[%swap3A_3148, %swap3A_3149] {strides = array<i32>} : memref<32x64xf32, #tpu.memory_space<vmem>>, vector<16xf32>,
      tpu.vector_store %arg9[%swap3A_3148, %swap3A_3149], %gather3A_3146 {strides = array<i32>} : memref<32x64xf32, #tpu.memory_space<vmem>>, vector<16xf32>,
      %add3A_3151 = arith.constant 32 : i32
      %add3A_3152 = vector.broadcast %add3A_3151 : i32 to vector<16xi32>
      %add3A_3153 = arith.addi %iota3A, %add3A_3152 : vector<16xi32>
      %gather3A_3154 = tpu.vector_load_idx %arg8[%add3A_3153, %broadcast_in_dim3A_2711] : memref<64x64xf32, #tpu.memory_space<vmem>>[vector<16xi32>, vector<16xi32>], vector<16xf32>,
      %swap3A_3155 = arith.constant 26 : i32
      %swap3A_3156 = arith.index_cast %swap3A_3155 : i32 to index
      %swap3A_3157 = arith.constant 32 : index
      %swap3A_3158 = tpu.vector_load %arg9[%swap3A_3156, %swap3A_3157] {strides = array<i32>} : memref<32x64xf32, #tpu.memory_space<vmem>>, vector<16xf32>,
      tpu.vector_store %arg9[%swap3A_3156, %swap3A_3157], %gather3A_3154 {strides = array<i32>} : memref<32x64xf32, #tpu.memory_space<vmem>>, vector<16xf32>,
      %add3A_3159 = arith.constant 48 : i32
      %add3A_3160 = vector.broadcast %add3A_3159 : i32 to vector<16xi32>
      %add3A_3161 = arith.addi %iota3A, %add3A_3160 : vector<16xi32>
      %gather3A_3162 = tpu.vector_load_idx %arg8[%add3A_3161, %broadcast_in_dim3A_2711] : memref<64x64xf32, #tpu.memory_space<vmem>>[vector<16xi32>, vector<16xi32>], vector<16xf32>,
      %swap3A_3163 = arith.constant 26 : i32
      %swap3A_3164 = arith.index_cast %swap3A_3163 : i32 to index
      %swap3A_3165 = arith.constant 48 : index
      %swap3A_3166 = tpu.vector_load %arg9[%swap3A_3164, %swap3A_3165] {strides = array<i32>} : memref<32x64xf32, #tpu.memory_space<vmem>>, vector<16xf32>,
      tpu.vector_store %arg9[%swap3A_3164, %swap3A_3165], %gather3A_3162 {strides = array<i32>} : memref<32x64xf32, #tpu.memory_space<vmem>>, vector<16xf32>,
    } else {
    }
    %dma_wait3A_2767 = arith.constant 3 : i32
    %dma_wait3A_2768 = arith.constant 3 : i32
    %dma_wait3A_2769 = arith.constant 0 : i32
    %dma_wait3A_2770 = arith.constant 0 : i32
    %dma_wait3A_2771 = tpu.memref_slice %arg7[%dma_wait3A_2767, %dma_wait3A_2769, %dma_wait3A_2770] : memref<8x64x128xf32, #tpu.memory_space<vmem>> -> memref<1x64x128xf32, #tpu.memory_space<vmem>>
    %dma_wait3A_2772 = tpu.memref_squeeze %dma_wait3A_2771 : memref<1x64x128xf32, #tpu.memory_space<vmem>> -> memref<64x128xf32, #tpu.memory_space<vmem>>
    %dma_wait3A_2773 = arith.constant 0 : i32
    %dma_wait3A_2774 = tpu.memref_slice %arg2[%dma_wait3A_2773, %multiple_of3A_277] : memref<64x1000000xf32, #tpu.memory_space<hbm>> -> memref<64x128xf32, #tpu.memory_space<hbm>>
    %dma_wait3A_2775 = tpu.memref_slice %arg10[%dma_wait3A_2768] : memref<8x!tpu.dma_semaphore, #tpu.memory_space<semaphore_mem>> -> memref<1x!tpu.dma_semaphore, #tpu.memory_space<semaphore_mem>>
    %dma_wait3A_2776 = tpu.memref_squeeze %dma_wait3A_2775 : memref<1x!tpu.dma_semaphore, #tpu.memory_space<semaphore_mem>> -> memref<!tpu.dma_semaphore, #tpu.memory_space<semaphore_mem>>
    %dma_wait3A_2777 = arith.constant 0 : i32
    %dma_wait3A_2778 = arith.constant 0 : i32
    %dma_wait3A_2779 = tpu.memref_slice %arg7[%dma_wait3A_2767, %dma_wait3A_2777, %dma_wait3A_2778] : memref<8x64x128xf32, #tpu.memory_space<vmem>> -> memref<1x64x128xf32, #tpu.memory_space<vmem>>
    %dma_wait3A_2780 = tpu.memref_squeeze %dma_wait3A_2779 : memref<1x64x128xf32, #tpu.memory_space<vmem>> -> memref<64x128xf32, #tpu.memory_space<vmem>>
    %dma_wait3A_2781 = arith.constant 0 : i32
    %dma_wait3A_2782 = tpu.memref_slice %arg2[%dma_wait3A_2781, %multiple_of3A_277] : memref<64x1000000xf32, #tpu.memory_space<hbm>> -> memref<64x128xf32, #tpu.memory_space<hbm>>
    tpu.wait_dma2 semaphore(%dma_wait3A_2776 : memref<!tpu.dma_semaphore, #tpu.memory_space<semaphore_mem>>) src(%dma_wait3A_2782 : memref<64x128xf32, #tpu.memory_space<hbm>>) dst(%dma_wait3A_2780 : memref<64x128xf32, #tpu.memory_space<vmem>>)
    %broadcast_in_dim3A_2783 = vector.broadcast %rem3A_273 : i32 to vector<16xi32>
    %add3A_2784 = arith.constant 0 : i32
    %add3A_2785 = vector.broadcast %add3A_2784 : i32 to vector<16xi32>
    %add3A_2786 = arith.addi %iota3A, %add3A_2785 : vector<16xi32>
    %gather3A_2787 = arith.constant 3 : i32
    %gather3A_2788 = arith.constant 0 : i32
    %gather3A_2789 = arith.constant 0 : i32
    %gather3A_2790 = tpu.memref_slice %arg7[%gather3A_2787, %gather3A_2788, %gather3A_2789] : memref<8x64x128xf32, #tpu.memory_space<vmem>> -> memref<1x64x128xf32, #tpu.memory_space<vmem>>
    %gather3A_2791 = tpu.memref_squeeze %gather3A_2790 : memref<1x64x128xf32, #tpu.memory_space<vmem>> -> memref<64x128xf32, #tpu.memory_space<vmem>>
    %gather3A_2792 = tpu.vector_load_idx %gather3A_2791[%add3A_2786, %broadcast_in_dim3A_2783] : memref<64x128xf32, #tpu.memory_space<vmem>>[vector<16xi32>, vector<16xi32>], vector<16xf32>,
    %swap3A_2793 = arith.constant 27 : i32
    %swap3A_2794 = arith.index_cast %swap3A_2793 : i32 to index
    %swap3A_2795 = arith.constant 0 : index
    %swap3A_2796 = tpu.vector_load %arg9[%swap3A_2794, %swap3A_2795] {strides = array<i32>} : memref<32x64xf32, #tpu.memory_space<vmem>>, vector<16xf32>,
    tpu.vector_store %arg9[%swap3A_2794, %swap3A_2795], %gather3A_2792 {strides = array<i32>} : memref<32x64xf32, #tpu.memory_space<vmem>>, vector<16xf32>,
    %add3A_2797 = arith.constant 16 : i32
    %add3A_2798 = vector.broadcast %add3A_2797 : i32 to vector<16xi32>
    %add3A_2799 = arith.addi %iota3A, %add3A_2798 : vector<16xi32>
    %gather3A_2800 = arith.constant 3 : i32
    %gather3A_2801 = arith.constant 0 : i32
    %gather3A_2802 = arith.constant 0 : i32
    %gather3A_2803 = tpu.memref_slice %arg7[%gather3A_2800, %gather3A_2801, %gather3A_2802] : memref<8x64x128xf32, #tpu.memory_space<vmem>> -> memref<1x64x128xf32, #tpu.memory_space<vmem>>
    %gather3A_2804 = tpu.memref_squeeze %gather3A_2803 : memref<1x64x128xf32, #tpu.memory_space<vmem>> -> memref<64x128xf32, #tpu.memory_space<vmem>>
    %gather3A_2805 = tpu.vector_load_idx %gather3A_2804[%add3A_2799, %broadcast_in_dim3A_2783] : memref<64x128xf32, #tpu.memory_space<vmem>>[vector<16xi32>, vector<16xi32>], vector<16xf32>,
    %swap3A_2806 = arith.constant 27 : i32
    %swap3A_2807 = arith.index_cast %swap3A_2806 : i32 to index
    %swap3A_2808 = arith.constant 16 : index
    %swap3A_2809 = tpu.vector_load %arg9[%swap3A_2807, %swap3A_2808] {strides = array<i32>} : memref<32x64xf32, #tpu.memory_space<vmem>>, vector<16xf32>,
    tpu.vector_store %arg9[%swap3A_2807, %swap3A_2808], %gather3A_2805 {strides = array<i32>} : memref<32x64xf32, #tpu.memory_space<vmem>>, vector<16xf32>,
    %add3A_2810 = arith.constant 32 : i32
    %add3A_2811 = vector.broadcast %add3A_2810 : i32 to vector<16xi32>
    %add3A_2812 = arith.addi %iota3A, %add3A_2811 : vector<16xi32>
    %gather3A_2813 = arith.constant 3 : i32
    %gather3A_2814 = arith.constant 0 : i32
    %gather3A_2815 = arith.constant 0 : i32
    %gather3A_2816 = tpu.memref_slice %arg7[%gather3A_2813, %gather3A_2814, %gather3A_2815] : memref<8x64x128xf32, #tpu.memory_space<vmem>> -> memref<1x64x128xf32, #tpu.memory_space<vmem>>
    %gather3A_2817 = tpu.memref_squeeze %gather3A_2816 : memref<1x64x128xf32, #tpu.memory_space<vmem>> -> memref<64x128xf32, #tpu.memory_space<vmem>>
    %gather3A_2818 = tpu.vector_load_idx %gather3A_2817[%add3A_2812, %broadcast_in_dim3A_2783] : memref<64x128xf32, #tpu.memory_space<vmem>>[vector<16xi32>, vector<16xi32>], vector<16xf32>,
    %swap3A_2819 = arith.constant 27 : i32
    %swap3A_2820 = arith.index_cast %swap3A_2819 : i32 to index
    %swap3A_2821 = arith.constant 32 : index
    %swap3A_2822 = tpu.vector_load %arg9[%swap3A_2820, %swap3A_2821] {strides = array<i32>} : memref<32x64xf32, #tpu.memory_space<vmem>>, vector<16xf32>,
    tpu.vector_store %arg9[%swap3A_2820, %swap3A_2821], %gather3A_2818 {strides = array<i32>} : memref<32x64xf32, #tpu.memory_space<vmem>>, vector<16xf32>,
    %add3A_2823 = arith.constant 48 : i32
    %add3A_2824 = vector.broadcast %add3A_2823 : i32 to vector<16xi32>
    %add3A_2825 = arith.addi %iota3A, %add3A_2824 : vector<16xi32>
    %gather3A_2826 = arith.constant 3 : i32
    %gather3A_2827 = arith.constant 0 : i32
    %gather3A_2828 = arith.constant 0 : i32
    %gather3A_2829 = tpu.memref_slice %arg7[%gather3A_2826, %gather3A_2827, %gather3A_2828] : memref<8x64x128xf32, #tpu.memory_space<vmem>> -> memref<1x64x128xf32, #tpu.memory_space<vmem>>
    %gather3A_2830 = tpu.memref_squeeze %gather3A_2829 : memref<1x64x128xf32, #tpu.memory_space<vmem>> -> memref<64x128xf32, #tpu.memory_space<vmem>>
    %gather3A_2831 = tpu.vector_load_idx %gather3A_2830[%add3A_2825, %broadcast_in_dim3A_2783] : memref<64x128xf32, #tpu.memory_space<vmem>>[vector<16xi32>, vector<16xi32>], vector<16xf32>,
    %swap3A_2832 = arith.constant 27 : i32
    %swap3A_2833 = arith.index_cast %swap3A_2832 : i32 to index
    %swap3A_2834 = arith.constant 48 : index
    %swap3A_2835 = tpu.vector_load %arg9[%swap3A_2833, %swap3A_2834] {strides = array<i32>} : memref<32x64xf32, #tpu.memory_space<vmem>>, vector<16xf32>,
    tpu.vector_store %arg9[%swap3A_2833, %swap3A_2834], %gather3A_2831 {strides = array<i32>} : memref<32x64xf32, #tpu.memory_space<vmem>>, vector<16xf32>,
    %convert_element_type3A_2836 = arith.extui %ge3A_271 : i1 to i32
    %cond3A_2837 = arith.constant 0 : i32
    %cond3A_2838 = arith.cmpi ne, %convert_element_type3A_2836, %cond3A_2837 : i32
    scf.if %cond3A_2838 {
      %add3A_3135 = arith.constant 0 : i32
      %add3A_3136 = vector.broadcast %add3A_3135 : i32 to vector<16xi32>
      %add3A_3137 = arith.addi %iota3A, %add3A_3136 : vector<16xi32>
      %gather3A_3138 = tpu.vector_load_idx %arg8[%add3A_3137, %broadcast_in_dim3A_2783] : memref<64x64xf32, #tpu.memory_space<vmem>>[vector<16xi32>, vector<16xi32>], vector<16xf32>,
      %swap3A_3139 = arith.constant 27 : i32
      %swap3A_3140 = arith.index_cast %swap3A_3139 : i32 to index
      %swap3A_3141 = arith.constant 0 : index
      %swap3A_3142 = tpu.vector_load %arg9[%swap3A_3140, %swap3A_3141] {strides = array<i32>} : memref<32x64xf32, #tpu.memory_space<vmem>>, vector<16xf32>,
      tpu.vector_store %arg9[%swap3A_3140, %swap3A_3141], %gather3A_3138 {strides = array<i32>} : memref<32x64xf32, #tpu.memory_space<vmem>>, vector<16xf32>,
      %add3A_3143 = arith.constant 16 : i32
      %add3A_3144 = vector.broadcast %add3A_3143 : i32 to vector<16xi32>
      %add3A_3145 = arith.addi %iota3A, %add3A_3144 : vector<16xi32>
      %gather3A_3146 = tpu.vector_load_idx %arg8[%add3A_3145, %broadcast_in_dim3A_2783] : memref<64x64xf32, #tpu.memory_space<vmem>>[vector<16xi32>, vector<16xi32>], vector<16xf32>,
      %swap3A_3147 = arith.constant 27 : i32
      %swap3A_3148 = arith.index_cast %swap3A_3147 : i32 to index
      %swap3A_3149 = arith.constant 16 : index
      %swap3A_3150 = tpu.vector_load %arg9[%swap3A_3148, %swap3A_3149] {strides = array<i32>} : memref<32x64xf32, #tpu.memory_space<vmem>>, vector<16xf32>,
      tpu.vector_store %arg9[%swap3A_3148, %swap3A_3149], %gather3A_3146 {strides = array<i32>} : memref<32x64xf32, #tpu.memory_space<vmem>>, vector<16xf32>,
      %add3A_3151 = arith.constant 32 : i32
      %add3A_3152 = vector.broadcast %add3A_3151 : i32 to vector<16xi32>
      %add3A_3153 = arith.addi %iota3A, %add3A_3152 : vector<16xi32>
      %gather3A_3154 = tpu.vector_load_idx %arg8[%add3A_3153, %broadcast_in_dim3A_2783] : memref<64x64xf32, #tpu.memory_space<vmem>>[vector<16xi32>, vector<16xi32>], vector<16xf32>,
      %swap3A_3155 = arith.constant 27 : i32
      %swap3A_3156 = arith.index_cast %swap3A_3155 : i32 to index
      %swap3A_3157 = arith.constant 32 : index
      %swap3A_3158 = tpu.vector_load %arg9[%swap3A_3156, %swap3A_3157] {strides = array<i32>} : memref<32x64xf32, #tpu.memory_space<vmem>>, vector<16xf32>,
      tpu.vector_store %arg9[%swap3A_3156, %swap3A_3157], %gather3A_3154 {strides = array<i32>} : memref<32x64xf32, #tpu.memory_space<vmem>>, vector<16xf32>,
      %add3A_3159 = arith.constant 48 : i32
      %add3A_3160 = vector.broadcast %add3A_3159 : i32 to vector<16xi32>
      %add3A_3161 = arith.addi %iota3A, %add3A_3160 : vector<16xi32>
      %gather3A_3162 = tpu.vector_load_idx %arg8[%add3A_3161, %broadcast_in_dim3A_2783] : memref<64x64xf32, #tpu.memory_space<vmem>>[vector<16xi32>, vector<16xi32>], vector<16xf32>,
      %swap3A_3163 = arith.constant 27 : i32
      %swap3A_3164 = arith.index_cast %swap3A_3163 : i32 to index
      %swap3A_3165 = arith.constant 48 : index
      %swap3A_3166 = tpu.vector_load %arg9[%swap3A_3164, %swap3A_3165] {strides = array<i32>} : memref<32x64xf32, #tpu.memory_space<vmem>>, vector<16xf32>,
      tpu.vector_store %arg9[%swap3A_3164, %swap3A_3165], %gather3A_3162 {strides = array<i32>} : memref<32x64xf32, #tpu.memory_space<vmem>>, vector<16xf32>,
    } else {
    }
    %dma_wait3A_2839 = arith.constant 4 : i32
    %dma_wait3A_2840 = arith.constant 4 : i32
    %dma_wait3A_2841 = arith.constant 0 : i32
    %dma_wait3A_2842 = arith.constant 0 : i32
    %dma_wait3A_2843 = tpu.memref_slice %arg7[%dma_wait3A_2839, %dma_wait3A_2841, %dma_wait3A_2842] : memref<8x64x128xf32, #tpu.memory_space<vmem>> -> memref<1x64x128xf32, #tpu.memory_space<vmem>>
    %dma_wait3A_2844 = tpu.memref_squeeze %dma_wait3A_2843 : memref<1x64x128xf32, #tpu.memory_space<vmem>> -> memref<64x128xf32, #tpu.memory_space<vmem>>
    %dma_wait3A_2845 = arith.constant 0 : i32
    %dma_wait3A_2846 = tpu.memref_slice %arg2[%dma_wait3A_2845, %multiple_of3A_287] : memref<64x1000000xf32, #tpu.memory_space<hbm>> -> memref<64x128xf32, #tpu.memory_space<hbm>>
    %dma_wait3A_2847 = tpu.memref_slice %arg10[%dma_wait3A_2840] : memref<8x!tpu.dma_semaphore, #tpu.memory_space<semaphore_mem>> -> memref<1x!tpu.dma_semaphore, #tpu.memory_space<semaphore_mem>>
    %dma_wait3A_2848 = tpu.memref_squeeze %dma_wait3A_2847 : memref<1x!tpu.dma_semaphore, #tpu.memory_space<semaphore_mem>> -> memref<!tpu.dma_semaphore, #tpu.memory_space<semaphore_mem>>
    %dma_wait3A_2849 = arith.constant 0 : i32
    %dma_wait3A_2850 = arith.constant 0 : i32
    %dma_wait3A_2851 = tpu.memref_slice %arg7[%dma_wait3A_2839, %dma_wait3A_2849, %dma_wait3A_2850] : memref<8x64x128xf32, #tpu.memory_space<vmem>> -> memref<1x64x128xf32, #tpu.memory_space<vmem>>
    %dma_wait3A_2852 = tpu.memref_squeeze %dma_wait3A_2851 : memref<1x64x128xf32, #tpu.memory_space<vmem>> -> memref<64x128xf32, #tpu.memory_space<vmem>>
    %dma_wait3A_2853 = arith.constant 0 : i32
    %dma_wait3A_2854 = tpu.memref_slice %arg2[%dma_wait3A_2853, %multiple_of3A_287] : memref<64x1000000xf32, #tpu.memory_space<hbm>> -> memref<64x128xf32, #tpu.memory_space<hbm>>
    tpu.wait_dma2 semaphore(%dma_wait3A_2848 : memref<!tpu.dma_semaphore, #tpu.memory_space<semaphore_mem>>) src(%dma_wait3A_2854 : memref<64x128xf32, #tpu.memory_space<hbm>>) dst(%dma_wait3A_2852 : memref<64x128xf32, #tpu.memory_space<vmem>>)
    %broadcast_in_dim3A_2855 = vector.broadcast %rem3A_283 : i32 to vector<16xi32>
    %add3A_2856 = arith.constant 0 : i32
    %add3A_2857 = vector.broadcast %add3A_2856 : i32 to vector<16xi32>
    %add3A_2858 = arith.addi %iota3A, %add3A_2857 : vector<16xi32>
    %gather3A_2859 = arith.constant 4 : i32
    %gather3A_2860 = arith.constant 0 : i32
    %gather3A_2861 = arith.constant 0 : i32
    %gather3A_2862 = tpu.memref_slice %arg7[%gather3A_2859, %gather3A_2860, %gather3A_2861] : memref<8x64x128xf32, #tpu.memory_space<vmem>> -> memref<1x64x128xf32, #tpu.memory_space<vmem>>
    %gather3A_2863 = tpu.memref_squeeze %gather3A_2862 : memref<1x64x128xf32, #tpu.memory_space<vmem>> -> memref<64x128xf32, #tpu.memory_space<vmem>>
    %gather3A_2864 = tpu.vector_load_idx %gather3A_2863[%add3A_2858, %broadcast_in_dim3A_2855] : memref<64x128xf32, #tpu.memory_space<vmem>>[vector<16xi32>, vector<16xi32>], vector<16xf32>,
    %swap3A_2865 = arith.constant 28 : i32
    %swap3A_2866 = arith.index_cast %swap3A_2865 : i32 to index
    %swap3A_2867 = arith.constant 0 : index
    %swap3A_2868 = tpu.vector_load %arg9[%swap3A_2866, %swap3A_2867] {strides = array<i32>} : memref<32x64xf32, #tpu.memory_space<vmem>>, vector<16xf32>,
    tpu.vector_store %arg9[%swap3A_2866, %swap3A_2867], %gather3A_2864 {strides = array<i32>} : memref<32x64xf32, #tpu.memory_space<vmem>>, vector<16xf32>,
    %add3A_2869 = arith.constant 16 : i32
    %add3A_2870 = vector.broadcast %add3A_2869 : i32 to vector<16xi32>
    %add3A_2871 = arith.addi %iota3A, %add3A_2870 : vector<16xi32>
    %gather3A_2872 = arith.constant 4 : i32
    %gather3A_2873 = arith.constant 0 : i32
    %gather3A_2874 = arith.constant 0 : i32
    %gather3A_2875 = tpu.memref_slice %arg7[%gather3A_2872, %gather3A_2873, %gather3A_2874] : memref<8x64x128xf32, #tpu.memory_space<vmem>> -> memref<1x64x128xf32, #tpu.memory_space<vmem>>
    %gather3A_2876 = tpu.memref_squeeze %gather3A_2875 : memref<1x64x128xf32, #tpu.memory_space<vmem>> -> memref<64x128xf32, #tpu.memory_space<vmem>>
    %gather3A_2877 = tpu.vector_load_idx %gather3A_2876[%add3A_2871, %broadcast_in_dim3A_2855] : memref<64x128xf32, #tpu.memory_space<vmem>>[vector<16xi32>, vector<16xi32>], vector<16xf32>,
    %swap3A_2878 = arith.constant 28 : i32
    %swap3A_2879 = arith.index_cast %swap3A_2878 : i32 to index
    %swap3A_2880 = arith.constant 16 : index
    %swap3A_2881 = tpu.vector_load %arg9[%swap3A_2879, %swap3A_2880] {strides = array<i32>} : memref<32x64xf32, #tpu.memory_space<vmem>>, vector<16xf32>,
    tpu.vector_store %arg9[%swap3A_2879, %swap3A_2880], %gather3A_2877 {strides = array<i32>} : memref<32x64xf32, #tpu.memory_space<vmem>>, vector<16xf32>,
    %add3A_2882 = arith.constant 32 : i32
    %add3A_2883 = vector.broadcast %add3A_2882 : i32 to vector<16xi32>
    %add3A_2884 = arith.addi %iota3A, %add3A_2883 : vector<16xi32>
    %gather3A_2885 = arith.constant 4 : i32
    %gather3A_2886 = arith.constant 0 : i32
    %gather3A_2887 = arith.constant 0 : i32
    %gather3A_2888 = tpu.memref_slice %arg7[%gather3A_2885, %gather3A_2886, %gather3A_2887] : memref<8x64x128xf32, #tpu.memory_space<vmem>> -> memref<1x64x128xf32, #tpu.memory_space<vmem>>
    %gather3A_2889 = tpu.memref_squeeze %gather3A_2888 : memref<1x64x128xf32, #tpu.memory_space<vmem>> -> memref<64x128xf32, #tpu.memory_space<vmem>>
    %gather3A_2890 = tpu.vector_load_idx %gather3A_2889[%add3A_2884, %broadcast_in_dim3A_2855] : memref<64x128xf32, #tpu.memory_space<vmem>>[vector<16xi32>, vector<16xi32>], vector<16xf32>,
    %swap3A_2891 = arith.constant 28 : i32
    %swap3A_2892 = arith.index_cast %swap3A_2891 : i32 to index
    %swap3A_2893 = arith.constant 32 : index
    %swap3A_2894 = tpu.vector_load %arg9[%swap3A_2892, %swap3A_2893] {strides = array<i32>} : memref<32x64xf32, #tpu.memory_space<vmem>>, vector<16xf32>,
    tpu.vector_store %arg9[%swap3A_2892, %swap3A_2893], %gather3A_2890 {strides = array<i32>} : memref<32x64xf32, #tpu.memory_space<vmem>>, vector<16xf32>,
    %add3A_2895 = arith.constant 48 : i32
    %add3A_2896 = vector.broadcast %add3A_2895 : i32 to vector<16xi32>
    %add3A_2897 = arith.addi %iota3A, %add3A_2896 : vector<16xi32>
    %gather3A_2898 = arith.constant 4 : i32
    %gather3A_2899 = arith.constant 0 : i32
    %gather3A_2900 = arith.constant 0 : i32
    %gather3A_2901 = tpu.memref_slice %arg7[%gather3A_2898, %gather3A_2899, %gather3A_2900] : memref<8x64x128xf32, #tpu.memory_space<vmem>> -> memref<1x64x128xf32, #tpu.memory_space<vmem>>
    %gather3A_2902 = tpu.memref_squeeze %gather3A_2901 : memref<1x64x128xf32, #tpu.memory_space<vmem>> -> memref<64x128xf32, #tpu.memory_space<vmem>>
    %gather3A_2903 = tpu.vector_load_idx %gather3A_2902[%add3A_2897, %broadcast_in_dim3A_2855] : memref<64x128xf32, #tpu.memory_space<vmem>>[vector<16xi32>, vector<16xi32>], vector<16xf32>,
    %swap3A_2904 = arith.constant 28 : i32
    %swap3A_2905 = arith.index_cast %swap3A_2904 : i32 to index
    %swap3A_2906 = arith.constant 48 : index
    %swap3A_2907 = tpu.vector_load %arg9[%swap3A_2905, %swap3A_2906] {strides = array<i32>} : memref<32x64xf32, #tpu.memory_space<vmem>>, vector<16xf32>,
    tpu.vector_store %arg9[%swap3A_2905, %swap3A_2906], %gather3A_2903 {strides = array<i32>} : memref<32x64xf32, #tpu.memory_space<vmem>>, vector<16xf32>,
    %convert_element_type3A_2908 = arith.extui %ge3A_281 : i1 to i32
    %cond3A_2909 = arith.constant 0 : i32
    %cond3A_2910 = arith.cmpi ne, %convert_element_type3A_2908, %cond3A_2909 : i32
    scf.if %cond3A_2910 {
      %add3A_3135 = arith.constant 0 : i32
      %add3A_3136 = vector.broadcast %add3A_3135 : i32 to vector<16xi32>
      %add3A_3137 = arith.addi %iota3A, %add3A_3136 : vector<16xi32>
      %gather3A_3138 = tpu.vector_load_idx %arg8[%add3A_3137, %broadcast_in_dim3A_2855] : memref<64x64xf32, #tpu.memory_space<vmem>>[vector<16xi32>, vector<16xi32>], vector<16xf32>,
      %swap3A_3139 = arith.constant 28 : i32
      %swap3A_3140 = arith.index_cast %swap3A_3139 : i32 to index
      %swap3A_3141 = arith.constant 0 : index
      %swap3A_3142 = tpu.vector_load %arg9[%swap3A_3140, %swap3A_3141] {strides = array<i32>} : memref<32x64xf32, #tpu.memory_space<vmem>>, vector<16xf32>,
      tpu.vector_store %arg9[%swap3A_3140, %swap3A_3141], %gather3A_3138 {strides = array<i32>} : memref<32x64xf32, #tpu.memory_space<vmem>>, vector<16xf32>,
      %add3A_3143 = arith.constant 16 : i32
      %add3A_3144 = vector.broadcast %add3A_3143 : i32 to vector<16xi32>
      %add3A_3145 = arith.addi %iota3A, %add3A_3144 : vector<16xi32>
      %gather3A_3146 = tpu.vector_load_idx %arg8[%add3A_3145, %broadcast_in_dim3A_2855] : memref<64x64xf32, #tpu.memory_space<vmem>>[vector<16xi32>, vector<16xi32>], vector<16xf32>,
      %swap3A_3147 = arith.constant 28 : i32
      %swap3A_3148 = arith.index_cast %swap3A_3147 : i32 to index
      %swap3A_3149 = arith.constant 16 : index
      %swap3A_3150 = tpu.vector_load %arg9[%swap3A_3148, %swap3A_3149] {strides = array<i32>} : memref<32x64xf32, #tpu.memory_space<vmem>>, vector<16xf32>,
      tpu.vector_store %arg9[%swap3A_3148, %swap3A_3149], %gather3A_3146 {strides = array<i32>} : memref<32x64xf32, #tpu.memory_space<vmem>>, vector<16xf32>,
      %add3A_3151 = arith.constant 32 : i32
      %add3A_3152 = vector.broadcast %add3A_3151 : i32 to vector<16xi32>
      %add3A_3153 = arith.addi %iota3A, %add3A_3152 : vector<16xi32>
      %gather3A_3154 = tpu.vector_load_idx %arg8[%add3A_3153, %broadcast_in_dim3A_2855] : memref<64x64xf32, #tpu.memory_space<vmem>>[vector<16xi32>, vector<16xi32>], vector<16xf32>,
      %swap3A_3155 = arith.constant 28 : i32
      %swap3A_3156 = arith.index_cast %swap3A_3155 : i32 to index
      %swap3A_3157 = arith.constant 32 : index
      %swap3A_3158 = tpu.vector_load %arg9[%swap3A_3156, %swap3A_3157] {strides = array<i32>} : memref<32x64xf32, #tpu.memory_space<vmem>>, vector<16xf32>,
      tpu.vector_store %arg9[%swap3A_3156, %swap3A_3157], %gather3A_3154 {strides = array<i32>} : memref<32x64xf32, #tpu.memory_space<vmem>>, vector<16xf32>,
      %add3A_3159 = arith.constant 48 : i32
      %add3A_3160 = vector.broadcast %add3A_3159 : i32 to vector<16xi32>
      %add3A_3161 = arith.addi %iota3A, %add3A_3160 : vector<16xi32>
      %gather3A_3162 = tpu.vector_load_idx %arg8[%add3A_3161, %broadcast_in_dim3A_2855] : memref<64x64xf32, #tpu.memory_space<vmem>>[vector<16xi32>, vector<16xi32>], vector<16xf32>,
      %swap3A_3163 = arith.constant 28 : i32
      %swap3A_3164 = arith.index_cast %swap3A_3163 : i32 to index
      %swap3A_3165 = arith.constant 48 : index
      %swap3A_3166 = tpu.vector_load %arg9[%swap3A_3164, %swap3A_3165] {strides = array<i32>} : memref<32x64xf32, #tpu.memory_space<vmem>>, vector<16xf32>,
      tpu.vector_store %arg9[%swap3A_3164, %swap3A_3165], %gather3A_3162 {strides = array<i32>} : memref<32x64xf32, #tpu.memory_space<vmem>>, vector<16xf32>,
    } else {
    }
    %dma_wait3A_2911 = arith.constant 5 : i32
    %dma_wait3A_2912 = arith.constant 5 : i32
    %dma_wait3A_2913 = arith.constant 0 : i32
    %dma_wait3A_2914 = arith.constant 0 : i32
    %dma_wait3A_2915 = tpu.memref_slice %arg7[%dma_wait3A_2911, %dma_wait3A_2913, %dma_wait3A_2914] : memref<8x64x128xf32, #tpu.memory_space<vmem>> -> memref<1x64x128xf32, #tpu.memory_space<vmem>>
    %dma_wait3A_2916 = tpu.memref_squeeze %dma_wait3A_2915 : memref<1x64x128xf32, #tpu.memory_space<vmem>> -> memref<64x128xf32, #tpu.memory_space<vmem>>
    %dma_wait3A_2917 = arith.constant 0 : i32
    %dma_wait3A_2918 = tpu.memref_slice %arg2[%dma_wait3A_2917, %multiple_of3A_297] : memref<64x1000000xf32, #tpu.memory_space<hbm>> -> memref<64x128xf32, #tpu.memory_space<hbm>>
    %dma_wait3A_2919 = tpu.memref_slice %arg10[%dma_wait3A_2912] : memref<8x!tpu.dma_semaphore, #tpu.memory_space<semaphore_mem>> -> memref<1x!tpu.dma_semaphore, #tpu.memory_space<semaphore_mem>>
    %dma_wait3A_2920 = tpu.memref_squeeze %dma_wait3A_2919 : memref<1x!tpu.dma_semaphore, #tpu.memory_space<semaphore_mem>> -> memref<!tpu.dma_semaphore, #tpu.memory_space<semaphore_mem>>
    %dma_wait3A_2921 = arith.constant 0 : i32
    %dma_wait3A_2922 = arith.constant 0 : i32
    %dma_wait3A_2923 = tpu.memref_slice %arg7[%dma_wait3A_2911, %dma_wait3A_2921, %dma_wait3A_2922] : memref<8x64x128xf32, #tpu.memory_space<vmem>> -> memref<1x64x128xf32, #tpu.memory_space<vmem>>
    %dma_wait3A_2924 = tpu.memref_squeeze %dma_wait3A_2923 : memref<1x64x128xf32, #tpu.memory_space<vmem>> -> memref<64x128xf32, #tpu.memory_space<vmem>>
    %dma_wait3A_2925 = arith.constant 0 : i32
    %dma_wait3A_2926 = tpu.memref_slice %arg2[%dma_wait3A_2925, %multiple_of3A_297] : memref<64x1000000xf32, #tpu.memory_space<hbm>> -> memref<64x128xf32, #tpu.memory_space<hbm>>
    tpu.wait_dma2 semaphore(%dma_wait3A_2920 : memref<!tpu.dma_semaphore, #tpu.memory_space<semaphore_mem>>) src(%dma_wait3A_2926 : memref<64x128xf32, #tpu.memory_space<hbm>>) dst(%dma_wait3A_2924 : memref<64x128xf32, #tpu.memory_space<vmem>>)
    %broadcast_in_dim3A_2927 = vector.broadcast %rem3A_293 : i32 to vector<16xi32>
    %add3A_2928 = arith.constant 0 : i32
    %add3A_2929 = vector.broadcast %add3A_2928 : i32 to vector<16xi32>
    %add3A_2930 = arith.addi %iota3A, %add3A_2929 : vector<16xi32>
    %gather3A_2931 = arith.constant 5 : i32
    %gather3A_2932 = arith.constant 0 : i32
    %gather3A_2933 = arith.constant 0 : i32
    %gather3A_2934 = tpu.memref_slice %arg7[%gather3A_2931, %gather3A_2932, %gather3A_2933] : memref<8x64x128xf32, #tpu.memory_space<vmem>> -> memref<1x64x128xf32, #tpu.memory_space<vmem>>
    %gather3A_2935 = tpu.memref_squeeze %gather3A_2934 : memref<1x64x128xf32, #tpu.memory_space<vmem>> -> memref<64x128xf32, #tpu.memory_space<vmem>>
    %gather3A_2936 = tpu.vector_load_idx %gather3A_2935[%add3A_2930, %broadcast_in_dim3A_2927] : memref<64x128xf32, #tpu.memory_space<vmem>>[vector<16xi32>, vector<16xi32>], vector<16xf32>,
    %swap3A_2937 = arith.constant 29 : i32
    %swap3A_2938 = arith.index_cast %swap3A_2937 : i32 to index
    %swap3A_2939 = arith.constant 0 : index
    %swap3A_2940 = tpu.vector_load %arg9[%swap3A_2938, %swap3A_2939] {strides = array<i32>} : memref<32x64xf32, #tpu.memory_space<vmem>>, vector<16xf32>,
    tpu.vector_store %arg9[%swap3A_2938, %swap3A_2939], %gather3A_2936 {strides = array<i32>} : memref<32x64xf32, #tpu.memory_space<vmem>>, vector<16xf32>,
    %add3A_2941 = arith.constant 16 : i32
    %add3A_2942 = vector.broadcast %add3A_2941 : i32 to vector<16xi32>
    %add3A_2943 = arith.addi %iota3A, %add3A_2942 : vector<16xi32>
    %gather3A_2944 = arith.constant 5 : i32
    %gather3A_2945 = arith.constant 0 : i32
    %gather3A_2946 = arith.constant 0 : i32
    %gather3A_2947 = tpu.memref_slice %arg7[%gather3A_2944, %gather3A_2945, %gather3A_2946] : memref<8x64x128xf32, #tpu.memory_space<vmem>> -> memref<1x64x128xf32, #tpu.memory_space<vmem>>
    %gather3A_2948 = tpu.memref_squeeze %gather3A_2947 : memref<1x64x128xf32, #tpu.memory_space<vmem>> -> memref<64x128xf32, #tpu.memory_space<vmem>>
    %gather3A_2949 = tpu.vector_load_idx %gather3A_2948[%add3A_2943, %broadcast_in_dim3A_2927] : memref<64x128xf32, #tpu.memory_space<vmem>>[vector<16xi32>, vector<16xi32>], vector<16xf32>,
    %swap3A_2950 = arith.constant 29 : i32
    %swap3A_2951 = arith.index_cast %swap3A_2950 : i32 to index
    %swap3A_2952 = arith.constant 16 : index
    %swap3A_2953 = tpu.vector_load %arg9[%swap3A_2951, %swap3A_2952] {strides = array<i32>} : memref<32x64xf32, #tpu.memory_space<vmem>>, vector<16xf32>,
    tpu.vector_store %arg9[%swap3A_2951, %swap3A_2952], %gather3A_2949 {strides = array<i32>} : memref<32x64xf32, #tpu.memory_space<vmem>>, vector<16xf32>,
    %add3A_2954 = arith.constant 32 : i32
    %add3A_2955 = vector.broadcast %add3A_2954 : i32 to vector<16xi32>
    %add3A_2956 = arith.addi %iota3A, %add3A_2955 : vector<16xi32>
    %gather3A_2957 = arith.constant 5 : i32
    %gather3A_2958 = arith.constant 0 : i32
    %gather3A_2959 = arith.constant 0 : i32
    %gather3A_2960 = tpu.memref_slice %arg7[%gather3A_2957, %gather3A_2958, %gather3A_2959] : memref<8x64x128xf32, #tpu.memory_space<vmem>> -> memref<1x64x128xf32, #tpu.memory_space<vmem>>
    %gather3A_2961 = tpu.memref_squeeze %gather3A_2960 : memref<1x64x128xf32, #tpu.memory_space<vmem>> -> memref<64x128xf32, #tpu.memory_space<vmem>>
    %gather3A_2962 = tpu.vector_load_idx %gather3A_2961[%add3A_2956, %broadcast_in_dim3A_2927] : memref<64x128xf32, #tpu.memory_space<vmem>>[vector<16xi32>, vector<16xi32>], vector<16xf32>,
    %swap3A_2963 = arith.constant 29 : i32
    %swap3A_2964 = arith.index_cast %swap3A_2963 : i32 to index
    %swap3A_2965 = arith.constant 32 : index
    %swap3A_2966 = tpu.vector_load %arg9[%swap3A_2964, %swap3A_2965] {strides = array<i32>} : memref<32x64xf32, #tpu.memory_space<vmem>>, vector<16xf32>,
    tpu.vector_store %arg9[%swap3A_2964, %swap3A_2965], %gather3A_2962 {strides = array<i32>} : memref<32x64xf32, #tpu.memory_space<vmem>>, vector<16xf32>,
    %add3A_2967 = arith.constant 48 : i32
    %add3A_2968 = vector.broadcast %add3A_2967 : i32 to vector<16xi32>
    %add3A_2969 = arith.addi %iota3A, %add3A_2968 : vector<16xi32>
    %gather3A_2970 = arith.constant 5 : i32
    %gather3A_2971 = arith.constant 0 : i32
    %gather3A_2972 = arith.constant 0 : i32
    %gather3A_2973 = tpu.memref_slice %arg7[%gather3A_2970, %gather3A_2971, %gather3A_2972] : memref<8x64x128xf32, #tpu.memory_space<vmem>> -> memref<1x64x128xf32, #tpu.memory_space<vmem>>
    %gather3A_2974 = tpu.memref_squeeze %gather3A_2973 : memref<1x64x128xf32, #tpu.memory_space<vmem>> -> memref<64x128xf32, #tpu.memory_space<vmem>>
    %gather3A_2975 = tpu.vector_load_idx %gather3A_2974[%add3A_2969, %broadcast_in_dim3A_2927] : memref<64x128xf32, #tpu.memory_space<vmem>>[vector<16xi32>, vector<16xi32>], vector<16xf32>,
    %swap3A_2976 = arith.constant 29 : i32
    %swap3A_2977 = arith.index_cast %swap3A_2976 : i32 to index
    %swap3A_2978 = arith.constant 48 : index
    %swap3A_2979 = tpu.vector_load %arg9[%swap3A_2977, %swap3A_2978] {strides = array<i32>} : memref<32x64xf32, #tpu.memory_space<vmem>>, vector<16xf32>,
    tpu.vector_store %arg9[%swap3A_2977, %swap3A_2978], %gather3A_2975 {strides = array<i32>} : memref<32x64xf32, #tpu.memory_space<vmem>>, vector<16xf32>,
    %convert_element_type3A_2980 = arith.extui %ge3A_291 : i1 to i32
    %cond3A_2981 = arith.constant 0 : i32
    %cond3A_2982 = arith.cmpi ne, %convert_element_type3A_2980, %cond3A_2981 : i32
    scf.if %cond3A_2982 {
      %add3A_3135 = arith.constant 0 : i32
      %add3A_3136 = vector.broadcast %add3A_3135 : i32 to vector<16xi32>
      %add3A_3137 = arith.addi %iota3A, %add3A_3136 : vector<16xi32>
      %gather3A_3138 = tpu.vector_load_idx %arg8[%add3A_3137, %broadcast_in_dim3A_2927] : memref<64x64xf32, #tpu.memory_space<vmem>>[vector<16xi32>, vector<16xi32>], vector<16xf32>,
      %swap3A_3139 = arith.constant 29 : i32
      %swap3A_3140 = arith.index_cast %swap3A_3139 : i32 to index
      %swap3A_3141 = arith.constant 0 : index
      %swap3A_3142 = tpu.vector_load %arg9[%swap3A_3140, %swap3A_3141] {strides = array<i32>} : memref<32x64xf32, #tpu.memory_space<vmem>>, vector<16xf32>,
      tpu.vector_store %arg9[%swap3A_3140, %swap3A_3141], %gather3A_3138 {strides = array<i32>} : memref<32x64xf32, #tpu.memory_space<vmem>>, vector<16xf32>,
      %add3A_3143 = arith.constant 16 : i32
      %add3A_3144 = vector.broadcast %add3A_3143 : i32 to vector<16xi32>
      %add3A_3145 = arith.addi %iota3A, %add3A_3144 : vector<16xi32>
      %gather3A_3146 = tpu.vector_load_idx %arg8[%add3A_3145, %broadcast_in_dim3A_2927] : memref<64x64xf32, #tpu.memory_space<vmem>>[vector<16xi32>, vector<16xi32>], vector<16xf32>,
      %swap3A_3147 = arith.constant 29 : i32
      %swap3A_3148 = arith.index_cast %swap3A_3147 : i32 to index
      %swap3A_3149 = arith.constant 16 : index
      %swap3A_3150 = tpu.vector_load %arg9[%swap3A_3148, %swap3A_3149] {strides = array<i32>} : memref<32x64xf32, #tpu.memory_space<vmem>>, vector<16xf32>,
      tpu.vector_store %arg9[%swap3A_3148, %swap3A_3149], %gather3A_3146 {strides = array<i32>} : memref<32x64xf32, #tpu.memory_space<vmem>>, vector<16xf32>,
      %add3A_3151 = arith.constant 32 : i32
      %add3A_3152 = vector.broadcast %add3A_3151 : i32 to vector<16xi32>
      %add3A_3153 = arith.addi %iota3A, %add3A_3152 : vector<16xi32>
      %gather3A_3154 = tpu.vector_load_idx %arg8[%add3A_3153, %broadcast_in_dim3A_2927] : memref<64x64xf32, #tpu.memory_space<vmem>>[vector<16xi32>, vector<16xi32>], vector<16xf32>,
      %swap3A_3155 = arith.constant 29 : i32
      %swap3A_3156 = arith.index_cast %swap3A_3155 : i32 to index
      %swap3A_3157 = arith.constant 32 : index
      %swap3A_3158 = tpu.vector_load %arg9[%swap3A_3156, %swap3A_3157] {strides = array<i32>} : memref<32x64xf32, #tpu.memory_space<vmem>>, vector<16xf32>,
      tpu.vector_store %arg9[%swap3A_3156, %swap3A_3157], %gather3A_3154 {strides = array<i32>} : memref<32x64xf32, #tpu.memory_space<vmem>>, vector<16xf32>,
      %add3A_3159 = arith.constant 48 : i32
      %add3A_3160 = vector.broadcast %add3A_3159 : i32 to vector<16xi32>
      %add3A_3161 = arith.addi %iota3A, %add3A_3160 : vector<16xi32>
      %gather3A_3162 = tpu.vector_load_idx %arg8[%add3A_3161, %broadcast_in_dim3A_2927] : memref<64x64xf32, #tpu.memory_space<vmem>>[vector<16xi32>, vector<16xi32>], vector<16xf32>,
      %swap3A_3163 = arith.constant 29 : i32
      %swap3A_3164 = arith.index_cast %swap3A_3163 : i32 to index
      %swap3A_3165 = arith.constant 48 : index
      %swap3A_3166 = tpu.vector_load %arg9[%swap3A_3164, %swap3A_3165] {strides = array<i32>} : memref<32x64xf32, #tpu.memory_space<vmem>>, vector<16xf32>,
      tpu.vector_store %arg9[%swap3A_3164, %swap3A_3165], %gather3A_3162 {strides = array<i32>} : memref<32x64xf32, #tpu.memory_space<vmem>>, vector<16xf32>,
    } else {
    }
    %dma_wait3A_2983 = arith.constant 6 : i32
    %dma_wait3A_2984 = arith.constant 6 : i32
    %dma_wait3A_2985 = arith.constant 0 : i32
    %dma_wait3A_2986 = arith.constant 0 : i32
    %dma_wait3A_2987 = tpu.memref_slice %arg7[%dma_wait3A_2983, %dma_wait3A_2985, %dma_wait3A_2986] : memref<8x64x128xf32, #tpu.memory_space<vmem>> -> memref<1x64x128xf32, #tpu.memory_space<vmem>>
    %dma_wait3A_2988 = tpu.memref_squeeze %dma_wait3A_2987 : memref<1x64x128xf32, #tpu.memory_space<vmem>> -> memref<64x128xf32, #tpu.memory_space<vmem>>
    %dma_wait3A_2989 = arith.constant 0 : i32
    %dma_wait3A_2990 = tpu.memref_slice %arg2[%dma_wait3A_2989, %multiple_of3A_307] : memref<64x1000000xf32, #tpu.memory_space<hbm>> -> memref<64x128xf32, #tpu.memory_space<hbm>>
    %dma_wait3A_2991 = tpu.memref_slice %arg10[%dma_wait3A_2984] : memref<8x!tpu.dma_semaphore, #tpu.memory_space<semaphore_mem>> -> memref<1x!tpu.dma_semaphore, #tpu.memory_space<semaphore_mem>>
    %dma_wait3A_2992 = tpu.memref_squeeze %dma_wait3A_2991 : memref<1x!tpu.dma_semaphore, #tpu.memory_space<semaphore_mem>> -> memref<!tpu.dma_semaphore, #tpu.memory_space<semaphore_mem>>
    %dma_wait3A_2993 = arith.constant 0 : i32
    %dma_wait3A_2994 = arith.constant 0 : i32
    %dma_wait3A_2995 = tpu.memref_slice %arg7[%dma_wait3A_2983, %dma_wait3A_2993, %dma_wait3A_2994] : memref<8x64x128xf32, #tpu.memory_space<vmem>> -> memref<1x64x128xf32, #tpu.memory_space<vmem>>
    %dma_wait3A_2996 = tpu.memref_squeeze %dma_wait3A_2995 : memref<1x64x128xf32, #tpu.memory_space<vmem>> -> memref<64x128xf32, #tpu.memory_space<vmem>>
    %dma_wait3A_2997 = arith.constant 0 : i32
    %dma_wait3A_2998 = tpu.memref_slice %arg2[%dma_wait3A_2997, %multiple_of3A_307] : memref<64x1000000xf32, #tpu.memory_space<hbm>> -> memref<64x128xf32, #tpu.memory_space<hbm>>
    tpu.wait_dma2 semaphore(%dma_wait3A_2992 : memref<!tpu.dma_semaphore, #tpu.memory_space<semaphore_mem>>) src(%dma_wait3A_2998 : memref<64x128xf32, #tpu.memory_space<hbm>>) dst(%dma_wait3A_2996 : memref<64x128xf32, #tpu.memory_space<vmem>>)
    %broadcast_in_dim3A_2999 = vector.broadcast %rem3A_303 : i32 to vector<16xi32>
    %add3A_3000 = arith.constant 0 : i32
    %add3A_3001 = vector.broadcast %add3A_3000 : i32 to vector<16xi32>
    %add3A_3002 = arith.addi %iota3A, %add3A_3001 : vector<16xi32>
    %gather3A_3003 = arith.constant 6 : i32
    %gather3A_3004 = arith.constant 0 : i32
    %gather3A_3005 = arith.constant 0 : i32
    %gather3A_3006 = tpu.memref_slice %arg7[%gather3A_3003, %gather3A_3004, %gather3A_3005] : memref<8x64x128xf32, #tpu.memory_space<vmem>> -> memref<1x64x128xf32, #tpu.memory_space<vmem>>
    %gather3A_3007 = tpu.memref_squeeze %gather3A_3006 : memref<1x64x128xf32, #tpu.memory_space<vmem>> -> memref<64x128xf32, #tpu.memory_space<vmem>>
    %gather3A_3008 = tpu.vector_load_idx %gather3A_3007[%add3A_3002, %broadcast_in_dim3A_2999] : memref<64x128xf32, #tpu.memory_space<vmem>>[vector<16xi32>, vector<16xi32>], vector<16xf32>,
    %swap3A_3009 = arith.constant 30 : i32
    %swap3A_3010 = arith.index_cast %swap3A_3009 : i32 to index
    %swap3A_3011 = arith.constant 0 : index
    %swap3A_3012 = tpu.vector_load %arg9[%swap3A_3010, %swap3A_3011] {strides = array<i32>} : memref<32x64xf32, #tpu.memory_space<vmem>>, vector<16xf32>,
    tpu.vector_store %arg9[%swap3A_3010, %swap3A_3011], %gather3A_3008 {strides = array<i32>} : memref<32x64xf32, #tpu.memory_space<vmem>>, vector<16xf32>,
    %add3A_3013 = arith.constant 16 : i32
    %add3A_3014 = vector.broadcast %add3A_3013 : i32 to vector<16xi32>
    %add3A_3015 = arith.addi %iota3A, %add3A_3014 : vector<16xi32>
    %gather3A_3016 = arith.constant 6 : i32
    %gather3A_3017 = arith.constant 0 : i32
    %gather3A_3018 = arith.constant 0 : i32
    %gather3A_3019 = tpu.memref_slice %arg7[%gather3A_3016, %gather3A_3017, %gather3A_3018] : memref<8x64x128xf32, #tpu.memory_space<vmem>> -> memref<1x64x128xf32, #tpu.memory_space<vmem>>
    %gather3A_3020 = tpu.memref_squeeze %gather3A_3019 : memref<1x64x128xf32, #tpu.memory_space<vmem>> -> memref<64x128xf32, #tpu.memory_space<vmem>>
    %gather3A_3021 = tpu.vector_load_idx %gather3A_3020[%add3A_3015, %broadcast_in_dim3A_2999] : memref<64x128xf32, #tpu.memory_space<vmem>>[vector<16xi32>, vector<16xi32>], vector<16xf32>,
    %swap3A_3022 = arith.constant 30 : i32
    %swap3A_3023 = arith.index_cast %swap3A_3022 : i32 to index
    %swap3A_3024 = arith.constant 16 : index
    %swap3A_3025 = tpu.vector_load %arg9[%swap3A_3023, %swap3A_3024] {strides = array<i32>} : memref<32x64xf32, #tpu.memory_space<vmem>>, vector<16xf32>,
    tpu.vector_store %arg9[%swap3A_3023, %swap3A_3024], %gather3A_3021 {strides = array<i32>} : memref<32x64xf32, #tpu.memory_space<vmem>>, vector<16xf32>,
    %add3A_3026 = arith.constant 32 : i32
    %add3A_3027 = vector.broadcast %add3A_3026 : i32 to vector<16xi32>
    %add3A_3028 = arith.addi %iota3A, %add3A_3027 : vector<16xi32>
    %gather3A_3029 = arith.constant 6 : i32
    %gather3A_3030 = arith.constant 0 : i32
    %gather3A_3031 = arith.constant 0 : i32
    %gather3A_3032 = tpu.memref_slice %arg7[%gather3A_3029, %gather3A_3030, %gather3A_3031] : memref<8x64x128xf32, #tpu.memory_space<vmem>> -> memref<1x64x128xf32, #tpu.memory_space<vmem>>
    %gather3A_3033 = tpu.memref_squeeze %gather3A_3032 : memref<1x64x128xf32, #tpu.memory_space<vmem>> -> memref<64x128xf32, #tpu.memory_space<vmem>>
    %gather3A_3034 = tpu.vector_load_idx %gather3A_3033[%add3A_3028, %broadcast_in_dim3A_2999] : memref<64x128xf32, #tpu.memory_space<vmem>>[vector<16xi32>, vector<16xi32>], vector<16xf32>,
    %swap3A_3035 = arith.constant 30 : i32
    %swap3A_3036 = arith.index_cast %swap3A_3035 : i32 to index
    %swap3A_3037 = arith.constant 32 : index
    %swap3A_3038 = tpu.vector_load %arg9[%swap3A_3036, %swap3A_3037] {strides = array<i32>} : memref<32x64xf32, #tpu.memory_space<vmem>>, vector<16xf32>,
    tpu.vector_store %arg9[%swap3A_3036, %swap3A_3037], %gather3A_3034 {strides = array<i32>} : memref<32x64xf32, #tpu.memory_space<vmem>>, vector<16xf32>,
    %add3A_3039 = arith.constant 48 : i32
    %add3A_3040 = vector.broadcast %add3A_3039 : i32 to vector<16xi32>
    %add3A_3041 = arith.addi %iota3A, %add3A_3040 : vector<16xi32>
    %gather3A_3042 = arith.constant 6 : i32
    %gather3A_3043 = arith.constant 0 : i32
    %gather3A_3044 = arith.constant 0 : i32
    %gather3A_3045 = tpu.memref_slice %arg7[%gather3A_3042, %gather3A_3043, %gather3A_3044] : memref<8x64x128xf32, #tpu.memory_space<vmem>> -> memref<1x64x128xf32, #tpu.memory_space<vmem>>
    %gather3A_3046 = tpu.memref_squeeze %gather3A_3045 : memref<1x64x128xf32, #tpu.memory_space<vmem>> -> memref<64x128xf32, #tpu.memory_space<vmem>>
    %gather3A_3047 = tpu.vector_load_idx %gather3A_3046[%add3A_3041, %broadcast_in_dim3A_2999] : memref<64x128xf32, #tpu.memory_space<vmem>>[vector<16xi32>, vector<16xi32>], vector<16xf32>,
    %swap3A_3048 = arith.constant 30 : i32
    %swap3A_3049 = arith.index_cast %swap3A_3048 : i32 to index
    %swap3A_3050 = arith.constant 48 : index
    %swap3A_3051 = tpu.vector_load %arg9[%swap3A_3049, %swap3A_3050] {strides = array<i32>} : memref<32x64xf32, #tpu.memory_space<vmem>>, vector<16xf32>,
    tpu.vector_store %arg9[%swap3A_3049, %swap3A_3050], %gather3A_3047 {strides = array<i32>} : memref<32x64xf32, #tpu.memory_space<vmem>>, vector<16xf32>,
    %convert_element_type3A_3052 = arith.extui %ge3A_301 : i1 to i32
    %cond3A_3053 = arith.constant 0 : i32
    %cond3A_3054 = arith.cmpi ne, %convert_element_type3A_3052, %cond3A_3053 : i32
    scf.if %cond3A_3054 {
      %add3A_3135 = arith.constant 0 : i32
      %add3A_3136 = vector.broadcast %add3A_3135 : i32 to vector<16xi32>
      %add3A_3137 = arith.addi %iota3A, %add3A_3136 : vector<16xi32>
      %gather3A_3138 = tpu.vector_load_idx %arg8[%add3A_3137, %broadcast_in_dim3A_2999] : memref<64x64xf32, #tpu.memory_space<vmem>>[vector<16xi32>, vector<16xi32>], vector<16xf32>,
      %swap3A_3139 = arith.constant 30 : i32
      %swap3A_3140 = arith.index_cast %swap3A_3139 : i32 to index
      %swap3A_3141 = arith.constant 0 : index
      %swap3A_3142 = tpu.vector_load %arg9[%swap3A_3140, %swap3A_3141] {strides = array<i32>} : memref<32x64xf32, #tpu.memory_space<vmem>>, vector<16xf32>,
      tpu.vector_store %arg9[%swap3A_3140, %swap3A_3141], %gather3A_3138 {strides = array<i32>} : memref<32x64xf32, #tpu.memory_space<vmem>>, vector<16xf32>,
      %add3A_3143 = arith.constant 16 : i32
      %add3A_3144 = vector.broadcast %add3A_3143 : i32 to vector<16xi32>
      %add3A_3145 = arith.addi %iota3A, %add3A_3144 : vector<16xi32>
      %gather3A_3146 = tpu.vector_load_idx %arg8[%add3A_3145, %broadcast_in_dim3A_2999] : memref<64x64xf32, #tpu.memory_space<vmem>>[vector<16xi32>, vector<16xi32>], vector<16xf32>,
      %swap3A_3147 = arith.constant 30 : i32
      %swap3A_3148 = arith.index_cast %swap3A_3147 : i32 to index
      %swap3A_3149 = arith.constant 16 : index
      %swap3A_3150 = tpu.vector_load %arg9[%swap3A_3148, %swap3A_3149] {strides = array<i32>} : memref<32x64xf32, #tpu.memory_space<vmem>>, vector<16xf32>,
      tpu.vector_store %arg9[%swap3A_3148, %swap3A_3149], %gather3A_3146 {strides = array<i32>} : memref<32x64xf32, #tpu.memory_space<vmem>>, vector<16xf32>,
      %add3A_3151 = arith.constant 32 : i32
      %add3A_3152 = vector.broadcast %add3A_3151 : i32 to vector<16xi32>
      %add3A_3153 = arith.addi %iota3A, %add3A_3152 : vector<16xi32>
      %gather3A_3154 = tpu.vector_load_idx %arg8[%add3A_3153, %broadcast_in_dim3A_2999] : memref<64x64xf32, #tpu.memory_space<vmem>>[vector<16xi32>, vector<16xi32>], vector<16xf32>,
      %swap3A_3155 = arith.constant 30 : i32
      %swap3A_3156 = arith.index_cast %swap3A_3155 : i32 to index
      %swap3A_3157 = arith.constant 32 : index
      %swap3A_3158 = tpu.vector_load %arg9[%swap3A_3156, %swap3A_3157] {strides = array<i32>} : memref<32x64xf32, #tpu.memory_space<vmem>>, vector<16xf32>,
      tpu.vector_store %arg9[%swap3A_3156, %swap3A_3157], %gather3A_3154 {strides = array<i32>} : memref<32x64xf32, #tpu.memory_space<vmem>>, vector<16xf32>,
      %add3A_3159 = arith.constant 48 : i32
      %add3A_3160 = vector.broadcast %add3A_3159 : i32 to vector<16xi32>
      %add3A_3161 = arith.addi %iota3A, %add3A_3160 : vector<16xi32>
      %gather3A_3162 = tpu.vector_load_idx %arg8[%add3A_3161, %broadcast_in_dim3A_2999] : memref<64x64xf32, #tpu.memory_space<vmem>>[vector<16xi32>, vector<16xi32>], vector<16xf32>,
      %swap3A_3163 = arith.constant 30 : i32
      %swap3A_3164 = arith.index_cast %swap3A_3163 : i32 to index
      %swap3A_3165 = arith.constant 48 : index
      %swap3A_3166 = tpu.vector_load %arg9[%swap3A_3164, %swap3A_3165] {strides = array<i32>} : memref<32x64xf32, #tpu.memory_space<vmem>>, vector<16xf32>,
      tpu.vector_store %arg9[%swap3A_3164, %swap3A_3165], %gather3A_3162 {strides = array<i32>} : memref<32x64xf32, #tpu.memory_space<vmem>>, vector<16xf32>,
    } else {
    }
    %dma_wait3A_3055 = arith.constant 7 : i32
    %dma_wait3A_3056 = arith.constant 7 : i32
    %dma_wait3A_3057 = arith.constant 0 : i32
    %dma_wait3A_3058 = arith.constant 0 : i32
    %dma_wait3A_3059 = tpu.memref_slice %arg7[%dma_wait3A_3055, %dma_wait3A_3057, %dma_wait3A_3058] : memref<8x64x128xf32, #tpu.memory_space<vmem>> -> memref<1x64x128xf32, #tpu.memory_space<vmem>>
    %dma_wait3A_3060 = tpu.memref_squeeze %dma_wait3A_3059 : memref<1x64x128xf32, #tpu.memory_space<vmem>> -> memref<64x128xf32, #tpu.memory_space<vmem>>
    %dma_wait3A_3061 = arith.constant 0 : i32
    %dma_wait3A_3062 = tpu.memref_slice %arg2[%dma_wait3A_3061, %multiple_of3A_317] : memref<64x1000000xf32, #tpu.memory_space<hbm>> -> memref<64x128xf32, #tpu.memory_space<hbm>>
    %dma_wait3A_3063 = tpu.memref_slice %arg10[%dma_wait3A_3056] : memref<8x!tpu.dma_semaphore, #tpu.memory_space<semaphore_mem>> -> memref<1x!tpu.dma_semaphore, #tpu.memory_space<semaphore_mem>>
    %dma_wait3A_3064 = tpu.memref_squeeze %dma_wait3A_3063 : memref<1x!tpu.dma_semaphore, #tpu.memory_space<semaphore_mem>> -> memref<!tpu.dma_semaphore, #tpu.memory_space<semaphore_mem>>
    %dma_wait3A_3065 = arith.constant 0 : i32
    %dma_wait3A_3066 = arith.constant 0 : i32
    %dma_wait3A_3067 = tpu.memref_slice %arg7[%dma_wait3A_3055, %dma_wait3A_3065, %dma_wait3A_3066] : memref<8x64x128xf32, #tpu.memory_space<vmem>> -> memref<1x64x128xf32, #tpu.memory_space<vmem>>
    %dma_wait3A_3068 = tpu.memref_squeeze %dma_wait3A_3067 : memref<1x64x128xf32, #tpu.memory_space<vmem>> -> memref<64x128xf32, #tpu.memory_space<vmem>>
    %dma_wait3A_3069 = arith.constant 0 : i32
    %dma_wait3A_3070 = tpu.memref_slice %arg2[%dma_wait3A_3069, %multiple_of3A_317] : memref<64x1000000xf32, #tpu.memory_space<hbm>> -> memref<64x128xf32, #tpu.memory_space<hbm>>
    tpu.wait_dma2 semaphore(%dma_wait3A_3064 : memref<!tpu.dma_semaphore, #tpu.memory_space<semaphore_mem>>) src(%dma_wait3A_3070 : memref<64x128xf32, #tpu.memory_space<hbm>>) dst(%dma_wait3A_3068 : memref<64x128xf32, #tpu.memory_space<vmem>>)
    %broadcast_in_dim3A_3071 = vector.broadcast %rem3A_313 : i32 to vector<16xi32>
    %add3A_3072 = arith.constant 0 : i32
    %add3A_3073 = vector.broadcast %add3A_3072 : i32 to vector<16xi32>
    %add3A_3074 = arith.addi %iota3A, %add3A_3073 : vector<16xi32>
    %gather3A_3075 = arith.constant 7 : i32
    %gather3A_3076 = arith.constant 0 : i32
    %gather3A_3077 = arith.constant 0 : i32
    %gather3A_3078 = tpu.memref_slice %arg7[%gather3A_3075, %gather3A_3076, %gather3A_3077] : memref<8x64x128xf32, #tpu.memory_space<vmem>> -> memref<1x64x128xf32, #tpu.memory_space<vmem>>
    %gather3A_3079 = tpu.memref_squeeze %gather3A_3078 : memref<1x64x128xf32, #tpu.memory_space<vmem>> -> memref<64x128xf32, #tpu.memory_space<vmem>>
    %gather3A_3080 = tpu.vector_load_idx %gather3A_3079[%add3A_3074, %broadcast_in_dim3A_3071] : memref<64x128xf32, #tpu.memory_space<vmem>>[vector<16xi32>, vector<16xi32>], vector<16xf32>,
    %swap3A_3081 = arith.constant 31 : i32
    %swap3A_3082 = arith.index_cast %swap3A_3081 : i32 to index
    %swap3A_3083 = arith.constant 0 : index
    %swap3A_3084 = tpu.vector_load %arg9[%swap3A_3082, %swap3A_3083] {strides = array<i32>} : memref<32x64xf32, #tpu.memory_space<vmem>>, vector<16xf32>,
    tpu.vector_store %arg9[%swap3A_3082, %swap3A_3083], %gather3A_3080 {strides = array<i32>} : memref<32x64xf32, #tpu.memory_space<vmem>>, vector<16xf32>,
    %add3A_3085 = arith.constant 16 : i32
    %add3A_3086 = vector.broadcast %add3A_3085 : i32 to vector<16xi32>
    %add3A_3087 = arith.addi %iota3A, %add3A_3086 : vector<16xi32>
    %gather3A_3088 = arith.constant 7 : i32
    %gather3A_3089 = arith.constant 0 : i32
    %gather3A_3090 = arith.constant 0 : i32
    %gather3A_3091 = tpu.memref_slice %arg7[%gather3A_3088, %gather3A_3089, %gather3A_3090] : memref<8x64x128xf32, #tpu.memory_space<vmem>> -> memref<1x64x128xf32, #tpu.memory_space<vmem>>
    %gather3A_3092 = tpu.memref_squeeze %gather3A_3091 : memref<1x64x128xf32, #tpu.memory_space<vmem>> -> memref<64x128xf32, #tpu.memory_space<vmem>>
    %gather3A_3093 = tpu.vector_load_idx %gather3A_3092[%add3A_3087, %broadcast_in_dim3A_3071] : memref<64x128xf32, #tpu.memory_space<vmem>>[vector<16xi32>, vector<16xi32>], vector<16xf32>,
    %swap3A_3094 = arith.constant 31 : i32
    %swap3A_3095 = arith.index_cast %swap3A_3094 : i32 to index
    %swap3A_3096 = arith.constant 16 : index
    %swap3A_3097 = tpu.vector_load %arg9[%swap3A_3095, %swap3A_3096] {strides = array<i32>} : memref<32x64xf32, #tpu.memory_space<vmem>>, vector<16xf32>,
    tpu.vector_store %arg9[%swap3A_3095, %swap3A_3096], %gather3A_3093 {strides = array<i32>} : memref<32x64xf32, #tpu.memory_space<vmem>>, vector<16xf32>,
    %add3A_3098 = arith.constant 32 : i32
    %add3A_3099 = vector.broadcast %add3A_3098 : i32 to vector<16xi32>
    %add3A_3100 = arith.addi %iota3A, %add3A_3099 : vector<16xi32>
    %gather3A_3101 = arith.constant 7 : i32
    %gather3A_3102 = arith.constant 0 : i32
    %gather3A_3103 = arith.constant 0 : i32
    %gather3A_3104 = tpu.memref_slice %arg7[%gather3A_3101, %gather3A_3102, %gather3A_3103] : memref<8x64x128xf32, #tpu.memory_space<vmem>> -> memref<1x64x128xf32, #tpu.memory_space<vmem>>
    %gather3A_3105 = tpu.memref_squeeze %gather3A_3104 : memref<1x64x128xf32, #tpu.memory_space<vmem>> -> memref<64x128xf32, #tpu.memory_space<vmem>>
    %gather3A_3106 = tpu.vector_load_idx %gather3A_3105[%add3A_3100, %broadcast_in_dim3A_3071] : memref<64x128xf32, #tpu.memory_space<vmem>>[vector<16xi32>, vector<16xi32>], vector<16xf32>,
    %swap3A_3107 = arith.constant 31 : i32
    %swap3A_3108 = arith.index_cast %swap3A_3107 : i32 to index
    %swap3A_3109 = arith.constant 32 : index
    %swap3A_3110 = tpu.vector_load %arg9[%swap3A_3108, %swap3A_3109] {strides = array<i32>} : memref<32x64xf32, #tpu.memory_space<vmem>>, vector<16xf32>,
    tpu.vector_store %arg9[%swap3A_3108, %swap3A_3109], %gather3A_3106 {strides = array<i32>} : memref<32x64xf32, #tpu.memory_space<vmem>>, vector<16xf32>,
    %add3A_3111 = arith.constant 48 : i32
    %add3A_3112 = vector.broadcast %add3A_3111 : i32 to vector<16xi32>
    %add3A_3113 = arith.addi %iota3A, %add3A_3112 : vector<16xi32>
    %gather3A_3114 = arith.constant 7 : i32
    %gather3A_3115 = arith.constant 0 : i32
    %gather3A_3116 = arith.constant 0 : i32
    %gather3A_3117 = tpu.memref_slice %arg7[%gather3A_3114, %gather3A_3115, %gather3A_3116] : memref<8x64x128xf32, #tpu.memory_space<vmem>> -> memref<1x64x128xf32, #tpu.memory_space<vmem>>
    %gather3A_3118 = tpu.memref_squeeze %gather3A_3117 : memref<1x64x128xf32, #tpu.memory_space<vmem>> -> memref<64x128xf32, #tpu.memory_space<vmem>>
    %gather3A_3119 = tpu.vector_load_idx %gather3A_3118[%add3A_3113, %broadcast_in_dim3A_3071] : memref<64x128xf32, #tpu.memory_space<vmem>>[vector<16xi32>, vector<16xi32>], vector<16xf32>,
    %swap3A_3120 = arith.constant 31 : i32
    %swap3A_3121 = arith.index_cast %swap3A_3120 : i32 to index
    %swap3A_3122 = arith.constant 48 : index
    %swap3A_3123 = tpu.vector_load %arg9[%swap3A_3121, %swap3A_3122] {strides = array<i32>} : memref<32x64xf32, #tpu.memory_space<vmem>>, vector<16xf32>,
    tpu.vector_store %arg9[%swap3A_3121, %swap3A_3122], %gather3A_3119 {strides = array<i32>} : memref<32x64xf32, #tpu.memory_space<vmem>>, vector<16xf32>,
    %convert_element_type3A_3124 = arith.extui %ge3A_311 : i1 to i32
    %cond3A_3125 = arith.constant 0 : i32
    %cond3A_3126 = arith.cmpi ne, %convert_element_type3A_3124, %cond3A_3125 : i32
    scf.if %cond3A_3126 {
      %add3A_3135 = arith.constant 0 : i32
      %add3A_3136 = vector.broadcast %add3A_3135 : i32 to vector<16xi32>
      %add3A_3137 = arith.addi %iota3A, %add3A_3136 : vector<16xi32>
      %gather3A_3138 = tpu.vector_load_idx %arg8[%add3A_3137, %broadcast_in_dim3A_3071] : memref<64x64xf32, #tpu.memory_space<vmem>>[vector<16xi32>, vector<16xi32>], vector<16xf32>,
      %swap3A_3139 = arith.constant 31 : i32
      %swap3A_3140 = arith.index_cast %swap3A_3139 : i32 to index
      %swap3A_3141 = arith.constant 0 : index
      %swap3A_3142 = tpu.vector_load %arg9[%swap3A_3140, %swap3A_3141] {strides = array<i32>} : memref<32x64xf32, #tpu.memory_space<vmem>>, vector<16xf32>,
      tpu.vector_store %arg9[%swap3A_3140, %swap3A_3141], %gather3A_3138 {strides = array<i32>} : memref<32x64xf32, #tpu.memory_space<vmem>>, vector<16xf32>,
      %add3A_3143 = arith.constant 16 : i32
      %add3A_3144 = vector.broadcast %add3A_3143 : i32 to vector<16xi32>
      %add3A_3145 = arith.addi %iota3A, %add3A_3144 : vector<16xi32>
      %gather3A_3146 = tpu.vector_load_idx %arg8[%add3A_3145, %broadcast_in_dim3A_3071] : memref<64x64xf32, #tpu.memory_space<vmem>>[vector<16xi32>, vector<16xi32>], vector<16xf32>,
      %swap3A_3147 = arith.constant 31 : i32
      %swap3A_3148 = arith.index_cast %swap3A_3147 : i32 to index
      %swap3A_3149 = arith.constant 16 : index
      %swap3A_3150 = tpu.vector_load %arg9[%swap3A_3148, %swap3A_3149] {strides = array<i32>} : memref<32x64xf32, #tpu.memory_space<vmem>>, vector<16xf32>,
      tpu.vector_store %arg9[%swap3A_3148, %swap3A_3149], %gather3A_3146 {strides = array<i32>} : memref<32x64xf32, #tpu.memory_space<vmem>>, vector<16xf32>,
      %add3A_3151 = arith.constant 32 : i32
      %add3A_3152 = vector.broadcast %add3A_3151 : i32 to vector<16xi32>
      %add3A_3153 = arith.addi %iota3A, %add3A_3152 : vector<16xi32>
      %gather3A_3154 = tpu.vector_load_idx %arg8[%add3A_3153, %broadcast_in_dim3A_3071] : memref<64x64xf32, #tpu.memory_space<vmem>>[vector<16xi32>, vector<16xi32>], vector<16xf32>,
      %swap3A_3155 = arith.constant 31 : i32
      %swap3A_3156 = arith.index_cast %swap3A_3155 : i32 to index
      %swap3A_3157 = arith.constant 32 : index
      %swap3A_3158 = tpu.vector_load %arg9[%swap3A_3156, %swap3A_3157] {strides = array<i32>} : memref<32x64xf32, #tpu.memory_space<vmem>>, vector<16xf32>,
      tpu.vector_store %arg9[%swap3A_3156, %swap3A_3157], %gather3A_3154 {strides = array<i32>} : memref<32x64xf32, #tpu.memory_space<vmem>>, vector<16xf32>,
      %add3A_3159 = arith.constant 48 : i32
      %add3A_3160 = vector.broadcast %add3A_3159 : i32 to vector<16xi32>
      %add3A_3161 = arith.addi %iota3A, %add3A_3160 : vector<16xi32>
      %gather3A_3162 = tpu.vector_load_idx %arg8[%add3A_3161, %broadcast_in_dim3A_3071] : memref<64x64xf32, #tpu.memory_space<vmem>>[vector<16xi32>, vector<16xi32>], vector<16xf32>,
      %swap3A_3163 = arith.constant 31 : i32
      %swap3A_3164 = arith.index_cast %swap3A_3163 : i32 to index
      %swap3A_3165 = arith.constant 48 : index
      %swap3A_3166 = tpu.vector_load %arg9[%swap3A_3164, %swap3A_3165] {strides = array<i32>} : memref<32x64xf32, #tpu.memory_space<vmem>>, vector<16xf32>,
      tpu.vector_store %arg9[%swap3A_3164, %swap3A_3165], %gather3A_3162 {strides = array<i32>} : memref<32x64xf32, #tpu.memory_space<vmem>>, vector<16xf32>,
    } else {
    }
    %dma_start3A_3127 = arith.constant 0 : i32
    %dma_start3A_3128 = tpu.memref_slice %arg5[%mul3A_2, %dma_start3A_3127] : memref<1024x64xf32, #tpu.memory_space<hbm>> -> memref<32x64xf32, #tpu.memory_space<hbm>>
    %dma_start3A_3129 = arith.constant 0 : i32
    %dma_start3A_3130 = tpu.memref_slice %arg5[%mul3A_2, %dma_start3A_3129] : memref<1024x64xf32, #tpu.memory_space<hbm>> -> memref<32x64xf32, #tpu.memory_space<hbm>>
    tpu.enqueue_dma source(%arg9 : memref<32x64xf32, #tpu.memory_space<vmem>>) target(%dma_start3A_3130 : memref<32x64xf32, #tpu.memory_space<hbm>>) target_semaphore(%arg11 : memref<!tpu.dma_semaphore, #tpu.memory_space<semaphore_mem>>)
    %dma_wait3A_3131 = arith.constant 0 : i32
    %dma_wait3A_3132 = tpu.memref_slice %arg5[%mul3A_2, %dma_wait3A_3131] : memref<1024x64xf32, #tpu.memory_space<hbm>> -> memref<32x64xf32, #tpu.memory_space<hbm>>
    %dma_wait3A_3133 = arith.constant 0 : i32
    %dma_wait3A_3134 = tpu.memref_slice %arg5[%mul3A_2, %dma_wait3A_3133] : memref<1024x64xf32, #tpu.memory_space<hbm>> -> memref<32x64xf32, #tpu.memory_space<hbm>>
    tpu.wait_dma2 semaphore(%arg11 : memref<!tpu.dma_semaphore, #tpu.memory_space<semaphore_mem>>) src(%arg9 : memref<32x64xf32, #tpu.memory_space<vmem>>) dst(%dma_wait3A_3134 : memref<32x64xf32, #tpu.memory_space<hbm>>)
    return
  }
}

module attributes {stable_mosaic.version = 14 : i64} {
  func.func @body(%arg0: i32, %arg1: memref<1024x64xf32, #tpu.memory_space<vmem>>, %arg2: memref<64x3072xf32, #tpu.memory_space<vmem>>, %arg3: memref<3072x1024xf32, #tpu.memory_space<vmem>>) attributes {dimension_semantics = [#tpu.dimension_semantics<arbitrary>], iteration_bounds = array<i64: 33>, scalar_prefetch = 0 : i64, scratch_operands = 0 : i64, tpu.core_type = #tpu.core_type<tc>, window_params = [{pipeline_mode = #tpu.pipeline_mode<synchronous>, transform_indices = @transform_0, window_bounds = array<i64: 1024, 64>}, {transform_indices = @transform_1, window_bounds = array<i64: 64, 3072>}, {transform_indices = @transform_2, window_bounds = array<i64: 3072, 1024>}]} {
    %get3A = arith.constant 0 : index
    %get3A_0 = arith.constant 0 : index
    %get3A_1 = vector.load %arg2[%get3A, %get3A_0] : memref<64x3072xf32, #tpu.memory_space<vmem>>, vector<64x3072xf32>
    %get3A_2 = arith.constant 0 : index
    %get3A_3 = arith.constant 0 : index
    %get3A_4 = vector.load %arg1[%get3A_2, %get3A_3] : memref<1024x64xf32, #tpu.memory_space<vmem>>, vector<1024x64xf32>
    %dot_general3A = arith.constant dense<0.000000e+00> : vector<3072x1024xf32>
    %dot_general3A_5 = tpu.matmul %get3A_1, %get3A_4, %dot_general3A {dimension_numbers = #tpu.dot_dimension_numbers<[0], [1], [1], [0], [0, 1, 1, 0], [], []>, transpose_lhs_hint = false} : vector<64x3072xf32>, vector<1024x64xf32>, vector<3072x1024xf32> -> vector<3072x1024xf32>
    %mul3A = arith.constant 5.000000e-01 : f32
    %mul3A_6 = vector.broadcast %mul3A : f32 to vector<3072x1024xf32>
    %mul3A_7 = arith.mulf %mul3A_6, %dot_general3A_5 : vector<3072x1024xf32>
    %tanh3A = math.tanh %mul3A_7 : vector<3072x1024xf32>
    %mul3A_8 = arith.constant 5.000000e-01 : f32
    %mul3A_9 = vector.broadcast %mul3A_8 : f32 to vector<3072x1024xf32>
    %mul3A_10 = arith.mulf %mul3A_9, %tanh3A : vector<3072x1024xf32>
    %add3A = arith.constant 5.000000e-01 : f32
    %add3A_11 = vector.broadcast %add3A : f32 to vector<3072x1024xf32>
    %add3A_12 = arith.addf %mul3A_10, %add3A_11 : vector<3072x1024xf32>
    %swap3A = arith.constant 0 : index
    %swap3A_13 = arith.constant 0 : index
    %swap3A_14 = vector.load %arg3[%swap3A, %swap3A_13] : memref<3072x1024xf32, #tpu.memory_space<vmem>>, vector<3072x1024xf32>
    tpu.vector_store %arg3[%swap3A, %swap3A_13], %add3A_12 {strides = array<i32>} : memref<3072x1024xf32, #tpu.memory_space<vmem>>, vector<3072x1024xf32>,
    return
  }
  func.func @transform_0(%arg0: i32) -> (i32, i32) {
    %c0_i32 = arith.constant 0 : i32
    %c0_i32_0 = arith.constant 0 : i32
    %c0_i32_1 = arith.constant 0 : i32
    return %c0_i32, %c0_i32_0 : i32, i32
  }
  func.func @transform_1(%arg0: i32) -> (i32, i32) {
    %c0_i32 = arith.constant 0 : i32
    %c0_i32_0 = arith.constant 0 : i32
    return %c0_i32, %arg0 : i32, i32
  }
  func.func @transform_2(%arg0: i32) -> (i32, i32) {
    %c0_i32 = arith.constant 0 : i32
    %c0_i32_0 = arith.constant 0 : i32
    return %arg0, %c0_i32 : i32, i32
  }
}

</mosaic_0001>

<sc_bundles>
// kernel: kernel.4.cloned.1.call-start
scs
__scs_entry_jumppad:
0x0: {  	(pc) =	sbr.rel $0x88, $3  }
0x1: {  	(tag) =	ssettag $0x0;
	lr =	simm.s32 $0x1  }
0x2: {  	[smem:$0x3F9E] =	sst lr;
	_ =	strace $0xD0000000  }
0x3: {  	_ = 	snop  }
0x4: {  	_ = 	snop  }
0x5: {  	_ = 	snop  }
0x6: {  	_ = 	snop  }
0x7: {  	_ = 	snop  }
__scs_overlays_trampoline_lowered:
0x8: {  	[smem:$0x3FAD] =	sst s0  }
0x9: {  	[smem:$0x3FAE] =	sst s1  }
0xa: {  	[smem:$0x3FAF] =	sst s2  }
0xb: {  	[smem:$0x3FB0] =	sst s3  }
0xc: {  	[smem:$0x3FB1] =	sst s4  }
0xd: {  	[smem:$0x3FB2] =	sst s5  }
0xe: {  	[smem:$0x3FB3] =	sst s6  }
0xf: {  	[smem:$0x3FB4] =	sst s7  }
0x10: {  	[smem:$0x3FB5] =	sst s8  }
0x11: {  	[smem:$0x3FB6] =	sst s9;
	s0 =	simm.s32 @!p0 $0x0  }
0x12: {  	s1 =	sld [smem:$0x3F9C];
	s0 =	simm.s32 @p0 $0x1  }
0x13: {  	[smem:$0x3FB7] =	sst s0;
	s0 =	simm.s32 @!p1 $0x0  }
0x14: {  	s2 =	sld [smem:$0x3F9B];
	s0 =	simm.s32 @p1 $0x1  }
0x15: {  	[smem:$0x3FB8] =	sst s0;
	s0 =	simm.s32 @!p2 $0x0  }
0x16: {  	s3 =	sld [smem:$0x3FDB];
	s0 =	simm.s32 @p2 $0x1  }
0x17: {  	s4 =	simm.s32 $0x1BF5;
	[smem:$0x3FBA] =	sst s0  }
0x18: {  	s0 =	sld [smem:$0x3F9D];
	_ =	swait.ge [sflag:s4], $0x0  }
0x19: {  	s7 =	sld [smem:$0x3F9E]  }
0x1a: {  	s8 =	sadd.s32 $0xFFFFE003, lr  }
0x1b: {  	s9 =	sadd.s32 $0xFFFFFEF7, lr;
	s5 =	simm.s32 $0xFFFFFFFF;
	p2 =	slt.u32 s8, $0xFFFFF086  }
0x1c: {  	p1 =	slt.u32 s9, $0xF7A;
	s5 =	simm.s32 @!p2 $0x0  }
0x1d: {  	s5 =	simm.s32 @p1 $0x1;
	p0 =	seq.s32 s7, s2  }
0x1e: {  	s7 =	smul.u32 @!p0 $0xF7A, s2;
	p2 =	seq.s32 @!p0 s5, $0x0  }
0x1f: {  	s9 =	smul.u32 $0xF7A, s1;
	s8 =	simm.s32 @!p0 $0x1BF5;
	p2 =	por !p2, p0  }
0x20: {  	[sflag:s8] =	ssyncset.s32 @!p0 $0xFFFFF086;
	s6 =	sadd.s32 @!p0 s3, s7;
	s7 =	simm.s32 @!p0 $0x108  }
0x21: {  	s3 =	sadd.s32 s3, s9;
	s6 =	sadd.s32 @!p0 $0x88, s6;
	s7 =	simm.s32 @p2 $0x1082  }
0x22: {  	[simem:s7], [sflag:s8] =	dma.local @!p0 [hbm:s6], $0xF7A  }
0x23: {  	s9 =	sor.u32 $0xD0000000, s2;
	s6 =	simm.s32 $0x108;
	_ =	swait.ge @!p0 [sflag:s8], $0x0  }
0x24: {  	s3 =	sadd.s32 $0x88, s3;
	s6 =	simm.s32 @!p1 $0x1082;
	[sflag:s4] =	ssyncset.s32 $0xFFFFF086  }
0x25: {  	[simem:s6], [sflag:s4] =	dma.local [hbm:s3], $0xF7A  }
0x26: {  	[smem:$0x3F9E] =	sst s1;
	(tag) =	ssettag s2;
	_ =	strace s9  }
0x27: {  	s1 =	sld [smem:$0x3FAE]  }
0x28: {  	s2 =	sld [smem:$0x3FAF]  }
0x29: {  	s4 =	sld [smem:$0x3FB1]  }
0x2a: {  	p0 =	seq.s32 s5, $0x0;
	s5 =	sld [smem:$0x3FB2]  }
0x2b: {  	s6 =	sld [smem:$0x3FB3]  }
0x2c: {  	s7 =	sld [smem:$0x3FB4]  }
0x2d: {  	s3 =	simm.s32 $0x108;
	s8 =	sld [smem:$0x3FB5]  }
0x2e: {  	s3 =	simm.s32 @!p0 $0x1082;
	s9 =	sld [smem:$0x3FB6]  }
0x2f: {  	lr =	sadd.s32 s0, s3;
	s0 =	sld [smem:$0x3FAD]  }
0x30: {  	s3 =	sld [smem:$0x3FB0]  }
0x31: {  	[smem:$0x3FB9] =	sst s10  }
0x32: {  	s10 =	sld [smem:$0x3FB7];
	_ =	sdelay $0x3  }
0x33: {  	p0 =	seq.s32 s10, $0x1;
	s10 =	sld [smem:$0x3FB9];
	_ =	sdelay $0x3  }
0x34: {  	[smem:$0x3FB9] =	sst s10  }
0x35: {  	s10 =	sld [smem:$0x3FB8];
	_ =	sdelay $0x3  }
0x36: {  	p1 =	seq.s32 s10, $0x1;
	s10 =	sld [smem:$0x3FB9];
	_ =	sdelay $0x3  }
0x37: {  	[smem:$0x3FB9] =	sst s10  }
0x38: {  	s10 =	sld [smem:$0x3FBA]  }
0x39: {  	_ = 	snop;
	(pc) =	sbr.ind lr, $3  }
0x3a: {  	_ = 	snop  }
0x3b: {  	_ = 	snop  }
0x3c: {  	p2 =	seq.s32 s10, $0x1;
	s10 =	sld [smem:$0x3FB9]  }
0x3d: {  	_ =	shalt  }
0x3e: {  	_ =	shalt  }
0x3f: {  	_ =	shalt  }
0x40: {  	_ =	shalt  }
0x41: {  	_ =	shalt  }
0x42: {  	_ =	shalt  }
0x43: {  	_ =	shalt  }
0x44: {  	_ =	shalt  }
0x45: {  	_ =	shalt  }
0x46: {  	_ =	shalt  }
0x47: {  	_ =	shalt  }
0x48: {  	_ =	shalt  }
0x49: {  	_ =	shalt  }
0x4a: {  	_ =	shalt  }
0x4b: {  	_ =	shalt  }
0x4c: {  	_ =	shalt  }
0x4d: {  	_ =	shalt  }
0x4e: {  	_ =	shalt  }
0x4f: {  	_ =	shalt  }
0x50: {  	_ =	shalt  }
0x51: {  	_ =	shalt  }
0x52: {  	_ =	shalt  }
0x53: {  	_ =	shalt  }
0x54: {  	_ =	shalt  }
0x55: {  	_ =	shalt  }
0x56: {  	_ =	shalt  }
0x57: {  	_ =	shalt  }
0x58: {  	_ =	shalt  }
0x59: {  	_ =	shalt  }
0x5a: {  	_ =	shalt  }
0x5b: {  	_ =	shalt  }
0x5c: {  	_ =	shalt  }
0x5d: {  	_ =	shalt  }
0x5e: {  	_ =	shalt  }
0x5f: {  	_ =	shalt  }
0x60: {  	_ =	shalt  }
0x61: {  	_ =	shalt  }
0x62: {  	_ =	shalt  }
0x63: {  	_ =	shalt  }
0x64: {  	_ =	shalt  }
0x65: {  	_ =	shalt  }
0x66: {  	_ =	shalt  }
0x67: {  	_ =	shalt  }
0x68: {  	_ =	shalt  }
0x69: {  	_ =	shalt  }
0x6a: {  	_ =	shalt  }
0x6b: {  	_ =	shalt  }
0x6c: {  	_ =	shalt  }
0x6d: {  	_ =	shalt  }
0x6e: {  	_ =	shalt  }
0x6f: {  	_ =	shalt  }
0x70: {  	_ =	shalt  }
0x71: {  	_ =	shalt  }
0x72: {  	_ =	shalt  }
0x73: {  	_ =	shalt  }
0x74: {  	_ =	shalt  }
0x75: {  	_ =	shalt  }
0x76: {  	_ =	shalt  }
0x77: {  	_ =	shalt  }
0x78: {  	_ =	shalt  }
0x79: {  	_ =	shalt  }
0x7a: {  	_ =	shalt  }
0x7b: {  	_ =	shalt  }
0x7c: {  	_ =	shalt  }
0x7d: {  	_ =	shalt  }
0x7e: {  	_ =	shalt  }
0x7f: {  	_ =	shalt  }
0x80: {  	_ =	shalt  }
0x81: {  	_ =	shalt  }
0x82: {  	_ =	shalt  }
0x83: {  	_ =	shalt  }
0x84: {  	_ =	shalt  }
0x85: {  	_ =	shalt  }
0x86: {  	_ =	shalt  }
0x87: {  	_ =	shalt  }
.Lfunc_end0:
.L_simem_size_0:
called_computation_lowered:
.L_overlay_start_0:
0x88: {  	s2 =	sld [smem:$0x3FD9]  }
0x89: {  	s3 =	sld [smem:$0x3FFE];
	_ =	sdelay $0x1  }
0x8a: {  	s1 =	srdreg.scid  }
0x8b: {  	s0 =	sand.u32 $0x1, s1  }
0x8c: {  	s17 =	sshll.u32 s0, $0xA;
	s2 =	sadd.s32 s3, s2  }
0x8d: {  	s2 =	sadd.s32 s2, s17  }
0x8e: {  	[smem:$0x3FC5] =	sst s2  }
0x8f: {  	_ = 	snop  }
0x90: {  	s2 =	sld [smem:$0x3FC9]  }
0x91: {  	s18 =	sld [smem:$0x3FC8]  }
0x92: {  	s4 =	sld [smem:$0x3FD0];
	(tm) =	ssettm $0x1  }
0x93: {  	s5 =	sld [smem:$0x3FFB];
	_ =	sdelay $0x3  }
0x94: {  	_ =	strace s5  }
0x95: {  	s5 =	sld [smem:$0x3FFC];
	_ =	sdelay $0x3  }
0x96: {  	_ =	strace s5  }
0x97: {  	s5 =	sld [smem:$0x3FFD];
	_ =	sdelay $0x3  }
0x98: {  	_ =	strace s5  }
0x99: {  	_ =	strace $0x8FFFFFFF  }
0x9a: {  	s19 =	sld [smem:$0x3FDB];
	_ =	sdelay $0x1  }
0x9b: {  	s6 =	simm.s32 $_scs_section_size  }
0x9c: {  	s7 =	simm.s32 $_size__tile_overlayer_lowered;
	s8 =	simm.s32 $_tile_overlayer_lowered  }
0x9d: {  	s22 =	simm.s32 $0x1BFF;
	s21 =	sshll.u32 s8, $0x1;
	s5 =	sadd.s32 s6, s19  }
0x9e: {  	s9 =	simm.s32 $0x0;
	s20 =	sshll.u32 s7, $0x1;
	s7 =	sadd.s32 s21, s5  }
0x9f: {  	[timem:s9], [sflag:s22] =	dma.local [hbm:s7], s20  }
0xa0: {  	_ =	swait.ge [sflag:s22], s20  }
0xa1: {  	s6 =	ssub.s32 $0x0, s20;
	[sflag:s22] =	ssyncset.done $0x0  }
0xa2: {  	[sflag:s22] =	ssyncadd.s32 s6;
	_ =	sdelay $0x1  }
0xa3: {  	s23 =	simm.s32 $0x1B8B  }
0xa4: {  	_ =	swait.ge [sflag:s23], $0x1  }
0xa5: {  	[sflag:s23] =	ssyncset.done $0x0  }
0xa6: {  	s25 =	simm.s32 $0x1B8E;
	s24 =	sld [smem:$0x3FFE];
	[sflag:s23] =	ssyncadd.s32 $0xFFFFFFFF  }
0xa7: {  	s26 =	simm.s32 $execute0_lowered;
	[smem:$0x3FD2] =	sst s25  }
0xa8: {  	s7 =	sshll.u32 s26, $0x1;
	_ =	strace $0x80000046;
	[dreg:$0x1] =	wrdreg $0xFFFFFFFF  }
0xa9: {  	s28 =	simm.s32 $_size_execute0_lowered;
	s5 =	sadd.s32 s5, s7;
	[dreg:$0x0] =	wrdreg $0x0  }
0xaa: {  	s7 =	sshll.u32 s28, $0x1;
	[dreg:$0x2] =	wrdreg s5  }
0xab: {  	[dreg:$0x3] =	wrdreg s7  }
0xac: {  	[dreg:$0x4] =	wrdreg $0xC0  }
0xad: {  	_ =	task [dreg:s9], $0x5FFFF  }
0xae: {  	[dreg:$0x1] =	wrdreg $0xFFFFFFFF  }
0xaf: {  	[dreg:$0x0] =	wrdreg $0x60  }
0xb0: {  	[dreg:$0x2] =	wrdreg s18  }
0xb1: {  	[dreg:$0x3] =	wrdreg s24  }
0xb2: {  	[dreg:$0x4] =	wrdreg s2  }
0xb3: {  	[dreg:$0x5] =	wrdreg s4  }
0xb4: {  	[dreg:$0x6] =	wrdreg $0x9  }
0xb5: {  	_ =	task.clear_ibuf [dreg:s9], $0x7FFFF;
	_ =	strace $0x90000046  }
0xb6: {  	s29 =	simm.s32 $0x9;
	_ =	strace $0x80000048  }
0xb7: {  	_ =	swait.ge [sflag:s29], $0x1  }
0xb8: {  	[sflag:s29] =	ssyncadd.s32 $0xFFFFFFFF  }
0xb9: {  	_ =	strace $0x90000048  }
0xba: {  	_ =	sfence  }
0xbb: {  	s30 =	sld [smem:$0x0];
	_ =	sdelay $0x2  }
0xbc: {  	s31 =	sshll.u32 s1, $0xD;
	s1 =	sshrl.u32 s1, $0x2  }
0xbd: {  	s3 =	sand.u32 $0x4000, s31;
	s1 =	sadd.s32 s1, s30  }
0xbe: {  	s0 =	sor.u32 s3, s0;
	s1 =	sshll.u32 s1, $0x11  }
0xbf: {  	s0 =	sor.u32 s1, s0  }
0xc0: {  	s0 =	sadd.s32 $0x8F2B, s0  }
0xc1: {  	[sflag:s0] =	ssyncadd.remote.s32 $0x1  }
0xc2: {  	_ =	sfence.sel $0xFFFF  }
0xc3: {  	[dreg:$0x0] =	wrdreg $0xFFFFFFFF;
	(pc) =	sbr.abs _section_cstart, $3  }
0xc4: {  	[dreg:$0x1] =	wrdreg $0xFFFFFFFF  }
0xc5: {  	_ =	task.clear_ibuf [dreg:s9], $0x2FFFF;
	_ =	strace $0x9FFFFFFF  }
0xc6: {  	(tm) =	ssettm $0x7FFFFFFF  }
0xc7: {  	_ =	shalt  }
tec
execute0_lowered:
.L_overlay_start_1:
0x0: {  	(tag) =	ssettag $0x1  }
0x1: {  	s1 =	rddreg [dreg:$0x0]  }
0x2: {  	s0 =	rddreg [dreg:$0x1]  }
0x3: {  	s2 =	rddreg [dreg:$0x2]  }
0x4: {  	s3 =	rddreg [dreg:$0x3];
	s4 =	srdreg.scid  }
0x5: {  	s6 =	simm.s32 $0x0;
	s5 =	stileid.u32;
	s30 =	simm.s32 $0x10080  }
0x6: {  	s7 =	simm.s32 $0x7A1400;
	s31 =	simm.s32 $0x12080;
	s4 =	sand.u32 $0x1, s4  }
0x7: {  	[smem:$0x7FF] =	sst s6;
	s5 =	sshll.u32 s5, $0x6;
	s0 =	sadd.s32 $0x600, s0  }
0x8: {  	s23 =	sshll.u32 s4, $0x5;
	_ =	strace $0x80000047;
	[dreg:$0x5] =	wrdreg s0  }
0x9: {  	s19 =	simm.s32 $0x80;
	[dreg:$0x8] =	wrdreg s30;
	s5 =	sor.u32 s23, s5  }
0xa: {  	v0 =	vlaneseq.u32;
	s4 =	ssub.s32 $0x2, s4;
	[dreg:$0x9] =	wrdreg s31;
	s24 =	sshrl.u32 s5, $0x3  }
0xb: {  	v0 =	vmul.u32 $0x80, v0;
	s26 =	sshrl.u32 s4, $0x1;
	s25 =	sshll.u32 s5, $0x4;
	s0 =	sadd.s32 s2, s24  }
0xc: {  	s29 =	ssub.s32 s4, s26;
	s28 =	sadd.s32 s3, s25;
	[dreg:$0x6] =	wrdreg s0  }
0xd: {  	s6 =	simm.s32 $0x400;
	v1 =	vor.u32 $0x800, v0;
	v2 =	vor.u32 $0x1000, v0;
	v3 =	vor.u32 $0x1800, v0;
	s2 =	smax.u32 s29, $0x1;
	[dreg:$0x7] =	wrdreg s28  }
.LBB2_1:
0xe: {  	[dreg:$0xa] =	wrdreg s2  }
0xf: {  	s0 =	rddreg [dreg:$0x6];
	s4 =	simm.s32 $0x0;
	s3 =	simm.s32 $0xA  }
0x10: {  	[tilespmem:s4], [sflag:$0xA] =	stream.linear.gather [hbm4b:s0+s4], $0x20, $0x38;
	[tilespmem:$0x13080] =	vst v63  }
0x11: {  	_ =	swait.ge [sflag:s3], $0x20  }
0x12: {  	s14 =	rddreg [dreg:$0x5];
	[sflag:s3] =	ssyncset.done $0x0  }
0x13: {  	s15 =	rddreg [dreg:$0x8];
	[sflag:s3] =	ssyncadd.s32 $0xFFFFFFE0  }
0x14: {  	[tilespmem:s15], [sflag:$0xA] =	stream.linear.gather [hbm4b:s14+s4], $0x2000, $0x38;
	[tilespmem:$0x13080] =	vst v63  }
0x15: {  	_ =	swait.ge [sflag:s3], $0x2000  }
0x16: {  	[sflag:s3] =	ssyncset.done $0x0  }
0x17: {  	[sflag:s3] =	ssyncadd.s32 $0xFFFFE000  }
0x18: {  	v4 =	vld [tilespmem:$0x0];
	_ =	sdelay $0x4  }
0x19: {  	(v2sf) =	vpush v4, $0x0;
	_ =	sdelay $0x1  }
0x1a: {  	(v2sf) =	vpush v4, $0x1  }
0x1b: {  	(v2sf) =	vpush v4, $0x2  }
0x1c: {  	(v2sf) =	vpush v4, $0x3;
	_ =	sdelay $0x7  }
0x1d: {  	(v2sf) =	vpush v4, $0x4;
	_ =	sdelay $0x2  }
0x1e: {  	s3 =	spop (v2sf)  }
0x1f: {  	s22 =	simm.s32 $0x2080;
	s26 =	simm.s32 $0x4080;
	(v2sf) =	vpush v4, $0x5;
	s16 =	sshra.s32 s3, $0x1F  }
0x20: {  	s24 =	spop (v2sf);
	p0 =	sgt.s32 s3, $0xF41FF;
	s0 =	sshrl.u32 s16, $0x19  }
0x21: {  	s17 =	sshra.s32 s24, $0x1F;
	s5 =	spop (v2sf);
	s15 =	sadd.s32 s0, s3  }
0x22: {  	s0 =	sshrl.u32 s17, $0x19;
	s20 =	sshra.s32 s5, $0x1F;
	s16 =	spop (v2sf)  }
0x23: {  	s2 =	sand.u32 $0xFFFFF80, s15;
	s14 =	sadd.s32 s0, s24;
	s0 =	sshrl.u32 s20, $0x19  }
0x24: {  	s23 =	sshra.s32 s16, $0x1F;
	p1 =	sgt.s32 s16, $0xF41FF;
	s2 =	simm.s32 @p0 $0x0  }
0x25: {  	(v2sf) =	vpush v4, $0x6;
	p0 =	sgt.s32 s24, $0xF41FF;
	s18 =	sadd.s32 s1, s2;
	s2 =	sand.u32 $0xFFFFF80, s14  }
0x26: {  	v5 =	vld [tilespmem:$0x10];
	(v2sf) =	vpush v4, $0x7;
	[tilespmem:s19], [sflag:$0x1] =	stream.strided.gather [hbm4b:s18+s6], $0x2000, s7, s6, $0x38  }
0x27: {  	(v2sf) =	vpush v4, $0x8;
	s13 =	sadd.s32 s0, s5;
	s0 =	sshrl.u32 s23, $0x19;
	s2 =	simm.s32 @p0 $0x0  }
0x28: {  	p0 =	sgt.s32 s5, $0xF41FF;
	s21 =	sadd.s32 s1, s2;
	s2 =	sand.u32 $0xFFFFF80, s13  }
0x29: {  	(v2sf) =	vpush v4, $0x9;
	[tilespmem:s22], [sflag:$0x2] =	stream.strided.gather [hbm4b:s21+s6], $0x2000, s7, s6, $0x38;
	[tilespmem:$0x13080] =	vst v63  }
0x2a: {  	s9 =	spop (v2sf);
	(v2sf) =	vpush v4, $0xA;
	s12 =	sadd.s32 s0, s16;
	s2 =	simm.s32 @p0 $0x0  }
0x2b: {  	s28 =	sshra.s32 s9, $0x1F;
	(v2sf) =	vpush v4, $0xB;
	s25 =	sadd.s32 s1, s2;
	s2 =	sand.u32 $0xFFFFF80, s12  }
0x2c: {  	(v2sf) =	vpush v4, $0xC;
	[tilespmem:s26], [sflag:$0x3] =	stream.strided.gather [hbm4b:s25+s6], $0x2000, s7, s6, $0x38;
	[tilespmem:$0x13080] =	vst v63  }
0x2d: {  	s30 =	simm.s32 $0x6080;
	s0 =	sshrl.u32 s28, $0x19;
	(v2sf) =	vpush v4, $0xD;
	s2 =	simm.s32 @p1 $0x0  }
0x2e: {  	s31 =	spop (v2sf);
	s11 =	sadd.s32 s0, s9;
	s2 =	sadd.s32 s1, s2  }
0x2f: {  	(v2sf) =	vpush v4, $0xE;
	[tilespmem:s30], [sflag:$0x4] =	stream.strided.gather [hbm4b:s2+s6], $0x2000, s7, s6, $0x38;
	[tilespmem:$0x13080] =	vst v63  }
0x30: {  	s29 =	sshra.s32 s31, $0x1F;
	p0 =	sgt.s32 s9, $0xF41FF;
	(v2sf) =	vpush v4, $0xF;
	s2 =	sand.u32 $0xFFFFF80, s11  }
0x31: {  	s0 =	sshrl.u32 s29, $0x19;
	(v2sf) =	vpush v5, $0x0;
	s2 =	simm.s32 @p0 $0x0  }
0x32: {  	s4 =	simm.s32 $0x8080;
	s10 =	sadd.s32 s0, s31;
	s2 =	sadd.s32 s1, s2  }
0x33: {  	[tilespmem:s4], [sflag:$0x5] =	stream.strided.gather [hbm4b:s2+s6], $0x2000, s7, s6, $0x38;
	[tilespmem:$0x13080] =	vst v63  }
0x34: {  	p1 =	sgt.s32 s31, $0xF41FF;
	(v2sf) =	vpush v5, $0x1;
	s2 =	sand.u32 $0xFFFFF80, s10;
	s30 =	spop (v2sf)  }
0x35: {  	s18 =	simm.s32 $0xA080;
	(v2sf) =	vpush v5, $0x2;
	s2 =	simm.s32 @p1 $0x0;
	s29 =	spop (v2sf)  }
0x36: {  	(v2sf) =	vpush v5, $0x3;
	s8 =	sshra.s32 s30, $0x1F;
	s17 =	sadd.s32 s1, s2;
	s28 =	spop (v2sf)  }
0x37: {  	(v2sf) =	vpush v5, $0x4;
	[tilespmem:s18], [sflag:$0x6] =	stream.strided.gather [hbm4b:s17+s6], $0x2000, s7, s6, $0x38;
	[tilespmem:$0x13080] =	vst v63  }
0x38: {  	s0 =	sshrl.u32 s8, $0x19;
	s26 =	spop (v2sf);
	(v2sf) =	vpush v5, $0x5  }
0x39: {  	p0 =	sgt.s32 s30, $0xF41FF;
	s25 =	sadd.s32 s0, s30;
	s8 =	spop (v2sf);
	(v2sf) =	vpush v5, $0x6  }
0x3a: {  	s20 =	sshra.s32 s29, $0x1F;
	s17 =	sand.u32 $0xFFFFF80, s25;
	(v2sf) =	vpush v5, $0x7;
	s0 =	spop (v2sf)  }
0x3b: {  	s18 =	simm.s32 $0xC080;
	s17 =	simm.s32 @p0 $0x0;
	(v2sf) =	vpush v5, $0x8;
	s4 =	spop (v2sf)  }
0x3c: {  	s2 =	sshrl.u32 s20, $0x19;
	s17 =	sadd.s32 s1, s17;
	(v2sf) =	vpush v5, $0x9;
	s23 =	spop (v2sf)  }
0x3d: {  	[tilespmem:s18], [sflag:$0x7] =	stream.strided.gather [hbm4b:s17+s6], $0x2000, s7, s6, $0x38;
	(v2sf) =	vpush v5, $0xA;
	[tilespmem:$0x13080] =	vst v63  }
0x3e: {  	s20 =	sadd.s32 s2, s29;
	s22 =	spop (v2sf);
	(v2sf) =	vpush v5, $0xB  }
0x3f: {  	p0 =	sgt.s32 s29, $0xF41FF;
	s17 =	sand.u32 $0xFFFFF80, s20;
	s21 =	spop (v2sf);
	(v2sf) =	vpush v5, $0xC  }
0x40: {  	s17 =	simm.s32 @p0 $0x0;
	[dreg:$0x19] =	wrdreg s21;
	s21 =	spop (v2sf);
	(v2sf) =	vpush v5, $0xD  }
0x41: {  	s17 =	sadd.s32 s1, s17;
	[dreg:$0x18] =	wrdreg s21;
	s21 =	simm.s32 $0xE080;
	(v2sf) =	vpush v5, $0xE  }
0x42: {  	[tilespmem:s21], [sflag:$0x8] =	stream.strided.gather [hbm4b:s17+s6], $0x2000, s7, s6, $0x38;
	(v2sf) =	vpush v5, $0xF;
	[tilespmem:$0x13080] =	vst v63  }
0x43: {  	s17 =	spop (v2sf)  }
0x44: {  	s21 =	spop (v2sf)  }
0x45: {  	[dreg:$0x16] =	wrdreg s21;
	s21 =	spop (v2sf)  }
0x46: {  	[dreg:$0x17] =	wrdreg s17;
	s17 =	spop (v2sf)  }
0x47: {  	[dreg:$0x1a] =	wrdreg s17;
	s17 =	spop (v2sf)  }
0x48: {  	[dreg:$0x15] =	wrdreg s17;
	s17 =	spop (v2sf)  }
0x49: {  	[dreg:$0x14] =	wrdreg s17;
	s17 =	spop (v2sf)  }
0x4a: {  	[dreg:$0x13] =	wrdreg s17;
	s2 =	spop (v2sf)  }
0x4b: {  	[dreg:$0x12] =	wrdreg s2;
	s2 =	spop (v2sf)  }
0x4c: {  	[dreg:$0x11] =	wrdreg s2;
	s2 =	spop (v2sf)  }
0x4d: {  	[dreg:$0x10] =	wrdreg s2;
	s2 =	spop (v2sf)  }
0x4e: {  	[dreg:$0xf] =	wrdreg s2;
	s2 =	spop (v2sf)  }
0x4f: {  	s15 =	sand.u32 $0xFFFFFF80, s15;
	[dreg:$0xe] =	wrdreg s2;
	s2 =	spop (v2sf)  }
0x50: {  	s15 =	ssub.s32 s3, s15;
	[dreg:$0xd] =	wrdreg s2;
	s2 =	spop (v2sf)  }
0x51: {  	v4 =	vadd.s32 s15, v0;
	[dreg:$0xc] =	wrdreg s2;
	s2 =	spop (v2sf)  }
0x52: {  	s17 =	simm.s32 $0x1;
	[dreg:$0xb] =	wrdreg s2  }
0x53: {  	_ =	swait.ge [sflag:s17], $0x2000  }
0x54: {  	[sflag:s17] =	ssyncset.done $0x0  }
0x55: {  	[sflag:s17] =	ssyncadd.s32 $0xFFFFE000  }
0x56: {  	v5 =	vld.idx.msk [tilespmem:v4+s19+$0x0], $0xffff  }
0x57: {  	v6 =	vadd.s32 s15, v1;
	_ =	sdelay $0x3  }
0x58: {  	[tilespmem:$0x12080] =	vst v5  }
0x59: {  	v5 =	vld.idx.msk [tilespmem:v6+s19+$0x0], $0xffff  }
0x5a: {  	v7 =	vadd.s32 s15, v2;
	_ =	sdelay $0x3  }
0x5b: {  	[tilespmem:$0x12090] =	vst v5  }
0x5c: {  	v5 =	vld.idx.msk [tilespmem:v7+s19+$0x0], $0xffff  }
0x5d: {  	v8 =	vadd.s32 s15, v3;
	_ =	sdelay $0x3  }
0x5e: {  	[tilespmem:$0x120A0] =	vst v5  }
0x5f: {  	v5 =	vld.idx.msk [tilespmem:v8+s19+$0x0], $0xffff;
	_ =	sdelay $0x3  }
0x60: {  	p0 =	slt.s32 s3, $0xF4200  }
0x61: {  	s3 =	simm.s32 @!p0 $0x10080;
	[tilespmem:$0x120B0] =	vst v5  }
0x62: {  	v4 =	vld.idx.msk @!p0 [tilespmem:v4+s3+$0x0], $0xffff;
	_ =	sdelay $0x4  }
0x63: {  	[tilespmem:$0x12080] =	vst @!p0 v4  }
0x64: {  	v4 =	vld.idx.msk @!p0 [tilespmem:v6+s3+$0x0], $0xffff;
	_ =	sdelay $0x4  }
0x65: {  	[tilespmem:$0x12090] =	vst @!p0 v4  }
0x66: {  	v4 =	vld.idx.msk @!p0 [tilespmem:v7+s3+$0x0], $0xffff;
	_ =	sdelay $0x4  }
0x67: {  	s2 =	sshra.s32 s28, $0x1F;
	[tilespmem:$0x120A0] =	vst @!p0 v4  }
0x68: {  	s15 =	sshrl.u32 s2, $0x19;
	v4 =	vld.idx.msk @!p0 [tilespmem:v8+s3+$0x0], $0xffff  }
0x69: {  	s3 =	sadd.s32 s15, s28  }
0x6a: {  	s3 =	sand.u32 $0xFFFFFF80, s3  }
0x6b: {  	s14 =	sand.u32 $0xFFFFFF80, s14;
	p1 =	sgt.s32 s28, $0xF41FF;
	s15 =	sand.u32 $0xFFFFF80, s3  }
0x6c: {  	s14 =	ssub.s32 s24, s14;
	s15 =	simm.s32 @p1 $0x0  }
0x6d: {  	s2 =	simm.s32 $0x2;
	s15 =	sadd.s32 s1, s15;
	[tilespmem:$0x120B0] =	vst @!p0 v4;
	v4 =	vadd.s32 s14, v0  }
0x6e: {  	[tilespmem:s19], [sflag:$0x1] =	stream.strided.gather [hbm4b:s15+s6], $0x2000, s7, s6, $0x38;
	[tilespmem:$0x13080] =	vst v63  }
0x6f: {  	_ =	swait.ge [sflag:s2], $0x2000  }
0x70: {  	[sflag:s2] =	ssyncset.done $0x0  }
0x71: {  	s15 =	simm.s32 $0x2080;
	[sflag:s2] =	ssyncadd.s32 $0xFFFFE000  }
0x72: {  	v5 =	vld.idx.msk [tilespmem:v4+s15+$0x0], $0xffff  }
0x73: {  	v6 =	vadd.s32 s14, v1;
	_ =	sdelay $0x3  }
0x74: {  	[tilespmem:$0x12100] =	vst v5  }
0x75: {  	v5 =	vld.idx.msk [tilespmem:v6+s15+$0x0], $0xffff  }
0x76: {  	v7 =	vadd.s32 s14, v2;
	_ =	sdelay $0x3  }
0x77: {  	[tilespmem:$0x12110] =	vst v5  }
0x78: {  	v5 =	vld.idx.msk [tilespmem:v7+s15+$0x0], $0xffff  }
0x79: {  	v8 =	vadd.s32 s14, v3;
	_ =	sdelay $0x3  }
0x7a: {  	[tilespmem:$0x12120] =	vst v5  }
0x7b: {  	v5 =	vld.idx.msk [tilespmem:v8+s15+$0x0], $0xffff;
	_ =	sdelay $0x3  }
0x7c: {  	p0 =	slt.s32 s24, $0xF4200  }
0x7d: {  	s14 =	simm.s32 @!p0 $0x10080;
	[tilespmem:$0x12130] =	vst v5  }
0x7e: {  	v4 =	vld.idx.msk @!p0 [tilespmem:v4+s14+$0x0], $0xffff;
	_ =	sdelay $0x4  }
0x7f: {  	[tilespmem:$0x12100] =	vst @!p0 v4  }
0x80: {  	v4 =	vld.idx.msk @!p0 [tilespmem:v6+s14+$0x0], $0xffff;
	_ =	sdelay $0x4  }
0x81: {  	[tilespmem:$0x12110] =	vst @!p0 v4  }
0x82: {  	v4 =	vld.idx.msk @!p0 [tilespmem:v7+s14+$0x0], $0xffff;
	_ =	sdelay $0x4  }
0x83: {  	s24 =	sshra.s32 s26, $0x1F;
	[tilespmem:$0x12120] =	vst @!p0 v4  }
0x84: {  	s24 =	sshrl.u32 s24, $0x19;
	v4 =	vld.idx.msk @!p0 [tilespmem:v8+s14+$0x0], $0xffff  }
0x85: {  	s14 =	sadd.s32 s24, s26  }
0x86: {  	s24 =	sand.u32 $0xFFFFFF80, s14  }
0x87: {  	p1 =	sgt.s32 s26, $0xF41FF;
	s14 =	sand.u32 $0xFFFFF80, s24  }
0x88: {  	s13 =	sand.u32 $0xFFFFFF80, s13;
	s14 =	simm.s32 @p1 $0x0  }
0x89: {  	s13 =	ssub.s32 s5, s13;
	s2 =	simm.s32 $0x2080;
	s14 =	sadd.s32 s1, s14;
	[tilespmem:$0x12130] =	vst @!p0 v4  }
0x8a: {  	v4 =	vadd.s32 s13, v0;
	[tilespmem:s2], [sflag:$0x2] =	stream.strided.gather [hbm4b:s14+s6], $0x2000, s7, s6, $0x38;
	[tilespmem:$0x13080] =	vst v63  }
0x8b: {  	s2 =	simm.s32 $0x3  }
0x8c: {  	_ =	swait.ge [sflag:s2], $0x2000  }
0x8d: {  	[sflag:s2] =	ssyncset.done $0x0  }
0x8e: {  	s15 =	simm.s32 $0x4080;
	[sflag:s2] =	ssyncadd.s32 $0xFFFFE000  }
0x8f: {  	v5 =	vld.idx.msk [tilespmem:v4+s15+$0x0], $0xffff  }
0x90: {  	v6 =	vadd.s32 s13, v1;
	_ =	sdelay $0x3  }
0x91: {  	[tilespmem:$0x12180] =	vst v5  }
0x92: {  	v5 =	vld.idx.msk [tilespmem:v6+s15+$0x0], $0xffff  }
0x93: {  	v7 =	vadd.s32 s13, v2;
	_ =	sdelay $0x3  }
0x94: {  	[tilespmem:$0x12190] =	vst v5  }
0x95: {  	v5 =	vld.idx.msk [tilespmem:v7+s15+$0x0], $0xffff  }
0x96: {  	v8 =	vadd.s32 s13, v3;
	_ =	sdelay $0x3  }
0x97: {  	[tilespmem:$0x121A0] =	vst v5  }
0x98: {  	v5 =	vld.idx.msk [tilespmem:v8+s15+$0x0], $0xffff;
	_ =	sdelay $0x3  }
0x99: {  	p0 =	slt.s32 s5, $0xF4200  }
0x9a: {  	s5 =	simm.s32 @!p0 $0x10080;
	[tilespmem:$0x121B0] =	vst v5  }
0x9b: {  	v4 =	vld.idx.msk @!p0 [tilespmem:v4+s5+$0x0], $0xffff;
	_ =	sdelay $0x4  }
0x9c: {  	[tilespmem:$0x12180] =	vst @!p0 v4  }
0x9d: {  	v4 =	vld.idx.msk @!p0 [tilespmem:v6+s5+$0x0], $0xffff;
	_ =	sdelay $0x4  }
0x9e: {  	[tilespmem:$0x12190] =	vst @!p0 v4  }
0x9f: {  	v4 =	vld.idx.msk @!p0 [tilespmem:v7+s5+$0x0], $0xffff;
	_ =	sdelay $0x4  }
0xa0: {  	s14 =	sshra.s32 s8, $0x1F;
	[tilespmem:$0x121A0] =	vst @!p0 v4  }
0xa1: {  	s15 =	sshrl.u32 s14, $0x19;
	v4 =	vld.idx.msk @!p0 [tilespmem:v8+s5+$0x0], $0xffff  }
0xa2: {  	s5 =	sadd.s32 s15, s8  }
0xa3: {  	s5 =	sand.u32 $0xFFFFFF80, s5  }
0xa4: {  	p1 =	sgt.s32 s8, $0xF41FF;
	s13 =	sand.u32 $0xFFFFF80, s5  }
0xa5: {  	s12 =	sand.u32 $0xFFFFFF80, s12;
	s13 =	simm.s32 @p1 $0x0  }
0xa6: {  	s12 =	ssub.s32 s16, s12;
	s2 =	simm.s32 $0x4080;
	s13 =	sadd.s32 s1, s13;
	[tilespmem:$0x121B0] =	vst @!p0 v4  }
0xa7: {  	v4 =	vadd.s32 s12, v0;
	[tilespmem:s2], [sflag:$0x3] =	stream.strided.gather [hbm4b:s13+s6], $0x2000, s7, s6, $0x38;
	[tilespmem:$0x13080] =	vst v63  }
0xa8: {  	s2 =	simm.s32 $0x4  }
0xa9: {  	_ =	swait.ge [sflag:s2], $0x2000  }
0xaa: {  	[sflag:s2] =	ssyncset.done $0x0  }
0xab: {  	s14 =	simm.s32 $0x6080;
	[sflag:s2] =	ssyncadd.s32 $0xFFFFE000  }
0xac: {  	v5 =	vld.idx.msk [tilespmem:v4+s14+$0x0], $0xffff  }
0xad: {  	v6 =	vadd.s32 s12, v1;
	_ =	sdelay $0x3  }
0xae: {  	[tilespmem:$0x12200] =	vst v5  }
0xaf: {  	v5 =	vld.idx.msk [tilespmem:v6+s14+$0x0], $0xffff  }
0xb0: {  	v7 =	vadd.s32 s12, v2;
	_ =	sdelay $0x3  }
0xb1: {  	[tilespmem:$0x12210] =	vst v5  }
0xb2: {  	v5 =	vld.idx.msk [tilespmem:v7+s14+$0x0], $0xffff  }
0xb3: {  	v8 =	vadd.s32 s12, v3;
	_ =	sdelay $0x3  }
0xb4: {  	[tilespmem:$0x12220] =	vst v5  }
0xb5: {  	v5 =	vld.idx.msk [tilespmem:v8+s14+$0x0], $0xffff;
	_ =	sdelay $0x3  }
0xb6: {  	p0 =	slt.s32 s16, $0xF4200  }
0xb7: {  	s12 =	simm.s32 @!p0 $0x10080;
	[tilespmem:$0x12230] =	vst v5  }
0xb8: {  	v4 =	vld.idx.msk @!p0 [tilespmem:v4+s12+$0x0], $0xffff;
	_ =	sdelay $0x4  }
0xb9: {  	[tilespmem:$0x12200] =	vst @!p0 v4  }
0xba: {  	v4 =	vld.idx.msk @!p0 [tilespmem:v6+s12+$0x0], $0xffff;
	_ =	sdelay $0x4  }
0xbb: {  	[tilespmem:$0x12210] =	vst @!p0 v4  }
0xbc: {  	v4 =	vld.idx.msk @!p0 [tilespmem:v7+s12+$0x0], $0xffff;
	_ =	sdelay $0x4  }
0xbd: {  	s2 =	sshra.s32 s0, $0x1F;
	[tilespmem:$0x12220] =	vst @!p0 v4  }
0xbe: {  	s13 =	sshrl.u32 s2, $0x19;
	v4 =	vld.idx.msk @!p0 [tilespmem:v8+s12+$0x0], $0xffff  }
0xbf: {  	s12 =	sadd.s32 s13, s0  }
0xc0: {  	s16 =	sand.u32 $0xFFFFFF80, s12  }
0xc1: {  	p1 =	sgt.s32 s0, $0xF41FF;
	s12 =	sand.u32 $0xFFFFF80, s16  }
0xc2: {  	s11 =	sand.u32 $0xFFFFFF80, s11;
	s12 =	simm.s32 @p1 $0x0  }
0xc3: {  	s11 =	ssub.s32 s9, s11;
	s15 =	simm.s32 $0x6080;
	s12 =	sadd.s32 s1, s12;
	[tilespmem:$0x12230] =	vst @!p0 v4  }
0xc4: {  	v4 =	vadd.s32 s11, v0;
	[tilespmem:s15], [sflag:$0x4] =	stream.strided.gather [hbm4b:s12+s6], $0x2000, s7, s6, $0x38;
	[tilespmem:$0x13080] =	vst v63  }
0xc5: {  	s15 =	simm.s32 $0x5  }
0xc6: {  	_ =	swait.ge [sflag:s15], $0x2000  }
0xc7: {  	[sflag:s15] =	ssyncset.done $0x0  }
0xc8: {  	s2 =	simm.s32 $0x8080;
	[sflag:s15] =	ssyncadd.s32 $0xFFFFE000  }
0xc9: {  	v5 =	vld.idx.msk [tilespmem:v4+s2+$0x0], $0xffff  }
0xca: {  	v6 =	vadd.s32 s11, v1;
	_ =	sdelay $0x3  }
0xcb: {  	[tilespmem:$0x12280] =	vst v5  }
0xcc: {  	v5 =	vld.idx.msk [tilespmem:v6+s2+$0x0], $0xffff  }
0xcd: {  	v7 =	vadd.s32 s11, v2;
	_ =	sdelay $0x3  }
0xce: {  	[tilespmem:$0x12290] =	vst v5  }
0xcf: {  	v5 =	vld.idx.msk [tilespmem:v7+s2+$0x0], $0xffff  }
0xd0: {  	v8 =	vadd.s32 s11, v3;
	_ =	sdelay $0x3  }
0xd1: {  	[tilespmem:$0x122A0] =	vst v5  }
0xd2: {  	v5 =	vld.idx.msk [tilespmem:v8+s2+$0x0], $0xffff;
	_ =	sdelay $0x3  }
0xd3: {  	p0 =	slt.s32 s9, $0xF4200  }
0xd4: {  	s9 =	simm.s32 @!p0 $0x10080;
	[tilespmem:$0x122B0] =	vst v5  }
0xd5: {  	v4 =	vld.idx.msk @!p0 [tilespmem:v4+s9+$0x0], $0xffff;
	_ =	sdelay $0x4  }
0xd6: {  	[tilespmem:$0x12280] =	vst @!p0 v4  }
0xd7: {  	v4 =	vld.idx.msk @!p0 [tilespmem:v6+s9+$0x0], $0xffff;
	_ =	sdelay $0x4  }
0xd8: {  	[tilespmem:$0x12290] =	vst @!p0 v4  }
0xd9: {  	v4 =	vld.idx.msk @!p0 [tilespmem:v7+s9+$0x0], $0xffff;
	_ =	sdelay $0x4  }
0xda: {  	s14 =	sshra.s32 s4, $0x1F;
	[tilespmem:$0x122A0] =	vst @!p0 v4  }
0xdb: {  	s15 =	sshrl.u32 s14, $0x19;
	v4 =	vld.idx.msk @!p0 [tilespmem:v8+s9+$0x0], $0xffff  }
0xdc: {  	s9 =	sadd.s32 s15, s4  }
0xdd: {  	s9 =	sand.u32 $0xFFFFFF80, s9  }
0xde: {  	s10 =	sand.u32 $0xFFFFFF80, s10;
	p1 =	sgt.s32 s4, $0xF41FF;
	s11 =	sand.u32 $0xFFFFF80, s9  }
0xdf: {  	s10 =	ssub.s32 s31, s10;
	s11 =	simm.s32 @p1 $0x0  }
0xe0: {  	s13 =	simm.s32 $0x8080;
	s2 =	simm.s32 $0x6;
	s11 =	sadd.s32 s1, s11;
	[tilespmem:$0x122B0] =	vst @!p0 v4;
	v4 =	vadd.s32 s10, v0  }
0xe1: {  	[tilespmem:s13], [sflag:$0x5] =	stream.strided.gather [hbm4b:s11+s6], $0x2000, s7, s6, $0x38;
	[tilespmem:$0x13080] =	vst v63  }
0xe2: {  	_ =	swait.ge [sflag:s2], $0x2000  }
0xe3: {  	[sflag:s2] =	ssyncset.done $0x0  }
0xe4: {  	s12 =	simm.s32 $0xA080;
	[sflag:s2] =	ssyncadd.s32 $0xFFFFE000  }
0xe5: {  	v5 =	vld.idx.msk [tilespmem:v4+s12+$0x0], $0xffff  }
0xe6: {  	v6 =	vadd.s32 s10, v1;
	_ =	sdelay $0x3  }
0xe7: {  	[tilespmem:$0x12300] =	vst v5  }
0xe8: {  	v5 =	vld.idx.msk [tilespmem:v6+s12+$0x0], $0xffff  }
0xe9: {  	v7 =	vadd.s32 s10, v2;
	_ =	sdelay $0x3  }
0xea: {  	[tilespmem:$0x12310] =	vst v5  }
0xeb: {  	v5 =	vld.idx.msk [tilespmem:v7+s12+$0x0], $0xffff  }
0xec: {  	v8 =	vadd.s32 s10, v3;
	_ =	sdelay $0x3  }
0xed: {  	[tilespmem:$0x12320] =	vst v5  }
0xee: {  	v5 =	vld.idx.msk [tilespmem:v8+s12+$0x0], $0xffff;
	_ =	sdelay $0x3  }
0xef: {  	p0 =	slt.s32 s31, $0xF4200  }
0xf0: {  	s10 =	simm.s32 @!p0 $0x10080;
	[tilespmem:$0x12330] =	vst v5  }
0xf1: {  	v4 =	vld.idx.msk @!p0 [tilespmem:v4+s10+$0x0], $0xffff;
	_ =	sdelay $0x4  }
0xf2: {  	[tilespmem:$0x12300] =	vst @!p0 v4  }
0xf3: {  	v4 =	vld.idx.msk @!p0 [tilespmem:v6+s10+$0x0], $0xffff;
	_ =	sdelay $0x4  }
0xf4: {  	[tilespmem:$0x12310] =	vst @!p0 v4  }
0xf5: {  	v4 =	vld.idx.msk @!p0 [tilespmem:v7+s10+$0x0], $0xffff;
	_ =	sdelay $0x4  }
0xf6: {  	s14 =	sshra.s32 s23, $0x1F;
	[tilespmem:$0x12320] =	vst @!p0 v4  }
0xf7: {  	s15 =	sshrl.u32 s14, $0x19;
	v4 =	vld.idx.msk @!p0 [tilespmem:v8+s10+$0x0], $0xffff  }
0xf8: {  	s10 =	sadd.s32 s15, s23  }
0xf9: {  	s31 =	sand.u32 $0xFFFFFF80, s10  }
0xfa: {  	s25 =	sand.u32 $0xFFFFFF80, s25;
	p1 =	sgt.s32 s23, $0xF41FF;
	s11 =	sand.u32 $0xFFFFF80, s31  }
0xfb: {  	s10 =	ssub.s32 s30, s25;
	s11 =	simm.s32 @p1 $0x0  }
0xfc: {  	s13 =	simm.s32 $0xA080;
	s2 =	simm.s32 $0x7;
	s11 =	sadd.s32 s1, s11;
	[tilespmem:$0x12330] =	vst @!p0 v4;
	v4 =	vadd.s32 s10, v0  }
0xfd: {  	[tilespmem:s13], [sflag:$0x6] =	stream.strided.gather [hbm4b:s11+s6], $0x2000, s7, s6, $0x38;
	[tilespmem:$0x13080] =	vst v63  }
0xfe: {  	_ =	swait.ge [sflag:s2], $0x2000  }
0xff: {  	[sflag:s2] =	ssyncset.done $0x0  }
0x100: {  	[sflag:s2] =	ssyncadd.s32 $0xFFFFE000  }
0x101: {  	v5 =	vld.idx.msk [tilespmem:v4+s18+$0x0], $0xffff  }
0x102: {  	v6 =	vadd.s32 s10, v1;
	_ =	sdelay $0x3  }
0x103: {  	[tilespmem:$0x12380] =	vst v5  }
0x104: {  	v5 =	vld.idx.msk [tilespmem:v6+s18+$0x0], $0xffff  }
0x105: {  	v7 =	vadd.s32 s10, v2;
	_ =	sdelay $0x3  }
0x106: {  	[tilespmem:$0x12390] =	vst v5  }
0x107: {  	v5 =	vld.idx.msk [tilespmem:v7+s18+$0x0], $0xffff  }
0x108: {  	v8 =	vadd.s32 s10, v3;
	_ =	sdelay $0x3  }
0x109: {  	[tilespmem:$0x123A0] =	vst v5  }
0x10a: {  	v5 =	vld.idx.msk [tilespmem:v8+s18+$0x0], $0xffff;
	_ =	sdelay $0x3  }
0x10b: {  	p0 =	slt.s32 s30, $0xF4200  }
0x10c: {  	s10 =	simm.s32 @!p0 $0x10080;
	[tilespmem:$0x123B0] =	vst v5  }
0x10d: {  	v4 =	vld.idx.msk @!p0 [tilespmem:v4+s10+$0x0], $0xffff;
	_ =	sdelay $0x4  }
0x10e: {  	[tilespmem:$0x12380] =	vst @!p0 v4  }
0x10f: {  	v4 =	vld.idx.msk @!p0 [tilespmem:v6+s10+$0x0], $0xffff;
	_ =	sdelay $0x4  }
0x110: {  	[tilespmem:$0x12390] =	vst @!p0 v4  }
0x111: {  	v4 =	vld.idx.msk @!p0 [tilespmem:v7+s10+$0x0], $0xffff;
	_ =	sdelay $0x4  }
0x112: {  	s12 =	sshra.s32 s22, $0x1F;
	[tilespmem:$0x123A0] =	vst @!p0 v4  }
0x113: {  	s13 =	sshrl.u32 s12, $0x19;
	v4 =	vld.idx.msk @!p0 [tilespmem:v8+s10+$0x0], $0xffff  }
0x114: {  	s10 =	sadd.s32 s13, s22  }
0x115: {  	s25 =	sand.u32 $0xFFFFFF80, s10  }
0x116: {  	s14 =	sand.u32 $0xFFFFFF80, s20;
	p1 =	sgt.s32 s22, $0xF41FF;
	s10 =	sand.u32 $0xFFFFF80, s25  }
0x117: {  	s2 =	ssub.s32 s29, s14;
	s10 =	simm.s32 @p1 $0x0  }
0x118: {  	s15 =	simm.s32 $0x8;
	s10 =	sadd.s32 s1, s10;
	[tilespmem:$0x123B0] =	vst @!p0 v4;
	v4 =	vadd.s32 s2, v0  }
0x119: {  	[tilespmem:s18], [sflag:$0x7] =	stream.strided.gather [hbm4b:s10+s6], $0x2000, s7, s6, $0x38;
	[tilespmem:$0x13080] =	vst v63  }
0x11a: {  	_ =	swait.ge [sflag:s15], $0x2000  }
0x11b: {  	[sflag:s15] =	ssyncset.done $0x0  }
0x11c: {  	s18 =	simm.s32 $0xE080;
	[sflag:s15] =	ssyncadd.s32 $0xFFFFE000  }
0x11d: {  	v5 =	vld.idx.msk [tilespmem:v4+s18+$0x0], $0xffff  }
0x11e: {  	v6 =	vadd.s32 s2, v1;
	_ =	sdelay $0x3  }
0x11f: {  	[tilespmem:$0x12400] =	vst v5  }
0x120: {  	v5 =	vld.idx.msk [tilespmem:v6+s18+$0x0], $0xffff  }
0x121: {  	v7 =	vadd.s32 s2, v2;
	_ =	sdelay $0x3  }
0x122: {  	[tilespmem:$0x12410] =	vst v5  }
0x123: {  	v5 =	vld.idx.msk [tilespmem:v7+s18+$0x0], $0xffff  }
0x124: {  	v8 =	vadd.s32 s2, v3;
	_ =	sdelay $0x3  }
0x125: {  	[tilespmem:$0x12420] =	vst v5  }
0x126: {  	v5 =	vld.idx.msk [tilespmem:v8+s18+$0x0], $0xffff;
	_ =	sdelay $0x3  }
0x127: {  	p0 =	slt.s32 s29, $0xF4200  }
0x128: {  	s2 =	simm.s32 @!p0 $0x10080;
	[tilespmem:$0x12430] =	vst v5  }
0x129: {  	v4 =	vld.idx.msk @!p0 [tilespmem:v4+s2+$0x0], $0xffff;
	_ =	sdelay $0x4  }
0x12a: {  	[tilespmem:$0x12400] =	vst @!p0 v4  }
0x12b: {  	v4 =	vld.idx.msk @!p0 [tilespmem:v6+s2+$0x0], $0xffff;
	_ =	sdelay $0x4  }
0x12c: {  	[tilespmem:$0x12410] =	vst @!p0 v4  }
0x12d: {  	v4 =	vld.idx.msk @!p0 [tilespmem:v7+s2+$0x0], $0xffff;
	_ =	sdelay $0x3  }
0x12e: {  	s15 =	rddreg [dreg:$0x19]  }
0x12f: {  	s20 =	sshra.s32 s15, $0x1F;
	[tilespmem:$0x12420] =	vst @!p0 v4  }
0x130: {  	s29 =	sshrl.u32 s20, $0x19;
	v4 =	vld.idx.msk @!p0 [tilespmem:v8+s2+$0x0], $0xffff  }
0x131: {  	s2 =	sadd.s32 s29, s15  }
0x132: {  	s2 =	sand.u32 $0xFFFFFF80, s2  }
0x133: {  	p1 =	sgt.s32 s15, $0xF41FF;
	s10 =	sand.u32 $0xFFFFF80, s2  }
0x134: {  	s3 =	ssub.s32 s28, s3;
	s10 =	simm.s32 @p1 $0x0  }
0x135: {  	s14 =	simm.s32 $0xE080;
	s10 =	sadd.s32 s1, s10;
	[tilespmem:$0x12430] =	vst @!p0 v4;
	v4 =	vadd.s32 s3, v0  }
0x136: {  	[tilespmem:s14], [sflag:$0x8] =	stream.strided.gather [hbm4b:s10+s6], $0x2000, s7, s6, $0x38;
	[tilespmem:$0x13080] =	vst v63  }
0x137: {  	_ =	swait.ge [sflag:s17], $0x2000  }
0x138: {  	[sflag:s17] =	ssyncset.done $0x0  }
0x139: {  	[sflag:s17] =	ssyncadd.s32 $0xFFFFE000  }
0x13a: {  	v5 =	vld.idx.msk [tilespmem:v4+s19+$0x0], $0xffff  }
0x13b: {  	v6 =	vadd.s32 s3, v1;
	_ =	sdelay $0x3  }
0x13c: {  	[tilespmem:$0x12480] =	vst v5  }
0x13d: {  	v5 =	vld.idx.msk [tilespmem:v6+s19+$0x0], $0xffff  }
0x13e: {  	v7 =	vadd.s32 s3, v2;
	_ =	sdelay $0x3  }
0x13f: {  	[tilespmem:$0x12490] =	vst v5  }
0x140: {  	v5 =	vld.idx.msk [tilespmem:v7+s19+$0x0], $0xffff  }
0x141: {  	v8 =	vadd.s32 s3, v3;
	_ =	sdelay $0x3  }
0x142: {  	[tilespmem:$0x124A0] =	vst v5  }
0x143: {  	v5 =	vld.idx.msk [tilespmem:v8+s19+$0x0], $0xffff;
	_ =	sdelay $0x3  }
0x144: {  	p0 =	slt.s32 s28, $0xF4200  }
0x145: {  	s3 =	simm.s32 @!p0 $0x10080;
	[tilespmem:$0x124B0] =	vst v5  }
0x146: {  	v4 =	vld.idx.msk @!p0 [tilespmem:v4+s3+$0x0], $0xffff;
	_ =	sdelay $0x4  }
0x147: {  	[tilespmem:$0x12480] =	vst @!p0 v4  }
0x148: {  	v4 =	vld.idx.msk @!p0 [tilespmem:v6+s3+$0x0], $0xffff;
	_ =	sdelay $0x4  }
0x149: {  	[tilespmem:$0x12490] =	vst @!p0 v4  }
0x14a: {  	v4 =	vld.idx.msk @!p0 [tilespmem:v7+s3+$0x0], $0xffff;
	_ =	sdelay $0x3  }
0x14b: {  	s29 =	rddreg [dreg:$0x18]  }
0x14c: {  	s30 =	sshra.s32 s29, $0x1F;
	[tilespmem:$0x124A0] =	vst @!p0 v4  }
0x14d: {  	s11 =	sshrl.u32 s30, $0x19;
	v4 =	vld.idx.msk @!p0 [tilespmem:v8+s3+$0x0], $0xffff  }
0x14e: {  	s3 =	sadd.s32 s11, s29  }
0x14f: {  	s3 =	sand.u32 $0xFFFFFF80, s3  }
0x150: {  	p1 =	sgt.s32 s29, $0xF41FF;
	s10 =	sand.u32 $0xFFFFF80, s3  }
0x151: {  	s12 =	ssub.s32 s26, s24;
	s10 =	simm.s32 @p1 $0x0  }
0x152: {  	s13 =	simm.s32 $0x2;
	s10 =	sadd.s32 s1, s10;
	[tilespmem:$0x124B0] =	vst @!p0 v4;
	v4 =	vadd.s32 s12, v0  }
0x153: {  	[tilespmem:s19], [sflag:$0x1] =	stream.strided.gather [hbm4b:s10+s6], $0x2000, s7, s6, $0x38;
	[tilespmem:$0x13080] =	vst v63  }
0x154: {  	_ =	swait.ge [sflag:s13], $0x2000  }
0x155: {  	[sflag:s13] =	ssyncset.done $0x0  }
0x156: {  	s17 =	simm.s32 $0x2080;
	[sflag:s13] =	ssyncadd.s32 $0xFFFFE000  }
0x157: {  	v5 =	vld.idx.msk [tilespmem:v4+s17+$0x0], $0xffff  }
0x158: {  	v6 =	vadd.s32 s12, v1;
	_ =	sdelay $0x3  }
0x159: {  	[tilespmem:$0x12500] =	vst v5  }
0x15a: {  	v5 =	vld.idx.msk [tilespmem:v6+s17+$0x0], $0xffff  }
0x15b: {  	v7 =	vadd.s32 s12, v2;
	_ =	sdelay $0x3  }
0x15c: {  	[tilespmem:$0x12510] =	vst v5  }
0x15d: {  	v5 =	vld.idx.msk [tilespmem:v7+s17+$0x0], $0xffff  }
0x15e: {  	v8 =	vadd.s32 s12, v3;
	_ =	sdelay $0x3  }
0x15f: {  	[tilespmem:$0x12520] =	vst v5  }
0x160: {  	v5 =	vld.idx.msk [tilespmem:v8+s17+$0x0], $0xffff;
	_ =	sdelay $0x3  }
0x161: {  	p0 =	slt.s32 s26, $0xF4200  }
0x162: {  	s10 =	simm.s32 @!p0 $0x10080;
	[tilespmem:$0x12530] =	vst v5  }
0x163: {  	v4 =	vld.idx.msk @!p0 [tilespmem:v4+s10+$0x0], $0xffff;
	_ =	sdelay $0x4  }
0x164: {  	[tilespmem:$0x12500] =	vst @!p0 v4  }
0x165: {  	v4 =	vld.idx.msk @!p0 [tilespmem:v6+s10+$0x0], $0xffff;
	_ =	sdelay $0x4  }
0x166: {  	[tilespmem:$0x12510] =	vst @!p0 v4  }
0x167: {  	v4 =	vld.idx.msk @!p0 [tilespmem:v7+s10+$0x0], $0xffff;
	_ =	sdelay $0x3  }
0x168: {  	s28 =	rddreg [dreg:$0x17]  }
0x169: {  	s20 =	sshra.s32 s28, $0x1F;
	[tilespmem:$0x12520] =	vst @!p0 v4  }
0x16a: {  	s24 =	sshrl.u32 s20, $0x19;
	v4 =	vld.idx.msk @!p0 [tilespmem:v8+s10+$0x0], $0xffff  }
0x16b: {  	s10 =	sadd.s32 s24, s28  }
0x16c: {  	s24 =	sand.u32 $0xFFFFFF80, s10  }
0x16d: {  	p1 =	sgt.s32 s28, $0xF41FF;
	s10 =	sand.u32 $0xFFFFF80, s24  }
0x16e: {  	s5 =	ssub.s32 s8, s5;
	s10 =	simm.s32 @p1 $0x0  }
0x16f: {  	s18 =	simm.s32 $0x2080;
	s26 =	simm.s32 $0x3;
	s10 =	sadd.s32 s1, s10;
	[tilespmem:$0x12530] =	vst @!p0 v4;
	v4 =	vadd.s32 s5, v0  }
0x170: {  	[tilespmem:s18], [sflag:$0x2] =	stream.strided.gather [hbm4b:s10+s6], $0x2000, s7, s6, $0x38;
	[tilespmem:$0x13080] =	vst v63  }
0x171: {  	_ =	swait.ge [sflag:s26], $0x2000  }
0x172: {  	[sflag:s26] =	ssyncset.done $0x0  }
0x173: {  	s30 =	simm.s32 $0x4080;
	[sflag:s26] =	ssyncadd.s32 $0xFFFFE000  }
0x174: {  	v5 =	vld.idx.msk [tilespmem:v4+s30+$0x0], $0xffff  }
0x175: {  	v6 =	vadd.s32 s5, v1;
	_ =	sdelay $0x3  }
0x176: {  	[tilespmem:$0x12580] =	vst v5  }
0x177: {  	v5 =	vld.idx.msk [tilespmem:v6+s30+$0x0], $0xffff  }
0x178: {  	v7 =	vadd.s32 s5, v2;
	_ =	sdelay $0x3  }
0x179: {  	[tilespmem:$0x12590] =	vst v5  }
0x17a: {  	v5 =	vld.idx.msk [tilespmem:v7+s30+$0x0], $0xffff  }
0x17b: {  	v8 =	vadd.s32 s5, v3;
	_ =	sdelay $0x3  }
0x17c: {  	[tilespmem:$0x125A0] =	vst v5  }
0x17d: {  	v5 =	vld.idx.msk [tilespmem:v8+s30+$0x0], $0xffff;
	_ =	sdelay $0x3  }
0x17e: {  	p0 =	slt.s32 s8, $0xF4200  }
0x17f: {  	s5 =	simm.s32 @!p0 $0x10080;
	[tilespmem:$0x125B0] =	vst v5  }
0x180: {  	v4 =	vld.idx.msk @!p0 [tilespmem:v4+s5+$0x0], $0xffff;
	_ =	sdelay $0x4  }
0x181: {  	[tilespmem:$0x12580] =	vst @!p0 v4  }
0x182: {  	v4 =	vld.idx.msk @!p0 [tilespmem:v6+s5+$0x0], $0xffff;
	_ =	sdelay $0x4  }
0x183: {  	[tilespmem:$0x12590] =	vst @!p0 v4  }
0x184: {  	v4 =	vld.idx.msk @!p0 [tilespmem:v7+s5+$0x0], $0xffff;
	_ =	sdelay $0x3  }
0x185: {  	s26 =	rddreg [dreg:$0x16]  }
0x186: {  	s12 =	sshra.s32 s26, $0x1F;
	[tilespmem:$0x125A0] =	vst @!p0 v4  }
0x187: {  	s13 =	sshrl.u32 s12, $0x19;
	v4 =	vld.idx.msk @!p0 [tilespmem:v8+s5+$0x0], $0xffff  }
0x188: {  	s5 =	sadd.s32 s13, s26  }
0x189: {  	s5 =	sand.u32 $0xFFFFFF80, s5  }
0x18a: {  	p1 =	sgt.s32 s26, $0xF41FF;
	s8 =	sand.u32 $0xFFFFF80, s5  }
0x18b: {  	s17 =	ssub.s32 s0, s16;
	s8 =	simm.s32 @p1 $0x0  }
0x18c: {  	s10 =	simm.s32 $0x4080;
	s18 =	simm.s32 $0x4;
	s8 =	sadd.s32 s1, s8;
	[tilespmem:$0x125B0] =	vst @!p0 v4;
	v4 =	vadd.s32 s17, v0  }
0x18d: {  	[tilespmem:s10], [sflag:$0x3] =	stream.strided.gather [hbm4b:s8+s6], $0x2000, s7, s6, $0x38;
	[tilespmem:$0x13080] =	vst v63  }
0x18e: {  	_ =	swait.ge [sflag:s18], $0x2000  }
0x18f: {  	[sflag:s18] =	ssyncset.done $0x0  }
0x190: {  	s20 =	simm.s32 $0x6080;
	[sflag:s18] =	ssyncadd.s32 $0xFFFFE000  }
0x191: {  	v5 =	vld.idx.msk [tilespmem:v4+s20+$0x0], $0xffff  }
0x192: {  	v6 =	vadd.s32 s17, v1;
	_ =	sdelay $0x3  }
0x193: {  	[tilespmem:$0x12600] =	vst v5  }
0x194: {  	v5 =	vld.idx.msk [tilespmem:v6+s20+$0x0], $0xffff  }
0x195: {  	v7 =	vadd.s32 s17, v2;
	_ =	sdelay $0x3  }
0x196: {  	[tilespmem:$0x12610] =	vst v5  }
0x197: {  	v5 =	vld.idx.msk [tilespmem:v7+s20+$0x0], $0xffff  }
0x198: {  	v8 =	vadd.s32 s17, v3;
	_ =	sdelay $0x3  }
0x199: {  	[tilespmem:$0x12620] =	vst v5  }
0x19a: {  	v5 =	vld.idx.msk [tilespmem:v8+s20+$0x0], $0xffff;
	_ =	sdelay $0x3  }
0x19b: {  	p0 =	slt.s32 s0, $0xF4200  }
0x19c: {  	s0 =	simm.s32 @!p0 $0x10080;
	[tilespmem:$0x12630] =	vst v5  }
0x19d: {  	v4 =	vld.idx.msk @!p0 [tilespmem:v4+s0+$0x0], $0xffff;
	_ =	sdelay $0x4  }
0x19e: {  	[tilespmem:$0x12600] =	vst @!p0 v4  }
0x19f: {  	v4 =	vld.idx.msk @!p0 [tilespmem:v6+s0+$0x0], $0xffff;
	_ =	sdelay $0x4  }
0x1a0: {  	[tilespmem:$0x12610] =	vst @!p0 v4  }
0x1a1: {  	v4 =	vld.idx.msk @!p0 [tilespmem:v7+s0+$0x0], $0xffff;
	_ =	sdelay $0x4  }
0x1a2: {  	s11 =	sshra.s32 s21, $0x1F;
	[tilespmem:$0x12620] =	vst @!p0 v4  }
0x1a3: {  	s12 =	sshrl.u32 s11, $0x19;
	v4 =	vld.idx.msk @!p0 [tilespmem:v8+s0+$0x0], $0xffff  }
0x1a4: {  	s0 =	sadd.s32 s12, s21  }
0x1a5: {  	s8 =	sand.u32 $0xFFFFFF80, s0  }
0x1a6: {  	p1 =	sgt.s32 s21, $0xF41FF;
	s0 =	sand.u32 $0xFFFFF80, s8  }
0x1a7: {  	s9 =	ssub.s32 s4, s9;
	s0 =	simm.s32 @p1 $0x0  }
0x1a8: {  	s30 =	simm.s32 $0x6080;
	s13 =	simm.s32 $0x5;
	s0 =	sadd.s32 s1, s0;
	[tilespmem:$0x12630] =	vst @!p0 v4;
	v4 =	vadd.s32 s9, v0  }
0x1a9: {  	[tilespmem:s30], [sflag:$0x4] =	stream.strided.gather [hbm4b:s0+s6], $0x2000, s7, s6, $0x38;
	[tilespmem:$0x13080] =	vst v63  }
0x1aa: {  	_ =	swait.ge [sflag:s13], $0x2000  }
0x1ab: {  	[sflag:s13] =	ssyncset.done $0x0  }
0x1ac: {  	s16 =	simm.s32 $0x8080;
	[sflag:s13] =	ssyncadd.s32 $0xFFFFE000  }
0x1ad: {  	v5 =	vld.idx.msk [tilespmem:v4+s16+$0x0], $0xffff  }
0x1ae: {  	v6 =	vadd.s32 s9, v1;
	_ =	sdelay $0x3  }
0x1af: {  	[tilespmem:$0x12680] =	vst v5  }
0x1b0: {  	v5 =	vld.idx.msk [tilespmem:v6+s16+$0x0], $0xffff  }
0x1b1: {  	v7 =	vadd.s32 s9, v2;
	_ =	sdelay $0x3  }
0x1b2: {  	[tilespmem:$0x12690] =	vst v5  }
0x1b3: {  	v5 =	vld.idx.msk [tilespmem:v7+s16+$0x0], $0xffff  }
0x1b4: {  	v8 =	vadd.s32 s9, v3;
	_ =	sdelay $0x3  }
0x1b5: {  	[tilespmem:$0x126A0] =	vst v5  }
0x1b6: {  	v5 =	vld.idx.msk [tilespmem:v8+s16+$0x0], $0xffff;
	_ =	sdelay $0x3  }
0x1b7: {  	p0 =	slt.s32 s4, $0xF4200  }
0x1b8: {  	s0 =	simm.s32 @!p0 $0x10080;
	[tilespmem:$0x126B0] =	vst v5  }
0x1b9: {  	v4 =	vld.idx.msk @!p0 [tilespmem:v4+s0+$0x0], $0xffff;
	_ =	sdelay $0x4  }
0x1ba: {  	[tilespmem:$0x12680] =	vst @!p0 v4  }
0x1bb: {  	v4 =	vld.idx.msk @!p0 [tilespmem:v6+s0+$0x0], $0xffff;
	_ =	sdelay $0x4  }
0x1bc: {  	[tilespmem:$0x12690] =	vst @!p0 v4  }
0x1bd: {  	v4 =	vld.idx.msk @!p0 [tilespmem:v7+s0+$0x0], $0xffff;
	_ =	sdelay $0x3  }
0x1be: {  	s20 =	rddreg [dreg:$0x1a]  }
0x1bf: {  	s18 =	sshra.s32 s20, $0x1F;
	[tilespmem:$0x126A0] =	vst @!p0 v4  }
0x1c0: {  	s30 =	sshrl.u32 s18, $0x19;
	v4 =	vld.idx.msk @!p0 [tilespmem:v8+s0+$0x0], $0xffff  }
0x1c1: {  	s0 =	sadd.s32 s30, s20  }
0x1c2: {  	s4 =	sand.u32 $0xFFFFFF80, s0  }
0x1c3: {  	p1 =	sgt.s32 s20, $0xF41FF;
	s0 =	sand.u32 $0xFFFFF80, s4  }
0x1c4: {  	s31 =	ssub.s32 s23, s31;
	s0 =	simm.s32 @p1 $0x0  }
0x1c5: {  	s17 =	simm.s32 $0x8080;
	s10 =	simm.s32 $0x6;
	s0 =	sadd.s32 s1, s0;
	[tilespmem:$0x126B0] =	vst @!p0 v4;
	v4 =	vadd.s32 s31, v0  }
0x1c6: {  	[tilespmem:s17], [sflag:$0x5] =	stream.strided.gather [hbm4b:s0+s6], $0x2000, s7, s6, $0x38;
	[tilespmem:$0x13080] =	vst v63  }
0x1c7: {  	_ =	swait.ge [sflag:s10], $0x2000  }
0x1c8: {  	[sflag:s10] =	ssyncset.done $0x0  }
0x1c9: {  	s11 =	simm.s32 $0xA080;
	[sflag:s10] =	ssyncadd.s32 $0xFFFFE000  }
0x1ca: {  	v5 =	vld.idx.msk [tilespmem:v4+s11+$0x0], $0xffff  }
0x1cb: {  	v6 =	vadd.s32 s31, v1;
	_ =	sdelay $0x3  }
0x1cc: {  	[tilespmem:$0x12700] =	vst v5  }
0x1cd: {  	v5 =	vld.idx.msk [tilespmem:v6+s11+$0x0], $0xffff  }
0x1ce: {  	v7 =	vadd.s32 s31, v2;
	_ =	sdelay $0x3  }
0x1cf: {  	[tilespmem:$0x12710] =	vst v5  }
0x1d0: {  	v5 =	vld.idx.msk [tilespmem:v7+s11+$0x0], $0xffff  }
0x1d1: {  	v8 =	vadd.s32 s31, v3;
	_ =	sdelay $0x3  }
0x1d2: {  	[tilespmem:$0x12720] =	vst v5  }
0x1d3: {  	v5 =	vld.idx.msk [tilespmem:v8+s11+$0x0], $0xffff;
	_ =	sdelay $0x3  }
0x1d4: {  	p0 =	slt.s32 s23, $0xF4200  }
0x1d5: {  	s0 =	simm.s32 @!p0 $0x10080;
	[tilespmem:$0x12730] =	vst v5  }
0x1d6: {  	v4 =	vld.idx.msk @!p0 [tilespmem:v4+s0+$0x0], $0xffff;
	_ =	sdelay $0x4  }
0x1d7: {  	[tilespmem:$0x12700] =	vst @!p0 v4  }
0x1d8: {  	v4 =	vld.idx.msk @!p0 [tilespmem:v6+s0+$0x0], $0xffff;
	_ =	sdelay $0x4  }
0x1d9: {  	[tilespmem:$0x12710] =	vst @!p0 v4  }
0x1da: {  	v4 =	vld.idx.msk @!p0 [tilespmem:v7+s0+$0x0], $0xffff;
	_ =	sdelay $0x3  }
0x1db: {  	s11 =	rddreg [dreg:$0x15]  }
0x1dc: {  	s12 =	sshra.s32 s11, $0x1F;
	[tilespmem:$0x12720] =	vst @!p0 v4  }
0x1dd: {  	s13 =	sshrl.u32 s12, $0x19;
	v4 =	vld.idx.msk @!p0 [tilespmem:v8+s0+$0x0], $0xffff  }
0x1de: {  	s0 =	sadd.s32 s13, s11  }
0x1df: {  	s9 =	sand.u32 $0xFFFFFF80, s0  }
0x1e0: {  	p1 =	sgt.s32 s11, $0xF41FF;
	s0 =	sand.u32 $0xFFFFF80, s9  }
0x1e1: {  	s16 =	ssub.s32 s22, s25;
	s0 =	simm.s32 @p1 $0x0  }
0x1e2: {  	s30 =	simm.s32 $0xA080;
	s17 =	simm.s32 $0x7;
	s0 =	sadd.s32 s1, s0;
	[tilespmem:$0x12730] =	vst @!p0 v4;
	v4 =	vadd.s32 s16, v0  }
0x1e3: {  	[tilespmem:s30], [sflag:$0x6] =	stream.strided.gather [hbm4b:s0+s6], $0x2000, s7, s6, $0x38;
	[tilespmem:$0x13080] =	vst v63  }
0x1e4: {  	_ =	swait.ge [sflag:s17], $0x2000  }
0x1e5: {  	[sflag:s17] =	ssyncset.done $0x0  }
0x1e6: {  	s18 =	simm.s32 $0xC080;
	[sflag:s17] =	ssyncadd.s32 $0xFFFFE000  }
0x1e7: {  	v5 =	vld.idx.msk [tilespmem:v4+s18+$0x0], $0xffff  }
0x1e8: {  	v6 =	vadd.s32 s16, v1;
	_ =	sdelay $0x3  }
0x1e9: {  	[tilespmem:$0x12780] =	vst v5  }
0x1ea: {  	v5 =	vld.idx.msk [tilespmem:v6+s18+$0x0], $0xffff  }
0x1eb: {  	v7 =	vadd.s32 s16, v2;
	_ =	sdelay $0x3  }
0x1ec: {  	[tilespmem:$0x12790] =	vst v5  }
0x1ed: {  	v5 =	vld.idx.msk [tilespmem:v7+s18+$0x0], $0xffff  }
0x1ee: {  	v8 =	vadd.s32 s16, v3;
	_ =	sdelay $0x3  }
0x1ef: {  	[tilespmem:$0x127A0] =	vst v5  }
0x1f0: {  	v5 =	vld.idx.msk [tilespmem:v8+s18+$0x0], $0xffff;
	_ =	sdelay $0x3  }
0x1f1: {  	p0 =	slt.s32 s22, $0xF4200  }
0x1f2: {  	s0 =	simm.s32 @!p0 $0x10080;
	[tilespmem:$0x127B0] =	vst v5  }
0x1f3: {  	v4 =	vld.idx.msk @!p0 [tilespmem:v4+s0+$0x0], $0xffff;
	_ =	sdelay $0x4  }
0x1f4: {  	[tilespmem:$0x12780] =	vst @!p0 v4  }
0x1f5: {  	v4 =	vld.idx.msk @!p0 [tilespmem:v6+s0+$0x0], $0xffff;
	_ =	sdelay $0x4  }
0x1f6: {  	[tilespmem:$0x12790] =	vst @!p0 v4  }
0x1f7: {  	v4 =	vld.idx.msk @!p0 [tilespmem:v7+s0+$0x0], $0xffff;
	_ =	sdelay $0x3  }
0x1f8: {  	s18 =	rddreg [dreg:$0x14]  }
0x1f9: {  	s22 =	sshra.s32 s18, $0x1F;
	[tilespmem:$0x127A0] =	vst @!p0 v4  }
0x1fa: {  	s10 =	sshrl.u32 s22, $0x19;
	v4 =	vld.idx.msk @!p0 [tilespmem:v8+s0+$0x0], $0xffff  }
0x1fb: {  	s25 =	sadd.s32 s10, s18  }
0x1fc: {  	s16 =	sand.u32 $0xFFFFFF80, s25  }
0x1fd: {  	p1 =	sgt.s32 s18, $0xF41FF;
	s0 =	sand.u32 $0xFFFFF80, s16  }
0x1fe: {  	s2 =	ssub.s32 s15, s2;
	s0 =	simm.s32 @p1 $0x0  }
0x1ff: {  	s23 =	simm.s32 $0xC080;
	s31 =	simm.s32 $0x8;
	s0 =	sadd.s32 s1, s0;
	[tilespmem:$0x127B0] =	vst @!p0 v4;
	v4 =	vadd.s32 s2, v0  }
0x200: {  	[tilespmem:s23], [sflag:$0x7] =	stream.strided.gather [hbm4b:s0+s6], $0x2000, s7, s6, $0x38;
	[tilespmem:$0x13080] =	vst v63  }
0x201: {  	_ =	swait.ge [sflag:s31], $0x2000  }
0x202: {  	[sflag:s31] =	ssyncset.done $0x0  }
0x203: {  	[sflag:s31] =	ssyncadd.s32 $0xFFFFE000  }
0x204: {  	v5 =	vld.idx.msk [tilespmem:v4+s14+$0x0], $0xffff  }
0x205: {  	v6 =	vadd.s32 s2, v1;
	_ =	sdelay $0x3  }
0x206: {  	[tilespmem:$0x12800] =	vst v5  }
0x207: {  	v5 =	vld.idx.msk [tilespmem:v6+s14+$0x0], $0xffff  }
0x208: {  	v7 =	vadd.s32 s2, v2;
	_ =	sdelay $0x3  }
0x209: {  	[tilespmem:$0x12810] =	vst v5  }
0x20a: {  	v5 =	vld.idx.msk [tilespmem:v7+s14+$0x0], $0xffff  }
0x20b: {  	v8 =	vadd.s32 s2, v3;
	_ =	sdelay $0x3  }
0x20c: {  	[tilespmem:$0x12820] =	vst v5  }
0x20d: {  	v5 =	vld.idx.msk [tilespmem:v8+s14+$0x0], $0xffff;
	_ =	sdelay $0x3  }
0x20e: {  	p0 =	slt.s32 s15, $0xF4200  }
0x20f: {  	s0 =	simm.s32 @!p0 $0x10080;
	[tilespmem:$0x12830] =	vst v5  }
0x210: {  	v4 =	vld.idx.msk @!p0 [tilespmem:v4+s0+$0x0], $0xffff;
	_ =	sdelay $0x4  }
0x211: {  	[tilespmem:$0x12800] =	vst @!p0 v4  }
0x212: {  	v4 =	vld.idx.msk @!p0 [tilespmem:v6+s0+$0x0], $0xffff;
	_ =	sdelay $0x4  }
0x213: {  	[tilespmem:$0x12810] =	vst @!p0 v4  }
0x214: {  	v4 =	vld.idx.msk @!p0 [tilespmem:v7+s0+$0x0], $0xffff;
	_ =	sdelay $0x3  }
0x215: {  	s17 =	rddreg [dreg:$0x13]  }
0x216: {  	s10 =	sshra.s32 s17, $0x1F;
	[tilespmem:$0x12820] =	vst @!p0 v4  }
0x217: {  	s2 =	sshrl.u32 s10, $0x19;
	v4 =	vld.idx.msk @!p0 [tilespmem:v8+s0+$0x0], $0xffff  }
0x218: {  	s12 =	sadd.s32 s2, s17  }
0x219: {  	s2 =	sand.u32 $0xFFFFFF80, s12  }
0x21a: {  	p1 =	sgt.s32 s17, $0xF41FF;
	s0 =	sand.u32 $0xFFFFF80, s2  }
0x21b: {  	s3 =	ssub.s32 s29, s3;
	s0 =	simm.s32 @p1 $0x0  }
0x21c: {  	s13 =	simm.s32 $0x1;
	s0 =	sadd.s32 s1, s0;
	[tilespmem:$0x12830] =	vst @!p0 v4;
	v4 =	vadd.s32 s3, v0  }
0x21d: {  	[tilespmem:s14], [sflag:$0x8] =	stream.strided.gather [hbm4b:s0+s6], $0x2000, s7, s6, $0x38;
	[tilespmem:$0x13080] =	vst v63  }
0x21e: {  	_ =	swait.ge [sflag:s13], $0x2000  }
0x21f: {  	[sflag:s13] =	ssyncset.done $0x0  }
0x220: {  	[sflag:s13] =	ssyncadd.s32 $0xFFFFE000  }
0x221: {  	v5 =	vld.idx.msk [tilespmem:v4+s19+$0x0], $0xffff  }
0x222: {  	v6 =	vadd.s32 s3, v1;
	_ =	sdelay $0x3  }
0x223: {  	[tilespmem:$0x12880] =	vst v5  }
0x224: {  	v5 =	vld.idx.msk [tilespmem:v6+s19+$0x0], $0xffff  }
0x225: {  	v7 =	vadd.s32 s3, v2;
	_ =	sdelay $0x3  }
0x226: {  	[tilespmem:$0x12890] =	vst v5  }
0x227: {  	v5 =	vld.idx.msk [tilespmem:v7+s19+$0x0], $0xffff  }
0x228: {  	v8 =	vadd.s32 s3, v3;
	_ =	sdelay $0x3  }
0x229: {  	[tilespmem:$0x128A0] =	vst v5  }
0x22a: {  	v5 =	vld.idx.msk [tilespmem:v8+s19+$0x0], $0xffff;
	_ =	sdelay $0x3  }
0x22b: {  	p0 =	slt.s32 s29, $0xF4200  }
0x22c: {  	s0 =	simm.s32 @!p0 $0x10080;
	[tilespmem:$0x128B0] =	vst v5  }
0x22d: {  	v4 =	vld.idx.msk @!p0 [tilespmem:v4+s0+$0x0], $0xffff;
	_ =	sdelay $0x4  }
0x22e: {  	[tilespmem:$0x12880] =	vst @!p0 v4  }
0x22f: {  	v4 =	vld.idx.msk @!p0 [tilespmem:v6+s0+$0x0], $0xffff;
	_ =	sdelay $0x4  }
0x230: {  	[tilespmem:$0x12890] =	vst @!p0 v4  }
0x231: {  	v4 =	vld.idx.msk @!p0 [tilespmem:v7+s0+$0x0], $0xffff;
	_ =	sdelay $0x3  }
0x232: {  	s29 =	rddreg [dreg:$0x12]  }
0x233: {  	s14 =	sshra.s32 s29, $0x1F;
	[tilespmem:$0x128A0] =	vst @!p0 v4  }
0x234: {  	s3 =	sshrl.u32 s14, $0x19;
	v4 =	vld.idx.msk @!p0 [tilespmem:v8+s0+$0x0], $0xffff  }
0x235: {  	s15 =	sadd.s32 s3, s29  }
0x236: {  	s0 =	sand.u32 $0xFFFFFF80, s15  }
0x237: {  	p1 =	sgt.s32 s29, $0xF41FF;
	s3 =	sand.u32 $0xFFFFF80, s0  }
0x238: {  	s22 =	ssub.s32 s28, s24;
	s3 =	simm.s32 @p1 $0x0  }
0x239: {  	s24 =	simm.s32 $0x2;
	s3 =	sadd.s32 s1, s3;
	[tilespmem:$0x128B0] =	vst @!p0 v4;
	v4 =	vadd.s32 s22, v0  }
0x23a: {  	[tilespmem:s19], [sflag:$0x1] =	stream.strided.gather [hbm4b:s3+s6], $0x2000, s7, s6, $0x38;
	[tilespmem:$0x13080] =	vst v63  }
0x23b: {  	_ =	swait.ge [sflag:s24], $0x2000  }
0x23c: {  	[sflag:s24] =	ssyncset.done $0x0  }
0x23d: {  	s25 =	simm.s32 $0x2080;
	[sflag:s24] =	ssyncadd.s32 $0xFFFFE000  }
0x23e: {  	v5 =	vld.idx.msk [tilespmem:v4+s25+$0x0], $0xffff  }
0x23f: {  	v6 =	vadd.s32 s22, v1;
	_ =	sdelay $0x3  }
0x240: {  	[tilespmem:$0x12900] =	vst v5  }
0x241: {  	v5 =	vld.idx.msk [tilespmem:v6+s25+$0x0], $0xffff  }
0x242: {  	v7 =	vadd.s32 s22, v2;
	_ =	sdelay $0x3  }
0x243: {  	[tilespmem:$0x12910] =	vst v5  }
0x244: {  	v5 =	vld.idx.msk [tilespmem:v7+s25+$0x0], $0xffff  }
0x245: {  	v8 =	vadd.s32 s22, v3;
	_ =	sdelay $0x3  }
0x246: {  	[tilespmem:$0x12920] =	vst v5  }
0x247: {  	v5 =	vld.idx.msk [tilespmem:v8+s25+$0x0], $0xffff;
	_ =	sdelay $0x3  }
0x248: {  	p0 =	slt.s32 s28, $0xF4200  }
0x249: {  	s3 =	simm.s32 @!p0 $0x10080;
	[tilespmem:$0x12930] =	vst v5  }
0x24a: {  	v4 =	vld.idx.msk @!p0 [tilespmem:v4+s3+$0x0], $0xffff;
	_ =	sdelay $0x4  }
0x24b: {  	[tilespmem:$0x12900] =	vst @!p0 v4  }
0x24c: {  	v4 =	vld.idx.msk @!p0 [tilespmem:v6+s3+$0x0], $0xffff;
	_ =	sdelay $0x4  }
0x24d: {  	[tilespmem:$0x12910] =	vst @!p0 v4  }
0x24e: {  	v4 =	vld.idx.msk @!p0 [tilespmem:v7+s3+$0x0], $0xffff;
	_ =	sdelay $0x3  }
0x24f: {  	s28 =	rddreg [dreg:$0x11]  }
0x250: {  	s31 =	sshra.s32 s28, $0x1F;
	[tilespmem:$0x12920] =	vst @!p0 v4  }
0x251: {  	s10 =	sshrl.u32 s31, $0x19;
	v4 =	vld.idx.msk @!p0 [tilespmem:v8+s3+$0x0], $0xffff  }
0x252: {  	s12 =	sadd.s32 s10, s28  }
0x253: {  	s3 =	sand.u32 $0xFFFFFF80, s12  }
0x254: {  	p1 =	sgt.s32 s28, $0xF41FF;
	s10 =	sand.u32 $0xFFFFF80, s3  }
0x255: {  	s5 =	ssub.s32 s26, s5;
	s10 =	simm.s32 @p1 $0x0  }
0x256: {  	s13 =	simm.s32 $0x3;
	s15 =	simm.s32 $0x2080;
	s10 =	sadd.s32 s1, s10;
	[tilespmem:$0x12930] =	vst @!p0 v4;
	v4 =	vadd.s32 s5, v0  }
0x257: {  	[tilespmem:s15], [sflag:$0x2] =	stream.strided.gather [hbm4b:s10+s6], $0x2000, s7, s6, $0x38;
	[tilespmem:$0x13080] =	vst v63  }
0x258: {  	_ =	swait.ge [sflag:s13], $0x2000  }
0x259: {  	[sflag:s13] =	ssyncset.done $0x0  }
0x25a: {  	s14 =	simm.s32 $0x4080;
	[sflag:s13] =	ssyncadd.s32 $0xFFFFE000  }
0x25b: {  	v5 =	vld.idx.msk [tilespmem:v4+s14+$0x0], $0xffff  }
0x25c: {  	v6 =	vadd.s32 s5, v1;
	_ =	sdelay $0x3  }
0x25d: {  	[tilespmem:$0x12980] =	vst v5  }
0x25e: {  	v5 =	vld.idx.msk [tilespmem:v6+s14+$0x0], $0xffff  }
0x25f: {  	v7 =	vadd.s32 s5, v2;
	_ =	sdelay $0x3  }
0x260: {  	[tilespmem:$0x12990] =	vst v5  }
0x261: {  	v5 =	vld.idx.msk [tilespmem:v7+s14+$0x0], $0xffff  }
0x262: {  	v8 =	vadd.s32 s5, v3;
	_ =	sdelay $0x3  }
0x263: {  	[tilespmem:$0x129A0] =	vst v5  }
0x264: {  	v5 =	vld.idx.msk [tilespmem:v8+s14+$0x0], $0xffff;
	_ =	sdelay $0x3  }
0x265: {  	p0 =	slt.s32 s26, $0xF4200  }
0x266: {  	s5 =	simm.s32 @!p0 $0x10080;
	[tilespmem:$0x129B0] =	vst v5  }
0x267: {  	v4 =	vld.idx.msk @!p0 [tilespmem:v4+s5+$0x0], $0xffff;
	_ =	sdelay $0x4  }
0x268: {  	[tilespmem:$0x12980] =	vst @!p0 v4  }
0x269: {  	v4 =	vld.idx.msk @!p0 [tilespmem:v6+s5+$0x0], $0xffff;
	_ =	sdelay $0x4  }
0x26a: {  	[tilespmem:$0x12990] =	vst @!p0 v4  }
0x26b: {  	v4 =	vld.idx.msk @!p0 [tilespmem:v7+s5+$0x0], $0xffff;
	_ =	sdelay $0x3  }
0x26c: {  	s26 =	rddreg [dreg:$0x10]  }
0x26d: {  	s22 =	sshra.s32 s26, $0x1F;
	[tilespmem:$0x129A0] =	vst @!p0 v4  }
0x26e: {  	s10 =	sshrl.u32 s22, $0x19;
	v4 =	vld.idx.msk @!p0 [tilespmem:v8+s5+$0x0], $0xffff  }
0x26f: {  	s24 =	sadd.s32 s10, s26  }
0x270: {  	s5 =	sand.u32 $0xFFFFFF80, s24  }
0x271: {  	p1 =	sgt.s32 s26, $0xF41FF;
	s10 =	sand.u32 $0xFFFFF80, s5  }
0x272: {  	s8 =	ssub.s32 s21, s8;
	s10 =	simm.s32 @p1 $0x0  }
0x273: {  	s25 =	simm.s32 $0x4;
	s14 =	simm.s32 $0x4080;
	s10 =	sadd.s32 s1, s10;
	[tilespmem:$0x129B0] =	vst @!p0 v4;
	v4 =	vadd.s32 s8, v0  }
0x274: {  	[tilespmem:s14], [sflag:$0x3] =	stream.strided.gather [hbm4b:s10+s6], $0x2000, s7, s6, $0x38;
	[tilespmem:$0x13080] =	vst v63  }
0x275: {  	_ =	swait.ge [sflag:s25], $0x2000  }
0x276: {  	[sflag:s25] =	ssyncset.done $0x0  }
0x277: {  	s31 =	simm.s32 $0x6080;
	[sflag:s25] =	ssyncadd.s32 $0xFFFFE000  }
0x278: {  	v5 =	vld.idx.msk [tilespmem:v4+s31+$0x0], $0xffff  }
0x279: {  	v6 =	vadd.s32 s8, v1;
	_ =	sdelay $0x3  }
0x27a: {  	[tilespmem:$0x12A00] =	vst v5  }
0x27b: {  	v5 =	vld.idx.msk [tilespmem:v6+s31+$0x0], $0xffff  }
0x27c: {  	v7 =	vadd.s32 s8, v2;
	_ =	sdelay $0x3  }
0x27d: {  	[tilespmem:$0x12A10] =	vst v5  }
0x27e: {  	v5 =	vld.idx.msk [tilespmem:v7+s31+$0x0], $0xffff  }
0x27f: {  	v8 =	vadd.s32 s8, v3;
	_ =	sdelay $0x3  }
0x280: {  	[tilespmem:$0x12A20] =	vst v5  }
0x281: {  	v5 =	vld.idx.msk [tilespmem:v8+s31+$0x0], $0xffff;
	_ =	sdelay $0x3  }
0x282: {  	p0 =	slt.s32 s21, $0xF4200  }
0x283: {  	s8 =	simm.s32 @!p0 $0x10080;
	[tilespmem:$0x12A30] =	vst v5  }
0x284: {  	v4 =	vld.idx.msk @!p0 [tilespmem:v4+s8+$0x0], $0xffff;
	_ =	sdelay $0x4  }
0x285: {  	[tilespmem:$0x12A00] =	vst @!p0 v4  }
0x286: {  	v4 =	vld.idx.msk @!p0 [tilespmem:v6+s8+$0x0], $0xffff;
	_ =	sdelay $0x4  }
0x287: {  	[tilespmem:$0x12A10] =	vst @!p0 v4  }
0x288: {  	v4 =	vld.idx.msk @!p0 [tilespmem:v7+s8+$0x0], $0xffff;
	_ =	sdelay $0x3  }
0x289: {  	s25 =	rddreg [dreg:$0xf]  }
0x28a: {  	s12 =	sshra.s32 s25, $0x1F;
	[tilespmem:$0x12A20] =	vst @!p0 v4  }
0x28b: {  	s10 =	sshrl.u32 s12, $0x19;
	v4 =	vld.idx.msk @!p0 [tilespmem:v8+s8+$0x0], $0xffff  }
0x28c: {  	s21 =	sadd.s32 s10, s25  }
0x28d: {  	s8 =	sand.u32 $0xFFFFFF80, s21  }
0x28e: {  	p1 =	sgt.s32 s25, $0xF41FF;
	s10 =	sand.u32 $0xFFFFF80, s8  }
0x28f: {  	s4 =	ssub.s32 s20, s4;
	s10 =	simm.s32 @p1 $0x0  }
0x290: {  	s13 =	simm.s32 $0x6080;
	s22 =	simm.s32 $0x5;
	s10 =	sadd.s32 s1, s10;
	[tilespmem:$0x12A30] =	vst @!p0 v4;
	v4 =	vadd.s32 s4, v0  }
0x291: {  	[tilespmem:s13], [sflag:$0x4] =	stream.strided.gather [hbm4b:s10+s6], $0x2000, s7, s6, $0x38;
	[tilespmem:$0x13080] =	vst v63  }
0x292: {  	_ =	swait.ge [sflag:s22], $0x2000  }
0x293: {  	[sflag:s22] =	ssyncset.done $0x0  }
0x294: {  	s24 =	simm.s32 $0x8080;
	[sflag:s22] =	ssyncadd.s32 $0xFFFFE000  }
0x295: {  	v5 =	vld.idx.msk [tilespmem:v4+s24+$0x0], $0xffff  }
0x296: {  	v6 =	vadd.s32 s4, v1;
	_ =	sdelay $0x3  }
0x297: {  	[tilespmem:$0x12A80] =	vst v5  }
0x298: {  	v5 =	vld.idx.msk [tilespmem:v6+s24+$0x0], $0xffff  }
0x299: {  	v7 =	vadd.s32 s4, v2;
	_ =	sdelay $0x3  }
0x29a: {  	[tilespmem:$0x12A90] =	vst v5  }
0x29b: {  	v5 =	vld.idx.msk [tilespmem:v7+s24+$0x0], $0xffff  }
0x29c: {  	v8 =	vadd.s32 s4, v3;
	_ =	sdelay $0x3  }
0x29d: {  	[tilespmem:$0x12AA0] =	vst v5  }
0x29e: {  	v5 =	vld.idx.msk [tilespmem:v8+s24+$0x0], $0xffff;
	_ =	sdelay $0x3  }
0x29f: {  	p0 =	slt.s32 s20, $0xF4200  }
0x2a0: {  	s4 =	simm.s32 @!p0 $0x10080;
	[tilespmem:$0x12AB0] =	vst v5  }
0x2a1: {  	v4 =	vld.idx.msk @!p0 [tilespmem:v4+s4+$0x0], $0xffff;
	_ =	sdelay $0x4  }
0x2a2: {  	[tilespmem:$0x12A80] =	vst @!p0 v4  }
0x2a3: {  	v4 =	vld.idx.msk @!p0 [tilespmem:v6+s4+$0x0], $0xffff;
	_ =	sdelay $0x4  }
0x2a4: {  	[tilespmem:$0x12A90] =	vst @!p0 v4  }
0x2a5: {  	v4 =	vld.idx.msk @!p0 [tilespmem:v7+s4+$0x0], $0xffff;
	_ =	sdelay $0x3  }
0x2a6: {  	s24 =	rddreg [dreg:$0xe]  }
0x2a7: {  	s31 =	sshra.s32 s24, $0x1F;
	[tilespmem:$0x12AA0] =	vst @!p0 v4  }
0x2a8: {  	s10 =	sshrl.u32 s31, $0x19;
	v4 =	vld.idx.msk @!p0 [tilespmem:v8+s4+$0x0], $0xffff  }
0x2a9: {  	s10 =	sadd.s32 s10, s24  }
0x2aa: {  	s4 =	sand.u32 $0xFFFFFF80, s10  }
0x2ab: {  	p1 =	sgt.s32 s24, $0xF41FF;
	s10 =	sand.u32 $0xFFFFF80, s4  }
0x2ac: {  	s9 =	ssub.s32 s11, s9;
	s10 =	simm.s32 @p1 $0x0  }
0x2ad: {  	s12 =	simm.s32 $0x8080;
	s20 =	simm.s32 $0x6;
	s10 =	sadd.s32 s1, s10;
	[tilespmem:$0x12AB0] =	vst @!p0 v4;
	v4 =	vadd.s32 s9, v0  }
0x2ae: {  	[tilespmem:s12], [sflag:$0x5] =	stream.strided.gather [hbm4b:s10+s6], $0x2000, s7, s6, $0x38;
	[tilespmem:$0x13080] =	vst v63  }
0x2af: {  	_ =	swait.ge [sflag:s20], $0x2000  }
0x2b0: {  	[sflag:s20] =	ssyncset.done $0x0  }
0x2b1: {  	[sflag:s20] =	ssyncadd.s32 $0xFFFFE000  }
0x2b2: {  	v5 =	vld.idx.msk [tilespmem:v4+s30+$0x0], $0xffff  }
0x2b3: {  	v6 =	vadd.s32 s9, v1;
	_ =	sdelay $0x3  }
0x2b4: {  	[tilespmem:$0x12B00] =	vst v5  }
0x2b5: {  	v5 =	vld.idx.msk [tilespmem:v6+s30+$0x0], $0xffff  }
0x2b6: {  	v7 =	vadd.s32 s9, v2;
	_ =	sdelay $0x3  }
0x2b7: {  	[tilespmem:$0x12B10] =	vst v5  }
0x2b8: {  	v5 =	vld.idx.msk [tilespmem:v7+s30+$0x0], $0xffff  }
0x2b9: {  	v8 =	vadd.s32 s9, v3;
	_ =	sdelay $0x3  }
0x2ba: {  	[tilespmem:$0x12B20] =	vst v5  }
0x2bb: {  	v5 =	vld.idx.msk [tilespmem:v8+s30+$0x0], $0xffff;
	_ =	sdelay $0x3  }
0x2bc: {  	p0 =	slt.s32 s11, $0xF4200  }
0x2bd: {  	s9 =	simm.s32 @!p0 $0x10080;
	[tilespmem:$0x12B30] =	vst v5  }
0x2be: {  	v4 =	vld.idx.msk @!p0 [tilespmem:v4+s9+$0x0], $0xffff;
	_ =	sdelay $0x4  }
0x2bf: {  	[tilespmem:$0x12B00] =	vst @!p0 v4  }
0x2c0: {  	v4 =	vld.idx.msk @!p0 [tilespmem:v6+s9+$0x0], $0xffff;
	_ =	sdelay $0x4  }
0x2c1: {  	[tilespmem:$0x12B10] =	vst @!p0 v4  }
0x2c2: {  	v4 =	vld.idx.msk @!p0 [tilespmem:v7+s9+$0x0], $0xffff;
	_ =	sdelay $0x3  }
0x2c3: {  	s22 =	rddreg [dreg:$0xd]  }
0x2c4: {  	s21 =	sshra.s32 s22, $0x1F;
	[tilespmem:$0x12B20] =	vst @!p0 v4  }
0x2c5: {  	s10 =	sshrl.u32 s21, $0x19;
	v4 =	vld.idx.msk @!p0 [tilespmem:v8+s9+$0x0], $0xffff  }
0x2c6: {  	s11 =	sadd.s32 s10, s22  }
0x2c7: {  	s9 =	sand.u32 $0xFFFFFF80, s11  }
0x2c8: {  	p1 =	sgt.s32 s22, $0xF41FF;
	s10 =	sand.u32 $0xFFFFF80, s9  }
0x2c9: {  	s20 =	ssub.s32 s18, s16;
	s10 =	simm.s32 @p1 $0x0  }
0x2ca: {  	s16 =	simm.s32 $0x7;
	s10 =	sadd.s32 s1, s10;
	[tilespmem:$0x12B30] =	vst @!p0 v4;
	v4 =	vadd.s32 s20, v0  }
0x2cb: {  	[tilespmem:s30], [sflag:$0x6] =	stream.strided.gather [hbm4b:s10+s6], $0x2000, s7, s6, $0x38;
	[tilespmem:$0x13080] =	vst v63  }
0x2cc: {  	_ =	swait.ge [sflag:s16], $0x2000  }
0x2cd: {  	[sflag:s16] =	ssyncset.done $0x0  }
0x2ce: {  	[sflag:s16] =	ssyncadd.s32 $0xFFFFE000  }
0x2cf: {  	v5 =	vld.idx.msk [tilespmem:v4+s23+$0x0], $0xffff  }
0x2d0: {  	v6 =	vadd.s32 s20, v1;
	_ =	sdelay $0x3  }
0x2d1: {  	[tilespmem:$0x12B80] =	vst v5  }
0x2d2: {  	v5 =	vld.idx.msk [tilespmem:v6+s23+$0x0], $0xffff  }
0x2d3: {  	v7 =	vadd.s32 s20, v2;
	_ =	sdelay $0x3  }
0x2d4: {  	[tilespmem:$0x12B90] =	vst v5  }
0x2d5: {  	v5 =	vld.idx.msk [tilespmem:v7+s23+$0x0], $0xffff  }
0x2d6: {  	v8 =	vadd.s32 s20, v3;
	_ =	sdelay $0x3  }
0x2d7: {  	[tilespmem:$0x12BA0] =	vst v5  }
0x2d8: {  	v5 =	vld.idx.msk [tilespmem:v8+s23+$0x0], $0xffff;
	_ =	sdelay $0x3  }
0x2d9: {  	p0 =	slt.s32 s18, $0xF4200  }
0x2da: {  	s10 =	simm.s32 @!p0 $0x10080;
	[tilespmem:$0x12BB0] =	vst v5  }
0x2db: {  	v4 =	vld.idx.msk @!p0 [tilespmem:v4+s10+$0x0], $0xffff;
	_ =	sdelay $0x4  }
0x2dc: {  	[tilespmem:$0x12B80] =	vst @!p0 v4  }
0x2dd: {  	v4 =	vld.idx.msk @!p0 [tilespmem:v6+s10+$0x0], $0xffff;
	_ =	sdelay $0x4  }
0x2de: {  	[tilespmem:$0x12B90] =	vst @!p0 v4  }
0x2df: {  	v4 =	vld.idx.msk @!p0 [tilespmem:v7+s10+$0x0], $0xffff;
	_ =	sdelay $0x3  }
0x2e0: {  	s18 =	rddreg [dreg:$0xc]  }
0x2e1: {  	s20 =	sshra.s32 s18, $0x1F;
	[tilespmem:$0x12BA0] =	vst @!p0 v4  }
0x2e2: {  	s11 =	sshrl.u32 s20, $0x19;
	v4 =	vld.idx.msk @!p0 [tilespmem:v8+s10+$0x0], $0xffff  }
0x2e3: {  	s16 =	sadd.s32 s11, s18  }
0x2e4: {  	s10 =	sand.u32 $0xFFFFFF80, s16  }
0x2e5: {  	p1 =	sgt.s32 s18, $0xF41FF;
	s11 =	sand.u32 $0xFFFFF80, s10  }
0x2e6: {  	s2 =	ssub.s32 s17, s2;
	s11 =	simm.s32 @p1 $0x0  }
0x2e7: {  	s20 =	simm.s32 $0x8;
	s11 =	sadd.s32 s1, s11;
	[tilespmem:$0x12BB0] =	vst @!p0 v4;
	v4 =	vadd.s32 s2, v0  }
0x2e8: {  	[tilespmem:s23], [sflag:$0x7] =	stream.strided.gather [hbm4b:s11+s6], $0x2000, s7, s6, $0x38;
	[tilespmem:$0x13080] =	vst v63  }
0x2e9: {  	_ =	swait.ge [sflag:s20], $0x2000  }
0x2ea: {  	[sflag:s20] =	ssyncset.done $0x0  }
0x2eb: {  	s16 =	simm.s32 $0xE080;
	[sflag:s20] =	ssyncadd.s32 $0xFFFFE000  }
0x2ec: {  	v5 =	vld.idx.msk [tilespmem:v4+s16+$0x0], $0xffff  }
0x2ed: {  	v6 =	vadd.s32 s2, v1;
	_ =	sdelay $0x3  }
0x2ee: {  	[tilespmem:$0x12C00] =	vst v5  }
0x2ef: {  	v5 =	vld.idx.msk [tilespmem:v6+s16+$0x0], $0xffff  }
0x2f0: {  	v7 =	vadd.s32 s2, v2;
	_ =	sdelay $0x3  }
0x2f1: {  	[tilespmem:$0x12C10] =	vst v5  }
0x2f2: {  	v5 =	vld.idx.msk [tilespmem:v7+s16+$0x0], $0xffff  }
0x2f3: {  	v8 =	vadd.s32 s2, v3;
	_ =	sdelay $0x3  }
0x2f4: {  	[tilespmem:$0x12C20] =	vst v5  }
0x2f5: {  	v5 =	vld.idx.msk [tilespmem:v8+s16+$0x0], $0xffff;
	_ =	sdelay $0x3  }
0x2f6: {  	p0 =	slt.s32 s17, $0xF4200  }
0x2f7: {  	s2 =	simm.s32 @!p0 $0x10080;
	[tilespmem:$0x12C30] =	vst v5  }
0x2f8: {  	v4 =	vld.idx.msk @!p0 [tilespmem:v4+s2+$0x0], $0xffff;
	_ =	sdelay $0x4  }
0x2f9: {  	[tilespmem:$0x12C00] =	vst @!p0 v4  }
0x2fa: {  	v4 =	vld.idx.msk @!p0 [tilespmem:v6+s2+$0x0], $0xffff;
	_ =	sdelay $0x4  }
0x2fb: {  	[tilespmem:$0x12C10] =	vst @!p0 v4  }
0x2fc: {  	v4 =	vld.idx.msk @!p0 [tilespmem:v7+s2+$0x0], $0xffff;
	_ =	sdelay $0x3  }
0x2fd: {  	s17 =	rddreg [dreg:$0xb]  }
0x2fe: {  	s11 =	sshra.s32 s17, $0x1F;
	[tilespmem:$0x12C20] =	vst @!p0 v4  }
0x2ff: {  	s11 =	sshrl.u32 s11, $0x19;
	v4 =	vld.idx.msk @!p0 [tilespmem:v8+s2+$0x0], $0xffff  }
0x300: {  	s11 =	sadd.s32 s11, s17  }
0x301: {  	s2 =	sand.u32 $0xFFFFFF80, s11  }
0x302: {  	p1 =	sgt.s32 s17, $0xF41FF;
	s11 =	sand.u32 $0xFFFFF80, s2  }
0x303: {  	s11 =	simm.s32 @p1 $0x0  }
0x304: {  	s0 =	ssub.s32 s29, s0;
	s16 =	simm.s32 $0xE080;
	s11 =	sadd.s32 s1, s11;
	[tilespmem:$0x12C30] =	vst @!p0 v4  }
0x305: {  	v4 =	vadd.s32 s0, v0;
	[tilespmem:s16], [sflag:$0x8] =	stream.strided.gather [hbm4b:s11+s6], $0x2000, s7, s6, $0x38;
	[tilespmem:$0x13080] =	vst v63  }
0x306: {  	s11 =	simm.s32 $0x1  }
0x307: {  	_ =	swait.ge [sflag:s11], $0x2000  }
0x308: {  	[sflag:s11] =	ssyncset.done $0x0  }
0x309: {  	[sflag:s11] =	ssyncadd.s32 $0xFFFFE000  }
0x30a: {  	v5 =	vld.idx.msk [tilespmem:v4+s19+$0x0], $0xffff  }
0x30b: {  	v6 =	vadd.s32 s0, v1;
	_ =	sdelay $0x3  }
0x30c: {  	[tilespmem:$0x12C80] =	vst v5  }
0x30d: {  	v5 =	vld.idx.msk [tilespmem:v6+s19+$0x0], $0xffff  }
0x30e: {  	v7 =	vadd.s32 s0, v2;
	_ =	sdelay $0x3  }
0x30f: {  	[tilespmem:$0x12C90] =	vst v5  }
0x310: {  	v5 =	vld.idx.msk [tilespmem:v7+s19+$0x0], $0xffff  }
0x311: {  	v8 =	vadd.s32 s0, v3;
	_ =	sdelay $0x3  }
0x312: {  	[tilespmem:$0x12CA0] =	vst v5  }
0x313: {  	v5 =	vld.idx.msk [tilespmem:v8+s19+$0x0], $0xffff;
	_ =	sdelay $0x3  }
0x314: {  	p0 =	slt.s32 s29, $0xF4200  }
0x315: {  	s0 =	simm.s32 @!p0 $0x10080;
	[tilespmem:$0x12CB0] =	vst v5  }
0x316: {  	v4 =	vld.idx.msk @!p0 [tilespmem:v4+s0+$0x0], $0xffff;
	_ =	sdelay $0x4  }
0x317: {  	[tilespmem:$0x12C80] =	vst @!p0 v4  }
0x318: {  	v4 =	vld.idx.msk @!p0 [tilespmem:v6+s0+$0x0], $0xffff;
	_ =	sdelay $0x4  }
0x319: {  	[tilespmem:$0x12C90] =	vst @!p0 v4  }
0x31a: {  	v4 =	vld.idx.msk @!p0 [tilespmem:v7+s0+$0x0], $0xffff;
	_ =	sdelay $0x4  }
0x31b: {  	[tilespmem:$0x12CA0] =	vst @!p0 v4  }
0x31c: {  	v4 =	vld.idx.msk @!p0 [tilespmem:v8+s0+$0x0], $0xffff;
	_ =	sdelay $0x2  }
0x31d: {  	s29 =	ssub.s32 s28, s3  }
0x31e: {  	v5 =	vadd.s32 s29, v0  }
0x31f: {  	s11 =	simm.s32 $0x2;
	[tilespmem:$0x12CB0] =	vst @!p0 v4  }
0x320: {  	_ =	swait.ge [sflag:s11], $0x2000  }
0x321: {  	[sflag:s11] =	ssyncset.done $0x0  }
0x322: {  	[sflag:s11] =	ssyncadd.s32 $0xFFFFE000  }
0x323: {  	v4 =	vld.idx.msk [tilespmem:v5+s15+$0x0], $0xffff  }
0x324: {  	v6 =	vadd.s32 s29, v1;
	_ =	sdelay $0x3  }
0x325: {  	[tilespmem:$0x12D00] =	vst v4  }
0x326: {  	v4 =	vld.idx.msk [tilespmem:v6+s15+$0x0], $0xffff  }
0x327: {  	v7 =	vadd.s32 s29, v2;
	_ =	sdelay $0x3  }
0x328: {  	[tilespmem:$0x12D10] =	vst v4  }
0x329: {  	v4 =	vld.idx.msk [tilespmem:v7+s15+$0x0], $0xffff  }
0x32a: {  	v8 =	vadd.s32 s29, v3;
	_ =	sdelay $0x3  }
0x32b: {  	[tilespmem:$0x12D20] =	vst v4  }
0x32c: {  	v4 =	vld.idx.msk [tilespmem:v8+s15+$0x0], $0xffff;
	_ =	sdelay $0x3  }
0x32d: {  	p0 =	slt.s32 s28, $0xF4200  }
0x32e: {  	s0 =	simm.s32 @!p0 $0x10080;
	[tilespmem:$0x12D30] =	vst v4  }
0x32f: {  	v4 =	vld.idx.msk @!p0 [tilespmem:v5+s0+$0x0], $0xffff;
	_ =	sdelay $0x4  }
0x330: {  	[tilespmem:$0x12D00] =	vst @!p0 v4  }
0x331: {  	v4 =	vld.idx.msk @!p0 [tilespmem:v6+s0+$0x0], $0xffff;
	_ =	sdelay $0x4  }
0x332: {  	[tilespmem:$0x12D10] =	vst @!p0 v4  }
0x333: {  	v4 =	vld.idx.msk @!p0 [tilespmem:v7+s0+$0x0], $0xffff;
	_ =	sdelay $0x4  }
0x334: {  	[tilespmem:$0x12D20] =	vst @!p0 v4  }
0x335: {  	v4 =	vld.idx.msk @!p0 [tilespmem:v8+s0+$0x0], $0xffff;
	_ =	sdelay $0x2  }
0x336: {  	s29 =	ssub.s32 s26, s5  }
0x337: {  	v5 =	vadd.s32 s29, v0  }
0x338: {  	s5 =	simm.s32 $0x3;
	[tilespmem:$0x12D30] =	vst @!p0 v4  }
0x339: {  	_ =	swait.ge [sflag:s5], $0x2000  }
0x33a: {  	[sflag:s5] =	ssyncset.done $0x0  }
0x33b: {  	[sflag:s5] =	ssyncadd.s32 $0xFFFFE000  }
0x33c: {  	v4 =	vld.idx.msk [tilespmem:v5+s14+$0x0], $0xffff  }
0x33d: {  	v6 =	vadd.s32 s29, v1;
	_ =	sdelay $0x3  }
0x33e: {  	[tilespmem:$0x12D80] =	vst v4  }
0x33f: {  	v4 =	vld.idx.msk [tilespmem:v6+s14+$0x0], $0xffff  }
0x340: {  	v7 =	vadd.s32 s29, v2;
	_ =	sdelay $0x3  }
0x341: {  	[tilespmem:$0x12D90] =	vst v4  }
0x342: {  	v4 =	vld.idx.msk [tilespmem:v7+s14+$0x0], $0xffff  }
0x343: {  	v8 =	vadd.s32 s29, v3;
	_ =	sdelay $0x3  }
0x344: {  	[tilespmem:$0x12DA0] =	vst v4  }
0x345: {  	v4 =	vld.idx.msk [tilespmem:v8+s14+$0x0], $0xffff;
	_ =	sdelay $0x3  }
0x346: {  	p0 =	slt.s32 s26, $0xF4200  }
0x347: {  	s0 =	simm.s32 @!p0 $0x10080;
	[tilespmem:$0x12DB0] =	vst v4  }
0x348: {  	v4 =	vld.idx.msk @!p0 [tilespmem:v5+s0+$0x0], $0xffff;
	_ =	sdelay $0x4  }
0x349: {  	[tilespmem:$0x12D80] =	vst @!p0 v4  }
0x34a: {  	v4 =	vld.idx.msk @!p0 [tilespmem:v6+s0+$0x0], $0xffff;
	_ =	sdelay $0x4  }
0x34b: {  	[tilespmem:$0x12D90] =	vst @!p0 v4  }
0x34c: {  	v4 =	vld.idx.msk @!p0 [tilespmem:v7+s0+$0x0], $0xffff;
	_ =	sdelay $0x4  }
0x34d: {  	[tilespmem:$0x12DA0] =	vst @!p0 v4  }
0x34e: {  	v4 =	vld.idx.msk @!p0 [tilespmem:v8+s0+$0x0], $0xffff;
	_ =	sdelay $0x2  }
0x34f: {  	s8 =	ssub.s32 s25, s8  }
0x350: {  	v5 =	vadd.s32 s8, v0  }
0x351: {  	s11 =	simm.s32 $0x4;
	[tilespmem:$0x12DB0] =	vst @!p0 v4  }
0x352: {  	_ =	swait.ge [sflag:s11], $0x2000  }
0x353: {  	[sflag:s11] =	ssyncset.done $0x0  }
0x354: {  	[sflag:s11] =	ssyncadd.s32 $0xFFFFE000  }
0x355: {  	v4 =	vld.idx.msk [tilespmem:v5+s13+$0x0], $0xffff  }
0x356: {  	v6 =	vadd.s32 s8, v1;
	_ =	sdelay $0x3  }
0x357: {  	[tilespmem:$0x12E00] =	vst v4  }
0x358: {  	v4 =	vld.idx.msk [tilespmem:v6+s13+$0x0], $0xffff  }
0x359: {  	v7 =	vadd.s32 s8, v2;
	_ =	sdelay $0x3  }
0x35a: {  	[tilespmem:$0x12E10] =	vst v4  }
0x35b: {  	v4 =	vld.idx.msk [tilespmem:v7+s13+$0x0], $0xffff  }
0x35c: {  	v8 =	vadd.s32 s8, v3;
	_ =	sdelay $0x3  }
0x35d: {  	[tilespmem:$0x12E20] =	vst v4  }
0x35e: {  	v4 =	vld.idx.msk [tilespmem:v8+s13+$0x0], $0xffff;
	_ =	sdelay $0x3  }
0x35f: {  	p0 =	slt.s32 s25, $0xF4200  }
0x360: {  	s0 =	simm.s32 @!p0 $0x10080;
	[tilespmem:$0x12E30] =	vst v4  }
0x361: {  	v4 =	vld.idx.msk @!p0 [tilespmem:v5+s0+$0x0], $0xffff;
	_ =	sdelay $0x4  }
0x362: {  	[tilespmem:$0x12E00] =	vst @!p0 v4  }
0x363: {  	v4 =	vld.idx.msk @!p0 [tilespmem:v6+s0+$0x0], $0xffff;
	_ =	sdelay $0x4  }
0x364: {  	[tilespmem:$0x12E10] =	vst @!p0 v4  }
0x365: {  	v4 =	vld.idx.msk @!p0 [tilespmem:v7+s0+$0x0], $0xffff;
	_ =	sdelay $0x4  }
0x366: {  	[tilespmem:$0x12E20] =	vst @!p0 v4  }
0x367: {  	v4 =	vld.idx.msk @!p0 [tilespmem:v8+s0+$0x0], $0xffff;
	_ =	sdelay $0x2  }
0x368: {  	s13 =	ssub.s32 s24, s4  }
0x369: {  	v5 =	vadd.s32 s13, v0  }
0x36a: {  	s14 =	simm.s32 $0x5;
	[tilespmem:$0x12E30] =	vst @!p0 v4  }
0x36b: {  	_ =	swait.ge [sflag:s14], $0x2000  }
0x36c: {  	[sflag:s14] =	ssyncset.done $0x0  }
0x36d: {  	[sflag:s14] =	ssyncadd.s32 $0xFFFFE000  }
0x36e: {  	v4 =	vld.idx.msk [tilespmem:v5+s12+$0x0], $0xffff  }
0x36f: {  	v6 =	vadd.s32 s13, v1;
	_ =	sdelay $0x3  }
0x370: {  	[tilespmem:$0x12E80] =	vst v4  }
0x371: {  	v4 =	vld.idx.msk [tilespmem:v6+s12+$0x0], $0xffff  }
0x372: {  	v7 =	vadd.s32 s13, v2;
	_ =	sdelay $0x3  }
0x373: {  	[tilespmem:$0x12E90] =	vst v4  }
0x374: {  	v4 =	vld.idx.msk [tilespmem:v7+s12+$0x0], $0xffff  }
0x375: {  	v8 =	vadd.s32 s13, v3;
	_ =	sdelay $0x3  }
0x376: {  	[tilespmem:$0x12EA0] =	vst v4  }
0x377: {  	v4 =	vld.idx.msk [tilespmem:v8+s12+$0x0], $0xffff;
	_ =	sdelay $0x3  }
0x378: {  	p0 =	slt.s32 s24, $0xF4200  }
0x379: {  	s0 =	simm.s32 @!p0 $0x10080;
	[tilespmem:$0x12EB0] =	vst v4  }
0x37a: {  	v4 =	vld.idx.msk @!p0 [tilespmem:v5+s0+$0x0], $0xffff;
	_ =	sdelay $0x4  }
0x37b: {  	[tilespmem:$0x12E80] =	vst @!p0 v4  }
0x37c: {  	v4 =	vld.idx.msk @!p0 [tilespmem:v6+s0+$0x0], $0xffff;
	_ =	sdelay $0x4  }
0x37d: {  	[tilespmem:$0x12E90] =	vst @!p0 v4  }
0x37e: {  	v4 =	vld.idx.msk @!p0 [tilespmem:v7+s0+$0x0], $0xffff;
	_ =	sdelay $0x4  }
0x37f: {  	[tilespmem:$0x12EA0] =	vst @!p0 v4  }
0x380: {  	v4 =	vld.idx.msk @!p0 [tilespmem:v8+s0+$0x0], $0xffff;
	_ =	sdelay $0x2  }
0x381: {  	s15 =	ssub.s32 s22, s9  }
0x382: {  	v5 =	vadd.s32 s15, v0  }
0x383: {  	s31 =	simm.s32 $0x6;
	[tilespmem:$0x12EB0] =	vst @!p0 v4  }
0x384: {  	_ =	swait.ge [sflag:s31], $0x2000  }
0x385: {  	[sflag:s31] =	ssyncset.done $0x0  }
0x386: {  	[sflag:s31] =	ssyncadd.s32 $0xFFFFE000  }
0x387: {  	v4 =	vld.idx.msk [tilespmem:v5+s30+$0x0], $0xffff  }
0x388: {  	v6 =	vadd.s32 s15, v1;
	_ =	sdelay $0x3  }
0x389: {  	[tilespmem:$0x12F00] =	vst v4  }
0x38a: {  	v4 =	vld.idx.msk [tilespmem:v6+s30+$0x0], $0xffff  }
0x38b: {  	v7 =	vadd.s32 s15, v2;
	_ =	sdelay $0x3  }
0x38c: {  	[tilespmem:$0x12F10] =	vst v4  }
0x38d: {  	v4 =	vld.idx.msk [tilespmem:v7+s30+$0x0], $0xffff  }
0x38e: {  	v8 =	vadd.s32 s15, v3;
	_ =	sdelay $0x3  }
0x38f: {  	[tilespmem:$0x12F20] =	vst v4  }
0x390: {  	v4 =	vld.idx.msk [tilespmem:v8+s30+$0x0], $0xffff;
	_ =	sdelay $0x3  }
0x391: {  	p0 =	slt.s32 s22, $0xF4200  }
0x392: {  	s0 =	simm.s32 @!p0 $0x10080;
	[tilespmem:$0x12F30] =	vst v4  }
0x393: {  	v4 =	vld.idx.msk @!p0 [tilespmem:v5+s0+$0x0], $0xffff;
	_ =	sdelay $0x4  }
0x394: {  	[tilespmem:$0x12F00] =	vst @!p0 v4  }
0x395: {  	v4 =	vld.idx.msk @!p0 [tilespmem:v6+s0+$0x0], $0xffff;
	_ =	sdelay $0x4  }
0x396: {  	[tilespmem:$0x12F10] =	vst @!p0 v4  }
0x397: {  	v4 =	vld.idx.msk @!p0 [tilespmem:v7+s0+$0x0], $0xffff;
	_ =	sdelay $0x4  }
0x398: {  	[tilespmem:$0x12F20] =	vst @!p0 v4  }
0x399: {  	v4 =	vld.idx.msk @!p0 [tilespmem:v8+s0+$0x0], $0xffff;
	_ =	sdelay $0x2  }
0x39a: {  	s24 =	ssub.s32 s18, s10  }
0x39b: {  	v5 =	vadd.s32 s24, v0  }
0x39c: {  	s21 =	simm.s32 $0x7;
	[tilespmem:$0x12F30] =	vst @!p0 v4  }
0x39d: {  	_ =	swait.ge [sflag:s21], $0x2000  }
0x39e: {  	[sflag:s21] =	ssyncset.done $0x0  }
0x39f: {  	[sflag:s21] =	ssyncadd.s32 $0xFFFFE000  }
0x3a0: {  	v4 =	vld.idx.msk [tilespmem:v5+s23+$0x0], $0xffff  }
0x3a1: {  	v6 =	vadd.s32 s24, v1;
	_ =	sdelay $0x3  }
0x3a2: {  	[tilespmem:$0x12F80] =	vst v4  }
0x3a3: {  	v4 =	vld.idx.msk [tilespmem:v6+s23+$0x0], $0xffff  }
0x3a4: {  	v7 =	vadd.s32 s24, v2;
	_ =	sdelay $0x3  }
0x3a5: {  	[tilespmem:$0x12F90] =	vst v4  }
0x3a6: {  	v4 =	vld.idx.msk [tilespmem:v7+s23+$0x0], $0xffff  }
0x3a7: {  	v8 =	vadd.s32 s24, v3;
	_ =	sdelay $0x3  }
0x3a8: {  	[tilespmem:$0x12FA0] =	vst v4  }
0x3a9: {  	v4 =	vld.idx.msk [tilespmem:v8+s23+$0x0], $0xffff;
	_ =	sdelay $0x3  }
0x3aa: {  	p0 =	slt.s32 s18, $0xF4200  }
0x3ab: {  	s0 =	simm.s32 @!p0 $0x10080;
	[tilespmem:$0x12FB0] =	vst v4  }
0x3ac: {  	v4 =	vld.idx.msk @!p0 [tilespmem:v5+s0+$0x0], $0xffff;
	_ =	sdelay $0x4  }
0x3ad: {  	[tilespmem:$0x12F80] =	vst @!p0 v4  }
0x3ae: {  	v4 =	vld.idx.msk @!p0 [tilespmem:v6+s0+$0x0], $0xffff;
	_ =	sdelay $0x4  }
0x3af: {  	[tilespmem:$0x12F90] =	vst @!p0 v4  }
0x3b0: {  	v4 =	vld.idx.msk @!p0 [tilespmem:v7+s0+$0x0], $0xffff;
	_ =	sdelay $0x4  }
0x3b1: {  	[tilespmem:$0x12FA0] =	vst @!p0 v4  }
0x3b2: {  	v4 =	vld.idx.msk @!p0 [tilespmem:v8+s0+$0x0], $0xffff;
	_ =	sdelay $0x2  }
0x3b3: {  	s25 =	ssub.s32 s17, s2  }
0x3b4: {  	v5 =	vadd.s32 s25, v0  }
0x3b5: {  	s20 =	simm.s32 $0x8;
	[tilespmem:$0x12FB0] =	vst @!p0 v4  }
0x3b6: {  	_ =	swait.ge [sflag:s20], $0x2000  }
0x3b7: {  	[sflag:s20] =	ssyncset.done $0x0  }
0x3b8: {  	[sflag:s20] =	ssyncadd.s32 $0xFFFFE000  }
0x3b9: {  	v4 =	vld.idx.msk [tilespmem:v5+s16+$0x0], $0xffff  }
0x3ba: {  	v6 =	vadd.s32 s25, v1;
	_ =	sdelay $0x3  }
0x3bb: {  	[tilespmem:$0x13000] =	vst v4  }
0x3bc: {  	v4 =	vld.idx.msk [tilespmem:v6+s16+$0x0], $0xffff  }
0x3bd: {  	v7 =	vadd.s32 s25, v2;
	_ =	sdelay $0x3  }
0x3be: {  	[tilespmem:$0x13010] =	vst v4  }
0x3bf: {  	v4 =	vld.idx.msk [tilespmem:v7+s16+$0x0], $0xffff  }
0x3c0: {  	v8 =	vadd.s32 s25, v3;
	_ =	sdelay $0x3  }
0x3c1: {  	[tilespmem:$0x13020] =	vst v4  }
0x3c2: {  	v4 =	vld.idx.msk [tilespmem:v8+s16+$0x0], $0xffff;
	_ =	sdelay $0x3  }
0x3c3: {  	p0 =	slt.s32 s17, $0xF4200  }
0x3c4: {  	s0 =	simm.s32 @!p0 $0x10080;
	[tilespmem:$0x13030] =	vst v4  }
0x3c5: {  	v4 =	vld.idx.msk @!p0 [tilespmem:v5+s0+$0x0], $0xffff;
	_ =	sdelay $0x4  }
0x3c6: {  	[tilespmem:$0x13000] =	vst @!p0 v4  }
0x3c7: {  	v4 =	vld.idx.msk @!p0 [tilespmem:v6+s0+$0x0], $0xffff;
	_ =	sdelay $0x4  }
0x3c8: {  	[tilespmem:$0x13010] =	vst @!p0 v4  }
0x3c9: {  	v4 =	vld.idx.msk @!p0 [tilespmem:v7+s0+$0x0], $0xffff;
	_ =	sdelay $0x4  }
0x3ca: {  	[tilespmem:$0x13020] =	vst @!p0 v4  }
0x3cb: {  	v4 =	vld.idx.msk @!p0 [tilespmem:v8+s0+$0x0], $0xffff;
	_ =	sdelay $0x2  }
0x3cc: {  	s30 =	rddreg [dreg:$0xa]  }
0x3cd: {  	s2 =	sadd.s32 $0xFFFFFFFF, s30  }
0x3ce: {  	s29 =	simm.s32 $0x0;
	s26 =	rddreg [dreg:$0x7];
	[tilespmem:$0x13030] =	vst @!p0 v4;
	p0 =	sne.s32 s2, $0x0  }
.Ltmp0:
0x3cf: {  	s31 =	simm.s32 $0x9;
	s28 =	rddreg [dreg:$0x9];
	(pc) =	sbr.rel @p0 .LBB2_1-.Ltmp0, $4  }
0x3d0: {  	[hbm4b:s26+s29] =	stream.linear.scatter [tilespmem:s28], [sflag:$0x9], $0x1000, $0x38;
	[tilespmem:$0x13080] =	vst v63  }
0x3d1: {  	_ =	swait.ge [sflag:s31], $0x1000  }
0x3d2: {  	[sflag:s31] =	ssyncset.done $0x0  }
0x3d3: {  	[sflag:s31] =	ssyncadd.s32 $0xFFFFF000  }
0x3d4: {  	_ =	sfence.sel $0x180000  }
0x3d5: {  	[bflag:$0x0] =	sbarrier.arrive $0xFFFF  }
0x3d6: {  	_ =	strace $0x90000047  }
0x3d7: {  	s0 =	stileid.u32;
	[bflag:$0x2] =	sbarrier.arrive $0xFFFF  }
0x3d8: {  	p0 =	sne.s32 s0, $0x0;
	s0 =	rddreg [dreg:$0x4]  }
0x3d9: {  	s0 =	sadd.s32 @!p0 $0x100000, s0  }
0x3da: {  	[sflag:s0] =	ssyncadd.tile.s32 @!p0 $0x1;
	_ =	shalt  }
.Lfunc_end2:
_tile_overlayer_lowered:
.L_overlay_start_2:
0x3db: {  	(tag) =	ssettag $0x2  }
0x3dc: {  	s0 =	rddreg [dreg:$0x0];
	s2 =	stileid.u32  }
0x3dd: {  	s1 =	rddreg [dreg:$0x1];
	p0 =	sne.s32 s2, $0x0  }
0x3de: {  	s3 =	rddreg [dreg:$0x2];
	[bflag:$0x3] =	sbarrier.arrive $0xFFFF;
	s2 =	simm.s32 @!p0 $0x1C0A  }
0x3df: {  	[timem:s3], [sflag:s2] =	dma.local @!p0 [hbm:s0], s1  }
0x3e0: {  	s0 =	simm.s32 @!p0 $0xA  }
0x3e1: {  	_ =	swait.ge @!p0 [sflag:s0], s1  }
0x3e2: {  	s1 =	ssub.s32 @!p0 $0x0, s1;
	[sflag:s0] =	ssyncset.done @!p0 $0x0  }
0x3e3: {  	[sflag:s0] =	ssyncadd.s32 @!p0 s1  }
0x3e4: {  	[bflag:$0x3] =	sbarrier.arrive $0xFFFF  }
0x3e5: {  	_ =	shalt  }

</sc_bundles>
